<compile_context>
chip_gen: v7x
topology: tpu7x:2x2x1
jax: 0.10.2.dev20260603
libtpu: 0.0.44.dev20260713+nightly
codegen_flags: <defaults>
</compile_context>

<pallas_src>
import functools

import jax
import jax.numpy as jnp
from jax import lax
from jax.experimental import pallas as pl
from jax.experimental.pallas import tpu as pltpu
from jax.experimental.pallas import tpu_sc as plsc

N = 10000
E = 320000
H = 128
C_OUT = 12

NC = 2
NS = 16
NW = NC * NS
N_PAD = 10240
RPT = N_PAD // NS
CW = 80
EPW = E // NW
NCH = EPW // CW
BR = 2000



def _sc_scatter_body(
    src_hbm, dst_hbm, y_hbm, out_hbm,
    sbuf0, sbuf1, sbuf2, sbuf3, dbuf0, dbuf1, dbuf2, dbuf3,
    rows0, rows1, rows2, rows3, acc,
    isem0, isem1, isem2, isem3, gsem0, gsem1, gsem2, gsem3,
    ssem0, ssem1, ssem2, ssem3,
):
    cid = lax.axis_index("c")
    sid = lax.axis_index("s")
    wid = sid * NC + cid
    base = sid * RPT
    ebase = wid * EPW

    slots = (
        (sbuf0, dbuf0, rows0, isem0, gsem0, ssem0),
        (sbuf1, dbuf1, rows1, isem1, gsem1, ssem1),
        (sbuf2, dbuf2, rows2, isem2, gsem2, ssem2),
        (sbuf3, dbuf3, rows3, isem3, gsem3, ssem3),
    )
    NSL = len(slots)

    zeros16 = jnp.zeros((16,), jnp.float32)

    def zfill(i, _):
        for k in range(H // 16):
            rows0[i, pl.ds(k * 16, 16)] = zeros16
        return 0

    lax.fori_loop(0, CW, zfill, 0)
    for k in range(RPT // CW):
        pltpu.sync_copy(rows0, acc.at[pl.ds(base + k * CW, CW)])
    plsc.subcore_barrier()

    def fetch(j, sl):
        sb, db, _, isem, _, _ = sl
        pltpu.async_copy(src_hbm.at[pl.ds(ebase + j * CW, CW)], sb, isem)
        pltpu.async_copy(dst_hbm.at[pl.ds(ebase + j * CW, CW)], db, isem)

    def wait_fetch(j, sl):
        sb, db, _, isem, _, _ = sl
        pltpu.make_async_copy(src_hbm.at[pl.ds(ebase + j * CW, CW)], sb, isem).wait()
        pltpu.make_async_copy(dst_hbm.at[pl.ds(ebase + j * CW, CW)], db, isem).wait()

    def gather(sl):
        sb, _, rows, _, gsem, _ = sl
        pltpu.async_copy(y_hbm.at[sb], rows, gsem)

    def wait_gather(sl):
        sb, _, rows, _, gsem, _ = sl
        pltpu.make_async_copy(y_hbm.at[sb], rows, gsem).wait()

    def scatter(sl):
        _, db, rows, _, _, ssem = sl
        pltpu.async_copy(rows, acc.at[db], ssem, add=True)

    def wait_scatter(sl):
        _, db, rows, _, _, ssem = sl
        pltpu.make_async_copy(rows, acc.at[db], ssem).wait()

    for sidx in range(NSL):
        fetch(sidx, slots[sidx])
    for sidx in range(NSL):
        wait_fetch(sidx, slots[sidx])
        gather(slots[sidx])
    for sidx in range(NSL):
        wait_gather(slots[sidx])
        scatter(slots[sidx])

    def body(k, _):
        j = NSL * k
        for sidx in range(NSL):
            wait_scatter(slots[sidx])
            fetch(j + sidx, slots[sidx])
        for sidx in range(NSL):
            wait_fetch(j + sidx, slots[sidx])
            gather(slots[sidx])
        for sidx in range(NSL):
            wait_gather(slots[sidx])
            scatter(slots[sidx])
        return 0

    lax.fori_loop(1, NCH // NSL, body, 0)

    wait_scatter(slots[0])
    fetch(NCH - 1, slots[0])
    wait_fetch(NCH - 1, slots[0])
    gather(slots[0])
    wait_gather(slots[0])
    scatter(slots[0])
    for sidx in range(1, NSL):
        wait_scatter(slots[sidx])
    wait_scatter(slots[0])

    plsc.subcore_barrier()
    pltpu.sync_copy(
        acc.at[pl.ds(base, RPT)], out_hbm.at[cid, pl.ds(base, RPT)]
    )


@functools.cache
def _get_sc_scatter():
    mesh = plsc.VectorSubcoreMesh(
        core_axis_name="c", subcore_axis_name="s", num_cores=NC, num_subcores=NS
    )
    return pl.kernel(
        _sc_scatter_body,
        out_type=jax.ShapeDtypeStruct((NC, N_PAD, H), jnp.float32),
        mesh=mesh,
        scratch_types=(
            [pltpu.VMEM((CW,), jnp.int32)] * 8
            + [pltpu.VMEM((CW, H), jnp.float32)] * 4
            + [pltpu.VMEM_SHARED((N_PAD, H), jnp.float32)]
            + [pltpu.SemaphoreType.DMA] * 12
        ),
    )




def _sc_deg_body(
    dst_hbm, out_hbm, dbuf0, dbuf1, dbuf2, dbuf3, buf, acc,
    isem0, isem1, isem2, isem3, ssem0, ssem1, ssem2, ssem3,
):
    cid = lax.axis_index("c")
    sid = lax.axis_index("s")
    wid = sid * NC + cid
    base = sid * RPT
    ebase = wid * EPW

    slots = (
        (dbuf0, isem0, ssem0),
        (dbuf1, isem1, ssem1),
        (dbuf2, isem2, ssem2),
        (dbuf3, isem3, ssem3),
    )
    NSL = len(slots)

    zeros16 = jnp.zeros((16,), jnp.float32)
    ones16 = jnp.ones((16,), jnp.float32)

    def zfill(i, _):
        buf[pl.ds(i * 16, 16)] = zeros16
        return 0

    lax.fori_loop(0, CW // 16, zfill, 0)
    for k in range(RPT // CW):
        pltpu.sync_copy(buf, acc.at[pl.ds(base + k * CW, CW)])
    plsc.subcore_barrier()

    def ofill(i, _):
        buf[pl.ds(i * 16, 16)] = ones16
        return 0

    lax.fori_loop(0, CW // 16, ofill, 0)

    def fetch(j, sl):
        db, isem, _ = sl
        pltpu.async_copy(dst_hbm.at[pl.ds(ebase + j * CW, CW)], db, isem)

    def wait_fetch(j, sl):
        db, isem, _ = sl
        pltpu.make_async_copy(dst_hbm.at[pl.ds(ebase + j * CW, CW)], db, isem).wait()

    def scatter(sl):
        db, _, ssem = sl
        pltpu.async_copy(buf, acc.at[db], ssem, add=True)

    def wait_scatter(sl):
        db, _, ssem = sl
        pltpu.make_async_copy(buf, acc.at[db], ssem).wait()

    for sidx in range(NSL):
        fetch(sidx, slots[sidx])
    for sidx in range(NSL):
        wait_fetch(sidx, slots[sidx])
        scatter(slots[sidx])

    def body(k, _):
        j = NSL * k
        for sidx in range(NSL):
            wait_scatter(slots[sidx])
            fetch(j + sidx, slots[sidx])
        for sidx in range(NSL):
            wait_fetch(j + sidx, slots[sidx])
            scatter(slots[sidx])
        return 0

    lax.fori_loop(1, NCH // NSL, body, 0)

    wait_scatter(slots[0])
    fetch(NCH - 1, slots[0])
    wait_fetch(NCH - 1, slots[0])
    scatter(slots[0])
    for sidx in range(1, NSL):
        wait_scatter(slots[sidx])
    wait_scatter(slots[0])

    plsc.subcore_barrier()
    pltpu.sync_copy(
        acc.at[pl.ds(base, RPT)], out_hbm.at[pl.ds(cid * N_PAD + base, RPT)]
    )


@functools.cache
def _get_sc_deg():
    mesh = plsc.VectorSubcoreMesh(
        core_axis_name="c", subcore_axis_name="s", num_cores=NC, num_subcores=NS
    )
    return pl.kernel(
        _sc_deg_body,
        out_type=jax.ShapeDtypeStruct((NC * N_PAD,), jnp.float32),
        mesh=mesh,
        scratch_types=(
            [pltpu.VMEM((CW,), jnp.int32)] * 4
            + [pltpu.VMEM((CW,), jnp.float32)]
            + [pltpu.VMEM_SHARED((N_PAD,), jnp.float32)]
            + [pltpu.SemaphoreType.DMA] * 8
        ),
    )




def _tc_first_body(x_ref, w_ref, d0_ref, d1_ref, y_ref, dinv_ref):
    deg = d0_ref[...] + d1_ref[...] + 1.0
    dinv = lax.rsqrt(deg)
    xw = jnp.dot(x_ref[...], w_ref[...], preferred_element_type=jnp.float32)
    y_ref[...] = xw * dinv
    dinv_ref[...] = dinv


_tc_first = pl.pallas_call(
    _tc_first_body,
    grid=(N // BR,),
    in_specs=[
        pl.BlockSpec((BR, H), lambda i: (i, 0)),
        pl.BlockSpec((H, H), lambda i: (0, 0)),
        pl.BlockSpec((BR, 1), lambda i: (i, 0)),
        pl.BlockSpec((BR, 1), lambda i: (i, 0)),
    ],
    out_specs=[
        pl.BlockSpec((BR, H), lambda i: (i, 0)),
        pl.BlockSpec((BR, 1), lambda i: (i, 0)),
    ],
    out_shape=[
        jax.ShapeDtypeStruct((N, H), jnp.float32),
        jax.ShapeDtypeStruct((N, 1), jnp.float32),
    ],
)


def _tc_mid_body(a0_ref, a1_ref, y_ref, dinv_ref, b_ref, w_ref, out_ref):
    dinv = dinv_ref[...]
    h = jnp.tanh(dinv * (a0_ref[0] + a1_ref[0] + y_ref[...]) + b_ref[...])
    out_ref[...] = dinv * jnp.dot(
        h, w_ref[...], preferred_element_type=jnp.float32
    )


_tc_mid = pl.pallas_call(
    _tc_mid_body,
    grid=(N // BR,),
    in_specs=[
        pl.BlockSpec((1, BR, H), lambda i: (0, i, 0)),
        pl.BlockSpec((1, BR, H), lambda i: (1, i, 0)),
        pl.BlockSpec((BR, H), lambda i: (i, 0)),
        pl.BlockSpec((BR, 1), lambda i: (i, 0)),
        pl.BlockSpec((1, H), lambda i: (0, 0)),
        pl.BlockSpec((H, H), lambda i: (0, 0)),
    ],
    out_specs=pl.BlockSpec((BR, H), lambda i: (i, 0)),
    out_shape=jax.ShapeDtypeStruct((N, H), jnp.float32),
)


def _tc_final_body(
    a0_ref, a1_ref, y_ref, dinv_ref, b_ref, wc1_ref, bc1_ref, wc2_ref, bc2_ref, out_ref
):
    dinv = dinv_ref[...]
    h = jnp.tanh(dinv * (a0_ref[0] + a1_ref[0] + y_ref[...]) + b_ref[...])
    o = jnp.dot(h, wc1_ref[...], preferred_element_type=jnp.float32) + bc1_ref[...]
    out_ref[...] = (
        jnp.dot(o, wc2_ref[...], preferred_element_type=jnp.float32) + bc2_ref[...]
    )


_tc_final = pl.pallas_call(
    _tc_final_body,
    grid=(N // BR,),
    in_specs=[
        pl.BlockSpec((1, BR, H), lambda i: (0, i, 0)),
        pl.BlockSpec((1, BR, H), lambda i: (1, i, 0)),
        pl.BlockSpec((BR, H), lambda i: (i, 0)),
        pl.BlockSpec((BR, 1), lambda i: (i, 0)),
        pl.BlockSpec((1, H), lambda i: (0, 0)),
        pl.BlockSpec((H, 64), lambda i: (0, 0)),
        pl.BlockSpec((1, 64), lambda i: (0, 0)),
        pl.BlockSpec((64, C_OUT), lambda i: (0, 0)),
        pl.BlockSpec((1, C_OUT), lambda i: (0, 0)),
    ],
    out_specs=pl.BlockSpec((BR, C_OUT), lambda i: (i, 0)),
    out_shape=jax.ShapeDtypeStruct((N, C_OUT), jnp.float32),
)


def kernel(x, edge_index, W1, b1, W2, b2, W3, b3, Wc1, bc1, Wc2, bc2):
    src1 = edge_index[0]
    dst1 = edge_index[1]

    sc_scatter = _get_sc_scatter()
    degp = _get_sc_deg()(dst1)
    d0 = degp[:N].reshape(N, 1)
    d1 = degp[N_PAD : N_PAD + N].reshape(N, 1)

    y1, dinv = _tc_first(x, W1, d0, d1)

    b1r = b1.reshape(1, H)
    b2r = b2.reshape(1, H)
    b3r = b3.reshape(1, H)
    bc1r = bc1.reshape(1, 64)
    bc2r = bc2.reshape(1, C_OUT)

    a = sc_scatter(src1, dst1, y1)
    y2 = _tc_mid(a, a, y1, dinv, b1r, W2)
    a = sc_scatter(src1, dst1, y2)
    y3 = _tc_mid(a, a, y2, dinv, b2r, W3)
    a = sc_scatter(src1, dst1, y3)
    out = _tc_final(a, a, y3, dinv, b3r, Wc1, bc1r, Wc2, bc2r)
    return out

# --- scband reference (transcript-rebuilt; emitter-appended) ---
"""Pipeline reference for scband-gcn-mhealth-1898375545326 (READ-ONLY COPY).

The authoritative reference and input builder live on the scoring server;
editing this copy changes nothing except your own understanding.
"""

import jax, jax.numpy as jnp
import numpy as np

N = 10000
E = 320000
D_IN = 128
H = 128
C = 12


def setup_inputs(seed: int = 0) -> dict:
    key = jax.random.key(seed)
    ks = jax.random.split(key, 12)
    x = jax.random.normal(ks[0], (N, D_IN), dtype=jnp.float32)
    edge_index = jax.random.randint(ks[1], (2, E), 0, N, dtype=jnp.int32)
    W1 = jax.random.normal(ks[2], (D_IN, H), dtype=jnp.float32) * 0.05
    b1 = jnp.zeros((H,), dtype=jnp.float32)
    W2 = jax.random.normal(ks[3], (H, H), dtype=jnp.float32) * 0.05
    b2 = jnp.zeros((H,), dtype=jnp.float32)
    W3 = jax.random.normal(ks[4], (H, H), dtype=jnp.float32) * 0.05
    b3 = jnp.zeros((H,), dtype=jnp.float32)
    Wc1 = jax.random.normal(ks[5], (H, 64), dtype=jnp.float32) * 0.05
    bc1 = jnp.zeros((64,), dtype=jnp.float32)
    Wc2 = jax.random.normal(ks[6], (64, C), dtype=jnp.float32) * 0.05
    bc2 = jnp.zeros((C,), dtype=jnp.float32)
    return {"x": x, "edge_index": edge_index, "W1": W1, "b1": b1, "W2": W2, "b2": b2, "W3": W3, "b3": b3, "Wc1": Wc1, "bc1": bc1, "Wc2": Wc2, "bc2": bc2}


def gcn_conv(x, edge_index, W, b):
    # PyG GCNConv: add self-loops, symmetric normalization D^-1/2 (A+I) D^-1/2 X W + b
    src = edge_index[0]
    dst = edge_index[1]
    loop = jnp.arange(N, dtype=src.dtype)
    src = jnp.concatenate([src, loop])
    dst = jnp.concatenate([dst, loop])
    deg = jnp.zeros((N,), dtype=jnp.float32).at[dst].add(1.0)
    dinv = jnp.where(deg > 0, jax.lax.rsqrt(jnp.maximum(deg, 1e-12)), 0.0)
    norm = dinv[src] * dinv[dst]
    xw = x @ W
    msg = xw[src] * norm[:, None]
    out = jnp.zeros((N, W.shape[1]), dtype=jnp.float32).at[dst].add(msg)
    return out + b


def reference(x, edge_index, W1, b1, W2, b2, W3, b3, Wc1, bc1, Wc2, bc2):
    h = jnp.tanh(gcn_conv(x, edge_index, W1, b1))
    h = jnp.tanh(gcn_conv(h, edge_index, W2, b2))
    h = jnp.tanh(gcn_conv(h, edge_index, W3, b3))
    # dropout is identity in eval mode
    out = h @ Wc1 + bc1
    out = out @ Wc2 + bc2
    return out

if __name__ == "__main__":
    import jax
    _d = setup_inputs()
    print(jax.jit(kernel)(*tuple(_d.values())))

</pallas_src>

<mosaic_0001>
#map = affine_map<(d0, d1) -> (0)>
module attributes {stable_mosaic.version = 14 : i64} {
  func.func @_sc_deg_body(%arg0: i32, %arg1: i32, %arg2: memref<320000xi32, #tpu.memory_space<hbm>>, %arg3: memref<20480xf32, #tpu.memory_space<hbm>>, %arg4: memref<80xi32, #tpu.memory_space<vmem>>, %arg5: memref<80xi32, #tpu.memory_space<vmem>>, %arg6: memref<80xi32, #tpu.memory_space<vmem>>, %arg7: memref<80xi32, #tpu.memory_space<vmem>>, %arg8: memref<80xf32, #tpu.memory_space<vmem>>, %arg9: memref<10240xf32, #tpu.memory_space<vmem_shared>>, %arg10: memref<!tpu.dma_semaphore, #tpu.memory_space<semaphore_mem>>, %arg11: memref<!tpu.dma_semaphore, #tpu.memory_space<semaphore_mem>>, %arg12: memref<!tpu.dma_semaphore, #tpu.memory_space<semaphore_mem>>, %arg13: memref<!tpu.dma_semaphore, #tpu.memory_space<semaphore_mem>>, %arg14: memref<!tpu.dma_semaphore, #tpu.memory_space<semaphore_mem>>, %arg15: memref<!tpu.dma_semaphore, #tpu.memory_space<semaphore_mem>>, %arg16: memref<!tpu.dma_semaphore, #tpu.memory_space<semaphore_mem>>, %arg17: memref<!tpu.dma_semaphore, #tpu.memory_space<semaphore_mem>>) attributes {dimension_semantics = [#tpu.dimension_semantics<core_parallel>, #tpu.dimension_semantics<subcore_parallel>], iteration_bounds = array<i64: 2, 16>, scalar_prefetch = 0 : i64, scratch_operands = 14 : i64, tpu.core_type = #tpu.core_type<sc_vector_subcore>, window_params = [{transform_indices = #map}, {transform_indices = #map}]} {
    %mul3A = arith.constant 2 : i32
    %mul3A_0 = arith.muli %arg1, %mul3A : i32
    %add3A = arith.addi %mul3A_0, %arg0 : i32
    %mul3A_1 = arith.constant 640 : i32
    %mul3A_2 = arith.muli %arg1, %mul3A_1 : i32
    %mul3A_3 = arith.constant 10000 : i32
    %mul3A_4 = arith.muli %add3A, %mul3A_3 : i32
    %broadcast_in_dim3A = arith.constant 0.000000e+00 : f32
    %broadcast_in_dim3A_5 = vector.broadcast %broadcast_in_dim3A : f32 to vector<16xf32>
    %broadcast_in_dim3A_6 = arith.constant 1.000000e+00 : f32
    %broadcast_in_dim3A_7 = vector.broadcast %broadcast_in_dim3A_6 : f32 to vector<16xf32>
    %scan3A = arith.constant 0 : i32
    %scan3A_8 = arith.constant 0 : i32
    %scan3A_9 = arith.constant 5 : i32
    %scan3A_10 = arith.addi %scan3A_8, %scan3A_9 : i32
    %scan3A_11 = arith.constant 1 : i32
    %scan3A_12 = scf.for %scan3A_106 = %scan3A_8 to %scan3A_10 step %scan3A_11 iter_args(%scan3A_107 = %scan3A) -> (i32)  : i32 {
      %mul3A_108 = arith.constant 16 : i32
      %mul3A_109 = arith.muli %scan3A_106, %mul3A_108 : i32
      %swap3A = arith.index_cast %mul3A_109 : i32 to index
      %swap3A_110 = tpu.vector_load %arg8[%swap3A] {strides = array<i32>} : memref<80xf32, #tpu.memory_space<vmem>>, vector<16xf32>,
      %swap3A_111 = vector.shape_cast %swap3A_110 : vector<16xf32> to vector<16xf32>
      %swap3A_112 = vector.shape_cast %broadcast_in_dim3A_5 : vector<16xf32> to vector<16xf32>
      tpu.vector_store %arg8[%swap3A], %swap3A_112 {strides = array<i32>} : memref<80xf32, #tpu.memory_space<vmem>>, vector<16xf32>,
      %scan3A_113 = arith.constant 0 : i32
      scf.yield %scan3A_113 : i32
    }
    %scan3A_13 = arith.constant 5 : i32
    %add3A_14 = arith.constant 0 : i32
    %add3A_15 = arith.addi %mul3A_2, %add3A_14 : i32
    "tpu.region"() ({
      %run_scoped3A = tpu.sem_alloc : memref<!tpu.dma_semaphore, #tpu.memory_space<semaphore_mem>>
      %dma_start3A_106 = tpu.memref_slice %arg9[%add3A_15] : memref<10240xf32, #tpu.memory_space<vmem_shared>> -> memref<80xf32, #tpu.memory_space<vmem_shared>>
      %dma_start3A_107 = tpu.memref_slice %arg9[%add3A_15] : memref<10240xf32, #tpu.memory_space<vmem_shared>> -> memref<80xf32, #tpu.memory_space<vmem_shared>>
      tpu.enqueue_dma source(%arg8 : memref<80xf32, #tpu.memory_space<vmem>>) target(%dma_start3A_107 : memref<80xf32, #tpu.memory_space<vmem_shared>>) target_semaphore(%run_scoped3A : memref<!tpu.dma_semaphore, #tpu.memory_space<semaphore_mem>>)
      %dma_wait3A_108 = tpu.memref_slice %arg9[%add3A_15] : memref<10240xf32, #tpu.memory_space<vmem_shared>> -> memref<80xf32, #tpu.memory_space<vmem_shared>>
      %dma_wait3A_109 = tpu.memref_slice %arg9[%add3A_15] : memref<10240xf32, #tpu.memory_space<vmem_shared>> -> memref<80xf32, #tpu.memory_space<vmem_shared>>
      tpu.wait_dma2 semaphore(%run_scoped3A : memref<!tpu.dma_semaphore, #tpu.memory_space<semaphore_mem>>) src(%arg8 : memref<80xf32, #tpu.memory_space<vmem>>) dst(%dma_wait3A_109 : memref<80xf32, #tpu.memory_space<vmem_shared>>)
      tpu.yield
    }) : () -> ()
    %add3A_16 = arith.constant 80 : i32
    %add3A_17 = arith.addi %mul3A_2, %add3A_16 : i32
    "tpu.region"() ({
      %run_scoped3A = tpu.sem_alloc : memref<!tpu.dma_semaphore, #tpu.memory_space<semaphore_mem>>
      %dma_start3A_106 = tpu.memref_slice %arg9[%add3A_17] : memref<10240xf32, #tpu.memory_space<vmem_shared>> -> memref<80xf32, #tpu.memory_space<vmem_shared>>
      %dma_start3A_107 = tpu.memref_slice %arg9[%add3A_17] : memref<10240xf32, #tpu.memory_space<vmem_shared>> -> memref<80xf32, #tpu.memory_space<vmem_shared>>
      tpu.enqueue_dma source(%arg8 : memref<80xf32, #tpu.memory_space<vmem>>) target(%dma_start3A_107 : memref<80xf32, #tpu.memory_space<vmem_shared>>) target_semaphore(%run_scoped3A : memref<!tpu.dma_semaphore, #tpu.memory_space<semaphore_mem>>)
      %dma_wait3A_108 = tpu.memref_slice %arg9[%add3A_17] : memref<10240xf32, #tpu.memory_space<vmem_shared>> -> memref<80xf32, #tpu.memory_space<vmem_shared>>
      %dma_wait3A_109 = tpu.memref_slice %arg9[%add3A_17] : memref<10240xf32, #tpu.memory_space<vmem_shared>> -> memref<80xf32, #tpu.memory_space<vmem_shared>>
      tpu.wait_dma2 semaphore(%run_scoped3A : memref<!tpu.dma_semaphore, #tpu.memory_space<semaphore_mem>>) src(%arg8 : memref<80xf32, #tpu.memory_space<vmem>>) dst(%dma_wait3A_109 : memref<80xf32, #tpu.memory_space<vmem_shared>>)
      tpu.yield
    }) : () -> ()
    %add3A_18 = arith.constant 160 : i32
    %add3A_19 = arith.addi %mul3A_2, %add3A_18 : i32
    "tpu.region"() ({
      %run_scoped3A = tpu.sem_alloc : memref<!tpu.dma_semaphore, #tpu.memory_space<semaphore_mem>>
      %dma_start3A_106 = tpu.memref_slice %arg9[%add3A_19] : memref<10240xf32, #tpu.memory_space<vmem_shared>> -> memref<80xf32, #tpu.memory_space<vmem_shared>>
      %dma_start3A_107 = tpu.memref_slice %arg9[%add3A_19] : memref<10240xf32, #tpu.memory_space<vmem_shared>> -> memref<80xf32, #tpu.memory_space<vmem_shared>>
      tpu.enqueue_dma source(%arg8 : memref<80xf32, #tpu.memory_space<vmem>>) target(%dma_start3A_107 : memref<80xf32, #tpu.memory_space<vmem_shared>>) target_semaphore(%run_scoped3A : memref<!tpu.dma_semaphore, #tpu.memory_space<semaphore_mem>>)
      %dma_wait3A_108 = tpu.memref_slice %arg9[%add3A_19] : memref<10240xf32, #tpu.memory_space<vmem_shared>> -> memref<80xf32, #tpu.memory_space<vmem_shared>>
      %dma_wait3A_109 = tpu.memref_slice %arg9[%add3A_19] : memref<10240xf32, #tpu.memory_space<vmem_shared>> -> memref<80xf32, #tpu.memory_space<vmem_shared>>
      tpu.wait_dma2 semaphore(%run_scoped3A : memref<!tpu.dma_semaphore, #tpu.memory_space<semaphore_mem>>) src(%arg8 : memref<80xf32, #tpu.memory_space<vmem>>) dst(%dma_wait3A_109 : memref<80xf32, #tpu.memory_space<vmem_shared>>)
      tpu.yield
    }) : () -> ()
    %add3A_20 = arith.constant 240 : i32
    %add3A_21 = arith.addi %mul3A_2, %add3A_20 : i32
    "tpu.region"() ({
      %run_scoped3A = tpu.sem_alloc : memref<!tpu.dma_semaphore, #tpu.memory_space<semaphore_mem>>
      %dma_start3A_106 = tpu.memref_slice %arg9[%add3A_21] : memref<10240xf32, #tpu.memory_space<vmem_shared>> -> memref<80xf32, #tpu.memory_space<vmem_shared>>
      %dma_start3A_107 = tpu.memref_slice %arg9[%add3A_21] : memref<10240xf32, #tpu.memory_space<vmem_shared>> -> memref<80xf32, #tpu.memory_space<vmem_shared>>
      tpu.enqueue_dma source(%arg8 : memref<80xf32, #tpu.memory_space<vmem>>) target(%dma_start3A_107 : memref<80xf32, #tpu.memory_space<vmem_shared>>) target_semaphore(%run_scoped3A : memref<!tpu.dma_semaphore, #tpu.memory_space<semaphore_mem>>)
      %dma_wait3A_108 = tpu.memref_slice %arg9[%add3A_21] : memref<10240xf32, #tpu.memory_space<vmem_shared>> -> memref<80xf32, #tpu.memory_space<vmem_shared>>
      %dma_wait3A_109 = tpu.memref_slice %arg9[%add3A_21] : memref<10240xf32, #tpu.memory_space<vmem_shared>> -> memref<80xf32, #tpu.memory_space<vmem_shared>>
      tpu.wait_dma2 semaphore(%run_scoped3A : memref<!tpu.dma_semaphore, #tpu.memory_space<semaphore_mem>>) src(%arg8 : memref<80xf32, #tpu.memory_space<vmem>>) dst(%dma_wait3A_109 : memref<80xf32, #tpu.memory_space<vmem_shared>>)
      tpu.yield
    }) : () -> ()
    %add3A_22 = arith.constant 320 : i32
    %add3A_23 = arith.addi %mul3A_2, %add3A_22 : i32
    "tpu.region"() ({
      %run_scoped3A = tpu.sem_alloc : memref<!tpu.dma_semaphore, #tpu.memory_space<semaphore_mem>>
      %dma_start3A_106 = tpu.memref_slice %arg9[%add3A_23] : memref<10240xf32, #tpu.memory_space<vmem_shared>> -> memref<80xf32, #tpu.memory_space<vmem_shared>>
      %dma_start3A_107 = tpu.memref_slice %arg9[%add3A_23] : memref<10240xf32, #tpu.memory_space<vmem_shared>> -> memref<80xf32, #tpu.memory_space<vmem_shared>>
      tpu.enqueue_dma source(%arg8 : memref<80xf32, #tpu.memory_space<vmem>>) target(%dma_start3A_107 : memref<80xf32, #tpu.memory_space<vmem_shared>>) target_semaphore(%run_scoped3A : memref<!tpu.dma_semaphore, #tpu.memory_space<semaphore_mem>>)
      %dma_wait3A_108 = tpu.memref_slice %arg9[%add3A_23] : memref<10240xf32, #tpu.memory_space<vmem_shared>> -> memref<80xf32, #tpu.memory_space<vmem_shared>>
      %dma_wait3A_109 = tpu.memref_slice %arg9[%add3A_23] : memref<10240xf32, #tpu.memory_space<vmem_shared>> -> memref<80xf32, #tpu.memory_space<vmem_shared>>
      tpu.wait_dma2 semaphore(%run_scoped3A : memref<!tpu.dma_semaphore, #tpu.memory_space<semaphore_mem>>) src(%arg8 : memref<80xf32, #tpu.memory_space<vmem>>) dst(%dma_wait3A_109 : memref<80xf32, #tpu.memory_space<vmem_shared>>)
      tpu.yield
    }) : () -> ()
    %add3A_24 = arith.constant 400 : i32
    %add3A_25 = arith.addi %mul3A_2, %add3A_24 : i32
    "tpu.region"() ({
      %run_scoped3A = tpu.sem_alloc : memref<!tpu.dma_semaphore, #tpu.memory_space<semaphore_mem>>
      %dma_start3A_106 = tpu.memref_slice %arg9[%add3A_25] : memref<10240xf32, #tpu.memory_space<vmem_shared>> -> memref<80xf32, #tpu.memory_space<vmem_shared>>
      %dma_start3A_107 = tpu.memref_slice %arg9[%add3A_25] : memref<10240xf32, #tpu.memory_space<vmem_shared>> -> memref<80xf32, #tpu.memory_space<vmem_shared>>
      tpu.enqueue_dma source(%arg8 : memref<80xf32, #tpu.memory_space<vmem>>) target(%dma_start3A_107 : memref<80xf32, #tpu.memory_space<vmem_shared>>) target_semaphore(%run_scoped3A : memref<!tpu.dma_semaphore, #tpu.memory_space<semaphore_mem>>)
      %dma_wait3A_108 = tpu.memref_slice %arg9[%add3A_25] : memref<10240xf32, #tpu.memory_space<vmem_shared>> -> memref<80xf32, #tpu.memory_space<vmem_shared>>
      %dma_wait3A_109 = tpu.memref_slice %arg9[%add3A_25] : memref<10240xf32, #tpu.memory_space<vmem_shared>> -> memref<80xf32, #tpu.memory_space<vmem_shared>>
      tpu.wait_dma2 semaphore(%run_scoped3A : memref<!tpu.dma_semaphore, #tpu.memory_space<semaphore_mem>>) src(%arg8 : memref<80xf32, #tpu.memory_space<vmem>>) dst(%dma_wait3A_109 : memref<80xf32, #tpu.memory_space<vmem_shared>>)
      tpu.yield
    }) : () -> ()
    %add3A_26 = arith.constant 480 : i32
    %add3A_27 = arith.addi %mul3A_2, %add3A_26 : i32
    "tpu.region"() ({
      %run_scoped3A = tpu.sem_alloc : memref<!tpu.dma_semaphore, #tpu.memory_space<semaphore_mem>>
      %dma_start3A_106 = tpu.memref_slice %arg9[%add3A_27] : memref<10240xf32, #tpu.memory_space<vmem_shared>> -> memref<80xf32, #tpu.memory_space<vmem_shared>>
      %dma_start3A_107 = tpu.memref_slice %arg9[%add3A_27] : memref<10240xf32, #tpu.memory_space<vmem_shared>> -> memref<80xf32, #tpu.memory_space<vmem_shared>>
      tpu.enqueue_dma source(%arg8 : memref<80xf32, #tpu.memory_space<vmem>>) target(%dma_start3A_107 : memref<80xf32, #tpu.memory_space<vmem_shared>>) target_semaphore(%run_scoped3A : memref<!tpu.dma_semaphore, #tpu.memory_space<semaphore_mem>>)
      %dma_wait3A_108 = tpu.memref_slice %arg9[%add3A_27] : memref<10240xf32, #tpu.memory_space<vmem_shared>> -> memref<80xf32, #tpu.memory_space<vmem_shared>>
      %dma_wait3A_109 = tpu.memref_slice %arg9[%add3A_27] : memref<10240xf32, #tpu.memory_space<vmem_shared>> -> memref<80xf32, #tpu.memory_space<vmem_shared>>
      tpu.wait_dma2 semaphore(%run_scoped3A : memref<!tpu.dma_semaphore, #tpu.memory_space<semaphore_mem>>) src(%arg8 : memref<80xf32, #tpu.memory_space<vmem>>) dst(%dma_wait3A_109 : memref<80xf32, #tpu.memory_space<vmem_shared>>)
      tpu.yield
    }) : () -> ()
    %add3A_28 = arith.constant 560 : i32
    %add3A_29 = arith.addi %mul3A_2, %add3A_28 : i32
    "tpu.region"() ({
      %run_scoped3A = tpu.sem_alloc : memref<!tpu.dma_semaphore, #tpu.memory_space<semaphore_mem>>
      %dma_start3A_106 = tpu.memref_slice %arg9[%add3A_29] : memref<10240xf32, #tpu.memory_space<vmem_shared>> -> memref<80xf32, #tpu.memory_space<vmem_shared>>
      %dma_start3A_107 = tpu.memref_slice %arg9[%add3A_29] : memref<10240xf32, #tpu.memory_space<vmem_shared>> -> memref<80xf32, #tpu.memory_space<vmem_shared>>
      tpu.enqueue_dma source(%arg8 : memref<80xf32, #tpu.memory_space<vmem>>) target(%dma_start3A_107 : memref<80xf32, #tpu.memory_space<vmem_shared>>) target_semaphore(%run_scoped3A : memref<!tpu.dma_semaphore, #tpu.memory_space<semaphore_mem>>)
      %dma_wait3A_108 = tpu.memref_slice %arg9[%add3A_29] : memref<10240xf32, #tpu.memory_space<vmem_shared>> -> memref<80xf32, #tpu.memory_space<vmem_shared>>
      %dma_wait3A_109 = tpu.memref_slice %arg9[%add3A_29] : memref<10240xf32, #tpu.memory_space<vmem_shared>> -> memref<80xf32, #tpu.memory_space<vmem_shared>>
      tpu.wait_dma2 semaphore(%run_scoped3A : memref<!tpu.dma_semaphore, #tpu.memory_space<semaphore_mem>>) src(%arg8 : memref<80xf32, #tpu.memory_space<vmem>>) dst(%dma_wait3A_109 : memref<80xf32, #tpu.memory_space<vmem_shared>>)
      tpu.yield
    }) : () -> ()
    %barrier3A = arith.constant 0 : index
    tpu.barrier barrier_id(%barrier3A)
    %scan3A_30 = arith.constant 0 : i32
    %scan3A_31 = arith.constant 0 : i32
    %scan3A_32 = arith.constant 5 : i32
    %scan3A_33 = arith.addi %scan3A_31, %scan3A_32 : i32
    %scan3A_34 = arith.constant 1 : i32
    %scan3A_35 = scf.for %scan3A_106 = %scan3A_31 to %scan3A_33 step %scan3A_34 iter_args(%scan3A_107 = %scan3A_30) -> (i32)  : i32 {
      %mul3A_108 = arith.constant 16 : i32
      %mul3A_109 = arith.muli %scan3A_106, %mul3A_108 : i32
      %swap3A = arith.index_cast %mul3A_109 : i32 to index
      %swap3A_110 = tpu.vector_load %arg8[%swap3A] {strides = array<i32>} : memref<80xf32, #tpu.memory_space<vmem>>, vector<16xf32>,
      %swap3A_111 = vector.shape_cast %swap3A_110 : vector<16xf32> to vector<16xf32>
      %swap3A_112 = vector.shape_cast %broadcast_in_dim3A_7 : vector<16xf32> to vector<16xf32>
      tpu.vector_store %arg8[%swap3A], %swap3A_112 {strides = array<i32>} : memref<80xf32, #tpu.memory_space<vmem>>, vector<16xf32>,
      %scan3A_113 = arith.constant 0 : i32
      scf.yield %scan3A_113 : i32
    }
    %scan3A_36 = arith.constant 5 : i32
    %add3A_37 = arith.constant 0 : i32
    %add3A_38 = arith.addi %mul3A_4, %add3A_37 : i32
    %dma_start3A = tpu.memref_slice %arg2[%add3A_38] : memref<320000xi32, #tpu.memory_space<hbm>> -> memref<80xi32, #tpu.memory_space<hbm>>
    %dma_start3A_39 = tpu.memref_slice %arg2[%add3A_38] : memref<320000xi32, #tpu.memory_space<hbm>> -> memref<80xi32, #tpu.memory_space<hbm>>
    tpu.enqueue_dma source(%dma_start3A_39 : memref<80xi32, #tpu.memory_space<hbm>>) target(%arg4 : memref<80xi32, #tpu.memory_space<vmem>>) target_semaphore(%arg10 : memref<!tpu.dma_semaphore, #tpu.memory_space<semaphore_mem>>)
    %add3A_40 = arith.constant 80 : i32
    %add3A_41 = arith.addi %mul3A_4, %add3A_40 : i32
    %dma_start3A_42 = tpu.memref_slice %arg2[%add3A_41] : memref<320000xi32, #tpu.memory_space<hbm>> -> memref<80xi32, #tpu.memory_space<hbm>>
    %dma_start3A_43 = tpu.memref_slice %arg2[%add3A_41] : memref<320000xi32, #tpu.memory_space<hbm>> -> memref<80xi32, #tpu.memory_space<hbm>>
    tpu.enqueue_dma source(%dma_start3A_43 : memref<80xi32, #tpu.memory_space<hbm>>) target(%arg5 : memref<80xi32, #tpu.memory_space<vmem>>) target_semaphore(%arg11 : memref<!tpu.dma_semaphore, #tpu.memory_space<semaphore_mem>>)
    %add3A_44 = arith.constant 160 : i32
    %add3A_45 = arith.addi %mul3A_4, %add3A_44 : i32
    %dma_start3A_46 = tpu.memref_slice %arg2[%add3A_45] : memref<320000xi32, #tpu.memory_space<hbm>> -> memref<80xi32, #tpu.memory_space<hbm>>
    %dma_start3A_47 = tpu.memref_slice %arg2[%add3A_45] : memref<320000xi32, #tpu.memory_space<hbm>> -> memref<80xi32, #tpu.memory_space<hbm>>
    tpu.enqueue_dma source(%dma_start3A_47 : memref<80xi32, #tpu.memory_space<hbm>>) target(%arg6 : memref<80xi32, #tpu.memory_space<vmem>>) target_semaphore(%arg12 : memref<!tpu.dma_semaphore, #tpu.memory_space<semaphore_mem>>)
    %add3A_48 = arith.constant 240 : i32
    %add3A_49 = arith.addi %mul3A_4, %add3A_48 : i32
    %dma_start3A_50 = tpu.memref_slice %arg2[%add3A_49] : memref<320000xi32, #tpu.memory_space<hbm>> -> memref<80xi32, #tpu.memory_space<hbm>>
    %dma_start3A_51 = tpu.memref_slice %arg2[%add3A_49] : memref<320000xi32, #tpu.memory_space<hbm>> -> memref<80xi32, #tpu.memory_space<hbm>>
    tpu.enqueue_dma source(%dma_start3A_51 : memref<80xi32, #tpu.memory_space<hbm>>) target(%arg7 : memref<80xi32, #tpu.memory_space<vmem>>) target_semaphore(%arg13 : memref<!tpu.dma_semaphore, #tpu.memory_space<semaphore_mem>>)
    %add3A_52 = arith.constant 0 : i32
    %add3A_53 = arith.addi %mul3A_4, %add3A_52 : i32
    %dma_wait3A = tpu.memref_slice %arg2[%add3A_53] : memref<320000xi32, #tpu.memory_space<hbm>> -> memref<80xi32, #tpu.memory_space<hbm>>
    %dma_wait3A_54 = tpu.memref_slice %arg2[%add3A_53] : memref<320000xi32, #tpu.memory_space<hbm>> -> memref<80xi32, #tpu.memory_space<hbm>>
    tpu.wait_dma2 semaphore(%arg10 : memref<!tpu.dma_semaphore, #tpu.memory_space<semaphore_mem>>) src(%dma_wait3A_54 : memref<80xi32, #tpu.memory_space<hbm>>) dst(%arg4 : memref<80xi32, #tpu.memory_space<vmem>>)
    %dma_start3A_55 = arith.constant 0 : i32
    %dma_start3A_56 = tpu.memref_slice %arg9[%dma_start3A_55] : memref<10240xf32, #tpu.memory_space<vmem_shared>> -> memref<10240xf32, #tpu.memory_space<vmem_shared>>
    tpu.enqueue_indirect_dma source(%arg8 : memref<80xf32, #tpu.memory_space<vmem>>) target(%dma_start3A_56 : memref<10240xf32, #tpu.memory_space<vmem_shared>>) offsets(%arg4 : memref<80xi32, #tpu.memory_space<vmem>>) semaphore(%arg14 : memref<!tpu.dma_semaphore, #tpu.memory_space<semaphore_mem>>) {add = true}
    %add3A_57 = arith.constant 80 : i32
    %add3A_58 = arith.addi %mul3A_4, %add3A_57 : i32
    %dma_wait3A_59 = tpu.memref_slice %arg2[%add3A_58] : memref<320000xi32, #tpu.memory_space<hbm>> -> memref<80xi32, #tpu.memory_space<hbm>>
    %dma_wait3A_60 = tpu.memref_slice %arg2[%add3A_58] : memref<320000xi32, #tpu.memory_space<hbm>> -> memref<80xi32, #tpu.memory_space<hbm>>
    tpu.wait_dma2 semaphore(%arg11 : memref<!tpu.dma_semaphore, #tpu.memory_space<semaphore_mem>>) src(%dma_wait3A_60 : memref<80xi32, #tpu.memory_space<hbm>>) dst(%arg5 : memref<80xi32, #tpu.memory_space<vmem>>)
    %dma_start3A_61 = arith.constant 0 : i32
    %dma_start3A_62 = tpu.memref_slice %arg9[%dma_start3A_61] : memref<10240xf32, #tpu.memory_space<vmem_shared>> -> memref<10240xf32, #tpu.memory_space<vmem_shared>>
    tpu.enqueue_indirect_dma source(%arg8 : memref<80xf32, #tpu.memory_space<vmem>>) target(%dma_start3A_62 : memref<10240xf32, #tpu.memory_space<vmem_shared>>) offsets(%arg5 : memref<80xi32, #tpu.memory_space<vmem>>) semaphore(%arg15 : memref<!tpu.dma_semaphore, #tpu.memory_space<semaphore_mem>>) {add = true}
    %add3A_63 = arith.constant 160 : i32
    %add3A_64 = arith.addi %mul3A_4, %add3A_63 : i32
    %dma_wait3A_65 = tpu.memref_slice %arg2[%add3A_64] : memref<320000xi32, #tpu.memory_space<hbm>> -> memref<80xi32, #tpu.memory_space<hbm>>
    %dma_wait3A_66 = tpu.memref_slice %arg2[%add3A_64] : memref<320000xi32, #tpu.memory_space<hbm>> -> memref<80xi32, #tpu.memory_space<hbm>>
    tpu.wait_dma2 semaphore(%arg12 : memref<!tpu.dma_semaphore, #tpu.memory_space<semaphore_mem>>) src(%dma_wait3A_66 : memref<80xi32, #tpu.memory_space<hbm>>) dst(%arg6 : memref<80xi32, #tpu.memory_space<vmem>>)
    %dma_start3A_67 = arith.constant 0 : i32
    %dma_start3A_68 = tpu.memref_slice %arg9[%dma_start3A_67] : memref<10240xf32, #tpu.memory_space<vmem_shared>> -> memref<10240xf32, #tpu.memory_space<vmem_shared>>
    tpu.enqueue_indirect_dma source(%arg8 : memref<80xf32, #tpu.memory_space<vmem>>) target(%dma_start3A_68 : memref<10240xf32, #tpu.memory_space<vmem_shared>>) offsets(%arg6 : memref<80xi32, #tpu.memory_space<vmem>>) semaphore(%arg16 : memref<!tpu.dma_semaphore, #tpu.memory_space<semaphore_mem>>) {add = true}
    %add3A_69 = arith.constant 240 : i32
    %add3A_70 = arith.addi %mul3A_4, %add3A_69 : i32
    %dma_wait3A_71 = tpu.memref_slice %arg2[%add3A_70] : memref<320000xi32, #tpu.memory_space<hbm>> -> memref<80xi32, #tpu.memory_space<hbm>>
    %dma_wait3A_72 = tpu.memref_slice %arg2[%add3A_70] : memref<320000xi32, #tpu.memory_space<hbm>> -> memref<80xi32, #tpu.memory_space<hbm>>
    tpu.wait_dma2 semaphore(%arg13 : memref<!tpu.dma_semaphore, #tpu.memory_space<semaphore_mem>>) src(%dma_wait3A_72 : memref<80xi32, #tpu.memory_space<hbm>>) dst(%arg7 : memref<80xi32, #tpu.memory_space<vmem>>)
    %dma_start3A_73 = arith.constant 0 : i32
    %dma_start3A_74 = tpu.memref_slice %arg9[%dma_start3A_73] : memref<10240xf32, #tpu.memory_space<vmem_shared>> -> memref<10240xf32, #tpu.memory_space<vmem_shared>>
    tpu.enqueue_indirect_dma source(%arg8 : memref<80xf32, #tpu.memory_space<vmem>>) target(%dma_start3A_74 : memref<10240xf32, #tpu.memory_space<vmem_shared>>) offsets(%arg7 : memref<80xi32, #tpu.memory_space<vmem>>) semaphore(%arg17 : memref<!tpu.dma_semaphore, #tpu.memory_space<semaphore_mem>>) {add = true}
    %scan3A_75 = arith.constant 0 : i32
    %scan3A_76 = arith.constant 1 : i32
    %scan3A_77 = arith.constant 30 : i32
    %scan3A_78 = arith.addi %scan3A_76, %scan3A_77 : i32
    %scan3A_79 = arith.constant 1 : i32
    %scan3A_80 = scf.for %scan3A_106 = %scan3A_76 to %scan3A_78 step %scan3A_79 iter_args(%scan3A_107 = %scan3A_75) -> (i32)  : i32 {
      %mul3A_108 = arith.constant 4 : i32
      %mul3A_109 = arith.muli %mul3A_108, %scan3A_106 : i32
      %dma_wait3A_110 = arith.constant 0 : i32
      %dma_wait3A_111 = tpu.memref_slice %arg9[%dma_wait3A_110] : memref<10240xf32, #tpu.memory_space<vmem_shared>> -> memref<10240xf32, #tpu.memory_space<vmem_shared>>
      tpu.wait_indirect_dma semaphore(%arg14 : memref<!tpu.dma_semaphore, #tpu.memory_space<semaphore_mem>>) src(%arg8 : memref<80xf32, #tpu.memory_space<vmem>>) dst(%dma_wait3A_111 : memref<10240xf32, #tpu.memory_space<vmem_shared>>)
      %add3A_112 = arith.constant 0 : i32
      %add3A_113 = arith.addi %mul3A_109, %add3A_112 : i32
      %mul3A_114 = arith.constant 80 : i32
      %mul3A_115 = arith.muli %add3A_113, %mul3A_114 : i32
      %add3A_116 = arith.addi %mul3A_4, %mul3A_115 : i32
      %dma_start3A_117 = tpu.memref_slice %arg2[%add3A_116] : memref<320000xi32, #tpu.memory_space<hbm>> -> memref<80xi32, #tpu.memory_space<hbm>>
      %dma_start3A_118 = tpu.memref_slice %arg2[%add3A_116] : memref<320000xi32, #tpu.memory_space<hbm>> -> memref<80xi32, #tpu.memory_space<hbm>>
      tpu.enqueue_dma source(%dma_start3A_118 : memref<80xi32, #tpu.memory_space<hbm>>) target(%arg4 : memref<80xi32, #tpu.memory_space<vmem>>) target_semaphore(%arg10 : memref<!tpu.dma_semaphore, #tpu.memory_space<semaphore_mem>>)
      %dma_wait3A_119 = arith.constant 0 : i32
      %dma_wait3A_120 = tpu.memref_slice %arg9[%dma_wait3A_119] : memref<10240xf32, #tpu.memory_space<vmem_shared>> -> memref<10240xf32, #tpu.memory_space<vmem_shared>>
      tpu.wait_indirect_dma semaphore(%arg15 : memref<!tpu.dma_semaphore, #tpu.memory_space<semaphore_mem>>) src(%arg8 : memref<80xf32, #tpu.memory_space<vmem>>) dst(%dma_wait3A_120 : memref<10240xf32, #tpu.memory_space<vmem_shared>>)
      %add3A_121 = arith.constant 1 : i32
      %add3A_122 = arith.addi %mul3A_109, %add3A_121 : i32
      %mul3A_123 = arith.constant 80 : i32
      %mul3A_124 = arith.muli %add3A_122, %mul3A_123 : i32
      %add3A_125 = arith.addi %mul3A_4, %mul3A_124 : i32
      %dma_start3A_126 = tpu.memref_slice %arg2[%add3A_125] : memref<320000xi32, #tpu.memory_space<hbm>> -> memref<80xi32, #tpu.memory_space<hbm>>
      %dma_start3A_127 = tpu.memref_slice %arg2[%add3A_125] : memref<320000xi32, #tpu.memory_space<hbm>> -> memref<80xi32, #tpu.memory_space<hbm>>
      tpu.enqueue_dma source(%dma_start3A_127 : memref<80xi32, #tpu.memory_space<hbm>>) target(%arg5 : memref<80xi32, #tpu.memory_space<vmem>>) target_semaphore(%arg11 : memref<!tpu.dma_semaphore, #tpu.memory_space<semaphore_mem>>)
      %dma_wait3A_128 = arith.constant 0 : i32
      %dma_wait3A_129 = tpu.memref_slice %arg9[%dma_wait3A_128] : memref<10240xf32, #tpu.memory_space<vmem_shared>> -> memref<10240xf32, #tpu.memory_space<vmem_shared>>
      tpu.wait_indirect_dma semaphore(%arg16 : memref<!tpu.dma_semaphore, #tpu.memory_space<semaphore_mem>>) src(%arg8 : memref<80xf32, #tpu.memory_space<vmem>>) dst(%dma_wait3A_129 : memref<10240xf32, #tpu.memory_space<vmem_shared>>)
      %add3A_130 = arith.constant 2 : i32
      %add3A_131 = arith.addi %mul3A_109, %add3A_130 : i32
      %mul3A_132 = arith.constant 80 : i32
      %mul3A_133 = arith.muli %add3A_131, %mul3A_132 : i32
      %add3A_134 = arith.addi %mul3A_4, %mul3A_133 : i32
      %dma_start3A_135 = tpu.memref_slice %arg2[%add3A_134] : memref<320000xi32, #tpu.memory_space<hbm>> -> memref<80xi32, #tpu.memory_space<hbm>>
      %dma_start3A_136 = tpu.memref_slice %arg2[%add3A_134] : memref<320000xi32, #tpu.memory_space<hbm>> -> memref<80xi32, #tpu.memory_space<hbm>>
      tpu.enqueue_dma source(%dma_start3A_136 : memref<80xi32, #tpu.memory_space<hbm>>) target(%arg6 : memref<80xi32, #tpu.memory_space<vmem>>) target_semaphore(%arg12 : memref<!tpu.dma_semaphore, #tpu.memory_space<semaphore_mem>>)
      %dma_wait3A_137 = arith.constant 0 : i32
      %dma_wait3A_138 = tpu.memref_slice %arg9[%dma_wait3A_137] : memref<10240xf32, #tpu.memory_space<vmem_shared>> -> memref<10240xf32, #tpu.memory_space<vmem_shared>>
      tpu.wait_indirect_dma semaphore(%arg17 : memref<!tpu.dma_semaphore, #tpu.memory_space<semaphore_mem>>) src(%arg8 : memref<80xf32, #tpu.memory_space<vmem>>) dst(%dma_wait3A_138 : memref<10240xf32, #tpu.memory_space<vmem_shared>>)
      %add3A_139 = arith.constant 3 : i32
      %add3A_140 = arith.addi %mul3A_109, %add3A_139 : i32
      %mul3A_141 = arith.constant 80 : i32
      %mul3A_142 = arith.muli %add3A_140, %mul3A_141 : i32
      %add3A_143 = arith.addi %mul3A_4, %mul3A_142 : i32
      %dma_start3A_144 = tpu.memref_slice %arg2[%add3A_143] : memref<320000xi32, #tpu.memory_space<hbm>> -> memref<80xi32, #tpu.memory_space<hbm>>
      %dma_start3A_145 = tpu.memref_slice %arg2[%add3A_143] : memref<320000xi32, #tpu.memory_space<hbm>> -> memref<80xi32, #tpu.memory_space<hbm>>
      tpu.enqueue_dma source(%dma_start3A_145 : memref<80xi32, #tpu.memory_space<hbm>>) target(%arg7 : memref<80xi32, #tpu.memory_space<vmem>>) target_semaphore(%arg13 : memref<!tpu.dma_semaphore, #tpu.memory_space<semaphore_mem>>)
      %add3A_146 = arith.constant 0 : i32
      %add3A_147 = arith.addi %mul3A_109, %add3A_146 : i32
      %mul3A_148 = arith.constant 80 : i32
      %mul3A_149 = arith.muli %add3A_147, %mul3A_148 : i32
      %add3A_150 = arith.addi %mul3A_4, %mul3A_149 : i32
      %dma_wait3A_151 = tpu.memref_slice %arg2[%add3A_150] : memref<320000xi32, #tpu.memory_space<hbm>> -> memref<80xi32, #tpu.memory_space<hbm>>
      %dma_wait3A_152 = tpu.memref_slice %arg2[%add3A_150] : memref<320000xi32, #tpu.memory_space<hbm>> -> memref<80xi32, #tpu.memory_space<hbm>>
      tpu.wait_dma2 semaphore(%arg10 : memref<!tpu.dma_semaphore, #tpu.memory_space<semaphore_mem>>) src(%dma_wait3A_152 : memref<80xi32, #tpu.memory_space<hbm>>) dst(%arg4 : memref<80xi32, #tpu.memory_space<vmem>>)
      %dma_start3A_153 = arith.constant 0 : i32
      %dma_start3A_154 = tpu.memref_slice %arg9[%dma_start3A_153] : memref<10240xf32, #tpu.memory_space<vmem_shared>> -> memref<10240xf32, #tpu.memory_space<vmem_shared>>
      tpu.enqueue_indirect_dma source(%arg8 : memref<80xf32, #tpu.memory_space<vmem>>) target(%dma_start3A_154 : memref<10240xf32, #tpu.memory_space<vmem_shared>>) offsets(%arg4 : memref<80xi32, #tpu.memory_space<vmem>>) semaphore(%arg14 : memref<!tpu.dma_semaphore, #tpu.memory_space<semaphore_mem>>) {add = true}
      %add3A_155 = arith.constant 1 : i32
      %add3A_156 = arith.addi %mul3A_109, %add3A_155 : i32
      %mul3A_157 = arith.constant 80 : i32
      %mul3A_158 = arith.muli %add3A_156, %mul3A_157 : i32
      %add3A_159 = arith.addi %mul3A_4, %mul3A_158 : i32
      %dma_wait3A_160 = tpu.memref_slice %arg2[%add3A_159] : memref<320000xi32, #tpu.memory_space<hbm>> -> memref<80xi32, #tpu.memory_space<hbm>>
      %dma_wait3A_161 = tpu.memref_slice %arg2[%add3A_159] : memref<320000xi32, #tpu.memory_space<hbm>> -> memref<80xi32, #tpu.memory_space<hbm>>
      tpu.wait_dma2 semaphore(%arg11 : memref<!tpu.dma_semaphore, #tpu.memory_space<semaphore_mem>>) src(%dma_wait3A_161 : memref<80xi32, #tpu.memory_space<hbm>>) dst(%arg5 : memref<80xi32, #tpu.memory_space<vmem>>)
      %dma_start3A_162 = arith.constant 0 : i32
      %dma_start3A_163 = tpu.memref_slice %arg9[%dma_start3A_162] : memref<10240xf32, #tpu.memory_space<vmem_shared>> -> memref<10240xf32, #tpu.memory_space<vmem_shared>>
      tpu.enqueue_indirect_dma source(%arg8 : memref<80xf32, #tpu.memory_space<vmem>>) target(%dma_start3A_163 : memref<10240xf32, #tpu.memory_space<vmem_shared>>) offsets(%arg5 : memref<80xi32, #tpu.memory_space<vmem>>) semaphore(%arg15 : memref<!tpu.dma_semaphore, #tpu.memory_space<semaphore_mem>>) {add = true}
      %add3A_164 = arith.constant 2 : i32
      %add3A_165 = arith.addi %mul3A_109, %add3A_164 : i32
      %mul3A_166 = arith.constant 80 : i32
      %mul3A_167 = arith.muli %add3A_165, %mul3A_166 : i32
      %add3A_168 = arith.addi %mul3A_4, %mul3A_167 : i32
      %dma_wait3A_169 = tpu.memref_slice %arg2[%add3A_168] : memref<320000xi32, #tpu.memory_space<hbm>> -> memref<80xi32, #tpu.memory_space<hbm>>
      %dma_wait3A_170 = tpu.memref_slice %arg2[%add3A_168] : memref<320000xi32, #tpu.memory_space<hbm>> -> memref<80xi32, #tpu.memory_space<hbm>>
      tpu.wait_dma2 semaphore(%arg12 : memref<!tpu.dma_semaphore, #tpu.memory_space<semaphore_mem>>) src(%dma_wait3A_170 : memref<80xi32, #tpu.memory_space<hbm>>) dst(%arg6 : memref<80xi32, #tpu.memory_space<vmem>>)
      %dma_start3A_171 = arith.constant 0 : i32
      %dma_start3A_172 = tpu.memref_slice %arg9[%dma_start3A_171] : memref<10240xf32, #tpu.memory_space<vmem_shared>> -> memref<10240xf32, #tpu.memory_space<vmem_shared>>
      tpu.enqueue_indirect_dma source(%arg8 : memref<80xf32, #tpu.memory_space<vmem>>) target(%dma_start3A_172 : memref<10240xf32, #tpu.memory_space<vmem_shared>>) offsets(%arg6 : memref<80xi32, #tpu.memory_space<vmem>>) semaphore(%arg16 : memref<!tpu.dma_semaphore, #tpu.memory_space<semaphore_mem>>) {add = true}
      %add3A_173 = arith.constant 3 : i32
      %add3A_174 = arith.addi %mul3A_109, %add3A_173 : i32
      %mul3A_175 = arith.constant 80 : i32
      %mul3A_176 = arith.muli %add3A_174, %mul3A_175 : i32
      %add3A_177 = arith.addi %mul3A_4, %mul3A_176 : i32
      %dma_wait3A_178 = tpu.memref_slice %arg2[%add3A_177] : memref<320000xi32, #tpu.memory_space<hbm>> -> memref<80xi32, #tpu.memory_space<hbm>>
      %dma_wait3A_179 = tpu.memref_slice %arg2[%add3A_177] : memref<320000xi32, #tpu.memory_space<hbm>> -> memref<80xi32, #tpu.memory_space<hbm>>
      tpu.wait_dma2 semaphore(%arg13 : memref<!tpu.dma_semaphore, #tpu.memory_space<semaphore_mem>>) src(%dma_wait3A_179 : memref<80xi32, #tpu.memory_space<hbm>>) dst(%arg7 : memref<80xi32, #tpu.memory_space<vmem>>)
      %dma_start3A_180 = arith.constant 0 : i32
      %dma_start3A_181 = tpu.memref_slice %arg9[%dma_start3A_180] : memref<10240xf32, #tpu.memory_space<vmem_shared>> -> memref<10240xf32, #tpu.memory_space<vmem_shared>>
      tpu.enqueue_indirect_dma source(%arg8 : memref<80xf32, #tpu.memory_space<vmem>>) target(%dma_start3A_181 : memref<10240xf32, #tpu.memory_space<vmem_shared>>) offsets(%arg7 : memref<80xi32, #tpu.memory_space<vmem>>) semaphore(%arg17 : memref<!tpu.dma_semaphore, #tpu.memory_space<semaphore_mem>>) {add = true}
      %scan3A_182 = arith.constant 0 : i32
      scf.yield %scan3A_182 : i32
    }
    %scan3A_81 = arith.constant 30 : i32
    %dma_wait3A_82 = arith.constant 0 : i32
    %dma_wait3A_83 = tpu.memref_slice %arg9[%dma_wait3A_82] : memref<10240xf32, #tpu.memory_space<vmem_shared>> -> memref<10240xf32, #tpu.memory_space<vmem_shared>>
    tpu.wait_indirect_dma semaphore(%arg14 : memref<!tpu.dma_semaphore, #tpu.memory_space<semaphore_mem>>) src(%arg8 : memref<80xf32, #tpu.memory_space<vmem>>) dst(%dma_wait3A_83 : memref<10240xf32, #tpu.memory_space<vmem_shared>>)
    %add3A_84 = arith.constant 9920 : i32
    %add3A_85 = arith.addi %mul3A_4, %add3A_84 : i32
    %dma_start3A_86 = tpu.memref_slice %arg2[%add3A_85] : memref<320000xi32, #tpu.memory_space<hbm>> -> memref<80xi32, #tpu.memory_space<hbm>>
    %dma_start3A_87 = tpu.memref_slice %arg2[%add3A_85] : memref<320000xi32, #tpu.memory_space<hbm>> -> memref<80xi32, #tpu.memory_space<hbm>>
    tpu.enqueue_dma source(%dma_start3A_87 : memref<80xi32, #tpu.memory_space<hbm>>) target(%arg4 : memref<80xi32, #tpu.memory_space<vmem>>) target_semaphore(%arg10 : memref<!tpu.dma_semaphore, #tpu.memory_space<semaphore_mem>>)
    %add3A_88 = arith.constant 9920 : i32
    %add3A_89 = arith.addi %mul3A_4, %add3A_88 : i32
    %dma_wait3A_90 = tpu.memref_slice %arg2[%add3A_89] : memref<320000xi32, #tpu.memory_space<hbm>> -> memref<80xi32, #tpu.memory_space<hbm>>
    %dma_wait3A_91 = tpu.memref_slice %arg2[%add3A_89] : memref<320000xi32, #tpu.memory_space<hbm>> -> memref<80xi32, #tpu.memory_space<hbm>>
    tpu.wait_dma2 semaphore(%arg10 : memref<!tpu.dma_semaphore, #tpu.memory_space<semaphore_mem>>) src(%dma_wait3A_91 : memref<80xi32, #tpu.memory_space<hbm>>) dst(%arg4 : memref<80xi32, #tpu.memory_space<vmem>>)
    %dma_start3A_92 = arith.constant 0 : i32
    %dma_start3A_93 = tpu.memref_slice %arg9[%dma_start3A_92] : memref<10240xf32, #tpu.memory_space<vmem_shared>> -> memref<10240xf32, #tpu.memory_space<vmem_shared>>
    tpu.enqueue_indirect_dma source(%arg8 : memref<80xf32, #tpu.memory_space<vmem>>) target(%dma_start3A_93 : memref<10240xf32, #tpu.memory_space<vmem_shared>>) offsets(%arg4 : memref<80xi32, #tpu.memory_space<vmem>>) semaphore(%arg14 : memref<!tpu.dma_semaphore, #tpu.memory_space<semaphore_mem>>) {add = true}
    %dma_wait3A_94 = arith.constant 0 : i32
    %dma_wait3A_95 = tpu.memref_slice %arg9[%dma_wait3A_94] : memref<10240xf32, #tpu.memory_space<vmem_shared>> -> memref<10240xf32, #tpu.memory_space<vmem_shared>>
    tpu.wait_indirect_dma semaphore(%arg15 : memref<!tpu.dma_semaphore, #tpu.memory_space<semaphore_mem>>) src(%arg8 : memref<80xf32, #tpu.memory_space<vmem>>) dst(%dma_wait3A_95 : memref<10240xf32, #tpu.memory_space<vmem_shared>>)
    %dma_wait3A_96 = arith.constant 0 : i32
    %dma_wait3A_97 = tpu.memref_slice %arg9[%dma_wait3A_96] : memref<10240xf32, #tpu.memory_space<vmem_shared>> -> memref<10240xf32, #tpu.memory_space<vmem_shared>>
    tpu.wait_indirect_dma semaphore(%arg16 : memref<!tpu.dma_semaphore, #tpu.memory_space<semaphore_mem>>) src(%arg8 : memref<80xf32, #tpu.memory_space<vmem>>) dst(%dma_wait3A_97 : memref<10240xf32, #tpu.memory_space<vmem_shared>>)
    %dma_wait3A_98 = arith.constant 0 : i32
    %dma_wait3A_99 = tpu.memref_slice %arg9[%dma_wait3A_98] : memref<10240xf32, #tpu.memory_space<vmem_shared>> -> memref<10240xf32, #tpu.memory_space<vmem_shared>>
    tpu.wait_indirect_dma semaphore(%arg17 : memref<!tpu.dma_semaphore, #tpu.memory_space<semaphore_mem>>) src(%arg8 : memref<80xf32, #tpu.memory_space<vmem>>) dst(%dma_wait3A_99 : memref<10240xf32, #tpu.memory_space<vmem_shared>>)
    %dma_wait3A_100 = arith.constant 0 : i32
    %dma_wait3A_101 = tpu.memref_slice %arg9[%dma_wait3A_100] : memref<10240xf32, #tpu.memory_space<vmem_shared>> -> memref<10240xf32, #tpu.memory_space<vmem_shared>>
    tpu.wait_indirect_dma semaphore(%arg14 : memref<!tpu.dma_semaphore, #tpu.memory_space<semaphore_mem>>) src(%arg8 : memref<80xf32, #tpu.memory_space<vmem>>) dst(%dma_wait3A_101 : memref<10240xf32, #tpu.memory_space<vmem_shared>>)
    %barrier3A_102 = arith.constant 0 : index
    tpu.barrier barrier_id(%barrier3A_102)
    %mul3A_103 = arith.constant 10240 : i32
    %mul3A_104 = arith.muli %arg0, %mul3A_103 : i32
    %add3A_105 = arith.addi %mul3A_104, %mul3A_2 : i32
    "tpu.region"() ({
      %run_scoped3A = tpu.sem_alloc : memref<!tpu.dma_semaphore, #tpu.memory_space<semaphore_mem>>
      %dma_start3A_106 = tpu.memref_slice %arg3[%add3A_105] : memref<20480xf32, #tpu.memory_space<hbm>> -> memref<640xf32, #tpu.memory_space<hbm>>
      %dma_start3A_107 = tpu.memref_slice %arg9[%mul3A_2] : memref<10240xf32, #tpu.memory_space<vmem_shared>> -> memref<640xf32, #tpu.memory_space<vmem_shared>>
      tpu.enqueue_dma source(%dma_start3A_107 : memref<640xf32, #tpu.memory_space<vmem_shared>>) target(%dma_start3A_106 : memref<640xf32, #tpu.memory_space<hbm>>) target_semaphore(%run_scoped3A : memref<!tpu.dma_semaphore, #tpu.memory_space<semaphore_mem>>)
      %dma_wait3A_108 = tpu.memref_slice %arg3[%add3A_105] : memref<20480xf32, #tpu.memory_space<hbm>> -> memref<640xf32, #tpu.memory_space<hbm>>
      %dma_wait3A_109 = tpu.memref_slice %arg9[%mul3A_2] : memref<10240xf32, #tpu.memory_space<vmem_shared>> -> memref<640xf32, #tpu.memory_space<vmem_shared>>
      tpu.wait_dma2 semaphore(%run_scoped3A : memref<!tpu.dma_semaphore, #tpu.memory_space<semaphore_mem>>) src(%dma_wait3A_109 : memref<640xf32, #tpu.memory_space<vmem_shared>>) dst(%dma_wait3A_108 : memref<640xf32, #tpu.memory_space<hbm>>)
      tpu.yield
    }) : () -> ()
    return
  }
}

#map = affine_map<(d0, d1) -> (0)>
#map1 = affine_map<(d0, d1) -> (0, 0)>
#map2 = affine_map<(d0, d1) -> (0, 0, 0)>
module attributes {stable_mosaic.version = 14 : i64} {
  func.func @_sc_scatter_body(%arg0: i32, %arg1: i32, %arg2: memref<320000xi32, #tpu.memory_space<hbm>>, %arg3: memref<320000xi32, #tpu.memory_space<hbm>>, %arg4: memref<10000x128xf32, #tpu.memory_space<hbm>>, %arg5: memref<2x10240x128xf32, #tpu.memory_space<hbm>>, %arg6: memref<80xi32, #tpu.memory_space<vmem>>, %arg7: memref<80xi32, #tpu.memory_space<vmem>>, %arg8: memref<80xi32, #tpu.memory_space<vmem>>, %arg9: memref<80xi32, #tpu.memory_space<vmem>>, %arg10: memref<80xi32, #tpu.memory_space<vmem>>, %arg11: memref<80xi32, #tpu.memory_space<vmem>>, %arg12: memref<80xi32, #tpu.memory_space<vmem>>, %arg13: memref<80xi32, #tpu.memory_space<vmem>>, %arg14: memref<80x128xf32, #tpu.memory_space<vmem>>, %arg15: memref<80x128xf32, #tpu.memory_space<vmem>>, %arg16: memref<80x128xf32, #tpu.memory_space<vmem>>, %arg17: memref<80x128xf32, #tpu.memory_space<vmem>>, %arg18: memref<10240x128xf32, #tpu.memory_space<vmem_shared>>, %arg19: memref<!tpu.dma_semaphore, #tpu.memory_space<semaphore_mem>>, %arg20: memref<!tpu.dma_semaphore, #tpu.memory_space<semaphore_mem>>, %arg21: memref<!tpu.dma_semaphore, #tpu.memory_space<semaphore_mem>>, %arg22: memref<!tpu.dma_semaphore, #tpu.memory_space<semaphore_mem>>, %arg23: memref<!tpu.dma_semaphore, #tpu.memory_space<semaphore_mem>>, %arg24: memref<!tpu.dma_semaphore, #tpu.memory_space<semaphore_mem>>, %arg25: memref<!tpu.dma_semaphore, #tpu.memory_space<semaphore_mem>>, %arg26: memref<!tpu.dma_semaphore, #tpu.memory_space<semaphore_mem>>, %arg27: memref<!tpu.dma_semaphore, #tpu.memory_space<semaphore_mem>>, %arg28: memref<!tpu.dma_semaphore, #tpu.memory_space<semaphore_mem>>, %arg29: memref<!tpu.dma_semaphore, #tpu.memory_space<semaphore_mem>>, %arg30: memref<!tpu.dma_semaphore, #tpu.memory_space<semaphore_mem>>) attributes {dimension_semantics = [#tpu.dimension_semantics<core_parallel>, #tpu.dimension_semantics<subcore_parallel>], iteration_bounds = array<i64: 2, 16>, scalar_prefetch = 0 : i64, scratch_operands = 25 : i64, tpu.core_type = #tpu.core_type<sc_vector_subcore>, window_params = [{transform_indices = #map}, {transform_indices = #map}, {transform_indices = #map1}, {transform_indices = #map2}]} {
    %mul3A = arith.constant 2 : i32
    %mul3A_0 = arith.muli %arg1, %mul3A : i32
    %add3A = arith.addi %mul3A_0, %arg0 : i32
    %mul3A_1 = arith.constant 640 : i32
    %mul3A_2 = arith.muli %arg1, %mul3A_1 : i32
    %mul3A_3 = arith.constant 10000 : i32
    %mul3A_4 = arith.muli %add3A, %mul3A_3 : i32
    %broadcast_in_dim3A = arith.constant 0.000000e+00 : f32
    %broadcast_in_dim3A_5 = vector.broadcast %broadcast_in_dim3A : f32 to vector<16xf32>
    %scan3A = arith.constant 0 : i32
    %scan3A_6 = arith.constant 0 : i32
    %scan3A_7 = arith.constant 80 : i32
    %scan3A_8 = arith.addi %scan3A_6, %scan3A_7 : i32
    %scan3A_9 = arith.constant 1 : i32
    %scan3A_10 = scf.for %scan3A_174 = %scan3A_6 to %scan3A_8 step %scan3A_9 iter_args(%scan3A_175 = %scan3A) -> (i32)  : i32 {
      %swap3A = arith.index_cast %scan3A_174 : i32 to index
      %swap3A_176 = arith.constant 0 : index
      %swap3A_177 = tpu.vector_load %arg14[%swap3A, %swap3A_176] {strides = array<i32>} : memref<80x128xf32, #tpu.memory_space<vmem>>, vector<1x16xf32>,
      %swap3A_178 = vector.shape_cast %swap3A_177 : vector<1x16xf32> to vector<16xf32>
      %swap3A_179 = vector.shape_cast %broadcast_in_dim3A_5 : vector<16xf32> to vector<1x16xf32>
      tpu.vector_store %arg14[%swap3A, %swap3A_176], %swap3A_179 {strides = array<i32>} : memref<80x128xf32, #tpu.memory_space<vmem>>, vector<1x16xf32>,
      %swap3A_180 = arith.index_cast %scan3A_174 : i32 to index
      %swap3A_181 = arith.constant 16 : index
      %swap3A_182 = tpu.vector_load %arg14[%swap3A_180, %swap3A_181] {strides = array<i32>} : memref<80x128xf32, #tpu.memory_space<vmem>>, vector<1x16xf32>,
      %swap3A_183 = vector.shape_cast %swap3A_182 : vector<1x16xf32> to vector<16xf32>
      %swap3A_184 = vector.shape_cast %broadcast_in_dim3A_5 : vector<16xf32> to vector<1x16xf32>
      tpu.vector_store %arg14[%swap3A_180, %swap3A_181], %swap3A_184 {strides = array<i32>} : memref<80x128xf32, #tpu.memory_space<vmem>>, vector<1x16xf32>,
      %swap3A_185 = arith.index_cast %scan3A_174 : i32 to index
      %swap3A_186 = arith.constant 32 : index
      %swap3A_187 = tpu.vector_load %arg14[%swap3A_185, %swap3A_186] {strides = array<i32>} : memref<80x128xf32, #tpu.memory_space<vmem>>, vector<1x16xf32>,
      %swap3A_188 = vector.shape_cast %swap3A_187 : vector<1x16xf32> to vector<16xf32>
      %swap3A_189 = vector.shape_cast %broadcast_in_dim3A_5 : vector<16xf32> to vector<1x16xf32>
      tpu.vector_store %arg14[%swap3A_185, %swap3A_186], %swap3A_189 {strides = array<i32>} : memref<80x128xf32, #tpu.memory_space<vmem>>, vector<1x16xf32>,
      %swap3A_190 = arith.index_cast %scan3A_174 : i32 to index
      %swap3A_191 = arith.constant 48 : index
      %swap3A_192 = tpu.vector_load %arg14[%swap3A_190, %swap3A_191] {strides = array<i32>} : memref<80x128xf32, #tpu.memory_space<vmem>>, vector<1x16xf32>,
      %swap3A_193 = vector.shape_cast %swap3A_192 : vector<1x16xf32> to vector<16xf32>
      %swap3A_194 = vector.shape_cast %broadcast_in_dim3A_5 : vector<16xf32> to vector<1x16xf32>
      tpu.vector_store %arg14[%swap3A_190, %swap3A_191], %swap3A_194 {strides = array<i32>} : memref<80x128xf32, #tpu.memory_space<vmem>>, vector<1x16xf32>,
      %swap3A_195 = arith.index_cast %scan3A_174 : i32 to index
      %swap3A_196 = arith.constant 64 : index
      %swap3A_197 = tpu.vector_load %arg14[%swap3A_195, %swap3A_196] {strides = array<i32>} : memref<80x128xf32, #tpu.memory_space<vmem>>, vector<1x16xf32>,
      %swap3A_198 = vector.shape_cast %swap3A_197 : vector<1x16xf32> to vector<16xf32>
      %swap3A_199 = vector.shape_cast %broadcast_in_dim3A_5 : vector<16xf32> to vector<1x16xf32>
      tpu.vector_store %arg14[%swap3A_195, %swap3A_196], %swap3A_199 {strides = array<i32>} : memref<80x128xf32, #tpu.memory_space<vmem>>, vector<1x16xf32>,
      %swap3A_200 = arith.index_cast %scan3A_174 : i32 to index
      %swap3A_201 = arith.constant 80 : index
      %swap3A_202 = tpu.vector_load %arg14[%swap3A_200, %swap3A_201] {strides = array<i32>} : memref<80x128xf32, #tpu.memory_space<vmem>>, vector<1x16xf32>,
      %swap3A_203 = vector.shape_cast %swap3A_202 : vector<1x16xf32> to vector<16xf32>
      %swap3A_204 = vector.shape_cast %broadcast_in_dim3A_5 : vector<16xf32> to vector<1x16xf32>
      tpu.vector_store %arg14[%swap3A_200, %swap3A_201], %swap3A_204 {strides = array<i32>} : memref<80x128xf32, #tpu.memory_space<vmem>>, vector<1x16xf32>,
      %swap3A_205 = arith.index_cast %scan3A_174 : i32 to index
      %swap3A_206 = arith.constant 96 : index
      %swap3A_207 = tpu.vector_load %arg14[%swap3A_205, %swap3A_206] {strides = array<i32>} : memref<80x128xf32, #tpu.memory_space<vmem>>, vector<1x16xf32>,
      %swap3A_208 = vector.shape_cast %swap3A_207 : vector<1x16xf32> to vector<16xf32>
      %swap3A_209 = vector.shape_cast %broadcast_in_dim3A_5 : vector<16xf32> to vector<1x16xf32>
      tpu.vector_store %arg14[%swap3A_205, %swap3A_206], %swap3A_209 {strides = array<i32>} : memref<80x128xf32, #tpu.memory_space<vmem>>, vector<1x16xf32>,
      %swap3A_210 = arith.index_cast %scan3A_174 : i32 to index
      %swap3A_211 = arith.constant 112 : index
      %swap3A_212 = tpu.vector_load %arg14[%swap3A_210, %swap3A_211] {strides = array<i32>} : memref<80x128xf32, #tpu.memory_space<vmem>>, vector<1x16xf32>,
      %swap3A_213 = vector.shape_cast %swap3A_212 : vector<1x16xf32> to vector<16xf32>
      %swap3A_214 = vector.shape_cast %broadcast_in_dim3A_5 : vector<16xf32> to vector<1x16xf32>
      tpu.vector_store %arg14[%swap3A_210, %swap3A_211], %swap3A_214 {strides = array<i32>} : memref<80x128xf32, #tpu.memory_space<vmem>>, vector<1x16xf32>,
      %scan3A_215 = arith.constant 0 : i32
      scf.yield %scan3A_215 : i32
    }
    %scan3A_11 = arith.constant 80 : i32
    %add3A_12 = arith.constant 0 : i32
    %add3A_13 = arith.addi %mul3A_2, %add3A_12 : i32
    "tpu.region"() ({
      %run_scoped3A = tpu.sem_alloc : memref<!tpu.dma_semaphore, #tpu.memory_space<semaphore_mem>>
      %dma_start3A_174 = arith.constant 0 : i32
      %dma_start3A_175 = tpu.memref_slice %arg18[%add3A_13, %dma_start3A_174] : memref<10240x128xf32, #tpu.memory_space<vmem_shared>> -> memref<80x128xf32, #tpu.memory_space<vmem_shared>>
      %dma_start3A_176 = arith.constant 0 : i32
      %dma_start3A_177 = tpu.memref_slice %arg18[%add3A_13, %dma_start3A_176] : memref<10240x128xf32, #tpu.memory_space<vmem_shared>> -> memref<80x128xf32, #tpu.memory_space<vmem_shared>>
      tpu.enqueue_dma source(%arg14 : memref<80x128xf32, #tpu.memory_space<vmem>>) target(%dma_start3A_177 : memref<80x128xf32, #tpu.memory_space<vmem_shared>>) target_semaphore(%run_scoped3A : memref<!tpu.dma_semaphore, #tpu.memory_space<semaphore_mem>>)
      %dma_wait3A_178 = arith.constant 0 : i32
      %dma_wait3A_179 = tpu.memref_slice %arg18[%add3A_13, %dma_wait3A_178] : memref<10240x128xf32, #tpu.memory_space<vmem_shared>> -> memref<80x128xf32, #tpu.memory_space<vmem_shared>>
      %dma_wait3A_180 = arith.constant 0 : i32
      %dma_wait3A_181 = tpu.memref_slice %arg18[%add3A_13, %dma_wait3A_180] : memref<10240x128xf32, #tpu.memory_space<vmem_shared>> -> memref<80x128xf32, #tpu.memory_space<vmem_shared>>
      tpu.wait_dma2 semaphore(%run_scoped3A : memref<!tpu.dma_semaphore, #tpu.memory_space<semaphore_mem>>) src(%arg14 : memref<80x128xf32, #tpu.memory_space<vmem>>) dst(%dma_wait3A_181 : memref<80x128xf32, #tpu.memory_space<vmem_shared>>)
      tpu.yield
    }) : () -> ()
    %add3A_14 = arith.constant 80 : i32
    %add3A_15 = arith.addi %mul3A_2, %add3A_14 : i32
    "tpu.region"() ({
      %run_scoped3A = tpu.sem_alloc : memref<!tpu.dma_semaphore, #tpu.memory_space<semaphore_mem>>
      %dma_start3A_174 = arith.constant 0 : i32
      %dma_start3A_175 = tpu.memref_slice %arg18[%add3A_15, %dma_start3A_174] : memref<10240x128xf32, #tpu.memory_space<vmem_shared>> -> memref<80x128xf32, #tpu.memory_space<vmem_shared>>
      %dma_start3A_176 = arith.constant 0 : i32
      %dma_start3A_177 = tpu.memref_slice %arg18[%add3A_15, %dma_start3A_176] : memref<10240x128xf32, #tpu.memory_space<vmem_shared>> -> memref<80x128xf32, #tpu.memory_space<vmem_shared>>
      tpu.enqueue_dma source(%arg14 : memref<80x128xf32, #tpu.memory_space<vmem>>) target(%dma_start3A_177 : memref<80x128xf32, #tpu.memory_space<vmem_shared>>) target_semaphore(%run_scoped3A : memref<!tpu.dma_semaphore, #tpu.memory_space<semaphore_mem>>)
      %dma_wait3A_178 = arith.constant 0 : i32
      %dma_wait3A_179 = tpu.memref_slice %arg18[%add3A_15, %dma_wait3A_178] : memref<10240x128xf32, #tpu.memory_space<vmem_shared>> -> memref<80x128xf32, #tpu.memory_space<vmem_shared>>
      %dma_wait3A_180 = arith.constant 0 : i32
      %dma_wait3A_181 = tpu.memref_slice %arg18[%add3A_15, %dma_wait3A_180] : memref<10240x128xf32, #tpu.memory_space<vmem_shared>> -> memref<80x128xf32, #tpu.memory_space<vmem_shared>>
      tpu.wait_dma2 semaphore(%run_scoped3A : memref<!tpu.dma_semaphore, #tpu.memory_space<semaphore_mem>>) src(%arg14 : memref<80x128xf32, #tpu.memory_space<vmem>>) dst(%dma_wait3A_181 : memref<80x128xf32, #tpu.memory_space<vmem_shared>>)
      tpu.yield
    }) : () -> ()
    %add3A_16 = arith.constant 160 : i32
    %add3A_17 = arith.addi %mul3A_2, %add3A_16 : i32
    "tpu.region"() ({
      %run_scoped3A = tpu.sem_alloc : memref<!tpu.dma_semaphore, #tpu.memory_space<semaphore_mem>>
      %dma_start3A_174 = arith.constant 0 : i32
      %dma_start3A_175 = tpu.memref_slice %arg18[%add3A_17, %dma_start3A_174] : memref<10240x128xf32, #tpu.memory_space<vmem_shared>> -> memref<80x128xf32, #tpu.memory_space<vmem_shared>>
      %dma_start3A_176 = arith.constant 0 : i32
      %dma_start3A_177 = tpu.memref_slice %arg18[%add3A_17, %dma_start3A_176] : memref<10240x128xf32, #tpu.memory_space<vmem_shared>> -> memref<80x128xf32, #tpu.memory_space<vmem_shared>>
      tpu.enqueue_dma source(%arg14 : memref<80x128xf32, #tpu.memory_space<vmem>>) target(%dma_start3A_177 : memref<80x128xf32, #tpu.memory_space<vmem_shared>>) target_semaphore(%run_scoped3A : memref<!tpu.dma_semaphore, #tpu.memory_space<semaphore_mem>>)
      %dma_wait3A_178 = arith.constant 0 : i32
      %dma_wait3A_179 = tpu.memref_slice %arg18[%add3A_17, %dma_wait3A_178] : memref<10240x128xf32, #tpu.memory_space<vmem_shared>> -> memref<80x128xf32, #tpu.memory_space<vmem_shared>>
      %dma_wait3A_180 = arith.constant 0 : i32
      %dma_wait3A_181 = tpu.memref_slice %arg18[%add3A_17, %dma_wait3A_180] : memref<10240x128xf32, #tpu.memory_space<vmem_shared>> -> memref<80x128xf32, #tpu.memory_space<vmem_shared>>
      tpu.wait_dma2 semaphore(%run_scoped3A : memref<!tpu.dma_semaphore, #tpu.memory_space<semaphore_mem>>) src(%arg14 : memref<80x128xf32, #tpu.memory_space<vmem>>) dst(%dma_wait3A_181 : memref<80x128xf32, #tpu.memory_space<vmem_shared>>)
      tpu.yield
    }) : () -> ()
    %add3A_18 = arith.constant 240 : i32
    %add3A_19 = arith.addi %mul3A_2, %add3A_18 : i32
    "tpu.region"() ({
      %run_scoped3A = tpu.sem_alloc : memref<!tpu.dma_semaphore, #tpu.memory_space<semaphore_mem>>
      %dma_start3A_174 = arith.constant 0 : i32
      %dma_start3A_175 = tpu.memref_slice %arg18[%add3A_19, %dma_start3A_174] : memref<10240x128xf32, #tpu.memory_space<vmem_shared>> -> memref<80x128xf32, #tpu.memory_space<vmem_shared>>
      %dma_start3A_176 = arith.constant 0 : i32
      %dma_start3A_177 = tpu.memref_slice %arg18[%add3A_19, %dma_start3A_176] : memref<10240x128xf32, #tpu.memory_space<vmem_shared>> -> memref<80x128xf32, #tpu.memory_space<vmem_shared>>
      tpu.enqueue_dma source(%arg14 : memref<80x128xf32, #tpu.memory_space<vmem>>) target(%dma_start3A_177 : memref<80x128xf32, #tpu.memory_space<vmem_shared>>) target_semaphore(%run_scoped3A : memref<!tpu.dma_semaphore, #tpu.memory_space<semaphore_mem>>)
      %dma_wait3A_178 = arith.constant 0 : i32
      %dma_wait3A_179 = tpu.memref_slice %arg18[%add3A_19, %dma_wait3A_178] : memref<10240x128xf32, #tpu.memory_space<vmem_shared>> -> memref<80x128xf32, #tpu.memory_space<vmem_shared>>
      %dma_wait3A_180 = arith.constant 0 : i32
      %dma_wait3A_181 = tpu.memref_slice %arg18[%add3A_19, %dma_wait3A_180] : memref<10240x128xf32, #tpu.memory_space<vmem_shared>> -> memref<80x128xf32, #tpu.memory_space<vmem_shared>>
      tpu.wait_dma2 semaphore(%run_scoped3A : memref<!tpu.dma_semaphore, #tpu.memory_space<semaphore_mem>>) src(%arg14 : memref<80x128xf32, #tpu.memory_space<vmem>>) dst(%dma_wait3A_181 : memref<80x128xf32, #tpu.memory_space<vmem_shared>>)
      tpu.yield
    }) : () -> ()
    %add3A_20 = arith.constant 320 : i32
    %add3A_21 = arith.addi %mul3A_2, %add3A_20 : i32
    "tpu.region"() ({
      %run_scoped3A = tpu.sem_alloc : memref<!tpu.dma_semaphore, #tpu.memory_space<semaphore_mem>>
      %dma_start3A_174 = arith.constant 0 : i32
      %dma_start3A_175 = tpu.memref_slice %arg18[%add3A_21, %dma_start3A_174] : memref<10240x128xf32, #tpu.memory_space<vmem_shared>> -> memref<80x128xf32, #tpu.memory_space<vmem_shared>>
      %dma_start3A_176 = arith.constant 0 : i32
      %dma_start3A_177 = tpu.memref_slice %arg18[%add3A_21, %dma_start3A_176] : memref<10240x128xf32, #tpu.memory_space<vmem_shared>> -> memref<80x128xf32, #tpu.memory_space<vmem_shared>>
      tpu.enqueue_dma source(%arg14 : memref<80x128xf32, #tpu.memory_space<vmem>>) target(%dma_start3A_177 : memref<80x128xf32, #tpu.memory_space<vmem_shared>>) target_semaphore(%run_scoped3A : memref<!tpu.dma_semaphore, #tpu.memory_space<semaphore_mem>>)
      %dma_wait3A_178 = arith.constant 0 : i32
      %dma_wait3A_179 = tpu.memref_slice %arg18[%add3A_21, %dma_wait3A_178] : memref<10240x128xf32, #tpu.memory_space<vmem_shared>> -> memref<80x128xf32, #tpu.memory_space<vmem_shared>>
      %dma_wait3A_180 = arith.constant 0 : i32
      %dma_wait3A_181 = tpu.memref_slice %arg18[%add3A_21, %dma_wait3A_180] : memref<10240x128xf32, #tpu.memory_space<vmem_shared>> -> memref<80x128xf32, #tpu.memory_space<vmem_shared>>
      tpu.wait_dma2 semaphore(%run_scoped3A : memref<!tpu.dma_semaphore, #tpu.memory_space<semaphore_mem>>) src(%arg14 : memref<80x128xf32, #tpu.memory_space<vmem>>) dst(%dma_wait3A_181 : memref<80x128xf32, #tpu.memory_space<vmem_shared>>)
      tpu.yield
    }) : () -> ()
    %add3A_22 = arith.constant 400 : i32
    %add3A_23 = arith.addi %mul3A_2, %add3A_22 : i32
    "tpu.region"() ({
      %run_scoped3A = tpu.sem_alloc : memref<!tpu.dma_semaphore, #tpu.memory_space<semaphore_mem>>
      %dma_start3A_174 = arith.constant 0 : i32
      %dma_start3A_175 = tpu.memref_slice %arg18[%add3A_23, %dma_start3A_174] : memref<10240x128xf32, #tpu.memory_space<vmem_shared>> -> memref<80x128xf32, #tpu.memory_space<vmem_shared>>
      %dma_start3A_176 = arith.constant 0 : i32
      %dma_start3A_177 = tpu.memref_slice %arg18[%add3A_23, %dma_start3A_176] : memref<10240x128xf32, #tpu.memory_space<vmem_shared>> -> memref<80x128xf32, #tpu.memory_space<vmem_shared>>
      tpu.enqueue_dma source(%arg14 : memref<80x128xf32, #tpu.memory_space<vmem>>) target(%dma_start3A_177 : memref<80x128xf32, #tpu.memory_space<vmem_shared>>) target_semaphore(%run_scoped3A : memref<!tpu.dma_semaphore, #tpu.memory_space<semaphore_mem>>)
      %dma_wait3A_178 = arith.constant 0 : i32
      %dma_wait3A_179 = tpu.memref_slice %arg18[%add3A_23, %dma_wait3A_178] : memref<10240x128xf32, #tpu.memory_space<vmem_shared>> -> memref<80x128xf32, #tpu.memory_space<vmem_shared>>
      %dma_wait3A_180 = arith.constant 0 : i32
      %dma_wait3A_181 = tpu.memref_slice %arg18[%add3A_23, %dma_wait3A_180] : memref<10240x128xf32, #tpu.memory_space<vmem_shared>> -> memref<80x128xf32, #tpu.memory_space<vmem_shared>>
      tpu.wait_dma2 semaphore(%run_scoped3A : memref<!tpu.dma_semaphore, #tpu.memory_space<semaphore_mem>>) src(%arg14 : memref<80x128xf32, #tpu.memory_space<vmem>>) dst(%dma_wait3A_181 : memref<80x128xf32, #tpu.memory_space<vmem_shared>>)
      tpu.yield
    }) : () -> ()
    %add3A_24 = arith.constant 480 : i32
    %add3A_25 = arith.addi %mul3A_2, %add3A_24 : i32
    "tpu.region"() ({
      %run_scoped3A = tpu.sem_alloc : memref<!tpu.dma_semaphore, #tpu.memory_space<semaphore_mem>>
      %dma_start3A_174 = arith.constant 0 : i32
      %dma_start3A_175 = tpu.memref_slice %arg18[%add3A_25, %dma_start3A_174] : memref<10240x128xf32, #tpu.memory_space<vmem_shared>> -> memref<80x128xf32, #tpu.memory_space<vmem_shared>>
      %dma_start3A_176 = arith.constant 0 : i32
      %dma_start3A_177 = tpu.memref_slice %arg18[%add3A_25, %dma_start3A_176] : memref<10240x128xf32, #tpu.memory_space<vmem_shared>> -> memref<80x128xf32, #tpu.memory_space<vmem_shared>>
      tpu.enqueue_dma source(%arg14 : memref<80x128xf32, #tpu.memory_space<vmem>>) target(%dma_start3A_177 : memref<80x128xf32, #tpu.memory_space<vmem_shared>>) target_semaphore(%run_scoped3A : memref<!tpu.dma_semaphore, #tpu.memory_space<semaphore_mem>>)
      %dma_wait3A_178 = arith.constant 0 : i32
      %dma_wait3A_179 = tpu.memref_slice %arg18[%add3A_25, %dma_wait3A_178] : memref<10240x128xf32, #tpu.memory_space<vmem_shared>> -> memref<80x128xf32, #tpu.memory_space<vmem_shared>>
      %dma_wait3A_180 = arith.constant 0 : i32
      %dma_wait3A_181 = tpu.memref_slice %arg18[%add3A_25, %dma_wait3A_180] : memref<10240x128xf32, #tpu.memory_space<vmem_shared>> -> memref<80x128xf32, #tpu.memory_space<vmem_shared>>
      tpu.wait_dma2 semaphore(%run_scoped3A : memref<!tpu.dma_semaphore, #tpu.memory_space<semaphore_mem>>) src(%arg14 : memref<80x128xf32, #tpu.memory_space<vmem>>) dst(%dma_wait3A_181 : memref<80x128xf32, #tpu.memory_space<vmem_shared>>)
      tpu.yield
    }) : () -> ()
    %add3A_26 = arith.constant 560 : i32
    %add3A_27 = arith.addi %mul3A_2, %add3A_26 : i32
    "tpu.region"() ({
      %run_scoped3A = tpu.sem_alloc : memref<!tpu.dma_semaphore, #tpu.memory_space<semaphore_mem>>
      %dma_start3A_174 = arith.constant 0 : i32
      %dma_start3A_175 = tpu.memref_slice %arg18[%add3A_27, %dma_start3A_174] : memref<10240x128xf32, #tpu.memory_space<vmem_shared>> -> memref<80x128xf32, #tpu.memory_space<vmem_shared>>
      %dma_start3A_176 = arith.constant 0 : i32
      %dma_start3A_177 = tpu.memref_slice %arg18[%add3A_27, %dma_start3A_176] : memref<10240x128xf32, #tpu.memory_space<vmem_shared>> -> memref<80x128xf32, #tpu.memory_space<vmem_shared>>
      tpu.enqueue_dma source(%arg14 : memref<80x128xf32, #tpu.memory_space<vmem>>) target(%dma_start3A_177 : memref<80x128xf32, #tpu.memory_space<vmem_shared>>) target_semaphore(%run_scoped3A : memref<!tpu.dma_semaphore, #tpu.memory_space<semaphore_mem>>)
      %dma_wait3A_178 = arith.constant 0 : i32
      %dma_wait3A_179 = tpu.memref_slice %arg18[%add3A_27, %dma_wait3A_178] : memref<10240x128xf32, #tpu.memory_space<vmem_shared>> -> memref<80x128xf32, #tpu.memory_space<vmem_shared>>
      %dma_wait3A_180 = arith.constant 0 : i32
      %dma_wait3A_181 = tpu.memref_slice %arg18[%add3A_27, %dma_wait3A_180] : memref<10240x128xf32, #tpu.memory_space<vmem_shared>> -> memref<80x128xf32, #tpu.memory_space<vmem_shared>>
      tpu.wait_dma2 semaphore(%run_scoped3A : memref<!tpu.dma_semaphore, #tpu.memory_space<semaphore_mem>>) src(%arg14 : memref<80x128xf32, #tpu.memory_space<vmem>>) dst(%dma_wait3A_181 : memref<80x128xf32, #tpu.memory_space<vmem_shared>>)
      tpu.yield
    }) : () -> ()
    %barrier3A = arith.constant 0 : index
    tpu.barrier barrier_id(%barrier3A)
    %add3A_28 = arith.constant 0 : i32
    %add3A_29 = arith.addi %mul3A_4, %add3A_28 : i32
    %dma_start3A = tpu.memref_slice %arg2[%add3A_29] : memref<320000xi32, #tpu.memory_space<hbm>> -> memref<80xi32, #tpu.memory_space<hbm>>
    %dma_start3A_30 = tpu.memref_slice %arg2[%add3A_29] : memref<320000xi32, #tpu.memory_space<hbm>> -> memref<80xi32, #tpu.memory_space<hbm>>
    tpu.enqueue_dma source(%dma_start3A_30 : memref<80xi32, #tpu.memory_space<hbm>>) target(%arg6 : memref<80xi32, #tpu.memory_space<vmem>>) target_semaphore(%arg19 : memref<!tpu.dma_semaphore, #tpu.memory_space<semaphore_mem>>)
    %add3A_31 = arith.constant 0 : i32
    %add3A_32 = arith.addi %mul3A_4, %add3A_31 : i32
    %dma_start3A_33 = tpu.memref_slice %arg3[%add3A_32] : memref<320000xi32, #tpu.memory_space<hbm>> -> memref<80xi32, #tpu.memory_space<hbm>>
    %dma_start3A_34 = tpu.memref_slice %arg3[%add3A_32] : memref<320000xi32, #tpu.memory_space<hbm>> -> memref<80xi32, #tpu.memory_space<hbm>>
    tpu.enqueue_dma source(%dma_start3A_34 : memref<80xi32, #tpu.memory_space<hbm>>) target(%arg10 : memref<80xi32, #tpu.memory_space<vmem>>) target_semaphore(%arg19 : memref<!tpu.dma_semaphore, #tpu.memory_space<semaphore_mem>>)
    %add3A_35 = arith.constant 80 : i32
    %add3A_36 = arith.addi %mul3A_4, %add3A_35 : i32
    %dma_start3A_37 = tpu.memref_slice %arg2[%add3A_36] : memref<320000xi32, #tpu.memory_space<hbm>> -> memref<80xi32, #tpu.memory_space<hbm>>
    %dma_start3A_38 = tpu.memref_slice %arg2[%add3A_36] : memref<320000xi32, #tpu.memory_space<hbm>> -> memref<80xi32, #tpu.memory_space<hbm>>
    tpu.enqueue_dma source(%dma_start3A_38 : memref<80xi32, #tpu.memory_space<hbm>>) target(%arg7 : memref<80xi32, #tpu.memory_space<vmem>>) target_semaphore(%arg20 : memref<!tpu.dma_semaphore, #tpu.memory_space<semaphore_mem>>)
    %add3A_39 = arith.constant 80 : i32
    %add3A_40 = arith.addi %mul3A_4, %add3A_39 : i32
    %dma_start3A_41 = tpu.memref_slice %arg3[%add3A_40] : memref<320000xi32, #tpu.memory_space<hbm>> -> memref<80xi32, #tpu.memory_space<hbm>>
    %dma_start3A_42 = tpu.memref_slice %arg3[%add3A_40] : memref<320000xi32, #tpu.memory_space<hbm>> -> memref<80xi32, #tpu.memory_space<hbm>>
    tpu.enqueue_dma source(%dma_start3A_42 : memref<80xi32, #tpu.memory_space<hbm>>) target(%arg11 : memref<80xi32, #tpu.memory_space<vmem>>) target_semaphore(%arg20 : memref<!tpu.dma_semaphore, #tpu.memory_space<semaphore_mem>>)
    %add3A_43 = arith.constant 160 : i32
    %add3A_44 = arith.addi %mul3A_4, %add3A_43 : i32
    %dma_start3A_45 = tpu.memref_slice %arg2[%add3A_44] : memref<320000xi32, #tpu.memory_space<hbm>> -> memref<80xi32, #tpu.memory_space<hbm>>
    %dma_start3A_46 = tpu.memref_slice %arg2[%add3A_44] : memref<320000xi32, #tpu.memory_space<hbm>> -> memref<80xi32, #tpu.memory_space<hbm>>
    tpu.enqueue_dma source(%dma_start3A_46 : memref<80xi32, #tpu.memory_space<hbm>>) target(%arg8 : memref<80xi32, #tpu.memory_space<vmem>>) target_semaphore(%arg21 : memref<!tpu.dma_semaphore, #tpu.memory_space<semaphore_mem>>)
    %add3A_47 = arith.constant 160 : i32
    %add3A_48 = arith.addi %mul3A_4, %add3A_47 : i32
    %dma_start3A_49 = tpu.memref_slice %arg3[%add3A_48] : memref<320000xi32, #tpu.memory_space<hbm>> -> memref<80xi32, #tpu.memory_space<hbm>>
    %dma_start3A_50 = tpu.memref_slice %arg3[%add3A_48] : memref<320000xi32, #tpu.memory_space<hbm>> -> memref<80xi32, #tpu.memory_space<hbm>>
    tpu.enqueue_dma source(%dma_start3A_50 : memref<80xi32, #tpu.memory_space<hbm>>) target(%arg12 : memref<80xi32, #tpu.memory_space<vmem>>) target_semaphore(%arg21 : memref<!tpu.dma_semaphore, #tpu.memory_space<semaphore_mem>>)
    %add3A_51 = arith.constant 240 : i32
    %add3A_52 = arith.addi %mul3A_4, %add3A_51 : i32
    %dma_start3A_53 = tpu.memref_slice %arg2[%add3A_52] : memref<320000xi32, #tpu.memory_space<hbm>> -> memref<80xi32, #tpu.memory_space<hbm>>
    %dma_start3A_54 = tpu.memref_slice %arg2[%add3A_52] : memref<320000xi32, #tpu.memory_space<hbm>> -> memref<80xi32, #tpu.memory_space<hbm>>
    tpu.enqueue_dma source(%dma_start3A_54 : memref<80xi32, #tpu.memory_space<hbm>>) target(%arg9 : memref<80xi32, #tpu.memory_space<vmem>>) target_semaphore(%arg22 : memref<!tpu.dma_semaphore, #tpu.memory_space<semaphore_mem>>)
    %add3A_55 = arith.constant 240 : i32
    %add3A_56 = arith.addi %mul3A_4, %add3A_55 : i32
    %dma_start3A_57 = tpu.memref_slice %arg3[%add3A_56] : memref<320000xi32, #tpu.memory_space<hbm>> -> memref<80xi32, #tpu.memory_space<hbm>>
    %dma_start3A_58 = tpu.memref_slice %arg3[%add3A_56] : memref<320000xi32, #tpu.memory_space<hbm>> -> memref<80xi32, #tpu.memory_space<hbm>>
    tpu.enqueue_dma source(%dma_start3A_58 : memref<80xi32, #tpu.memory_space<hbm>>) target(%arg13 : memref<80xi32, #tpu.memory_space<vmem>>) target_semaphore(%arg22 : memref<!tpu.dma_semaphore, #tpu.memory_space<semaphore_mem>>)
    %add3A_59 = arith.constant 0 : i32
    %add3A_60 = arith.addi %mul3A_4, %add3A_59 : i32
    %dma_wait3A = tpu.memref_slice %arg2[%add3A_60] : memref<320000xi32, #tpu.memory_space<hbm>> -> memref<80xi32, #tpu.memory_space<hbm>>
    %dma_wait3A_61 = tpu.memref_slice %arg2[%add3A_60] : memref<320000xi32, #tpu.memory_space<hbm>> -> memref<80xi32, #tpu.memory_space<hbm>>
    tpu.wait_dma2 semaphore(%arg19 : memref<!tpu.dma_semaphore, #tpu.memory_space<semaphore_mem>>) src(%dma_wait3A_61 : memref<80xi32, #tpu.memory_space<hbm>>) dst(%arg6 : memref<80xi32, #tpu.memory_space<vmem>>)
    %add3A_62 = arith.constant 0 : i32
    %add3A_63 = arith.addi %mul3A_4, %add3A_62 : i32
    %dma_wait3A_64 = tpu.memref_slice %arg3[%add3A_63] : memref<320000xi32, #tpu.memory_space<hbm>> -> memref<80xi32, #tpu.memory_space<hbm>>
    %dma_wait3A_65 = tpu.memref_slice %arg3[%add3A_63] : memref<320000xi32, #tpu.memory_space<hbm>> -> memref<80xi32, #tpu.memory_space<hbm>>
    tpu.wait_dma2 semaphore(%arg19 : memref<!tpu.dma_semaphore, #tpu.memory_space<semaphore_mem>>) src(%dma_wait3A_65 : memref<80xi32, #tpu.memory_space<hbm>>) dst(%arg10 : memref<80xi32, #tpu.memory_space<vmem>>)
    %dma_start3A_66 = arith.constant 0 : i32
    %dma_start3A_67 = arith.constant 0 : i32
    %dma_start3A_68 = tpu.memref_slice %arg4[%dma_start3A_66, %dma_start3A_67] : memref<10000x128xf32, #tpu.memory_space<hbm>> -> memref<10000x128xf32, #tpu.memory_space<hbm>>
    tpu.enqueue_indirect_dma source(%dma_start3A_68 : memref<10000x128xf32, #tpu.memory_space<hbm>>) target(%arg14 : memref<80x128xf32, #tpu.memory_space<vmem>>) offsets(%arg6 : memref<80xi32, #tpu.memory_space<vmem>>) semaphore(%arg23 : memref<!tpu.dma_semaphore, #tpu.memory_space<semaphore_mem>>)
    %add3A_69 = arith.constant 80 : i32
    %add3A_70 = arith.addi %mul3A_4, %add3A_69 : i32
    %dma_wait3A_71 = tpu.memref_slice %arg2[%add3A_70] : memref<320000xi32, #tpu.memory_space<hbm>> -> memref<80xi32, #tpu.memory_space<hbm>>
    %dma_wait3A_72 = tpu.memref_slice %arg2[%add3A_70] : memref<320000xi32, #tpu.memory_space<hbm>> -> memref<80xi32, #tpu.memory_space<hbm>>
    tpu.wait_dma2 semaphore(%arg20 : memref<!tpu.dma_semaphore, #tpu.memory_space<semaphore_mem>>) src(%dma_wait3A_72 : memref<80xi32, #tpu.memory_space<hbm>>) dst(%arg7 : memref<80xi32, #tpu.memory_space<vmem>>)
    %add3A_73 = arith.constant 80 : i32
    %add3A_74 = arith.addi %mul3A_4, %add3A_73 : i32
    %dma_wait3A_75 = tpu.memref_slice %arg3[%add3A_74] : memref<320000xi32, #tpu.memory_space<hbm>> -> memref<80xi32, #tpu.memory_space<hbm>>
    %dma_wait3A_76 = tpu.memref_slice %arg3[%add3A_74] : memref<320000xi32, #tpu.memory_space<hbm>> -> memref<80xi32, #tpu.memory_space<hbm>>
    tpu.wait_dma2 semaphore(%arg20 : memref<!tpu.dma_semaphore, #tpu.memory_space<semaphore_mem>>) src(%dma_wait3A_76 : memref<80xi32, #tpu.memory_space<hbm>>) dst(%arg11 : memref<80xi32, #tpu.memory_space<vmem>>)
    %dma_start3A_77 = arith.constant 0 : i32
    %dma_start3A_78 = arith.constant 0 : i32
    %dma_start3A_79 = tpu.memref_slice %arg4[%dma_start3A_77, %dma_start3A_78] : memref<10000x128xf32, #tpu.memory_space<hbm>> -> memref<10000x128xf32, #tpu.memory_space<hbm>>
    tpu.enqueue_indirect_dma source(%dma_start3A_79 : memref<10000x128xf32, #tpu.memory_space<hbm>>) target(%arg15 : memref<80x128xf32, #tpu.memory_space<vmem>>) offsets(%arg7 : memref<80xi32, #tpu.memory_space<vmem>>) semaphore(%arg24 : memref<!tpu.dma_semaphore, #tpu.memory_space<semaphore_mem>>)
    %add3A_80 = arith.constant 160 : i32
    %add3A_81 = arith.addi %mul3A_4, %add3A_80 : i32
    %dma_wait3A_82 = tpu.memref_slice %arg2[%add3A_81] : memref<320000xi32, #tpu.memory_space<hbm>> -> memref<80xi32, #tpu.memory_space<hbm>>
    %dma_wait3A_83 = tpu.memref_slice %arg2[%add3A_81] : memref<320000xi32, #tpu.memory_space<hbm>> -> memref<80xi32, #tpu.memory_space<hbm>>
    tpu.wait_dma2 semaphore(%arg21 : memref<!tpu.dma_semaphore, #tpu.memory_space<semaphore_mem>>) src(%dma_wait3A_83 : memref<80xi32, #tpu.memory_space<hbm>>) dst(%arg8 : memref<80xi32, #tpu.memory_space<vmem>>)
    %add3A_84 = arith.constant 160 : i32
    %add3A_85 = arith.addi %mul3A_4, %add3A_84 : i32
    %dma_wait3A_86 = tpu.memref_slice %arg3[%add3A_85] : memref<320000xi32, #tpu.memory_space<hbm>> -> memref<80xi32, #tpu.memory_space<hbm>>
    %dma_wait3A_87 = tpu.memref_slice %arg3[%add3A_85] : memref<320000xi32, #tpu.memory_space<hbm>> -> memref<80xi32, #tpu.memory_space<hbm>>
    tpu.wait_dma2 semaphore(%arg21 : memref<!tpu.dma_semaphore, #tpu.memory_space<semaphore_mem>>) src(%dma_wait3A_87 : memref<80xi32, #tpu.memory_space<hbm>>) dst(%arg12 : memref<80xi32, #tpu.memory_space<vmem>>)
    %dma_start3A_88 = arith.constant 0 : i32
    %dma_start3A_89 = arith.constant 0 : i32
    %dma_start3A_90 = tpu.memref_slice %arg4[%dma_start3A_88, %dma_start3A_89] : memref<10000x128xf32, #tpu.memory_space<hbm>> -> memref<10000x128xf32, #tpu.memory_space<hbm>>
    tpu.enqueue_indirect_dma source(%dma_start3A_90 : memref<10000x128xf32, #tpu.memory_space<hbm>>) target(%arg16 : memref<80x128xf32, #tpu.memory_space<vmem>>) offsets(%arg8 : memref<80xi32, #tpu.memory_space<vmem>>) semaphore(%arg25 : memref<!tpu.dma_semaphore, #tpu.memory_space<semaphore_mem>>)
    %add3A_91 = arith.constant 240 : i32
    %add3A_92 = arith.addi %mul3A_4, %add3A_91 : i32
    %dma_wait3A_93 = tpu.memref_slice %arg2[%add3A_92] : memref<320000xi32, #tpu.memory_space<hbm>> -> memref<80xi32, #tpu.memory_space<hbm>>
    %dma_wait3A_94 = tpu.memref_slice %arg2[%add3A_92] : memref<320000xi32, #tpu.memory_space<hbm>> -> memref<80xi32, #tpu.memory_space<hbm>>
    tpu.wait_dma2 semaphore(%arg22 : memref<!tpu.dma_semaphore, #tpu.memory_space<semaphore_mem>>) src(%dma_wait3A_94 : memref<80xi32, #tpu.memory_space<hbm>>) dst(%arg9 : memref<80xi32, #tpu.memory_space<vmem>>)
    %add3A_95 = arith.constant 240 : i32
    %add3A_96 = arith.addi %mul3A_4, %add3A_95 : i32
    %dma_wait3A_97 = tpu.memref_slice %arg3[%add3A_96] : memref<320000xi32, #tpu.memory_space<hbm>> -> memref<80xi32, #tpu.memory_space<hbm>>
    %dma_wait3A_98 = tpu.memref_slice %arg3[%add3A_96] : memref<320000xi32, #tpu.memory_space<hbm>> -> memref<80xi32, #tpu.memory_space<hbm>>
    tpu.wait_dma2 semaphore(%arg22 : memref<!tpu.dma_semaphore, #tpu.memory_space<semaphore_mem>>) src(%dma_wait3A_98 : memref<80xi32, #tpu.memory_space<hbm>>) dst(%arg13 : memref<80xi32, #tpu.memory_space<vmem>>)
    %dma_start3A_99 = arith.constant 0 : i32
    %dma_start3A_100 = arith.constant 0 : i32
    %dma_start3A_101 = tpu.memref_slice %arg4[%dma_start3A_99, %dma_start3A_100] : memref<10000x128xf32, #tpu.memory_space<hbm>> -> memref<10000x128xf32, #tpu.memory_space<hbm>>
    tpu.enqueue_indirect_dma source(%dma_start3A_101 : memref<10000x128xf32, #tpu.memory_space<hbm>>) target(%arg17 : memref<80x128xf32, #tpu.memory_space<vmem>>) offsets(%arg9 : memref<80xi32, #tpu.memory_space<vmem>>) semaphore(%arg26 : memref<!tpu.dma_semaphore, #tpu.memory_space<semaphore_mem>>)
    %dma_wait3A_102 = arith.constant 0 : i32
    %dma_wait3A_103 = arith.constant 0 : i32
    %dma_wait3A_104 = tpu.memref_slice %arg4[%dma_wait3A_102, %dma_wait3A_103] : memref<10000x128xf32, #tpu.memory_space<hbm>> -> memref<10000x128xf32, #tpu.memory_space<hbm>>
    tpu.wait_indirect_dma semaphore(%arg23 : memref<!tpu.dma_semaphore, #tpu.memory_space<semaphore_mem>>) src(%dma_wait3A_104 : memref<10000x128xf32, #tpu.memory_space<hbm>>) dst(%arg14 : memref<80x128xf32, #tpu.memory_space<vmem>>)
    %dma_start3A_105 = arith.constant 0 : i32
    %dma_start3A_106 = arith.constant 0 : i32
    %dma_start3A_107 = tpu.memref_slice %arg18[%dma_start3A_105, %dma_start3A_106] : memref<10240x128xf32, #tpu.memory_space<vmem_shared>> -> memref<10240x128xf32, #tpu.memory_space<vmem_shared>>
    tpu.enqueue_indirect_dma source(%arg14 : memref<80x128xf32, #tpu.memory_space<vmem>>) target(%dma_start3A_107 : memref<10240x128xf32, #tpu.memory_space<vmem_shared>>) offsets(%arg10 : memref<80xi32, #tpu.memory_space<vmem>>) semaphore(%arg27 : memref<!tpu.dma_semaphore, #tpu.memory_space<semaphore_mem>>) {add = true}
    %dma_wait3A_108 = arith.constant 0 : i32
    %dma_wait3A_109 = arith.constant 0 : i32
    %dma_wait3A_110 = tpu.memref_slice %arg4[%dma_wait3A_108, %dma_wait3A_109] : memref<10000x128xf32, #tpu.memory_space<hbm>> -> memref<10000x128xf32, #tpu.memory_space<hbm>>
    tpu.wait_indirect_dma semaphore(%arg24 : memref<!tpu.dma_semaphore, #tpu.memory_space<semaphore_mem>>) src(%dma_wait3A_110 : memref<10000x128xf32, #tpu.memory_space<hbm>>) dst(%arg15 : memref<80x128xf32, #tpu.memory_space<vmem>>)
    %dma_start3A_111 = arith.constant 0 : i32
    %dma_start3A_112 = arith.constant 0 : i32
    %dma_start3A_113 = tpu.memref_slice %arg18[%dma_start3A_111, %dma_start3A_112] : memref<10240x128xf32, #tpu.memory_space<vmem_shared>> -> memref<10240x128xf32, #tpu.memory_space<vmem_shared>>
    tpu.enqueue_indirect_dma source(%arg15 : memref<80x128xf32, #tpu.memory_space<vmem>>) target(%dma_start3A_113 : memref<10240x128xf32, #tpu.memory_space<vmem_shared>>) offsets(%arg11 : memref<80xi32, #tpu.memory_space<vmem>>) semaphore(%arg28 : memref<!tpu.dma_semaphore, #tpu.memory_space<semaphore_mem>>) {add = true}
    %dma_wait3A_114 = arith.constant 0 : i32
    %dma_wait3A_115 = arith.constant 0 : i32
    %dma_wait3A_116 = tpu.memref_slice %arg4[%dma_wait3A_114, %dma_wait3A_115] : memref<10000x128xf32, #tpu.memory_space<hbm>> -> memref<10000x128xf32, #tpu.memory_space<hbm>>
    tpu.wait_indirect_dma semaphore(%arg25 : memref<!tpu.dma_semaphore, #tpu.memory_space<semaphore_mem>>) src(%dma_wait3A_116 : memref<10000x128xf32, #tpu.memory_space<hbm>>) dst(%arg16 : memref<80x128xf32, #tpu.memory_space<vmem>>)
    %dma_start3A_117 = arith.constant 0 : i32
    %dma_start3A_118 = arith.constant 0 : i32
    %dma_start3A_119 = tpu.memref_slice %arg18[%dma_start3A_117, %dma_start3A_118] : memref<10240x128xf32, #tpu.memory_space<vmem_shared>> -> memref<10240x128xf32, #tpu.memory_space<vmem_shared>>
    tpu.enqueue_indirect_dma source(%arg16 : memref<80x128xf32, #tpu.memory_space<vmem>>) target(%dma_start3A_119 : memref<10240x128xf32, #tpu.memory_space<vmem_shared>>) offsets(%arg12 : memref<80xi32, #tpu.memory_space<vmem>>) semaphore(%arg29 : memref<!tpu.dma_semaphore, #tpu.memory_space<semaphore_mem>>) {add = true}
    %dma_wait3A_120 = arith.constant 0 : i32
    %dma_wait3A_121 = arith.constant 0 : i32
    %dma_wait3A_122 = tpu.memref_slice %arg4[%dma_wait3A_120, %dma_wait3A_121] : memref<10000x128xf32, #tpu.memory_space<hbm>> -> memref<10000x128xf32, #tpu.memory_space<hbm>>
    tpu.wait_indirect_dma semaphore(%arg26 : memref<!tpu.dma_semaphore, #tpu.memory_space<semaphore_mem>>) src(%dma_wait3A_122 : memref<10000x128xf32, #tpu.memory_space<hbm>>) dst(%arg17 : memref<80x128xf32, #tpu.memory_space<vmem>>)
    %dma_start3A_123 = arith.constant 0 : i32
    %dma_start3A_124 = arith.constant 0 : i32
    %dma_start3A_125 = tpu.memref_slice %arg18[%dma_start3A_123, %dma_start3A_124] : memref<10240x128xf32, #tpu.memory_space<vmem_shared>> -> memref<10240x128xf32, #tpu.memory_space<vmem_shared>>
    tpu.enqueue_indirect_dma source(%arg17 : memref<80x128xf32, #tpu.memory_space<vmem>>) target(%dma_start3A_125 : memref<10240x128xf32, #tpu.memory_space<vmem_shared>>) offsets(%arg13 : memref<80xi32, #tpu.memory_space<vmem>>) semaphore(%arg30 : memref<!tpu.dma_semaphore, #tpu.memory_space<semaphore_mem>>) {add = true}
    %scan3A_126 = arith.constant 0 : i32
    %scan3A_127 = arith.constant 1 : i32
    %scan3A_128 = arith.constant 30 : i32
    %scan3A_129 = arith.addi %scan3A_127, %scan3A_128 : i32
    %scan3A_130 = arith.constant 1 : i32
    %scan3A_131 = scf.for %scan3A_174 = %scan3A_127 to %scan3A_129 step %scan3A_130 iter_args(%scan3A_175 = %scan3A_126) -> (i32)  : i32 {
      %mul3A_176 = arith.constant 4 : i32
      %mul3A_177 = arith.muli %mul3A_176, %scan3A_174 : i32
      %dma_wait3A_178 = arith.constant 0 : i32
      %dma_wait3A_179 = arith.constant 0 : i32
      %dma_wait3A_180 = tpu.memref_slice %arg18[%dma_wait3A_178, %dma_wait3A_179] : memref<10240x128xf32, #tpu.memory_space<vmem_shared>> -> memref<10240x128xf32, #tpu.memory_space<vmem_shared>>
      tpu.wait_indirect_dma semaphore(%arg27 : memref<!tpu.dma_semaphore, #tpu.memory_space<semaphore_mem>>) src(%arg14 : memref<80x128xf32, #tpu.memory_space<vmem>>) dst(%dma_wait3A_180 : memref<10240x128xf32, #tpu.memory_space<vmem_shared>>)
      %add3A_181 = arith.constant 0 : i32
      %add3A_182 = arith.addi %mul3A_177, %add3A_181 : i32
      %mul3A_183 = arith.constant 80 : i32
      %mul3A_184 = arith.muli %add3A_182, %mul3A_183 : i32
      %add3A_185 = arith.addi %mul3A_4, %mul3A_184 : i32
      %dma_start3A_186 = tpu.memref_slice %arg2[%add3A_185] : memref<320000xi32, #tpu.memory_space<hbm>> -> memref<80xi32, #tpu.memory_space<hbm>>
      %dma_start3A_187 = tpu.memref_slice %arg2[%add3A_185] : memref<320000xi32, #tpu.memory_space<hbm>> -> memref<80xi32, #tpu.memory_space<hbm>>
      tpu.enqueue_dma source(%dma_start3A_187 : memref<80xi32, #tpu.memory_space<hbm>>) target(%arg6 : memref<80xi32, #tpu.memory_space<vmem>>) target_semaphore(%arg19 : memref<!tpu.dma_semaphore, #tpu.memory_space<semaphore_mem>>)
      %mul3A_188 = arith.constant 80 : i32
      %mul3A_189 = arith.muli %add3A_182, %mul3A_188 : i32
      %add3A_190 = arith.addi %mul3A_4, %mul3A_189 : i32
      %dma_start3A_191 = tpu.memref_slice %arg3[%add3A_190] : memref<320000xi32, #tpu.memory_space<hbm>> -> memref<80xi32, #tpu.memory_space<hbm>>
      %dma_start3A_192 = tpu.memref_slice %arg3[%add3A_190] : memref<320000xi32, #tpu.memory_space<hbm>> -> memref<80xi32, #tpu.memory_space<hbm>>
      tpu.enqueue_dma source(%dma_start3A_192 : memref<80xi32, #tpu.memory_space<hbm>>) target(%arg10 : memref<80xi32, #tpu.memory_space<vmem>>) target_semaphore(%arg19 : memref<!tpu.dma_semaphore, #tpu.memory_space<semaphore_mem>>)
      %dma_wait3A_193 = arith.constant 0 : i32
      %dma_wait3A_194 = arith.constant 0 : i32
      %dma_wait3A_195 = tpu.memref_slice %arg18[%dma_wait3A_193, %dma_wait3A_194] : memref<10240x128xf32, #tpu.memory_space<vmem_shared>> -> memref<10240x128xf32, #tpu.memory_space<vmem_shared>>
      tpu.wait_indirect_dma semaphore(%arg28 : memref<!tpu.dma_semaphore, #tpu.memory_space<semaphore_mem>>) src(%arg15 : memref<80x128xf32, #tpu.memory_space<vmem>>) dst(%dma_wait3A_195 : memref<10240x128xf32, #tpu.memory_space<vmem_shared>>)
      %add3A_196 = arith.constant 1 : i32
      %add3A_197 = arith.addi %mul3A_177, %add3A_196 : i32
      %mul3A_198 = arith.constant 80 : i32
      %mul3A_199 = arith.muli %add3A_197, %mul3A_198 : i32
      %add3A_200 = arith.addi %mul3A_4, %mul3A_199 : i32
      %dma_start3A_201 = tpu.memref_slice %arg2[%add3A_200] : memref<320000xi32, #tpu.memory_space<hbm>> -> memref<80xi32, #tpu.memory_space<hbm>>
      %dma_start3A_202 = tpu.memref_slice %arg2[%add3A_200] : memref<320000xi32, #tpu.memory_space<hbm>> -> memref<80xi32, #tpu.memory_space<hbm>>
      tpu.enqueue_dma source(%dma_start3A_202 : memref<80xi32, #tpu.memory_space<hbm>>) target(%arg7 : memref<80xi32, #tpu.memory_space<vmem>>) target_semaphore(%arg20 : memref<!tpu.dma_semaphore, #tpu.memory_space<semaphore_mem>>)
      %mul3A_203 = arith.constant 80 : i32
      %mul3A_204 = arith.muli %add3A_197, %mul3A_203 : i32
      %add3A_205 = arith.addi %mul3A_4, %mul3A_204 : i32
      %dma_start3A_206 = tpu.memref_slice %arg3[%add3A_205] : memref<320000xi32, #tpu.memory_space<hbm>> -> memref<80xi32, #tpu.memory_space<hbm>>
      %dma_start3A_207 = tpu.memref_slice %arg3[%add3A_205] : memref<320000xi32, #tpu.memory_space<hbm>> -> memref<80xi32, #tpu.memory_space<hbm>>
      tpu.enqueue_dma source(%dma_start3A_207 : memref<80xi32, #tpu.memory_space<hbm>>) target(%arg11 : memref<80xi32, #tpu.memory_space<vmem>>) target_semaphore(%arg20 : memref<!tpu.dma_semaphore, #tpu.memory_space<semaphore_mem>>)
      %dma_wait3A_208 = arith.constant 0 : i32
      %dma_wait3A_209 = arith.constant 0 : i32
      %dma_wait3A_210 = tpu.memref_slice %arg18[%dma_wait3A_208, %dma_wait3A_209] : memref<10240x128xf32, #tpu.memory_space<vmem_shared>> -> memref<10240x128xf32, #tpu.memory_space<vmem_shared>>
      tpu.wait_indirect_dma semaphore(%arg29 : memref<!tpu.dma_semaphore, #tpu.memory_space<semaphore_mem>>) src(%arg16 : memref<80x128xf32, #tpu.memory_space<vmem>>) dst(%dma_wait3A_210 : memref<10240x128xf32, #tpu.memory_space<vmem_shared>>)
      %add3A_211 = arith.constant 2 : i32
      %add3A_212 = arith.addi %mul3A_177, %add3A_211 : i32
      %mul3A_213 = arith.constant 80 : i32
      %mul3A_214 = arith.muli %add3A_212, %mul3A_213 : i32
      %add3A_215 = arith.addi %mul3A_4, %mul3A_214 : i32
      %dma_start3A_216 = tpu.memref_slice %arg2[%add3A_215] : memref<320000xi32, #tpu.memory_space<hbm>> -> memref<80xi32, #tpu.memory_space<hbm>>
      %dma_start3A_217 = tpu.memref_slice %arg2[%add3A_215] : memref<320000xi32, #tpu.memory_space<hbm>> -> memref<80xi32, #tpu.memory_space<hbm>>
      tpu.enqueue_dma source(%dma_start3A_217 : memref<80xi32, #tpu.memory_space<hbm>>) target(%arg8 : memref<80xi32, #tpu.memory_space<vmem>>) target_semaphore(%arg21 : memref<!tpu.dma_semaphore, #tpu.memory_space<semaphore_mem>>)
      %mul3A_218 = arith.constant 80 : i32
      %mul3A_219 = arith.muli %add3A_212, %mul3A_218 : i32
      %add3A_220 = arith.addi %mul3A_4, %mul3A_219 : i32
      %dma_start3A_221 = tpu.memref_slice %arg3[%add3A_220] : memref<320000xi32, #tpu.memory_space<hbm>> -> memref<80xi32, #tpu.memory_space<hbm>>
      %dma_start3A_222 = tpu.memref_slice %arg3[%add3A_220] : memref<320000xi32, #tpu.memory_space<hbm>> -> memref<80xi32, #tpu.memory_space<hbm>>
      tpu.enqueue_dma source(%dma_start3A_222 : memref<80xi32, #tpu.memory_space<hbm>>) target(%arg12 : memref<80xi32, #tpu.memory_space<vmem>>) target_semaphore(%arg21 : memref<!tpu.dma_semaphore, #tpu.memory_space<semaphore_mem>>)
      %dma_wait3A_223 = arith.constant 0 : i32
      %dma_wait3A_224 = arith.constant 0 : i32
      %dma_wait3A_225 = tpu.memref_slice %arg18[%dma_wait3A_223, %dma_wait3A_224] : memref<10240x128xf32, #tpu.memory_space<vmem_shared>> -> memref<10240x128xf32, #tpu.memory_space<vmem_shared>>
      tpu.wait_indirect_dma semaphore(%arg30 : memref<!tpu.dma_semaphore, #tpu.memory_space<semaphore_mem>>) src(%arg17 : memref<80x128xf32, #tpu.memory_space<vmem>>) dst(%dma_wait3A_225 : memref<10240x128xf32, #tpu.memory_space<vmem_shared>>)
      %add3A_226 = arith.constant 3 : i32
      %add3A_227 = arith.addi %mul3A_177, %add3A_226 : i32
      %mul3A_228 = arith.constant 80 : i32
      %mul3A_229 = arith.muli %add3A_227, %mul3A_228 : i32
      %add3A_230 = arith.addi %mul3A_4, %mul3A_229 : i32
      %dma_start3A_231 = tpu.memref_slice %arg2[%add3A_230] : memref<320000xi32, #tpu.memory_space<hbm>> -> memref<80xi32, #tpu.memory_space<hbm>>
      %dma_start3A_232 = tpu.memref_slice %arg2[%add3A_230] : memref<320000xi32, #tpu.memory_space<hbm>> -> memref<80xi32, #tpu.memory_space<hbm>>
      tpu.enqueue_dma source(%dma_start3A_232 : memref<80xi32, #tpu.memory_space<hbm>>) target(%arg9 : memref<80xi32, #tpu.memory_space<vmem>>) target_semaphore(%arg22 : memref<!tpu.dma_semaphore, #tpu.memory_space<semaphore_mem>>)
      %mul3A_233 = arith.constant 80 : i32
      %mul3A_234 = arith.muli %add3A_227, %mul3A_233 : i32
      %add3A_235 = arith.addi %mul3A_4, %mul3A_234 : i32
      %dma_start3A_236 = tpu.memref_slice %arg3[%add3A_235] : memref<320000xi32, #tpu.memory_space<hbm>> -> memref<80xi32, #tpu.memory_space<hbm>>
      %dma_start3A_237 = tpu.memref_slice %arg3[%add3A_235] : memref<320000xi32, #tpu.memory_space<hbm>> -> memref<80xi32, #tpu.memory_space<hbm>>
      tpu.enqueue_dma source(%dma_start3A_237 : memref<80xi32, #tpu.memory_space<hbm>>) target(%arg13 : memref<80xi32, #tpu.memory_space<vmem>>) target_semaphore(%arg22 : memref<!tpu.dma_semaphore, #tpu.memory_space<semaphore_mem>>)
      %add3A_238 = arith.constant 0 : i32
      %add3A_239 = arith.addi %mul3A_177, %add3A_238 : i32
      %mul3A_240 = arith.constant 80 : i32
      %mul3A_241 = arith.muli %add3A_239, %mul3A_240 : i32
      %add3A_242 = arith.addi %mul3A_4, %mul3A_241 : i32
      %dma_wait3A_243 = tpu.memref_slice %arg2[%add3A_242] : memref<320000xi32, #tpu.memory_space<hbm>> -> memref<80xi32, #tpu.memory_space<hbm>>
      %dma_wait3A_244 = tpu.memref_slice %arg2[%add3A_242] : memref<320000xi32, #tpu.memory_space<hbm>> -> memref<80xi32, #tpu.memory_space<hbm>>
      tpu.wait_dma2 semaphore(%arg19 : memref<!tpu.dma_semaphore, #tpu.memory_space<semaphore_mem>>) src(%dma_wait3A_244 : memref<80xi32, #tpu.memory_space<hbm>>) dst(%arg6 : memref<80xi32, #tpu.memory_space<vmem>>)
      %mul3A_245 = arith.constant 80 : i32
      %mul3A_246 = arith.muli %add3A_239, %mul3A_245 : i32
      %add3A_247 = arith.addi %mul3A_4, %mul3A_246 : i32
      %dma_wait3A_248 = tpu.memref_slice %arg3[%add3A_247] : memref<320000xi32, #tpu.memory_space<hbm>> -> memref<80xi32, #tpu.memory_space<hbm>>
      %dma_wait3A_249 = tpu.memref_slice %arg3[%add3A_247] : memref<320000xi32, #tpu.memory_space<hbm>> -> memref<80xi32, #tpu.memory_space<hbm>>
      tpu.wait_dma2 semaphore(%arg19 : memref<!tpu.dma_semaphore, #tpu.memory_space<semaphore_mem>>) src(%dma_wait3A_249 : memref<80xi32, #tpu.memory_space<hbm>>) dst(%arg10 : memref<80xi32, #tpu.memory_space<vmem>>)
      %dma_start3A_250 = arith.constant 0 : i32
      %dma_start3A_251 = arith.constant 0 : i32
      %dma_start3A_252 = tpu.memref_slice %arg4[%dma_start3A_250, %dma_start3A_251] : memref<10000x128xf32, #tpu.memory_space<hbm>> -> memref<10000x128xf32, #tpu.memory_space<hbm>>
      tpu.enqueue_indirect_dma source(%dma_start3A_252 : memref<10000x128xf32, #tpu.memory_space<hbm>>) target(%arg14 : memref<80x128xf32, #tpu.memory_space<vmem>>) offsets(%arg6 : memref<80xi32, #tpu.memory_space<vmem>>) semaphore(%arg23 : memref<!tpu.dma_semaphore, #tpu.memory_space<semaphore_mem>>)
      %add3A_253 = arith.constant 1 : i32
      %add3A_254 = arith.addi %mul3A_177, %add3A_253 : i32
      %mul3A_255 = arith.constant 80 : i32
      %mul3A_256 = arith.muli %add3A_254, %mul3A_255 : i32
      %add3A_257 = arith.addi %mul3A_4, %mul3A_256 : i32
      %dma_wait3A_258 = tpu.memref_slice %arg2[%add3A_257] : memref<320000xi32, #tpu.memory_space<hbm>> -> memref<80xi32, #tpu.memory_space<hbm>>
      %dma_wait3A_259 = tpu.memref_slice %arg2[%add3A_257] : memref<320000xi32, #tpu.memory_space<hbm>> -> memref<80xi32, #tpu.memory_space<hbm>>
      tpu.wait_dma2 semaphore(%arg20 : memref<!tpu.dma_semaphore, #tpu.memory_space<semaphore_mem>>) src(%dma_wait3A_259 : memref<80xi32, #tpu.memory_space<hbm>>) dst(%arg7 : memref<80xi32, #tpu.memory_space<vmem>>)
      %mul3A_260 = arith.constant 80 : i32
      %mul3A_261 = arith.muli %add3A_254, %mul3A_260 : i32
      %add3A_262 = arith.addi %mul3A_4, %mul3A_261 : i32
      %dma_wait3A_263 = tpu.memref_slice %arg3[%add3A_262] : memref<320000xi32, #tpu.memory_space<hbm>> -> memref<80xi32, #tpu.memory_space<hbm>>
      %dma_wait3A_264 = tpu.memref_slice %arg3[%add3A_262] : memref<320000xi32, #tpu.memory_space<hbm>> -> memref<80xi32, #tpu.memory_space<hbm>>
      tpu.wait_dma2 semaphore(%arg20 : memref<!tpu.dma_semaphore, #tpu.memory_space<semaphore_mem>>) src(%dma_wait3A_264 : memref<80xi32, #tpu.memory_space<hbm>>) dst(%arg11 : memref<80xi32, #tpu.memory_space<vmem>>)
      %dma_start3A_265 = arith.constant 0 : i32
      %dma_start3A_266 = arith.constant 0 : i32
      %dma_start3A_267 = tpu.memref_slice %arg4[%dma_start3A_265, %dma_start3A_266] : memref<10000x128xf32, #tpu.memory_space<hbm>> -> memref<10000x128xf32, #tpu.memory_space<hbm>>
      tpu.enqueue_indirect_dma source(%dma_start3A_267 : memref<10000x128xf32, #tpu.memory_space<hbm>>) target(%arg15 : memref<80x128xf32, #tpu.memory_space<vmem>>) offsets(%arg7 : memref<80xi32, #tpu.memory_space<vmem>>) semaphore(%arg24 : memref<!tpu.dma_semaphore, #tpu.memory_space<semaphore_mem>>)
      %add3A_268 = arith.constant 2 : i32
      %add3A_269 = arith.addi %mul3A_177, %add3A_268 : i32
      %mul3A_270 = arith.constant 80 : i32
      %mul3A_271 = arith.muli %add3A_269, %mul3A_270 : i32
      %add3A_272 = arith.addi %mul3A_4, %mul3A_271 : i32
      %dma_wait3A_273 = tpu.memref_slice %arg2[%add3A_272] : memref<320000xi32, #tpu.memory_space<hbm>> -> memref<80xi32, #tpu.memory_space<hbm>>
      %dma_wait3A_274 = tpu.memref_slice %arg2[%add3A_272] : memref<320000xi32, #tpu.memory_space<hbm>> -> memref<80xi32, #tpu.memory_space<hbm>>
      tpu.wait_dma2 semaphore(%arg21 : memref<!tpu.dma_semaphore, #tpu.memory_space<semaphore_mem>>) src(%dma_wait3A_274 : memref<80xi32, #tpu.memory_space<hbm>>) dst(%arg8 : memref<80xi32, #tpu.memory_space<vmem>>)
      %mul3A_275 = arith.constant 80 : i32
      %mul3A_276 = arith.muli %add3A_269, %mul3A_275 : i32
      %add3A_277 = arith.addi %mul3A_4, %mul3A_276 : i32
      %dma_wait3A_278 = tpu.memref_slice %arg3[%add3A_277] : memref<320000xi32, #tpu.memory_space<hbm>> -> memref<80xi32, #tpu.memory_space<hbm>>
      %dma_wait3A_279 = tpu.memref_slice %arg3[%add3A_277] : memref<320000xi32, #tpu.memory_space<hbm>> -> memref<80xi32, #tpu.memory_space<hbm>>
      tpu.wait_dma2 semaphore(%arg21 : memref<!tpu.dma_semaphore, #tpu.memory_space<semaphore_mem>>) src(%dma_wait3A_279 : memref<80xi32, #tpu.memory_space<hbm>>) dst(%arg12 : memref<80xi32, #tpu.memory_space<vmem>>)
      %dma_start3A_280 = arith.constant 0 : i32
      %dma_start3A_281 = arith.constant 0 : i32
      %dma_start3A_282 = tpu.memref_slice %arg4[%dma_start3A_280, %dma_start3A_281] : memref<10000x128xf32, #tpu.memory_space<hbm>> -> memref<10000x128xf32, #tpu.memory_space<hbm>>
      tpu.enqueue_indirect_dma source(%dma_start3A_282 : memref<10000x128xf32, #tpu.memory_space<hbm>>) target(%arg16 : memref<80x128xf32, #tpu.memory_space<vmem>>) offsets(%arg8 : memref<80xi32, #tpu.memory_space<vmem>>) semaphore(%arg25 : memref<!tpu.dma_semaphore, #tpu.memory_space<semaphore_mem>>)
      %add3A_283 = arith.constant 3 : i32
      %add3A_284 = arith.addi %mul3A_177, %add3A_283 : i32
      %mul3A_285 = arith.constant 80 : i32
      %mul3A_286 = arith.muli %add3A_284, %mul3A_285 : i32
      %add3A_287 = arith.addi %mul3A_4, %mul3A_286 : i32
      %dma_wait3A_288 = tpu.memref_slice %arg2[%add3A_287] : memref<320000xi32, #tpu.memory_space<hbm>> -> memref<80xi32, #tpu.memory_space<hbm>>
      %dma_wait3A_289 = tpu.memref_slice %arg2[%add3A_287] : memref<320000xi32, #tpu.memory_space<hbm>> -> memref<80xi32, #tpu.memory_space<hbm>>
      tpu.wait_dma2 semaphore(%arg22 : memref<!tpu.dma_semaphore, #tpu.memory_space<semaphore_mem>>) src(%dma_wait3A_289 : memref<80xi32, #tpu.memory_space<hbm>>) dst(%arg9 : memref<80xi32, #tpu.memory_space<vmem>>)
      %mul3A_290 = arith.constant 80 : i32
      %mul3A_291 = arith.muli %add3A_284, %mul3A_290 : i32
      %add3A_292 = arith.addi %mul3A_4, %mul3A_291 : i32
      %dma_wait3A_293 = tpu.memref_slice %arg3[%add3A_292] : memref<320000xi32, #tpu.memory_space<hbm>> -> memref<80xi32, #tpu.memory_space<hbm>>
      %dma_wait3A_294 = tpu.memref_slice %arg3[%add3A_292] : memref<320000xi32, #tpu.memory_space<hbm>> -> memref<80xi32, #tpu.memory_space<hbm>>
      tpu.wait_dma2 semaphore(%arg22 : memref<!tpu.dma_semaphore, #tpu.memory_space<semaphore_mem>>) src(%dma_wait3A_294 : memref<80xi32, #tpu.memory_space<hbm>>) dst(%arg13 : memref<80xi32, #tpu.memory_space<vmem>>)
      %dma_start3A_295 = arith.constant 0 : i32
      %dma_start3A_296 = arith.constant 0 : i32
      %dma_start3A_297 = tpu.memref_slice %arg4[%dma_start3A_295, %dma_start3A_296] : memref<10000x128xf32, #tpu.memory_space<hbm>> -> memref<10000x128xf32, #tpu.memory_space<hbm>>
      tpu.enqueue_indirect_dma source(%dma_start3A_297 : memref<10000x128xf32, #tpu.memory_space<hbm>>) target(%arg17 : memref<80x128xf32, #tpu.memory_space<vmem>>) offsets(%arg9 : memref<80xi32, #tpu.memory_space<vmem>>) semaphore(%arg26 : memref<!tpu.dma_semaphore, #tpu.memory_space<semaphore_mem>>)
      %dma_wait3A_298 = arith.constant 0 : i32
      %dma_wait3A_299 = arith.constant 0 : i32
      %dma_wait3A_300 = tpu.memref_slice %arg4[%dma_wait3A_298, %dma_wait3A_299] : memref<10000x128xf32, #tpu.memory_space<hbm>> -> memref<10000x128xf32, #tpu.memory_space<hbm>>
      tpu.wait_indirect_dma semaphore(%arg23 : memref<!tpu.dma_semaphore, #tpu.memory_space<semaphore_mem>>) src(%dma_wait3A_300 : memref<10000x128xf32, #tpu.memory_space<hbm>>) dst(%arg14 : memref<80x128xf32, #tpu.memory_space<vmem>>)
      %dma_start3A_301 = arith.constant 0 : i32
      %dma_start3A_302 = arith.constant 0 : i32
      %dma_start3A_303 = tpu.memref_slice %arg18[%dma_start3A_301, %dma_start3A_302] : memref<10240x128xf32, #tpu.memory_space<vmem_shared>> -> memref<10240x128xf32, #tpu.memory_space<vmem_shared>>
      tpu.enqueue_indirect_dma source(%arg14 : memref<80x128xf32, #tpu.memory_space<vmem>>) target(%dma_start3A_303 : memref<10240x128xf32, #tpu.memory_space<vmem_shared>>) offsets(%arg10 : memref<80xi32, #tpu.memory_space<vmem>>) semaphore(%arg27 : memref<!tpu.dma_semaphore, #tpu.memory_space<semaphore_mem>>) {add = true}
      %dma_wait3A_304 = arith.constant 0 : i32
      %dma_wait3A_305 = arith.constant 0 : i32
      %dma_wait3A_306 = tpu.memref_slice %arg4[%dma_wait3A_304, %dma_wait3A_305] : memref<10000x128xf32, #tpu.memory_space<hbm>> -> memref<10000x128xf32, #tpu.memory_space<hbm>>
      tpu.wait_indirect_dma semaphore(%arg24 : memref<!tpu.dma_semaphore, #tpu.memory_space<semaphore_mem>>) src(%dma_wait3A_306 : memref<10000x128xf32, #tpu.memory_space<hbm>>) dst(%arg15 : memref<80x128xf32, #tpu.memory_space<vmem>>)
      %dma_start3A_307 = arith.constant 0 : i32
      %dma_start3A_308 = arith.constant 0 : i32
      %dma_start3A_309 = tpu.memref_slice %arg18[%dma_start3A_307, %dma_start3A_308] : memref<10240x128xf32, #tpu.memory_space<vmem_shared>> -> memref<10240x128xf32, #tpu.memory_space<vmem_shared>>
      tpu.enqueue_indirect_dma source(%arg15 : memref<80x128xf32, #tpu.memory_space<vmem>>) target(%dma_start3A_309 : memref<10240x128xf32, #tpu.memory_space<vmem_shared>>) offsets(%arg11 : memref<80xi32, #tpu.memory_space<vmem>>) semaphore(%arg28 : memref<!tpu.dma_semaphore, #tpu.memory_space<semaphore_mem>>) {add = true}
      %dma_wait3A_310 = arith.constant 0 : i32
      %dma_wait3A_311 = arith.constant 0 : i32
      %dma_wait3A_312 = tpu.memref_slice %arg4[%dma_wait3A_310, %dma_wait3A_311] : memref<10000x128xf32, #tpu.memory_space<hbm>> -> memref<10000x128xf32, #tpu.memory_space<hbm>>
      tpu.wait_indirect_dma semaphore(%arg25 : memref<!tpu.dma_semaphore, #tpu.memory_space<semaphore_mem>>) src(%dma_wait3A_312 : memref<10000x128xf32, #tpu.memory_space<hbm>>) dst(%arg16 : memref<80x128xf32, #tpu.memory_space<vmem>>)
      %dma_start3A_313 = arith.constant 0 : i32
      %dma_start3A_314 = arith.constant 0 : i32
      %dma_start3A_315 = tpu.memref_slice %arg18[%dma_start3A_313, %dma_start3A_314] : memref<10240x128xf32, #tpu.memory_space<vmem_shared>> -> memref<10240x128xf32, #tpu.memory_space<vmem_shared>>
      tpu.enqueue_indirect_dma source(%arg16 : memref<80x128xf32, #tpu.memory_space<vmem>>) target(%dma_start3A_315 : memref<10240x128xf32, #tpu.memory_space<vmem_shared>>) offsets(%arg12 : memref<80xi32, #tpu.memory_space<vmem>>) semaphore(%arg29 : memref<!tpu.dma_semaphore, #tpu.memory_space<semaphore_mem>>) {add = true}
      %dma_wait3A_316 = arith.constant 0 : i32
      %dma_wait3A_317 = arith.constant 0 : i32
      %dma_wait3A_318 = tpu.memref_slice %arg4[%dma_wait3A_316, %dma_wait3A_317] : memref<10000x128xf32, #tpu.memory_space<hbm>> -> memref<10000x128xf32, #tpu.memory_space<hbm>>
      tpu.wait_indirect_dma semaphore(%arg26 : memref<!tpu.dma_semaphore, #tpu.memory_space<semaphore_mem>>) src(%dma_wait3A_318 : memref<10000x128xf32, #tpu.memory_space<hbm>>) dst(%arg17 : memref<80x128xf32, #tpu.memory_space<vmem>>)
      %dma_start3A_319 = arith.constant 0 : i32
      %dma_start3A_320 = arith.constant 0 : i32
      %dma_start3A_321 = tpu.memref_slice %arg18[%dma_start3A_319, %dma_start3A_320] : memref<10240x128xf32, #tpu.memory_space<vmem_shared>> -> memref<10240x128xf32, #tpu.memory_space<vmem_shared>>
      tpu.enqueue_indirect_dma source(%arg17 : memref<80x128xf32, #tpu.memory_space<vmem>>) target(%dma_start3A_321 : memref<10240x128xf32, #tpu.memory_space<vmem_shared>>) offsets(%arg13 : memref<80xi32, #tpu.memory_space<vmem>>) semaphore(%arg30 : memref<!tpu.dma_semaphore, #tpu.memory_space<semaphore_mem>>) {add = true}
      %scan3A_322 = arith.constant 0 : i32
      scf.yield %scan3A_322 : i32
    }
    %scan3A_132 = arith.constant 30 : i32
    %dma_wait3A_133 = arith.constant 0 : i32
    %dma_wait3A_134 = arith.constant 0 : i32
    %dma_wait3A_135 = tpu.memref_slice %arg18[%dma_wait3A_133, %dma_wait3A_134] : memref<10240x128xf32, #tpu.memory_space<vmem_shared>> -> memref<10240x128xf32, #tpu.memory_space<vmem_shared>>
    tpu.wait_indirect_dma semaphore(%arg27 : memref<!tpu.dma_semaphore, #tpu.memory_space<semaphore_mem>>) src(%arg14 : memref<80x128xf32, #tpu.memory_space<vmem>>) dst(%dma_wait3A_135 : memref<10240x128xf32, #tpu.memory_space<vmem_shared>>)
    %add3A_136 = arith.constant 9920 : i32
    %add3A_137 = arith.addi %mul3A_4, %add3A_136 : i32
    %dma_start3A_138 = tpu.memref_slice %arg2[%add3A_137] : memref<320000xi32, #tpu.memory_space<hbm>> -> memref<80xi32, #tpu.memory_space<hbm>>
    %dma_start3A_139 = tpu.memref_slice %arg2[%add3A_137] : memref<320000xi32, #tpu.memory_space<hbm>> -> memref<80xi32, #tpu.memory_space<hbm>>
    tpu.enqueue_dma source(%dma_start3A_139 : memref<80xi32, #tpu.memory_space<hbm>>) target(%arg6 : memref<80xi32, #tpu.memory_space<vmem>>) target_semaphore(%arg19 : memref<!tpu.dma_semaphore, #tpu.memory_space<semaphore_mem>>)
    %add3A_140 = arith.constant 9920 : i32
    %add3A_141 = arith.addi %mul3A_4, %add3A_140 : i32
    %dma_start3A_142 = tpu.memref_slice %arg3[%add3A_141] : memref<320000xi32, #tpu.memory_space<hbm>> -> memref<80xi32, #tpu.memory_space<hbm>>
    %dma_start3A_143 = tpu.memref_slice %arg3[%add3A_141] : memref<320000xi32, #tpu.memory_space<hbm>> -> memref<80xi32, #tpu.memory_space<hbm>>
    tpu.enqueue_dma source(%dma_start3A_143 : memref<80xi32, #tpu.memory_space<hbm>>) target(%arg10 : memref<80xi32, #tpu.memory_space<vmem>>) target_semaphore(%arg19 : memref<!tpu.dma_semaphore, #tpu.memory_space<semaphore_mem>>)
    %add3A_144 = arith.constant 9920 : i32
    %add3A_145 = arith.addi %mul3A_4, %add3A_144 : i32
    %dma_wait3A_146 = tpu.memref_slice %arg2[%add3A_145] : memref<320000xi32, #tpu.memory_space<hbm>> -> memref<80xi32, #tpu.memory_space<hbm>>
    %dma_wait3A_147 = tpu.memref_slice %arg2[%add3A_145] : memref<320000xi32, #tpu.memory_space<hbm>> -> memref<80xi32, #tpu.memory_space<hbm>>
    tpu.wait_dma2 semaphore(%arg19 : memref<!tpu.dma_semaphore, #tpu.memory_space<semaphore_mem>>) src(%dma_wait3A_147 : memref<80xi32, #tpu.memory_space<hbm>>) dst(%arg6 : memref<80xi32, #tpu.memory_space<vmem>>)
    %add3A_148 = arith.constant 9920 : i32
    %add3A_149 = arith.addi %mul3A_4, %add3A_148 : i32
    %dma_wait3A_150 = tpu.memref_slice %arg3[%add3A_149] : memref<320000xi32, #tpu.memory_space<hbm>> -> memref<80xi32, #tpu.memory_space<hbm>>
    %dma_wait3A_151 = tpu.memref_slice %arg3[%add3A_149] : memref<320000xi32, #tpu.memory_space<hbm>> -> memref<80xi32, #tpu.memory_space<hbm>>
    tpu.wait_dma2 semaphore(%arg19 : memref<!tpu.dma_semaphore, #tpu.memory_space<semaphore_mem>>) src(%dma_wait3A_151 : memref<80xi32, #tpu.memory_space<hbm>>) dst(%arg10 : memref<80xi32, #tpu.memory_space<vmem>>)
    %dma_start3A_152 = arith.constant 0 : i32
    %dma_start3A_153 = arith.constant 0 : i32
    %dma_start3A_154 = tpu.memref_slice %arg4[%dma_start3A_152, %dma_start3A_153] : memref<10000x128xf32, #tpu.memory_space<hbm>> -> memref<10000x128xf32, #tpu.memory_space<hbm>>
    tpu.enqueue_indirect_dma source(%dma_start3A_154 : memref<10000x128xf32, #tpu.memory_space<hbm>>) target(%arg14 : memref<80x128xf32, #tpu.memory_space<vmem>>) offsets(%arg6 : memref<80xi32, #tpu.memory_space<vmem>>) semaphore(%arg23 : memref<!tpu.dma_semaphore, #tpu.memory_space<semaphore_mem>>)
    %dma_wait3A_155 = arith.constant 0 : i32
    %dma_wait3A_156 = arith.constant 0 : i32
    %dma_wait3A_157 = tpu.memref_slice %arg4[%dma_wait3A_155, %dma_wait3A_156] : memref<10000x128xf32, #tpu.memory_space<hbm>> -> memref<10000x128xf32, #tpu.memory_space<hbm>>
    tpu.wait_indirect_dma semaphore(%arg23 : memref<!tpu.dma_semaphore, #tpu.memory_space<semaphore_mem>>) src(%dma_wait3A_157 : memref<10000x128xf32, #tpu.memory_space<hbm>>) dst(%arg14 : memref<80x128xf32, #tpu.memory_space<vmem>>)
    %dma_start3A_158 = arith.constant 0 : i32
    %dma_start3A_159 = arith.constant 0 : i32
    %dma_start3A_160 = tpu.memref_slice %arg18[%dma_start3A_158, %dma_start3A_159] : memref<10240x128xf32, #tpu.memory_space<vmem_shared>> -> memref<10240x128xf32, #tpu.memory_space<vmem_shared>>
    tpu.enqueue_indirect_dma source(%arg14 : memref<80x128xf32, #tpu.memory_space<vmem>>) target(%dma_start3A_160 : memref<10240x128xf32, #tpu.memory_space<vmem_shared>>) offsets(%arg10 : memref<80xi32, #tpu.memory_space<vmem>>) semaphore(%arg27 : memref<!tpu.dma_semaphore, #tpu.memory_space<semaphore_mem>>) {add = true}
    %dma_wait3A_161 = arith.constant 0 : i32
    %dma_wait3A_162 = arith.constant 0 : i32
    %dma_wait3A_163 = tpu.memref_slice %arg18[%dma_wait3A_161, %dma_wait3A_162] : memref<10240x128xf32, #tpu.memory_space<vmem_shared>> -> memref<10240x128xf32, #tpu.memory_space<vmem_shared>>
    tpu.wait_indirect_dma semaphore(%arg28 : memref<!tpu.dma_semaphore, #tpu.memory_space<semaphore_mem>>) src(%arg15 : memref<80x128xf32, #tpu.memory_space<vmem>>) dst(%dma_wait3A_163 : memref<10240x128xf32, #tpu.memory_space<vmem_shared>>)
    %dma_wait3A_164 = arith.constant 0 : i32
    %dma_wait3A_165 = arith.constant 0 : i32
    %dma_wait3A_166 = tpu.memref_slice %arg18[%dma_wait3A_164, %dma_wait3A_165] : memref<10240x128xf32, #tpu.memory_space<vmem_shared>> -> memref<10240x128xf32, #tpu.memory_space<vmem_shared>>
    tpu.wait_indirect_dma semaphore(%arg29 : memref<!tpu.dma_semaphore, #tpu.memory_space<semaphore_mem>>) src(%arg16 : memref<80x128xf32, #tpu.memory_space<vmem>>) dst(%dma_wait3A_166 : memref<10240x128xf32, #tpu.memory_space<vmem_shared>>)
    %dma_wait3A_167 = arith.constant 0 : i32
    %dma_wait3A_168 = arith.constant 0 : i32
    %dma_wait3A_169 = tpu.memref_slice %arg18[%dma_wait3A_167, %dma_wait3A_168] : memref<10240x128xf32, #tpu.memory_space<vmem_shared>> -> memref<10240x128xf32, #tpu.memory_space<vmem_shared>>
    tpu.wait_indirect_dma semaphore(%arg30 : memref<!tpu.dma_semaphore, #tpu.memory_space<semaphore_mem>>) src(%arg17 : memref<80x128xf32, #tpu.memory_space<vmem>>) dst(%dma_wait3A_169 : memref<10240x128xf32, #tpu.memory_space<vmem_shared>>)
    %dma_wait3A_170 = arith.constant 0 : i32
    %dma_wait3A_171 = arith.constant 0 : i32
    %dma_wait3A_172 = tpu.memref_slice %arg18[%dma_wait3A_170, %dma_wait3A_171] : memref<10240x128xf32, #tpu.memory_space<vmem_shared>> -> memref<10240x128xf32, #tpu.memory_space<vmem_shared>>
    tpu.wait_indirect_dma semaphore(%arg27 : memref<!tpu.dma_semaphore, #tpu.memory_space<semaphore_mem>>) src(%arg14 : memref<80x128xf32, #tpu.memory_space<vmem>>) dst(%dma_wait3A_172 : memref<10240x128xf32, #tpu.memory_space<vmem_shared>>)
    %barrier3A_173 = arith.constant 0 : index
    tpu.barrier barrier_id(%barrier3A_173)
    "tpu.region"() ({
      %run_scoped3A = tpu.sem_alloc : memref<!tpu.dma_semaphore, #tpu.memory_space<semaphore_mem>>
      %dma_start3A_174 = arith.constant 0 : i32
      %dma_start3A_175 = tpu.memref_slice %arg5[%arg0, %mul3A_2, %dma_start3A_174] : memref<2x10240x128xf32, #tpu.memory_space<hbm>> -> memref<1x640x128xf32, #tpu.memory_space<hbm>>
      %dma_start3A_176 = tpu.memref_squeeze %dma_start3A_175 : memref<1x640x128xf32, #tpu.memory_space<hbm>> -> memref<640x128xf32, #tpu.memory_space<hbm>>
      %dma_start3A_177 = arith.constant 0 : i32
      %dma_start3A_178 = tpu.memref_slice %arg18[%mul3A_2, %dma_start3A_177] : memref<10240x128xf32, #tpu.memory_space<vmem_shared>> -> memref<640x128xf32, #tpu.memory_space<vmem_shared>>
      tpu.enqueue_dma source(%dma_start3A_178 : memref<640x128xf32, #tpu.memory_space<vmem_shared>>) target(%dma_start3A_176 : memref<640x128xf32, #tpu.memory_space<hbm>>) target_semaphore(%run_scoped3A : memref<!tpu.dma_semaphore, #tpu.memory_space<semaphore_mem>>)
      %dma_wait3A_179 = arith.constant 0 : i32
      %dma_wait3A_180 = tpu.memref_slice %arg5[%arg0, %mul3A_2, %dma_wait3A_179] : memref<2x10240x128xf32, #tpu.memory_space<hbm>> -> memref<1x640x128xf32, #tpu.memory_space<hbm>>
      %dma_wait3A_181 = tpu.memref_squeeze %dma_wait3A_180 : memref<1x640x128xf32, #tpu.memory_space<hbm>> -> memref<640x128xf32, #tpu.memory_space<hbm>>
      %dma_wait3A_182 = arith.constant 0 : i32
      %dma_wait3A_183 = tpu.memref_slice %arg18[%mul3A_2, %dma_wait3A_182] : memref<10240x128xf32, #tpu.memory_space<vmem_shared>> -> memref<640x128xf32, #tpu.memory_space<vmem_shared>>
      tpu.wait_dma2 semaphore(%run_scoped3A : memref<!tpu.dma_semaphore, #tpu.memory_space<semaphore_mem>>) src(%dma_wait3A_183 : memref<640x128xf32, #tpu.memory_space<vmem_shared>>) dst(%dma_wait3A_181 : memref<640x128xf32, #tpu.memory_space<hbm>>)
      tpu.yield
    }) : () -> ()
    return
  }
}

#map = affine_map<(d0, d1) -> (0)>
#map1 = affine_map<(d0, d1) -> (0, 0)>
#map2 = affine_map<(d0, d1) -> (0, 0, 0)>
module attributes {stable_mosaic.version = 14 : i64} {
  func.func @_sc_scatter_body(%arg0: i32, %arg1: i32, %arg2: memref<320000xi32, #tpu.memory_space<hbm>>, %arg3: memref<320000xi32, #tpu.memory_space<hbm>>, %arg4: memref<10000x128xf32, #tpu.memory_space<hbm>>, %arg5: memref<2x10240x128xf32, #tpu.memory_space<hbm>>, %arg6: memref<80xi32, #tpu.memory_space<vmem>>, %arg7: memref<80xi32, #tpu.memory_space<vmem>>, %arg8: memref<80xi32, #tpu.memory_space<vmem>>, %arg9: memref<80xi32, #tpu.memory_space<vmem>>, %arg10: memref<80xi32, #tpu.memory_space<vmem>>, %arg11: memref<80xi32, #tpu.memory_space<vmem>>, %arg12: memref<80xi32, #tpu.memory_space<vmem>>, %arg13: memref<80xi32, #tpu.memory_space<vmem>>, %arg14: memref<80x128xf32, #tpu.memory_space<vmem>>, %arg15: memref<80x128xf32, #tpu.memory_space<vmem>>, %arg16: memref<80x128xf32, #tpu.memory_space<vmem>>, %arg17: memref<80x128xf32, #tpu.memory_space<vmem>>, %arg18: memref<10240x128xf32, #tpu.memory_space<vmem_shared>>, %arg19: memref<!tpu.dma_semaphore, #tpu.memory_space<semaphore_mem>>, %arg20: memref<!tpu.dma_semaphore, #tpu.memory_space<semaphore_mem>>, %arg21: memref<!tpu.dma_semaphore, #tpu.memory_space<semaphore_mem>>, %arg22: memref<!tpu.dma_semaphore, #tpu.memory_space<semaphore_mem>>, %arg23: memref<!tpu.dma_semaphore, #tpu.memory_space<semaphore_mem>>, %arg24: memref<!tpu.dma_semaphore, #tpu.memory_space<semaphore_mem>>, %arg25: memref<!tpu.dma_semaphore, #tpu.memory_space<semaphore_mem>>, %arg26: memref<!tpu.dma_semaphore, #tpu.memory_space<semaphore_mem>>, %arg27: memref<!tpu.dma_semaphore, #tpu.memory_space<semaphore_mem>>, %arg28: memref<!tpu.dma_semaphore, #tpu.memory_space<semaphore_mem>>, %arg29: memref<!tpu.dma_semaphore, #tpu.memory_space<semaphore_mem>>, %arg30: memref<!tpu.dma_semaphore, #tpu.memory_space<semaphore_mem>>) attributes {dimension_semantics = [#tpu.dimension_semantics<core_parallel>, #tpu.dimension_semantics<subcore_parallel>], iteration_bounds = array<i64: 2, 16>, scalar_prefetch = 0 : i64, scratch_operands = 25 : i64, tpu.core_type = #tpu.core_type<sc_vector_subcore>, window_params = [{transform_indices = #map}, {transform_indices = #map}, {transform_indices = #map1}, {transform_indices = #map2}]} {
    %mul3A = arith.constant 2 : i32
    %mul3A_0 = arith.muli %arg1, %mul3A : i32
    %add3A = arith.addi %mul3A_0, %arg0 : i32
    %mul3A_1 = arith.constant 640 : i32
    %mul3A_2 = arith.muli %arg1, %mul3A_1 : i32
    %mul3A_3 = arith.constant 10000 : i32
    %mul3A_4 = arith.muli %add3A, %mul3A_3 : i32
    %broadcast_in_dim3A = arith.constant 0.000000e+00 : f32
    %broadcast_in_dim3A_5 = vector.broadcast %broadcast_in_dim3A : f32 to vector<16xf32>
    %scan3A = arith.constant 0 : i32
    %scan3A_6 = arith.constant 0 : i32
    %scan3A_7 = arith.constant 80 : i32
    %scan3A_8 = arith.addi %scan3A_6, %scan3A_7 : i32
    %scan3A_9 = arith.constant 1 : i32
    %scan3A_10 = scf.for %scan3A_174 = %scan3A_6 to %scan3A_8 step %scan3A_9 iter_args(%scan3A_175 = %scan3A) -> (i32)  : i32 {
      %swap3A = arith.index_cast %scan3A_174 : i32 to index
      %swap3A_176 = arith.constant 0 : index
      %swap3A_177 = tpu.vector_load %arg14[%swap3A, %swap3A_176] {strides = array<i32>} : memref<80x128xf32, #tpu.memory_space<vmem>>, vector<1x16xf32>,
      %swap3A_178 = vector.shape_cast %swap3A_177 : vector<1x16xf32> to vector<16xf32>
      %swap3A_179 = vector.shape_cast %broadcast_in_dim3A_5 : vector<16xf32> to vector<1x16xf32>
      tpu.vector_store %arg14[%swap3A, %swap3A_176], %swap3A_179 {strides = array<i32>} : memref<80x128xf32, #tpu.memory_space<vmem>>, vector<1x16xf32>,
      %swap3A_180 = arith.index_cast %scan3A_174 : i32 to index
      %swap3A_181 = arith.constant 16 : index
      %swap3A_182 = tpu.vector_load %arg14[%swap3A_180, %swap3A_181] {strides = array<i32>} : memref<80x128xf32, #tpu.memory_space<vmem>>, vector<1x16xf32>,
      %swap3A_183 = vector.shape_cast %swap3A_182 : vector<1x16xf32> to vector<16xf32>
      %swap3A_184 = vector.shape_cast %broadcast_in_dim3A_5 : vector<16xf32> to vector<1x16xf32>
      tpu.vector_store %arg14[%swap3A_180, %swap3A_181], %swap3A_184 {strides = array<i32>} : memref<80x128xf32, #tpu.memory_space<vmem>>, vector<1x16xf32>,
      %swap3A_185 = arith.index_cast %scan3A_174 : i32 to index
      %swap3A_186 = arith.constant 32 : index
      %swap3A_187 = tpu.vector_load %arg14[%swap3A_185, %swap3A_186] {strides = array<i32>} : memref<80x128xf32, #tpu.memory_space<vmem>>, vector<1x16xf32>,
      %swap3A_188 = vector.shape_cast %swap3A_187 : vector<1x16xf32> to vector<16xf32>
      %swap3A_189 = vector.shape_cast %broadcast_in_dim3A_5 : vector<16xf32> to vector<1x16xf32>
      tpu.vector_store %arg14[%swap3A_185, %swap3A_186], %swap3A_189 {strides = array<i32>} : memref<80x128xf32, #tpu.memory_space<vmem>>, vector<1x16xf32>,
      %swap3A_190 = arith.index_cast %scan3A_174 : i32 to index
      %swap3A_191 = arith.constant 48 : index
      %swap3A_192 = tpu.vector_load %arg14[%swap3A_190, %swap3A_191] {strides = array<i32>} : memref<80x128xf32, #tpu.memory_space<vmem>>, vector<1x16xf32>,
      %swap3A_193 = vector.shape_cast %swap3A_192 : vector<1x16xf32> to vector<16xf32>
      %swap3A_194 = vector.shape_cast %broadcast_in_dim3A_5 : vector<16xf32> to vector<1x16xf32>
      tpu.vector_store %arg14[%swap3A_190, %swap3A_191], %swap3A_194 {strides = array<i32>} : memref<80x128xf32, #tpu.memory_space<vmem>>, vector<1x16xf32>,
      %swap3A_195 = arith.index_cast %scan3A_174 : i32 to index
      %swap3A_196 = arith.constant 64 : index
      %swap3A_197 = tpu.vector_load %arg14[%swap3A_195, %swap3A_196] {strides = array<i32>} : memref<80x128xf32, #tpu.memory_space<vmem>>, vector<1x16xf32>,
      %swap3A_198 = vector.shape_cast %swap3A_197 : vector<1x16xf32> to vector<16xf32>
      %swap3A_199 = vector.shape_cast %broadcast_in_dim3A_5 : vector<16xf32> to vector<1x16xf32>
      tpu.vector_store %arg14[%swap3A_195, %swap3A_196], %swap3A_199 {strides = array<i32>} : memref<80x128xf32, #tpu.memory_space<vmem>>, vector<1x16xf32>,
      %swap3A_200 = arith.index_cast %scan3A_174 : i32 to index
      %swap3A_201 = arith.constant 80 : index
      %swap3A_202 = tpu.vector_load %arg14[%swap3A_200, %swap3A_201] {strides = array<i32>} : memref<80x128xf32, #tpu.memory_space<vmem>>, vector<1x16xf32>,
      %swap3A_203 = vector.shape_cast %swap3A_202 : vector<1x16xf32> to vector<16xf32>
      %swap3A_204 = vector.shape_cast %broadcast_in_dim3A_5 : vector<16xf32> to vector<1x16xf32>
      tpu.vector_store %arg14[%swap3A_200, %swap3A_201], %swap3A_204 {strides = array<i32>} : memref<80x128xf32, #tpu.memory_space<vmem>>, vector<1x16xf32>,
      %swap3A_205 = arith.index_cast %scan3A_174 : i32 to index
      %swap3A_206 = arith.constant 96 : index
      %swap3A_207 = tpu.vector_load %arg14[%swap3A_205, %swap3A_206] {strides = array<i32>} : memref<80x128xf32, #tpu.memory_space<vmem>>, vector<1x16xf32>,
      %swap3A_208 = vector.shape_cast %swap3A_207 : vector<1x16xf32> to vector<16xf32>
      %swap3A_209 = vector.shape_cast %broadcast_in_dim3A_5 : vector<16xf32> to vector<1x16xf32>
      tpu.vector_store %arg14[%swap3A_205, %swap3A_206], %swap3A_209 {strides = array<i32>} : memref<80x128xf32, #tpu.memory_space<vmem>>, vector<1x16xf32>,
      %swap3A_210 = arith.index_cast %scan3A_174 : i32 to index
      %swap3A_211 = arith.constant 112 : index
      %swap3A_212 = tpu.vector_load %arg14[%swap3A_210, %swap3A_211] {strides = array<i32>} : memref<80x128xf32, #tpu.memory_space<vmem>>, vector<1x16xf32>,
      %swap3A_213 = vector.shape_cast %swap3A_212 : vector<1x16xf32> to vector<16xf32>
      %swap3A_214 = vector.shape_cast %broadcast_in_dim3A_5 : vector<16xf32> to vector<1x16xf32>
      tpu.vector_store %arg14[%swap3A_210, %swap3A_211], %swap3A_214 {strides = array<i32>} : memref<80x128xf32, #tpu.memory_space<vmem>>, vector<1x16xf32>,
      %scan3A_215 = arith.constant 0 : i32
      scf.yield %scan3A_215 : i32
    }
    %scan3A_11 = arith.constant 80 : i32
    %add3A_12 = arith.constant 0 : i32
    %add3A_13 = arith.addi %mul3A_2, %add3A_12 : i32
    "tpu.region"() ({
      %run_scoped3A = tpu.sem_alloc : memref<!tpu.dma_semaphore, #tpu.memory_space<semaphore_mem>>
      %dma_start3A_174 = arith.constant 0 : i32
      %dma_start3A_175 = tpu.memref_slice %arg18[%add3A_13, %dma_start3A_174] : memref<10240x128xf32, #tpu.memory_space<vmem_shared>> -> memref<80x128xf32, #tpu.memory_space<vmem_shared>>
      %dma_start3A_176 = arith.constant 0 : i32
      %dma_start3A_177 = tpu.memref_slice %arg18[%add3A_13, %dma_start3A_176] : memref<10240x128xf32, #tpu.memory_space<vmem_shared>> -> memref<80x128xf32, #tpu.memory_space<vmem_shared>>
      tpu.enqueue_dma source(%arg14 : memref<80x128xf32, #tpu.memory_space<vmem>>) target(%dma_start3A_177 : memref<80x128xf32, #tpu.memory_space<vmem_shared>>) target_semaphore(%run_scoped3A : memref<!tpu.dma_semaphore, #tpu.memory_space<semaphore_mem>>)
      %dma_wait3A_178 = arith.constant 0 : i32
      %dma_wait3A_179 = tpu.memref_slice %arg18[%add3A_13, %dma_wait3A_178] : memref<10240x128xf32, #tpu.memory_space<vmem_shared>> -> memref<80x128xf32, #tpu.memory_space<vmem_shared>>
      %dma_wait3A_180 = arith.constant 0 : i32
      %dma_wait3A_181 = tpu.memref_slice %arg18[%add3A_13, %dma_wait3A_180] : memref<10240x128xf32, #tpu.memory_space<vmem_shared>> -> memref<80x128xf32, #tpu.memory_space<vmem_shared>>
      tpu.wait_dma2 semaphore(%run_scoped3A : memref<!tpu.dma_semaphore, #tpu.memory_space<semaphore_mem>>) src(%arg14 : memref<80x128xf32, #tpu.memory_space<vmem>>) dst(%dma_wait3A_181 : memref<80x128xf32, #tpu.memory_space<vmem_shared>>)
      tpu.yield
    }) : () -> ()
    %add3A_14 = arith.constant 80 : i32
    %add3A_15 = arith.addi %mul3A_2, %add3A_14 : i32
    "tpu.region"() ({
      %run_scoped3A = tpu.sem_alloc : memref<!tpu.dma_semaphore, #tpu.memory_space<semaphore_mem>>
      %dma_start3A_174 = arith.constant 0 : i32
      %dma_start3A_175 = tpu.memref_slice %arg18[%add3A_15, %dma_start3A_174] : memref<10240x128xf32, #tpu.memory_space<vmem_shared>> -> memref<80x128xf32, #tpu.memory_space<vmem_shared>>
      %dma_start3A_176 = arith.constant 0 : i32
      %dma_start3A_177 = tpu.memref_slice %arg18[%add3A_15, %dma_start3A_176] : memref<10240x128xf32, #tpu.memory_space<vmem_shared>> -> memref<80x128xf32, #tpu.memory_space<vmem_shared>>
      tpu.enqueue_dma source(%arg14 : memref<80x128xf32, #tpu.memory_space<vmem>>) target(%dma_start3A_177 : memref<80x128xf32, #tpu.memory_space<vmem_shared>>) target_semaphore(%run_scoped3A : memref<!tpu.dma_semaphore, #tpu.memory_space<semaphore_mem>>)
      %dma_wait3A_178 = arith.constant 0 : i32
      %dma_wait3A_179 = tpu.memref_slice %arg18[%add3A_15, %dma_wait3A_178] : memref<10240x128xf32, #tpu.memory_space<vmem_shared>> -> memref<80x128xf32, #tpu.memory_space<vmem_shared>>
      %dma_wait3A_180 = arith.constant 0 : i32
      %dma_wait3A_181 = tpu.memref_slice %arg18[%add3A_15, %dma_wait3A_180] : memref<10240x128xf32, #tpu.memory_space<vmem_shared>> -> memref<80x128xf32, #tpu.memory_space<vmem_shared>>
      tpu.wait_dma2 semaphore(%run_scoped3A : memref<!tpu.dma_semaphore, #tpu.memory_space<semaphore_mem>>) src(%arg14 : memref<80x128xf32, #tpu.memory_space<vmem>>) dst(%dma_wait3A_181 : memref<80x128xf32, #tpu.memory_space<vmem_shared>>)
      tpu.yield
    }) : () -> ()
    %add3A_16 = arith.constant 160 : i32
    %add3A_17 = arith.addi %mul3A_2, %add3A_16 : i32
    "tpu.region"() ({
      %run_scoped3A = tpu.sem_alloc : memref<!tpu.dma_semaphore, #tpu.memory_space<semaphore_mem>>
      %dma_start3A_174 = arith.constant 0 : i32
      %dma_start3A_175 = tpu.memref_slice %arg18[%add3A_17, %dma_start3A_174] : memref<10240x128xf32, #tpu.memory_space<vmem_shared>> -> memref<80x128xf32, #tpu.memory_space<vmem_shared>>
      %dma_start3A_176 = arith.constant 0 : i32
      %dma_start3A_177 = tpu.memref_slice %arg18[%add3A_17, %dma_start3A_176] : memref<10240x128xf32, #tpu.memory_space<vmem_shared>> -> memref<80x128xf32, #tpu.memory_space<vmem_shared>>
      tpu.enqueue_dma source(%arg14 : memref<80x128xf32, #tpu.memory_space<vmem>>) target(%dma_start3A_177 : memref<80x128xf32, #tpu.memory_space<vmem_shared>>) target_semaphore(%run_scoped3A : memref<!tpu.dma_semaphore, #tpu.memory_space<semaphore_mem>>)
      %dma_wait3A_178 = arith.constant 0 : i32
      %dma_wait3A_179 = tpu.memref_slice %arg18[%add3A_17, %dma_wait3A_178] : memref<10240x128xf32, #tpu.memory_space<vmem_shared>> -> memref<80x128xf32, #tpu.memory_space<vmem_shared>>
      %dma_wait3A_180 = arith.constant 0 : i32
      %dma_wait3A_181 = tpu.memref_slice %arg18[%add3A_17, %dma_wait3A_180] : memref<10240x128xf32, #tpu.memory_space<vmem_shared>> -> memref<80x128xf32, #tpu.memory_space<vmem_shared>>
      tpu.wait_dma2 semaphore(%run_scoped3A : memref<!tpu.dma_semaphore, #tpu.memory_space<semaphore_mem>>) src(%arg14 : memref<80x128xf32, #tpu.memory_space<vmem>>) dst(%dma_wait3A_181 : memref<80x128xf32, #tpu.memory_space<vmem_shared>>)
      tpu.yield
    }) : () -> ()
    %add3A_18 = arith.constant 240 : i32
    %add3A_19 = arith.addi %mul3A_2, %add3A_18 : i32
    "tpu.region"() ({
      %run_scoped3A = tpu.sem_alloc : memref<!tpu.dma_semaphore, #tpu.memory_space<semaphore_mem>>
      %dma_start3A_174 = arith.constant 0 : i32
      %dma_start3A_175 = tpu.memref_slice %arg18[%add3A_19, %dma_start3A_174] : memref<10240x128xf32, #tpu.memory_space<vmem_shared>> -> memref<80x128xf32, #tpu.memory_space<vmem_shared>>
      %dma_start3A_176 = arith.constant 0 : i32
      %dma_start3A_177 = tpu.memref_slice %arg18[%add3A_19, %dma_start3A_176] : memref<10240x128xf32, #tpu.memory_space<vmem_shared>> -> memref<80x128xf32, #tpu.memory_space<vmem_shared>>
      tpu.enqueue_dma source(%arg14 : memref<80x128xf32, #tpu.memory_space<vmem>>) target(%dma_start3A_177 : memref<80x128xf32, #tpu.memory_space<vmem_shared>>) target_semaphore(%run_scoped3A : memref<!tpu.dma_semaphore, #tpu.memory_space<semaphore_mem>>)
      %dma_wait3A_178 = arith.constant 0 : i32
      %dma_wait3A_179 = tpu.memref_slice %arg18[%add3A_19, %dma_wait3A_178] : memref<10240x128xf32, #tpu.memory_space<vmem_shared>> -> memref<80x128xf32, #tpu.memory_space<vmem_shared>>
      %dma_wait3A_180 = arith.constant 0 : i32
      %dma_wait3A_181 = tpu.memref_slice %arg18[%add3A_19, %dma_wait3A_180] : memref<10240x128xf32, #tpu.memory_space<vmem_shared>> -> memref<80x128xf32, #tpu.memory_space<vmem_shared>>
      tpu.wait_dma2 semaphore(%run_scoped3A : memref<!tpu.dma_semaphore, #tpu.memory_space<semaphore_mem>>) src(%arg14 : memref<80x128xf32, #tpu.memory_space<vmem>>) dst(%dma_wait3A_181 : memref<80x128xf32, #tpu.memory_space<vmem_shared>>)
      tpu.yield
    }) : () -> ()
    %add3A_20 = arith.constant 320 : i32
    %add3A_21 = arith.addi %mul3A_2, %add3A_20 : i32
    "tpu.region"() ({
      %run_scoped3A = tpu.sem_alloc : memref<!tpu.dma_semaphore, #tpu.memory_space<semaphore_mem>>
      %dma_start3A_174 = arith.constant 0 : i32
      %dma_start3A_175 = tpu.memref_slice %arg18[%add3A_21, %dma_start3A_174] : memref<10240x128xf32, #tpu.memory_space<vmem_shared>> -> memref<80x128xf32, #tpu.memory_space<vmem_shared>>
      %dma_start3A_176 = arith.constant 0 : i32
      %dma_start3A_177 = tpu.memref_slice %arg18[%add3A_21, %dma_start3A_176] : memref<10240x128xf32, #tpu.memory_space<vmem_shared>> -> memref<80x128xf32, #tpu.memory_space<vmem_shared>>
      tpu.enqueue_dma source(%arg14 : memref<80x128xf32, #tpu.memory_space<vmem>>) target(%dma_start3A_177 : memref<80x128xf32, #tpu.memory_space<vmem_shared>>) target_semaphore(%run_scoped3A : memref<!tpu.dma_semaphore, #tpu.memory_space<semaphore_mem>>)
      %dma_wait3A_178 = arith.constant 0 : i32
      %dma_wait3A_179 = tpu.memref_slice %arg18[%add3A_21, %dma_wait3A_178] : memref<10240x128xf32, #tpu.memory_space<vmem_shared>> -> memref<80x128xf32, #tpu.memory_space<vmem_shared>>
      %dma_wait3A_180 = arith.constant 0 : i32
      %dma_wait3A_181 = tpu.memref_slice %arg18[%add3A_21, %dma_wait3A_180] : memref<10240x128xf32, #tpu.memory_space<vmem_shared>> -> memref<80x128xf32, #tpu.memory_space<vmem_shared>>
      tpu.wait_dma2 semaphore(%run_scoped3A : memref<!tpu.dma_semaphore, #tpu.memory_space<semaphore_mem>>) src(%arg14 : memref<80x128xf32, #tpu.memory_space<vmem>>) dst(%dma_wait3A_181 : memref<80x128xf32, #tpu.memory_space<vmem_shared>>)
      tpu.yield
    }) : () -> ()
    %add3A_22 = arith.constant 400 : i32
    %add3A_23 = arith.addi %mul3A_2, %add3A_22 : i32
    "tpu.region"() ({
      %run_scoped3A = tpu.sem_alloc : memref<!tpu.dma_semaphore, #tpu.memory_space<semaphore_mem>>
      %dma_start3A_174 = arith.constant 0 : i32
      %dma_start3A_175 = tpu.memref_slice %arg18[%add3A_23, %dma_start3A_174] : memref<10240x128xf32, #tpu.memory_space<vmem_shared>> -> memref<80x128xf32, #tpu.memory_space<vmem_shared>>
      %dma_start3A_176 = arith.constant 0 : i32
      %dma_start3A_177 = tpu.memref_slice %arg18[%add3A_23, %dma_start3A_176] : memref<10240x128xf32, #tpu.memory_space<vmem_shared>> -> memref<80x128xf32, #tpu.memory_space<vmem_shared>>
      tpu.enqueue_dma source(%arg14 : memref<80x128xf32, #tpu.memory_space<vmem>>) target(%dma_start3A_177 : memref<80x128xf32, #tpu.memory_space<vmem_shared>>) target_semaphore(%run_scoped3A : memref<!tpu.dma_semaphore, #tpu.memory_space<semaphore_mem>>)
      %dma_wait3A_178 = arith.constant 0 : i32
      %dma_wait3A_179 = tpu.memref_slice %arg18[%add3A_23, %dma_wait3A_178] : memref<10240x128xf32, #tpu.memory_space<vmem_shared>> -> memref<80x128xf32, #tpu.memory_space<vmem_shared>>
      %dma_wait3A_180 = arith.constant 0 : i32
      %dma_wait3A_181 = tpu.memref_slice %arg18[%add3A_23, %dma_wait3A_180] : memref<10240x128xf32, #tpu.memory_space<vmem_shared>> -> memref<80x128xf32, #tpu.memory_space<vmem_shared>>
      tpu.wait_dma2 semaphore(%run_scoped3A : memref<!tpu.dma_semaphore, #tpu.memory_space<semaphore_mem>>) src(%arg14 : memref<80x128xf32, #tpu.memory_space<vmem>>) dst(%dma_wait3A_181 : memref<80x128xf32, #tpu.memory_space<vmem_shared>>)
      tpu.yield
    }) : () -> ()
    %add3A_24 = arith.constant 480 : i32
    %add3A_25 = arith.addi %mul3A_2, %add3A_24 : i32
    "tpu.region"() ({
      %run_scoped3A = tpu.sem_alloc : memref<!tpu.dma_semaphore, #tpu.memory_space<semaphore_mem>>
      %dma_start3A_174 = arith.constant 0 : i32
      %dma_start3A_175 = tpu.memref_slice %arg18[%add3A_25, %dma_start3A_174] : memref<10240x128xf32, #tpu.memory_space<vmem_shared>> -> memref<80x128xf32, #tpu.memory_space<vmem_shared>>
      %dma_start3A_176 = arith.constant 0 : i32
      %dma_start3A_177 = tpu.memref_slice %arg18[%add3A_25, %dma_start3A_176] : memref<10240x128xf32, #tpu.memory_space<vmem_shared>> -> memref<80x128xf32, #tpu.memory_space<vmem_shared>>
      tpu.enqueue_dma source(%arg14 : memref<80x128xf32, #tpu.memory_space<vmem>>) target(%dma_start3A_177 : memref<80x128xf32, #tpu.memory_space<vmem_shared>>) target_semaphore(%run_scoped3A : memref<!tpu.dma_semaphore, #tpu.memory_space<semaphore_mem>>)
      %dma_wait3A_178 = arith.constant 0 : i32
      %dma_wait3A_179 = tpu.memref_slice %arg18[%add3A_25, %dma_wait3A_178] : memref<10240x128xf32, #tpu.memory_space<vmem_shared>> -> memref<80x128xf32, #tpu.memory_space<vmem_shared>>
      %dma_wait3A_180 = arith.constant 0 : i32
      %dma_wait3A_181 = tpu.memref_slice %arg18[%add3A_25, %dma_wait3A_180] : memref<10240x128xf32, #tpu.memory_space<vmem_shared>> -> memref<80x128xf32, #tpu.memory_space<vmem_shared>>
      tpu.wait_dma2 semaphore(%run_scoped3A : memref<!tpu.dma_semaphore, #tpu.memory_space<semaphore_mem>>) src(%arg14 : memref<80x128xf32, #tpu.memory_space<vmem>>) dst(%dma_wait3A_181 : memref<80x128xf32, #tpu.memory_space<vmem_shared>>)
      tpu.yield
    }) : () -> ()
    %add3A_26 = arith.constant 560 : i32
    %add3A_27 = arith.addi %mul3A_2, %add3A_26 : i32
    "tpu.region"() ({
      %run_scoped3A = tpu.sem_alloc : memref<!tpu.dma_semaphore, #tpu.memory_space<semaphore_mem>>
      %dma_start3A_174 = arith.constant 0 : i32
      %dma_start3A_175 = tpu.memref_slice %arg18[%add3A_27, %dma_start3A_174] : memref<10240x128xf32, #tpu.memory_space<vmem_shared>> -> memref<80x128xf32, #tpu.memory_space<vmem_shared>>
      %dma_start3A_176 = arith.constant 0 : i32
      %dma_start3A_177 = tpu.memref_slice %arg18[%add3A_27, %dma_start3A_176] : memref<10240x128xf32, #tpu.memory_space<vmem_shared>> -> memref<80x128xf32, #tpu.memory_space<vmem_shared>>
      tpu.enqueue_dma source(%arg14 : memref<80x128xf32, #tpu.memory_space<vmem>>) target(%dma_start3A_177 : memref<80x128xf32, #tpu.memory_space<vmem_shared>>) target_semaphore(%run_scoped3A : memref<!tpu.dma_semaphore, #tpu.memory_space<semaphore_mem>>)
      %dma_wait3A_178 = arith.constant 0 : i32
      %dma_wait3A_179 = tpu.memref_slice %arg18[%add3A_27, %dma_wait3A_178] : memref<10240x128xf32, #tpu.memory_space<vmem_shared>> -> memref<80x128xf32, #tpu.memory_space<vmem_shared>>
      %dma_wait3A_180 = arith.constant 0 : i32
      %dma_wait3A_181 = tpu.memref_slice %arg18[%add3A_27, %dma_wait3A_180] : memref<10240x128xf32, #tpu.memory_space<vmem_shared>> -> memref<80x128xf32, #tpu.memory_space<vmem_shared>>
      tpu.wait_dma2 semaphore(%run_scoped3A : memref<!tpu.dma_semaphore, #tpu.memory_space<semaphore_mem>>) src(%arg14 : memref<80x128xf32, #tpu.memory_space<vmem>>) dst(%dma_wait3A_181 : memref<80x128xf32, #tpu.memory_space<vmem_shared>>)
      tpu.yield
    }) : () -> ()
    %barrier3A = arith.constant 0 : index
    tpu.barrier barrier_id(%barrier3A)
    %add3A_28 = arith.constant 0 : i32
    %add3A_29 = arith.addi %mul3A_4, %add3A_28 : i32
    %dma_start3A = tpu.memref_slice %arg2[%add3A_29] : memref<320000xi32, #tpu.memory_space<hbm>> -> memref<80xi32, #tpu.memory_space<hbm>>
    %dma_start3A_30 = tpu.memref_slice %arg2[%add3A_29] : memref<320000xi32, #tpu.memory_space<hbm>> -> memref<80xi32, #tpu.memory_space<hbm>>
    tpu.enqueue_dma source(%dma_start3A_30 : memref<80xi32, #tpu.memory_space<hbm>>) target(%arg6 : memref<80xi32, #tpu.memory_space<vmem>>) target_semaphore(%arg19 : memref<!tpu.dma_semaphore, #tpu.memory_space<semaphore_mem>>)
    %add3A_31 = arith.constant 0 : i32
    %add3A_32 = arith.addi %mul3A_4, %add3A_31 : i32
    %dma_start3A_33 = tpu.memref_slice %arg3[%add3A_32] : memref<320000xi32, #tpu.memory_space<hbm>> -> memref<80xi32, #tpu.memory_space<hbm>>
    %dma_start3A_34 = tpu.memref_slice %arg3[%add3A_32] : memref<320000xi32, #tpu.memory_space<hbm>> -> memref<80xi32, #tpu.memory_space<hbm>>
    tpu.enqueue_dma source(%dma_start3A_34 : memref<80xi32, #tpu.memory_space<hbm>>) target(%arg10 : memref<80xi32, #tpu.memory_space<vmem>>) target_semaphore(%arg19 : memref<!tpu.dma_semaphore, #tpu.memory_space<semaphore_mem>>)
    %add3A_35 = arith.constant 80 : i32
    %add3A_36 = arith.addi %mul3A_4, %add3A_35 : i32
    %dma_start3A_37 = tpu.memref_slice %arg2[%add3A_36] : memref<320000xi32, #tpu.memory_space<hbm>> -> memref<80xi32, #tpu.memory_space<hbm>>
    %dma_start3A_38 = tpu.memref_slice %arg2[%add3A_36] : memref<320000xi32, #tpu.memory_space<hbm>> -> memref<80xi32, #tpu.memory_space<hbm>>
    tpu.enqueue_dma source(%dma_start3A_38 : memref<80xi32, #tpu.memory_space<hbm>>) target(%arg7 : memref<80xi32, #tpu.memory_space<vmem>>) target_semaphore(%arg20 : memref<!tpu.dma_semaphore, #tpu.memory_space<semaphore_mem>>)
    %add3A_39 = arith.constant 80 : i32
    %add3A_40 = arith.addi %mul3A_4, %add3A_39 : i32
    %dma_start3A_41 = tpu.memref_slice %arg3[%add3A_40] : memref<320000xi32, #tpu.memory_space<hbm>> -> memref<80xi32, #tpu.memory_space<hbm>>
    %dma_start3A_42 = tpu.memref_slice %arg3[%add3A_40] : memref<320000xi32, #tpu.memory_space<hbm>> -> memref<80xi32, #tpu.memory_space<hbm>>
    tpu.enqueue_dma source(%dma_start3A_42 : memref<80xi32, #tpu.memory_space<hbm>>) target(%arg11 : memref<80xi32, #tpu.memory_space<vmem>>) target_semaphore(%arg20 : memref<!tpu.dma_semaphore, #tpu.memory_space<semaphore_mem>>)
    %add3A_43 = arith.constant 160 : i32
    %add3A_44 = arith.addi %mul3A_4, %add3A_43 : i32
    %dma_start3A_45 = tpu.memref_slice %arg2[%add3A_44] : memref<320000xi32, #tpu.memory_space<hbm>> -> memref<80xi32, #tpu.memory_space<hbm>>
    %dma_start3A_46 = tpu.memref_slice %arg2[%add3A_44] : memref<320000xi32, #tpu.memory_space<hbm>> -> memref<80xi32, #tpu.memory_space<hbm>>
    tpu.enqueue_dma source(%dma_start3A_46 : memref<80xi32, #tpu.memory_space<hbm>>) target(%arg8 : memref<80xi32, #tpu.memory_space<vmem>>) target_semaphore(%arg21 : memref<!tpu.dma_semaphore, #tpu.memory_space<semaphore_mem>>)
    %add3A_47 = arith.constant 160 : i32
    %add3A_48 = arith.addi %mul3A_4, %add3A_47 : i32
    %dma_start3A_49 = tpu.memref_slice %arg3[%add3A_48] : memref<320000xi32, #tpu.memory_space<hbm>> -> memref<80xi32, #tpu.memory_space<hbm>>
    %dma_start3A_50 = tpu.memref_slice %arg3[%add3A_48] : memref<320000xi32, #tpu.memory_space<hbm>> -> memref<80xi32, #tpu.memory_space<hbm>>
    tpu.enqueue_dma source(%dma_start3A_50 : memref<80xi32, #tpu.memory_space<hbm>>) target(%arg12 : memref<80xi32, #tpu.memory_space<vmem>>) target_semaphore(%arg21 : memref<!tpu.dma_semaphore, #tpu.memory_space<semaphore_mem>>)
    %add3A_51 = arith.constant 240 : i32
    %add3A_52 = arith.addi %mul3A_4, %add3A_51 : i32
    %dma_start3A_53 = tpu.memref_slice %arg2[%add3A_52] : memref<320000xi32, #tpu.memory_space<hbm>> -> memref<80xi32, #tpu.memory_space<hbm>>
    %dma_start3A_54 = tpu.memref_slice %arg2[%add3A_52] : memref<320000xi32, #tpu.memory_space<hbm>> -> memref<80xi32, #tpu.memory_space<hbm>>
    tpu.enqueue_dma source(%dma_start3A_54 : memref<80xi32, #tpu.memory_space<hbm>>) target(%arg9 : memref<80xi32, #tpu.memory_space<vmem>>) target_semaphore(%arg22 : memref<!tpu.dma_semaphore, #tpu.memory_space<semaphore_mem>>)
    %add3A_55 = arith.constant 240 : i32
    %add3A_56 = arith.addi %mul3A_4, %add3A_55 : i32
    %dma_start3A_57 = tpu.memref_slice %arg3[%add3A_56] : memref<320000xi32, #tpu.memory_space<hbm>> -> memref<80xi32, #tpu.memory_space<hbm>>
    %dma_start3A_58 = tpu.memref_slice %arg3[%add3A_56] : memref<320000xi32, #tpu.memory_space<hbm>> -> memref<80xi32, #tpu.memory_space<hbm>>
    tpu.enqueue_dma source(%dma_start3A_58 : memref<80xi32, #tpu.memory_space<hbm>>) target(%arg13 : memref<80xi32, #tpu.memory_space<vmem>>) target_semaphore(%arg22 : memref<!tpu.dma_semaphore, #tpu.memory_space<semaphore_mem>>)
    %add3A_59 = arith.constant 0 : i32
    %add3A_60 = arith.addi %mul3A_4, %add3A_59 : i32
    %dma_wait3A = tpu.memref_slice %arg2[%add3A_60] : memref<320000xi32, #tpu.memory_space<hbm>> -> memref<80xi32, #tpu.memory_space<hbm>>
    %dma_wait3A_61 = tpu.memref_slice %arg2[%add3A_60] : memref<320000xi32, #tpu.memory_space<hbm>> -> memref<80xi32, #tpu.memory_space<hbm>>
    tpu.wait_dma2 semaphore(%arg19 : memref<!tpu.dma_semaphore, #tpu.memory_space<semaphore_mem>>) src(%dma_wait3A_61 : memref<80xi32, #tpu.memory_space<hbm>>) dst(%arg6 : memref<80xi32, #tpu.memory_space<vmem>>)
    %add3A_62 = arith.constant 0 : i32
    %add3A_63 = arith.addi %mul3A_4, %add3A_62 : i32
    %dma_wait3A_64 = tpu.memref_slice %arg3[%add3A_63] : memref<320000xi32, #tpu.memory_space<hbm>> -> memref<80xi32, #tpu.memory_space<hbm>>
    %dma_wait3A_65 = tpu.memref_slice %arg3[%add3A_63] : memref<320000xi32, #tpu.memory_space<hbm>> -> memref<80xi32, #tpu.memory_space<hbm>>
    tpu.wait_dma2 semaphore(%arg19 : memref<!tpu.dma_semaphore, #tpu.memory_space<semaphore_mem>>) src(%dma_wait3A_65 : memref<80xi32, #tpu.memory_space<hbm>>) dst(%arg10 : memref<80xi32, #tpu.memory_space<vmem>>)
    %dma_start3A_66 = arith.constant 0 : i32
    %dma_start3A_67 = arith.constant 0 : i32
    %dma_start3A_68 = tpu.memref_slice %arg4[%dma_start3A_66, %dma_start3A_67] : memref<10000x128xf32, #tpu.memory_space<hbm>> -> memref<10000x128xf32, #tpu.memory_space<hbm>>
    tpu.enqueue_indirect_dma source(%dma_start3A_68 : memref<10000x128xf32, #tpu.memory_space<hbm>>) target(%arg14 : memref<80x128xf32, #tpu.memory_space<vmem>>) offsets(%arg6 : memref<80xi32, #tpu.memory_space<vmem>>) semaphore(%arg23 : memref<!tpu.dma_semaphore, #tpu.memory_space<semaphore_mem>>)
    %add3A_69 = arith.constant 80 : i32
    %add3A_70 = arith.addi %mul3A_4, %add3A_69 : i32
    %dma_wait3A_71 = tpu.memref_slice %arg2[%add3A_70] : memref<320000xi32, #tpu.memory_space<hbm>> -> memref<80xi32, #tpu.memory_space<hbm>>
    %dma_wait3A_72 = tpu.memref_slice %arg2[%add3A_70] : memref<320000xi32, #tpu.memory_space<hbm>> -> memref<80xi32, #tpu.memory_space<hbm>>
    tpu.wait_dma2 semaphore(%arg20 : memref<!tpu.dma_semaphore, #tpu.memory_space<semaphore_mem>>) src(%dma_wait3A_72 : memref<80xi32, #tpu.memory_space<hbm>>) dst(%arg7 : memref<80xi32, #tpu.memory_space<vmem>>)
    %add3A_73 = arith.constant 80 : i32
    %add3A_74 = arith.addi %mul3A_4, %add3A_73 : i32
    %dma_wait3A_75 = tpu.memref_slice %arg3[%add3A_74] : memref<320000xi32, #tpu.memory_space<hbm>> -> memref<80xi32, #tpu.memory_space<hbm>>
    %dma_wait3A_76 = tpu.memref_slice %arg3[%add3A_74] : memref<320000xi32, #tpu.memory_space<hbm>> -> memref<80xi32, #tpu.memory_space<hbm>>
    tpu.wait_dma2 semaphore(%arg20 : memref<!tpu.dma_semaphore, #tpu.memory_space<semaphore_mem>>) src(%dma_wait3A_76 : memref<80xi32, #tpu.memory_space<hbm>>) dst(%arg11 : memref<80xi32, #tpu.memory_space<vmem>>)
    %dma_start3A_77 = arith.constant 0 : i32
    %dma_start3A_78 = arith.constant 0 : i32
    %dma_start3A_79 = tpu.memref_slice %arg4[%dma_start3A_77, %dma_start3A_78] : memref<10000x128xf32, #tpu.memory_space<hbm>> -> memref<10000x128xf32, #tpu.memory_space<hbm>>
    tpu.enqueue_indirect_dma source(%dma_start3A_79 : memref<10000x128xf32, #tpu.memory_space<hbm>>) target(%arg15 : memref<80x128xf32, #tpu.memory_space<vmem>>) offsets(%arg7 : memref<80xi32, #tpu.memory_space<vmem>>) semaphore(%arg24 : memref<!tpu.dma_semaphore, #tpu.memory_space<semaphore_mem>>)
    %add3A_80 = arith.constant 160 : i32
    %add3A_81 = arith.addi %mul3A_4, %add3A_80 : i32
    %dma_wait3A_82 = tpu.memref_slice %arg2[%add3A_81] : memref<320000xi32, #tpu.memory_space<hbm>> -> memref<80xi32, #tpu.memory_space<hbm>>
    %dma_wait3A_83 = tpu.memref_slice %arg2[%add3A_81] : memref<320000xi32, #tpu.memory_space<hbm>> -> memref<80xi32, #tpu.memory_space<hbm>>
    tpu.wait_dma2 semaphore(%arg21 : memref<!tpu.dma_semaphore, #tpu.memory_space<semaphore_mem>>) src(%dma_wait3A_83 : memref<80xi32, #tpu.memory_space<hbm>>) dst(%arg8 : memref<80xi32, #tpu.memory_space<vmem>>)
    %add3A_84 = arith.constant 160 : i32
    %add3A_85 = arith.addi %mul3A_4, %add3A_84 : i32
    %dma_wait3A_86 = tpu.memref_slice %arg3[%add3A_85] : memref<320000xi32, #tpu.memory_space<hbm>> -> memref<80xi32, #tpu.memory_space<hbm>>
    %dma_wait3A_87 = tpu.memref_slice %arg3[%add3A_85] : memref<320000xi32, #tpu.memory_space<hbm>> -> memref<80xi32, #tpu.memory_space<hbm>>
    tpu.wait_dma2 semaphore(%arg21 : memref<!tpu.dma_semaphore, #tpu.memory_space<semaphore_mem>>) src(%dma_wait3A_87 : memref<80xi32, #tpu.memory_space<hbm>>) dst(%arg12 : memref<80xi32, #tpu.memory_space<vmem>>)
    %dma_start3A_88 = arith.constant 0 : i32
    %dma_start3A_89 = arith.constant 0 : i32
    %dma_start3A_90 = tpu.memref_slice %arg4[%dma_start3A_88, %dma_start3A_89] : memref<10000x128xf32, #tpu.memory_space<hbm>> -> memref<10000x128xf32, #tpu.memory_space<hbm>>
    tpu.enqueue_indirect_dma source(%dma_start3A_90 : memref<10000x128xf32, #tpu.memory_space<hbm>>) target(%arg16 : memref<80x128xf32, #tpu.memory_space<vmem>>) offsets(%arg8 : memref<80xi32, #tpu.memory_space<vmem>>) semaphore(%arg25 : memref<!tpu.dma_semaphore, #tpu.memory_space<semaphore_mem>>)
    %add3A_91 = arith.constant 240 : i32
    %add3A_92 = arith.addi %mul3A_4, %add3A_91 : i32
    %dma_wait3A_93 = tpu.memref_slice %arg2[%add3A_92] : memref<320000xi32, #tpu.memory_space<hbm>> -> memref<80xi32, #tpu.memory_space<hbm>>
    %dma_wait3A_94 = tpu.memref_slice %arg2[%add3A_92] : memref<320000xi32, #tpu.memory_space<hbm>> -> memref<80xi32, #tpu.memory_space<hbm>>
    tpu.wait_dma2 semaphore(%arg22 : memref<!tpu.dma_semaphore, #tpu.memory_space<semaphore_mem>>) src(%dma_wait3A_94 : memref<80xi32, #tpu.memory_space<hbm>>) dst(%arg9 : memref<80xi32, #tpu.memory_space<vmem>>)
    %add3A_95 = arith.constant 240 : i32
    %add3A_96 = arith.addi %mul3A_4, %add3A_95 : i32
    %dma_wait3A_97 = tpu.memref_slice %arg3[%add3A_96] : memref<320000xi32, #tpu.memory_space<hbm>> -> memref<80xi32, #tpu.memory_space<hbm>>
    %dma_wait3A_98 = tpu.memref_slice %arg3[%add3A_96] : memref<320000xi32, #tpu.memory_space<hbm>> -> memref<80xi32, #tpu.memory_space<hbm>>
    tpu.wait_dma2 semaphore(%arg22 : memref<!tpu.dma_semaphore, #tpu.memory_space<semaphore_mem>>) src(%dma_wait3A_98 : memref<80xi32, #tpu.memory_space<hbm>>) dst(%arg13 : memref<80xi32, #tpu.memory_space<vmem>>)
    %dma_start3A_99 = arith.constant 0 : i32
    %dma_start3A_100 = arith.constant 0 : i32
    %dma_start3A_101 = tpu.memref_slice %arg4[%dma_start3A_99, %dma_start3A_100] : memref<10000x128xf32, #tpu.memory_space<hbm>> -> memref<10000x128xf32, #tpu.memory_space<hbm>>
    tpu.enqueue_indirect_dma source(%dma_start3A_101 : memref<10000x128xf32, #tpu.memory_space<hbm>>) target(%arg17 : memref<80x128xf32, #tpu.memory_space<vmem>>) offsets(%arg9 : memref<80xi32, #tpu.memory_space<vmem>>) semaphore(%arg26 : memref<!tpu.dma_semaphore, #tpu.memory_space<semaphore_mem>>)
    %dma_wait3A_102 = arith.constant 0 : i32
    %dma_wait3A_103 = arith.constant 0 : i32
    %dma_wait3A_104 = tpu.memref_slice %arg4[%dma_wait3A_102, %dma_wait3A_103] : memref<10000x128xf32, #tpu.memory_space<hbm>> -> memref<10000x128xf32, #tpu.memory_space<hbm>>
    tpu.wait_indirect_dma semaphore(%arg23 : memref<!tpu.dma_semaphore, #tpu.memory_space<semaphore_mem>>) src(%dma_wait3A_104 : memref<10000x128xf32, #tpu.memory_space<hbm>>) dst(%arg14 : memref<80x128xf32, #tpu.memory_space<vmem>>)
    %dma_start3A_105 = arith.constant 0 : i32
    %dma_start3A_106 = arith.constant 0 : i32
    %dma_start3A_107 = tpu.memref_slice %arg18[%dma_start3A_105, %dma_start3A_106] : memref<10240x128xf32, #tpu.memory_space<vmem_shared>> -> memref<10240x128xf32, #tpu.memory_space<vmem_shared>>
    tpu.enqueue_indirect_dma source(%arg14 : memref<80x128xf32, #tpu.memory_space<vmem>>) target(%dma_start3A_107 : memref<10240x128xf32, #tpu.memory_space<vmem_shared>>) offsets(%arg10 : memref<80xi32, #tpu.memory_space<vmem>>) semaphore(%arg27 : memref<!tpu.dma_semaphore, #tpu.memory_space<semaphore_mem>>) {add = true}
    %dma_wait3A_108 = arith.constant 0 : i32
    %dma_wait3A_109 = arith.constant 0 : i32
    %dma_wait3A_110 = tpu.memref_slice %arg4[%dma_wait3A_108, %dma_wait3A_109] : memref<10000x128xf32, #tpu.memory_space<hbm>> -> memref<10000x128xf32, #tpu.memory_space<hbm>>
    tpu.wait_indirect_dma semaphore(%arg24 : memref<!tpu.dma_semaphore, #tpu.memory_space<semaphore_mem>>) src(%dma_wait3A_110 : memref<10000x128xf32, #tpu.memory_space<hbm>>) dst(%arg15 : memref<80x128xf32, #tpu.memory_space<vmem>>)
    %dma_start3A_111 = arith.constant 0 : i32
    %dma_start3A_112 = arith.constant 0 : i32
    %dma_start3A_113 = tpu.memref_slice %arg18[%dma_start3A_111, %dma_start3A_112] : memref<10240x128xf32, #tpu.memory_space<vmem_shared>> -> memref<10240x128xf32, #tpu.memory_space<vmem_shared>>
    tpu.enqueue_indirect_dma source(%arg15 : memref<80x128xf32, #tpu.memory_space<vmem>>) target(%dma_start3A_113 : memref<10240x128xf32, #tpu.memory_space<vmem_shared>>) offsets(%arg11 : memref<80xi32, #tpu.memory_space<vmem>>) semaphore(%arg28 : memref<!tpu.dma_semaphore, #tpu.memory_space<semaphore_mem>>) {add = true}
    %dma_wait3A_114 = arith.constant 0 : i32
    %dma_wait3A_115 = arith.constant 0 : i32
    %dma_wait3A_116 = tpu.memref_slice %arg4[%dma_wait3A_114, %dma_wait3A_115] : memref<10000x128xf32, #tpu.memory_space<hbm>> -> memref<10000x128xf32, #tpu.memory_space<hbm>>
    tpu.wait_indirect_dma semaphore(%arg25 : memref<!tpu.dma_semaphore, #tpu.memory_space<semaphore_mem>>) src(%dma_wait3A_116 : memref<10000x128xf32, #tpu.memory_space<hbm>>) dst(%arg16 : memref<80x128xf32, #tpu.memory_space<vmem>>)
    %dma_start3A_117 = arith.constant 0 : i32
    %dma_start3A_118 = arith.constant 0 : i32
    %dma_start3A_119 = tpu.memref_slice %arg18[%dma_start3A_117, %dma_start3A_118] : memref<10240x128xf32, #tpu.memory_space<vmem_shared>> -> memref<10240x128xf32, #tpu.memory_space<vmem_shared>>
    tpu.enqueue_indirect_dma source(%arg16 : memref<80x128xf32, #tpu.memory_space<vmem>>) target(%dma_start3A_119 : memref<10240x128xf32, #tpu.memory_space<vmem_shared>>) offsets(%arg12 : memref<80xi32, #tpu.memory_space<vmem>>) semaphore(%arg29 : memref<!tpu.dma_semaphore, #tpu.memory_space<semaphore_mem>>) {add = true}
    %dma_wait3A_120 = arith.constant 0 : i32
    %dma_wait3A_121 = arith.constant 0 : i32
    %dma_wait3A_122 = tpu.memref_slice %arg4[%dma_wait3A_120, %dma_wait3A_121] : memref<10000x128xf32, #tpu.memory_space<hbm>> -> memref<10000x128xf32, #tpu.memory_space<hbm>>
    tpu.wait_indirect_dma semaphore(%arg26 : memref<!tpu.dma_semaphore, #tpu.memory_space<semaphore_mem>>) src(%dma_wait3A_122 : memref<10000x128xf32, #tpu.memory_space<hbm>>) dst(%arg17 : memref<80x128xf32, #tpu.memory_space<vmem>>)
    %dma_start3A_123 = arith.constant 0 : i32
    %dma_start3A_124 = arith.constant 0 : i32
    %dma_start3A_125 = tpu.memref_slice %arg18[%dma_start3A_123, %dma_start3A_124] : memref<10240x128xf32, #tpu.memory_space<vmem_shared>> -> memref<10240x128xf32, #tpu.memory_space<vmem_shared>>
    tpu.enqueue_indirect_dma source(%arg17 : memref<80x128xf32, #tpu.memory_space<vmem>>) target(%dma_start3A_125 : memref<10240x128xf32, #tpu.memory_space<vmem_shared>>) offsets(%arg13 : memref<80xi32, #tpu.memory_space<vmem>>) semaphore(%arg30 : memref<!tpu.dma_semaphore, #tpu.memory_space<semaphore_mem>>) {add = true}
    %scan3A_126 = arith.constant 0 : i32
    %scan3A_127 = arith.constant 1 : i32
    %scan3A_128 = arith.constant 30 : i32
    %scan3A_129 = arith.addi %scan3A_127, %scan3A_128 : i32
    %scan3A_130 = arith.constant 1 : i32
    %scan3A_131 = scf.for %scan3A_174 = %scan3A_127 to %scan3A_129 step %scan3A_130 iter_args(%scan3A_175 = %scan3A_126) -> (i32)  : i32 {
      %mul3A_176 = arith.constant 4 : i32
      %mul3A_177 = arith.muli %mul3A_176, %scan3A_174 : i32
      %dma_wait3A_178 = arith.constant 0 : i32
      %dma_wait3A_179 = arith.constant 0 : i32
      %dma_wait3A_180 = tpu.memref_slice %arg18[%dma_wait3A_178, %dma_wait3A_179] : memref<10240x128xf32, #tpu.memory_space<vmem_shared>> -> memref<10240x128xf32, #tpu.memory_space<vmem_shared>>
      tpu.wait_indirect_dma semaphore(%arg27 : memref<!tpu.dma_semaphore, #tpu.memory_space<semaphore_mem>>) src(%arg14 : memref<80x128xf32, #tpu.memory_space<vmem>>) dst(%dma_wait3A_180 : memref<10240x128xf32, #tpu.memory_space<vmem_shared>>)
      %add3A_181 = arith.constant 0 : i32
      %add3A_182 = arith.addi %mul3A_177, %add3A_181 : i32
      %mul3A_183 = arith.constant 80 : i32
      %mul3A_184 = arith.muli %add3A_182, %mul3A_183 : i32
      %add3A_185 = arith.addi %mul3A_4, %mul3A_184 : i32
      %dma_start3A_186 = tpu.memref_slice %arg2[%add3A_185] : memref<320000xi32, #tpu.memory_space<hbm>> -> memref<80xi32, #tpu.memory_space<hbm>>
      %dma_start3A_187 = tpu.memref_slice %arg2[%add3A_185] : memref<320000xi32, #tpu.memory_space<hbm>> -> memref<80xi32, #tpu.memory_space<hbm>>
      tpu.enqueue_dma source(%dma_start3A_187 : memref<80xi32, #tpu.memory_space<hbm>>) target(%arg6 : memref<80xi32, #tpu.memory_space<vmem>>) target_semaphore(%arg19 : memref<!tpu.dma_semaphore, #tpu.memory_space<semaphore_mem>>)
      %mul3A_188 = arith.constant 80 : i32
      %mul3A_189 = arith.muli %add3A_182, %mul3A_188 : i32
      %add3A_190 = arith.addi %mul3A_4, %mul3A_189 : i32
      %dma_start3A_191 = tpu.memref_slice %arg3[%add3A_190] : memref<320000xi32, #tpu.memory_space<hbm>> -> memref<80xi32, #tpu.memory_space<hbm>>
      %dma_start3A_192 = tpu.memref_slice %arg3[%add3A_190] : memref<320000xi32, #tpu.memory_space<hbm>> -> memref<80xi32, #tpu.memory_space<hbm>>
      tpu.enqueue_dma source(%dma_start3A_192 : memref<80xi32, #tpu.memory_space<hbm>>) target(%arg10 : memref<80xi32, #tpu.memory_space<vmem>>) target_semaphore(%arg19 : memref<!tpu.dma_semaphore, #tpu.memory_space<semaphore_mem>>)
      %dma_wait3A_193 = arith.constant 0 : i32
      %dma_wait3A_194 = arith.constant 0 : i32
      %dma_wait3A_195 = tpu.memref_slice %arg18[%dma_wait3A_193, %dma_wait3A_194] : memref<10240x128xf32, #tpu.memory_space<vmem_shared>> -> memref<10240x128xf32, #tpu.memory_space<vmem_shared>>
      tpu.wait_indirect_dma semaphore(%arg28 : memref<!tpu.dma_semaphore, #tpu.memory_space<semaphore_mem>>) src(%arg15 : memref<80x128xf32, #tpu.memory_space<vmem>>) dst(%dma_wait3A_195 : memref<10240x128xf32, #tpu.memory_space<vmem_shared>>)
      %add3A_196 = arith.constant 1 : i32
      %add3A_197 = arith.addi %mul3A_177, %add3A_196 : i32
      %mul3A_198 = arith.constant 80 : i32
      %mul3A_199 = arith.muli %add3A_197, %mul3A_198 : i32
      %add3A_200 = arith.addi %mul3A_4, %mul3A_199 : i32
      %dma_start3A_201 = tpu.memref_slice %arg2[%add3A_200] : memref<320000xi32, #tpu.memory_space<hbm>> -> memref<80xi32, #tpu.memory_space<hbm>>
      %dma_start3A_202 = tpu.memref_slice %arg2[%add3A_200] : memref<320000xi32, #tpu.memory_space<hbm>> -> memref<80xi32, #tpu.memory_space<hbm>>
      tpu.enqueue_dma source(%dma_start3A_202 : memref<80xi32, #tpu.memory_space<hbm>>) target(%arg7 : memref<80xi32, #tpu.memory_space<vmem>>) target_semaphore(%arg20 : memref<!tpu.dma_semaphore, #tpu.memory_space<semaphore_mem>>)
      %mul3A_203 = arith.constant 80 : i32
      %mul3A_204 = arith.muli %add3A_197, %mul3A_203 : i32
      %add3A_205 = arith.addi %mul3A_4, %mul3A_204 : i32
      %dma_start3A_206 = tpu.memref_slice %arg3[%add3A_205] : memref<320000xi32, #tpu.memory_space<hbm>> -> memref<80xi32, #tpu.memory_space<hbm>>
      %dma_start3A_207 = tpu.memref_slice %arg3[%add3A_205] : memref<320000xi32, #tpu.memory_space<hbm>> -> memref<80xi32, #tpu.memory_space<hbm>>
      tpu.enqueue_dma source(%dma_start3A_207 : memref<80xi32, #tpu.memory_space<hbm>>) target(%arg11 : memref<80xi32, #tpu.memory_space<vmem>>) target_semaphore(%arg20 : memref<!tpu.dma_semaphore, #tpu.memory_space<semaphore_mem>>)
      %dma_wait3A_208 = arith.constant 0 : i32
      %dma_wait3A_209 = arith.constant 0 : i32
      %dma_wait3A_210 = tpu.memref_slice %arg18[%dma_wait3A_208, %dma_wait3A_209] : memref<10240x128xf32, #tpu.memory_space<vmem_shared>> -> memref<10240x128xf32, #tpu.memory_space<vmem_shared>>
      tpu.wait_indirect_dma semaphore(%arg29 : memref<!tpu.dma_semaphore, #tpu.memory_space<semaphore_mem>>) src(%arg16 : memref<80x128xf32, #tpu.memory_space<vmem>>) dst(%dma_wait3A_210 : memref<10240x128xf32, #tpu.memory_space<vmem_shared>>)
      %add3A_211 = arith.constant 2 : i32
      %add3A_212 = arith.addi %mul3A_177, %add3A_211 : i32
      %mul3A_213 = arith.constant 80 : i32
      %mul3A_214 = arith.muli %add3A_212, %mul3A_213 : i32
      %add3A_215 = arith.addi %mul3A_4, %mul3A_214 : i32
      %dma_start3A_216 = tpu.memref_slice %arg2[%add3A_215] : memref<320000xi32, #tpu.memory_space<hbm>> -> memref<80xi32, #tpu.memory_space<hbm>>
      %dma_start3A_217 = tpu.memref_slice %arg2[%add3A_215] : memref<320000xi32, #tpu.memory_space<hbm>> -> memref<80xi32, #tpu.memory_space<hbm>>
      tpu.enqueue_dma source(%dma_start3A_217 : memref<80xi32, #tpu.memory_space<hbm>>) target(%arg8 : memref<80xi32, #tpu.memory_space<vmem>>) target_semaphore(%arg21 : memref<!tpu.dma_semaphore, #tpu.memory_space<semaphore_mem>>)
      %mul3A_218 = arith.constant 80 : i32
      %mul3A_219 = arith.muli %add3A_212, %mul3A_218 : i32
      %add3A_220 = arith.addi %mul3A_4, %mul3A_219 : i32
      %dma_start3A_221 = tpu.memref_slice %arg3[%add3A_220] : memref<320000xi32, #tpu.memory_space<hbm>> -> memref<80xi32, #tpu.memory_space<hbm>>
      %dma_start3A_222 = tpu.memref_slice %arg3[%add3A_220] : memref<320000xi32, #tpu.memory_space<hbm>> -> memref<80xi32, #tpu.memory_space<hbm>>
      tpu.enqueue_dma source(%dma_start3A_222 : memref<80xi32, #tpu.memory_space<hbm>>) target(%arg12 : memref<80xi32, #tpu.memory_space<vmem>>) target_semaphore(%arg21 : memref<!tpu.dma_semaphore, #tpu.memory_space<semaphore_mem>>)
      %dma_wait3A_223 = arith.constant 0 : i32
      %dma_wait3A_224 = arith.constant 0 : i32
      %dma_wait3A_225 = tpu.memref_slice %arg18[%dma_wait3A_223, %dma_wait3A_224] : memref<10240x128xf32, #tpu.memory_space<vmem_shared>> -> memref<10240x128xf32, #tpu.memory_space<vmem_shared>>
      tpu.wait_indirect_dma semaphore(%arg30 : memref<!tpu.dma_semaphore, #tpu.memory_space<semaphore_mem>>) src(%arg17 : memref<80x128xf32, #tpu.memory_space<vmem>>) dst(%dma_wait3A_225 : memref<10240x128xf32, #tpu.memory_space<vmem_shared>>)
      %add3A_226 = arith.constant 3 : i32
      %add3A_227 = arith.addi %mul3A_177, %add3A_226 : i32
      %mul3A_228 = arith.constant 80 : i32
      %mul3A_229 = arith.muli %add3A_227, %mul3A_228 : i32
      %add3A_230 = arith.addi %mul3A_4, %mul3A_229 : i32
      %dma_start3A_231 = tpu.memref_slice %arg2[%add3A_230] : memref<320000xi32, #tpu.memory_space<hbm>> -> memref<80xi32, #tpu.memory_space<hbm>>
      %dma_start3A_232 = tpu.memref_slice %arg2[%add3A_230] : memref<320000xi32, #tpu.memory_space<hbm>> -> memref<80xi32, #tpu.memory_space<hbm>>
      tpu.enqueue_dma source(%dma_start3A_232 : memref<80xi32, #tpu.memory_space<hbm>>) target(%arg9 : memref<80xi32, #tpu.memory_space<vmem>>) target_semaphore(%arg22 : memref<!tpu.dma_semaphore, #tpu.memory_space<semaphore_mem>>)
      %mul3A_233 = arith.constant 80 : i32
      %mul3A_234 = arith.muli %add3A_227, %mul3A_233 : i32
      %add3A_235 = arith.addi %mul3A_4, %mul3A_234 : i32
      %dma_start3A_236 = tpu.memref_slice %arg3[%add3A_235] : memref<320000xi32, #tpu.memory_space<hbm>> -> memref<80xi32, #tpu.memory_space<hbm>>
      %dma_start3A_237 = tpu.memref_slice %arg3[%add3A_235] : memref<320000xi32, #tpu.memory_space<hbm>> -> memref<80xi32, #tpu.memory_space<hbm>>
      tpu.enqueue_dma source(%dma_start3A_237 : memref<80xi32, #tpu.memory_space<hbm>>) target(%arg13 : memref<80xi32, #tpu.memory_space<vmem>>) target_semaphore(%arg22 : memref<!tpu.dma_semaphore, #tpu.memory_space<semaphore_mem>>)
      %add3A_238 = arith.constant 0 : i32
      %add3A_239 = arith.addi %mul3A_177, %add3A_238 : i32
      %mul3A_240 = arith.constant 80 : i32
      %mul3A_241 = arith.muli %add3A_239, %mul3A_240 : i32
      %add3A_242 = arith.addi %mul3A_4, %mul3A_241 : i32
      %dma_wait3A_243 = tpu.memref_slice %arg2[%add3A_242] : memref<320000xi32, #tpu.memory_space<hbm>> -> memref<80xi32, #tpu.memory_space<hbm>>
      %dma_wait3A_244 = tpu.memref_slice %arg2[%add3A_242] : memref<320000xi32, #tpu.memory_space<hbm>> -> memref<80xi32, #tpu.memory_space<hbm>>
      tpu.wait_dma2 semaphore(%arg19 : memref<!tpu.dma_semaphore, #tpu.memory_space<semaphore_mem>>) src(%dma_wait3A_244 : memref<80xi32, #tpu.memory_space<hbm>>) dst(%arg6 : memref<80xi32, #tpu.memory_space<vmem>>)
      %mul3A_245 = arith.constant 80 : i32
      %mul3A_246 = arith.muli %add3A_239, %mul3A_245 : i32
      %add3A_247 = arith.addi %mul3A_4, %mul3A_246 : i32
      %dma_wait3A_248 = tpu.memref_slice %arg3[%add3A_247] : memref<320000xi32, #tpu.memory_space<hbm>> -> memref<80xi32, #tpu.memory_space<hbm>>
      %dma_wait3A_249 = tpu.memref_slice %arg3[%add3A_247] : memref<320000xi32, #tpu.memory_space<hbm>> -> memref<80xi32, #tpu.memory_space<hbm>>
      tpu.wait_dma2 semaphore(%arg19 : memref<!tpu.dma_semaphore, #tpu.memory_space<semaphore_mem>>) src(%dma_wait3A_249 : memref<80xi32, #tpu.memory_space<hbm>>) dst(%arg10 : memref<80xi32, #tpu.memory_space<vmem>>)
      %dma_start3A_250 = arith.constant 0 : i32
      %dma_start3A_251 = arith.constant 0 : i32
      %dma_start3A_252 = tpu.memref_slice %arg4[%dma_start3A_250, %dma_start3A_251] : memref<10000x128xf32, #tpu.memory_space<hbm>> -> memref<10000x128xf32, #tpu.memory_space<hbm>>
      tpu.enqueue_indirect_dma source(%dma_start3A_252 : memref<10000x128xf32, #tpu.memory_space<hbm>>) target(%arg14 : memref<80x128xf32, #tpu.memory_space<vmem>>) offsets(%arg6 : memref<80xi32, #tpu.memory_space<vmem>>) semaphore(%arg23 : memref<!tpu.dma_semaphore, #tpu.memory_space<semaphore_mem>>)
      %add3A_253 = arith.constant 1 : i32
      %add3A_254 = arith.addi %mul3A_177, %add3A_253 : i32
      %mul3A_255 = arith.constant 80 : i32
      %mul3A_256 = arith.muli %add3A_254, %mul3A_255 : i32
      %add3A_257 = arith.addi %mul3A_4, %mul3A_256 : i32
      %dma_wait3A_258 = tpu.memref_slice %arg2[%add3A_257] : memref<320000xi32, #tpu.memory_space<hbm>> -> memref<80xi32, #tpu.memory_space<hbm>>
      %dma_wait3A_259 = tpu.memref_slice %arg2[%add3A_257] : memref<320000xi32, #tpu.memory_space<hbm>> -> memref<80xi32, #tpu.memory_space<hbm>>
      tpu.wait_dma2 semaphore(%arg20 : memref<!tpu.dma_semaphore, #tpu.memory_space<semaphore_mem>>) src(%dma_wait3A_259 : memref<80xi32, #tpu.memory_space<hbm>>) dst(%arg7 : memref<80xi32, #tpu.memory_space<vmem>>)
      %mul3A_260 = arith.constant 80 : i32
      %mul3A_261 = arith.muli %add3A_254, %mul3A_260 : i32
      %add3A_262 = arith.addi %mul3A_4, %mul3A_261 : i32
      %dma_wait3A_263 = tpu.memref_slice %arg3[%add3A_262] : memref<320000xi32, #tpu.memory_space<hbm>> -> memref<80xi32, #tpu.memory_space<hbm>>
      %dma_wait3A_264 = tpu.memref_slice %arg3[%add3A_262] : memref<320000xi32, #tpu.memory_space<hbm>> -> memref<80xi32, #tpu.memory_space<hbm>>
      tpu.wait_dma2 semaphore(%arg20 : memref<!tpu.dma_semaphore, #tpu.memory_space<semaphore_mem>>) src(%dma_wait3A_264 : memref<80xi32, #tpu.memory_space<hbm>>) dst(%arg11 : memref<80xi32, #tpu.memory_space<vmem>>)
      %dma_start3A_265 = arith.constant 0 : i32
      %dma_start3A_266 = arith.constant 0 : i32
      %dma_start3A_267 = tpu.memref_slice %arg4[%dma_start3A_265, %dma_start3A_266] : memref<10000x128xf32, #tpu.memory_space<hbm>> -> memref<10000x128xf32, #tpu.memory_space<hbm>>
      tpu.enqueue_indirect_dma source(%dma_start3A_267 : memref<10000x128xf32, #tpu.memory_space<hbm>>) target(%arg15 : memref<80x128xf32, #tpu.memory_space<vmem>>) offsets(%arg7 : memref<80xi32, #tpu.memory_space<vmem>>) semaphore(%arg24 : memref<!tpu.dma_semaphore, #tpu.memory_space<semaphore_mem>>)
      %add3A_268 = arith.constant 2 : i32
      %add3A_269 = arith.addi %mul3A_177, %add3A_268 : i32
      %mul3A_270 = arith.constant 80 : i32
      %mul3A_271 = arith.muli %add3A_269, %mul3A_270 : i32
      %add3A_272 = arith.addi %mul3A_4, %mul3A_271 : i32
      %dma_wait3A_273 = tpu.memref_slice %arg2[%add3A_272] : memref<320000xi32, #tpu.memory_space<hbm>> -> memref<80xi32, #tpu.memory_space<hbm>>
      %dma_wait3A_274 = tpu.memref_slice %arg2[%add3A_272] : memref<320000xi32, #tpu.memory_space<hbm>> -> memref<80xi32, #tpu.memory_space<hbm>>
      tpu.wait_dma2 semaphore(%arg21 : memref<!tpu.dma_semaphore, #tpu.memory_space<semaphore_mem>>) src(%dma_wait3A_274 : memref<80xi32, #tpu.memory_space<hbm>>) dst(%arg8 : memref<80xi32, #tpu.memory_space<vmem>>)
      %mul3A_275 = arith.constant 80 : i32
      %mul3A_276 = arith.muli %add3A_269, %mul3A_275 : i32
      %add3A_277 = arith.addi %mul3A_4, %mul3A_276 : i32
      %dma_wait3A_278 = tpu.memref_slice %arg3[%add3A_277] : memref<320000xi32, #tpu.memory_space<hbm>> -> memref<80xi32, #tpu.memory_space<hbm>>
      %dma_wait3A_279 = tpu.memref_slice %arg3[%add3A_277] : memref<320000xi32, #tpu.memory_space<hbm>> -> memref<80xi32, #tpu.memory_space<hbm>>
      tpu.wait_dma2 semaphore(%arg21 : memref<!tpu.dma_semaphore, #tpu.memory_space<semaphore_mem>>) src(%dma_wait3A_279 : memref<80xi32, #tpu.memory_space<hbm>>) dst(%arg12 : memref<80xi32, #tpu.memory_space<vmem>>)
      %dma_start3A_280 = arith.constant 0 : i32
      %dma_start3A_281 = arith.constant 0 : i32
      %dma_start3A_282 = tpu.memref_slice %arg4[%dma_start3A_280, %dma_start3A_281] : memref<10000x128xf32, #tpu.memory_space<hbm>> -> memref<10000x128xf32, #tpu.memory_space<hbm>>
      tpu.enqueue_indirect_dma source(%dma_start3A_282 : memref<10000x128xf32, #tpu.memory_space<hbm>>) target(%arg16 : memref<80x128xf32, #tpu.memory_space<vmem>>) offsets(%arg8 : memref<80xi32, #tpu.memory_space<vmem>>) semaphore(%arg25 : memref<!tpu.dma_semaphore, #tpu.memory_space<semaphore_mem>>)
      %add3A_283 = arith.constant 3 : i32
      %add3A_284 = arith.addi %mul3A_177, %add3A_283 : i32
      %mul3A_285 = arith.constant 80 : i32
      %mul3A_286 = arith.muli %add3A_284, %mul3A_285 : i32
      %add3A_287 = arith.addi %mul3A_4, %mul3A_286 : i32
      %dma_wait3A_288 = tpu.memref_slice %arg2[%add3A_287] : memref<320000xi32, #tpu.memory_space<hbm>> -> memref<80xi32, #tpu.memory_space<hbm>>
      %dma_wait3A_289 = tpu.memref_slice %arg2[%add3A_287] : memref<320000xi32, #tpu.memory_space<hbm>> -> memref<80xi32, #tpu.memory_space<hbm>>
      tpu.wait_dma2 semaphore(%arg22 : memref<!tpu.dma_semaphore, #tpu.memory_space<semaphore_mem>>) src(%dma_wait3A_289 : memref<80xi32, #tpu.memory_space<hbm>>) dst(%arg9 : memref<80xi32, #tpu.memory_space<vmem>>)
      %mul3A_290 = arith.constant 80 : i32
      %mul3A_291 = arith.muli %add3A_284, %mul3A_290 : i32
      %add3A_292 = arith.addi %mul3A_4, %mul3A_291 : i32
      %dma_wait3A_293 = tpu.memref_slice %arg3[%add3A_292] : memref<320000xi32, #tpu.memory_space<hbm>> -> memref<80xi32, #tpu.memory_space<hbm>>
      %dma_wait3A_294 = tpu.memref_slice %arg3[%add3A_292] : memref<320000xi32, #tpu.memory_space<hbm>> -> memref<80xi32, #tpu.memory_space<hbm>>
      tpu.wait_dma2 semaphore(%arg22 : memref<!tpu.dma_semaphore, #tpu.memory_space<semaphore_mem>>) src(%dma_wait3A_294 : memref<80xi32, #tpu.memory_space<hbm>>) dst(%arg13 : memref<80xi32, #tpu.memory_space<vmem>>)
      %dma_start3A_295 = arith.constant 0 : i32
      %dma_start3A_296 = arith.constant 0 : i32
      %dma_start3A_297 = tpu.memref_slice %arg4[%dma_start3A_295, %dma_start3A_296] : memref<10000x128xf32, #tpu.memory_space<hbm>> -> memref<10000x128xf32, #tpu.memory_space<hbm>>
      tpu.enqueue_indirect_dma source(%dma_start3A_297 : memref<10000x128xf32, #tpu.memory_space<hbm>>) target(%arg17 : memref<80x128xf32, #tpu.memory_space<vmem>>) offsets(%arg9 : memref<80xi32, #tpu.memory_space<vmem>>) semaphore(%arg26 : memref<!tpu.dma_semaphore, #tpu.memory_space<semaphore_mem>>)
      %dma_wait3A_298 = arith.constant 0 : i32
      %dma_wait3A_299 = arith.constant 0 : i32
      %dma_wait3A_300 = tpu.memref_slice %arg4[%dma_wait3A_298, %dma_wait3A_299] : memref<10000x128xf32, #tpu.memory_space<hbm>> -> memref<10000x128xf32, #tpu.memory_space<hbm>>
      tpu.wait_indirect_dma semaphore(%arg23 : memref<!tpu.dma_semaphore, #tpu.memory_space<semaphore_mem>>) src(%dma_wait3A_300 : memref<10000x128xf32, #tpu.memory_space<hbm>>) dst(%arg14 : memref<80x128xf32, #tpu.memory_space<vmem>>)
      %dma_start3A_301 = arith.constant 0 : i32
      %dma_start3A_302 = arith.constant 0 : i32
      %dma_start3A_303 = tpu.memref_slice %arg18[%dma_start3A_301, %dma_start3A_302] : memref<10240x128xf32, #tpu.memory_space<vmem_shared>> -> memref<10240x128xf32, #tpu.memory_space<vmem_shared>>
      tpu.enqueue_indirect_dma source(%arg14 : memref<80x128xf32, #tpu.memory_space<vmem>>) target(%dma_start3A_303 : memref<10240x128xf32, #tpu.memory_space<vmem_shared>>) offsets(%arg10 : memref<80xi32, #tpu.memory_space<vmem>>) semaphore(%arg27 : memref<!tpu.dma_semaphore, #tpu.memory_space<semaphore_mem>>) {add = true}
      %dma_wait3A_304 = arith.constant 0 : i32
      %dma_wait3A_305 = arith.constant 0 : i32
      %dma_wait3A_306 = tpu.memref_slice %arg4[%dma_wait3A_304, %dma_wait3A_305] : memref<10000x128xf32, #tpu.memory_space<hbm>> -> memref<10000x128xf32, #tpu.memory_space<hbm>>
      tpu.wait_indirect_dma semaphore(%arg24 : memref<!tpu.dma_semaphore, #tpu.memory_space<semaphore_mem>>) src(%dma_wait3A_306 : memref<10000x128xf32, #tpu.memory_space<hbm>>) dst(%arg15 : memref<80x128xf32, #tpu.memory_space<vmem>>)
      %dma_start3A_307 = arith.constant 0 : i32
      %dma_start3A_308 = arith.constant 0 : i32
      %dma_start3A_309 = tpu.memref_slice %arg18[%dma_start3A_307, %dma_start3A_308] : memref<10240x128xf32, #tpu.memory_space<vmem_shared>> -> memref<10240x128xf32, #tpu.memory_space<vmem_shared>>
      tpu.enqueue_indirect_dma source(%arg15 : memref<80x128xf32, #tpu.memory_space<vmem>>) target(%dma_start3A_309 : memref<10240x128xf32, #tpu.memory_space<vmem_shared>>) offsets(%arg11 : memref<80xi32, #tpu.memory_space<vmem>>) semaphore(%arg28 : memref<!tpu.dma_semaphore, #tpu.memory_space<semaphore_mem>>) {add = true}
      %dma_wait3A_310 = arith.constant 0 : i32
      %dma_wait3A_311 = arith.constant 0 : i32
      %dma_wait3A_312 = tpu.memref_slice %arg4[%dma_wait3A_310, %dma_wait3A_311] : memref<10000x128xf32, #tpu.memory_space<hbm>> -> memref<10000x128xf32, #tpu.memory_space<hbm>>
      tpu.wait_indirect_dma semaphore(%arg25 : memref<!tpu.dma_semaphore, #tpu.memory_space<semaphore_mem>>) src(%dma_wait3A_312 : memref<10000x128xf32, #tpu.memory_space<hbm>>) dst(%arg16 : memref<80x128xf32, #tpu.memory_space<vmem>>)
      %dma_start3A_313 = arith.constant 0 : i32
      %dma_start3A_314 = arith.constant 0 : i32
      %dma_start3A_315 = tpu.memref_slice %arg18[%dma_start3A_313, %dma_start3A_314] : memref<10240x128xf32, #tpu.memory_space<vmem_shared>> -> memref<10240x128xf32, #tpu.memory_space<vmem_shared>>
      tpu.enqueue_indirect_dma source(%arg16 : memref<80x128xf32, #tpu.memory_space<vmem>>) target(%dma_start3A_315 : memref<10240x128xf32, #tpu.memory_space<vmem_shared>>) offsets(%arg12 : memref<80xi32, #tpu.memory_space<vmem>>) semaphore(%arg29 : memref<!tpu.dma_semaphore, #tpu.memory_space<semaphore_mem>>) {add = true}
      %dma_wait3A_316 = arith.constant 0 : i32
      %dma_wait3A_317 = arith.constant 0 : i32
      %dma_wait3A_318 = tpu.memref_slice %arg4[%dma_wait3A_316, %dma_wait3A_317] : memref<10000x128xf32, #tpu.memory_space<hbm>> -> memref<10000x128xf32, #tpu.memory_space<hbm>>
      tpu.wait_indirect_dma semaphore(%arg26 : memref<!tpu.dma_semaphore, #tpu.memory_space<semaphore_mem>>) src(%dma_wait3A_318 : memref<10000x128xf32, #tpu.memory_space<hbm>>) dst(%arg17 : memref<80x128xf32, #tpu.memory_space<vmem>>)
      %dma_start3A_319 = arith.constant 0 : i32
      %dma_start3A_320 = arith.constant 0 : i32
      %dma_start3A_321 = tpu.memref_slice %arg18[%dma_start3A_319, %dma_start3A_320] : memref<10240x128xf32, #tpu.memory_space<vmem_shared>> -> memref<10240x128xf32, #tpu.memory_space<vmem_shared>>
      tpu.enqueue_indirect_dma source(%arg17 : memref<80x128xf32, #tpu.memory_space<vmem>>) target(%dma_start3A_321 : memref<10240x128xf32, #tpu.memory_space<vmem_shared>>) offsets(%arg13 : memref<80xi32, #tpu.memory_space<vmem>>) semaphore(%arg30 : memref<!tpu.dma_semaphore, #tpu.memory_space<semaphore_mem>>) {add = true}
      %scan3A_322 = arith.constant 0 : i32
      scf.yield %scan3A_322 : i32
    }
    %scan3A_132 = arith.constant 30 : i32
    %dma_wait3A_133 = arith.constant 0 : i32
    %dma_wait3A_134 = arith.constant 0 : i32
    %dma_wait3A_135 = tpu.memref_slice %arg18[%dma_wait3A_133, %dma_wait3A_134] : memref<10240x128xf32, #tpu.memory_space<vmem_shared>> -> memref<10240x128xf32, #tpu.memory_space<vmem_shared>>
    tpu.wait_indirect_dma semaphore(%arg27 : memref<!tpu.dma_semaphore, #tpu.memory_space<semaphore_mem>>) src(%arg14 : memref<80x128xf32, #tpu.memory_space<vmem>>) dst(%dma_wait3A_135 : memref<10240x128xf32, #tpu.memory_space<vmem_shared>>)
    %add3A_136 = arith.constant 9920 : i32
    %add3A_137 = arith.addi %mul3A_4, %add3A_136 : i32
    %dma_start3A_138 = tpu.memref_slice %arg2[%add3A_137] : memref<320000xi32, #tpu.memory_space<hbm>> -> memref<80xi32, #tpu.memory_space<hbm>>
    %dma_start3A_139 = tpu.memref_slice %arg2[%add3A_137] : memref<320000xi32, #tpu.memory_space<hbm>> -> memref<80xi32, #tpu.memory_space<hbm>>
    tpu.enqueue_dma source(%dma_start3A_139 : memref<80xi32, #tpu.memory_space<hbm>>) target(%arg6 : memref<80xi32, #tpu.memory_space<vmem>>) target_semaphore(%arg19 : memref<!tpu.dma_semaphore, #tpu.memory_space<semaphore_mem>>)
    %add3A_140 = arith.constant 9920 : i32
    %add3A_141 = arith.addi %mul3A_4, %add3A_140 : i32
    %dma_start3A_142 = tpu.memref_slice %arg3[%add3A_141] : memref<320000xi32, #tpu.memory_space<hbm>> -> memref<80xi32, #tpu.memory_space<hbm>>
    %dma_start3A_143 = tpu.memref_slice %arg3[%add3A_141] : memref<320000xi32, #tpu.memory_space<hbm>> -> memref<80xi32, #tpu.memory_space<hbm>>
    tpu.enqueue_dma source(%dma_start3A_143 : memref<80xi32, #tpu.memory_space<hbm>>) target(%arg10 : memref<80xi32, #tpu.memory_space<vmem>>) target_semaphore(%arg19 : memref<!tpu.dma_semaphore, #tpu.memory_space<semaphore_mem>>)
    %add3A_144 = arith.constant 9920 : i32
    %add3A_145 = arith.addi %mul3A_4, %add3A_144 : i32
    %dma_wait3A_146 = tpu.memref_slice %arg2[%add3A_145] : memref<320000xi32, #tpu.memory_space<hbm>> -> memref<80xi32, #tpu.memory_space<hbm>>
    %dma_wait3A_147 = tpu.memref_slice %arg2[%add3A_145] : memref<320000xi32, #tpu.memory_space<hbm>> -> memref<80xi32, #tpu.memory_space<hbm>>
    tpu.wait_dma2 semaphore(%arg19 : memref<!tpu.dma_semaphore, #tpu.memory_space<semaphore_mem>>) src(%dma_wait3A_147 : memref<80xi32, #tpu.memory_space<hbm>>) dst(%arg6 : memref<80xi32, #tpu.memory_space<vmem>>)
    %add3A_148 = arith.constant 9920 : i32
    %add3A_149 = arith.addi %mul3A_4, %add3A_148 : i32
    %dma_wait3A_150 = tpu.memref_slice %arg3[%add3A_149] : memref<320000xi32, #tpu.memory_space<hbm>> -> memref<80xi32, #tpu.memory_space<hbm>>
    %dma_wait3A_151 = tpu.memref_slice %arg3[%add3A_149] : memref<320000xi32, #tpu.memory_space<hbm>> -> memref<80xi32, #tpu.memory_space<hbm>>
    tpu.wait_dma2 semaphore(%arg19 : memref<!tpu.dma_semaphore, #tpu.memory_space<semaphore_mem>>) src(%dma_wait3A_151 : memref<80xi32, #tpu.memory_space<hbm>>) dst(%arg10 : memref<80xi32, #tpu.memory_space<vmem>>)
    %dma_start3A_152 = arith.constant 0 : i32
    %dma_start3A_153 = arith.constant 0 : i32
    %dma_start3A_154 = tpu.memref_slice %arg4[%dma_start3A_152, %dma_start3A_153] : memref<10000x128xf32, #tpu.memory_space<hbm>> -> memref<10000x128xf32, #tpu.memory_space<hbm>>
    tpu.enqueue_indirect_dma source(%dma_start3A_154 : memref<10000x128xf32, #tpu.memory_space<hbm>>) target(%arg14 : memref<80x128xf32, #tpu.memory_space<vmem>>) offsets(%arg6 : memref<80xi32, #tpu.memory_space<vmem>>) semaphore(%arg23 : memref<!tpu.dma_semaphore, #tpu.memory_space<semaphore_mem>>)
    %dma_wait3A_155 = arith.constant 0 : i32
    %dma_wait3A_156 = arith.constant 0 : i32
    %dma_wait3A_157 = tpu.memref_slice %arg4[%dma_wait3A_155, %dma_wait3A_156] : memref<10000x128xf32, #tpu.memory_space<hbm>> -> memref<10000x128xf32, #tpu.memory_space<hbm>>
    tpu.wait_indirect_dma semaphore(%arg23 : memref<!tpu.dma_semaphore, #tpu.memory_space<semaphore_mem>>) src(%dma_wait3A_157 : memref<10000x128xf32, #tpu.memory_space<hbm>>) dst(%arg14 : memref<80x128xf32, #tpu.memory_space<vmem>>)
    %dma_start3A_158 = arith.constant 0 : i32
    %dma_start3A_159 = arith.constant 0 : i32
    %dma_start3A_160 = tpu.memref_slice %arg18[%dma_start3A_158, %dma_start3A_159] : memref<10240x128xf32, #tpu.memory_space<vmem_shared>> -> memref<10240x128xf32, #tpu.memory_space<vmem_shared>>
    tpu.enqueue_indirect_dma source(%arg14 : memref<80x128xf32, #tpu.memory_space<vmem>>) target(%dma_start3A_160 : memref<10240x128xf32, #tpu.memory_space<vmem_shared>>) offsets(%arg10 : memref<80xi32, #tpu.memory_space<vmem>>) semaphore(%arg27 : memref<!tpu.dma_semaphore, #tpu.memory_space<semaphore_mem>>) {add = true}
    %dma_wait3A_161 = arith.constant 0 : i32
    %dma_wait3A_162 = arith.constant 0 : i32
    %dma_wait3A_163 = tpu.memref_slice %arg18[%dma_wait3A_161, %dma_wait3A_162] : memref<10240x128xf32, #tpu.memory_space<vmem_shared>> -> memref<10240x128xf32, #tpu.memory_space<vmem_shared>>
    tpu.wait_indirect_dma semaphore(%arg28 : memref<!tpu.dma_semaphore, #tpu.memory_space<semaphore_mem>>) src(%arg15 : memref<80x128xf32, #tpu.memory_space<vmem>>) dst(%dma_wait3A_163 : memref<10240x128xf32, #tpu.memory_space<vmem_shared>>)
    %dma_wait3A_164 = arith.constant 0 : i32
    %dma_wait3A_165 = arith.constant 0 : i32
    %dma_wait3A_166 = tpu.memref_slice %arg18[%dma_wait3A_164, %dma_wait3A_165] : memref<10240x128xf32, #tpu.memory_space<vmem_shared>> -> memref<10240x128xf32, #tpu.memory_space<vmem_shared>>
    tpu.wait_indirect_dma semaphore(%arg29 : memref<!tpu.dma_semaphore, #tpu.memory_space<semaphore_mem>>) src(%arg16 : memref<80x128xf32, #tpu.memory_space<vmem>>) dst(%dma_wait3A_166 : memref<10240x128xf32, #tpu.memory_space<vmem_shared>>)
    %dma_wait3A_167 = arith.constant 0 : i32
    %dma_wait3A_168 = arith.constant 0 : i32
    %dma_wait3A_169 = tpu.memref_slice %arg18[%dma_wait3A_167, %dma_wait3A_168] : memref<10240x128xf32, #tpu.memory_space<vmem_shared>> -> memref<10240x128xf32, #tpu.memory_space<vmem_shared>>
    tpu.wait_indirect_dma semaphore(%arg30 : memref<!tpu.dma_semaphore, #tpu.memory_space<semaphore_mem>>) src(%arg17 : memref<80x128xf32, #tpu.memory_space<vmem>>) dst(%dma_wait3A_169 : memref<10240x128xf32, #tpu.memory_space<vmem_shared>>)
    %dma_wait3A_170 = arith.constant 0 : i32
    %dma_wait3A_171 = arith.constant 0 : i32
    %dma_wait3A_172 = tpu.memref_slice %arg18[%dma_wait3A_170, %dma_wait3A_171] : memref<10240x128xf32, #tpu.memory_space<vmem_shared>> -> memref<10240x128xf32, #tpu.memory_space<vmem_shared>>
    tpu.wait_indirect_dma semaphore(%arg27 : memref<!tpu.dma_semaphore, #tpu.memory_space<semaphore_mem>>) src(%arg14 : memref<80x128xf32, #tpu.memory_space<vmem>>) dst(%dma_wait3A_172 : memref<10240x128xf32, #tpu.memory_space<vmem_shared>>)
    %barrier3A_173 = arith.constant 0 : index
    tpu.barrier barrier_id(%barrier3A_173)
    "tpu.region"() ({
      %run_scoped3A = tpu.sem_alloc : memref<!tpu.dma_semaphore, #tpu.memory_space<semaphore_mem>>
      %dma_start3A_174 = arith.constant 0 : i32
      %dma_start3A_175 = tpu.memref_slice %arg5[%arg0, %mul3A_2, %dma_start3A_174] : memref<2x10240x128xf32, #tpu.memory_space<hbm>> -> memref<1x640x128xf32, #tpu.memory_space<hbm>>
      %dma_start3A_176 = tpu.memref_squeeze %dma_start3A_175 : memref<1x640x128xf32, #tpu.memory_space<hbm>> -> memref<640x128xf32, #tpu.memory_space<hbm>>
      %dma_start3A_177 = arith.constant 0 : i32
      %dma_start3A_178 = tpu.memref_slice %arg18[%mul3A_2, %dma_start3A_177] : memref<10240x128xf32, #tpu.memory_space<vmem_shared>> -> memref<640x128xf32, #tpu.memory_space<vmem_shared>>
      tpu.enqueue_dma source(%dma_start3A_178 : memref<640x128xf32, #tpu.memory_space<vmem_shared>>) target(%dma_start3A_176 : memref<640x128xf32, #tpu.memory_space<hbm>>) target_semaphore(%run_scoped3A : memref<!tpu.dma_semaphore, #tpu.memory_space<semaphore_mem>>)
      %dma_wait3A_179 = arith.constant 0 : i32
      %dma_wait3A_180 = tpu.memref_slice %arg5[%arg0, %mul3A_2, %dma_wait3A_179] : memref<2x10240x128xf32, #tpu.memory_space<hbm>> -> memref<1x640x128xf32, #tpu.memory_space<hbm>>
      %dma_wait3A_181 = tpu.memref_squeeze %dma_wait3A_180 : memref<1x640x128xf32, #tpu.memory_space<hbm>> -> memref<640x128xf32, #tpu.memory_space<hbm>>
      %dma_wait3A_182 = arith.constant 0 : i32
      %dma_wait3A_183 = tpu.memref_slice %arg18[%mul3A_2, %dma_wait3A_182] : memref<10240x128xf32, #tpu.memory_space<vmem_shared>> -> memref<640x128xf32, #tpu.memory_space<vmem_shared>>
      tpu.wait_dma2 semaphore(%run_scoped3A : memref<!tpu.dma_semaphore, #tpu.memory_space<semaphore_mem>>) src(%dma_wait3A_183 : memref<640x128xf32, #tpu.memory_space<vmem_shared>>) dst(%dma_wait3A_181 : memref<640x128xf32, #tpu.memory_space<hbm>>)
      tpu.yield
    }) : () -> ()
    return
  }
}

#map = affine_map<(d0, d1) -> (0)>
#map1 = affine_map<(d0, d1) -> (0, 0)>
#map2 = affine_map<(d0, d1) -> (0, 0, 0)>
module attributes {stable_mosaic.version = 14 : i64} {
  func.func @_sc_scatter_body(%arg0: i32, %arg1: i32, %arg2: memref<320000xi32, #tpu.memory_space<hbm>>, %arg3: memref<320000xi32, #tpu.memory_space<hbm>>, %arg4: memref<10000x128xf32, #tpu.memory_space<hbm>>, %arg5: memref<2x10240x128xf32, #tpu.memory_space<hbm>>, %arg6: memref<80xi32, #tpu.memory_space<vmem>>, %arg7: memref<80xi32, #tpu.memory_space<vmem>>, %arg8: memref<80xi32, #tpu.memory_space<vmem>>, %arg9: memref<80xi32, #tpu.memory_space<vmem>>, %arg10: memref<80xi32, #tpu.memory_space<vmem>>, %arg11: memref<80xi32, #tpu.memory_space<vmem>>, %arg12: memref<80xi32, #tpu.memory_space<vmem>>, %arg13: memref<80xi32, #tpu.memory_space<vmem>>, %arg14: memref<80x128xf32, #tpu.memory_space<vmem>>, %arg15: memref<80x128xf32, #tpu.memory_space<vmem>>, %arg16: memref<80x128xf32, #tpu.memory_space<vmem>>, %arg17: memref<80x128xf32, #tpu.memory_space<vmem>>, %arg18: memref<10240x128xf32, #tpu.memory_space<vmem_shared>>, %arg19: memref<!tpu.dma_semaphore, #tpu.memory_space<semaphore_mem>>, %arg20: memref<!tpu.dma_semaphore, #tpu.memory_space<semaphore_mem>>, %arg21: memref<!tpu.dma_semaphore, #tpu.memory_space<semaphore_mem>>, %arg22: memref<!tpu.dma_semaphore, #tpu.memory_space<semaphore_mem>>, %arg23: memref<!tpu.dma_semaphore, #tpu.memory_space<semaphore_mem>>, %arg24: memref<!tpu.dma_semaphore, #tpu.memory_space<semaphore_mem>>, %arg25: memref<!tpu.dma_semaphore, #tpu.memory_space<semaphore_mem>>, %arg26: memref<!tpu.dma_semaphore, #tpu.memory_space<semaphore_mem>>, %arg27: memref<!tpu.dma_semaphore, #tpu.memory_space<semaphore_mem>>, %arg28: memref<!tpu.dma_semaphore, #tpu.memory_space<semaphore_mem>>, %arg29: memref<!tpu.dma_semaphore, #tpu.memory_space<semaphore_mem>>, %arg30: memref<!tpu.dma_semaphore, #tpu.memory_space<semaphore_mem>>) attributes {dimension_semantics = [#tpu.dimension_semantics<core_parallel>, #tpu.dimension_semantics<subcore_parallel>], iteration_bounds = array<i64: 2, 16>, scalar_prefetch = 0 : i64, scratch_operands = 25 : i64, tpu.core_type = #tpu.core_type<sc_vector_subcore>, window_params = [{transform_indices = #map}, {transform_indices = #map}, {transform_indices = #map1}, {transform_indices = #map2}]} {
    %mul3A = arith.constant 2 : i32
    %mul3A_0 = arith.muli %arg1, %mul3A : i32
    %add3A = arith.addi %mul3A_0, %arg0 : i32
    %mul3A_1 = arith.constant 640 : i32
    %mul3A_2 = arith.muli %arg1, %mul3A_1 : i32
    %mul3A_3 = arith.constant 10000 : i32
    %mul3A_4 = arith.muli %add3A, %mul3A_3 : i32
    %broadcast_in_dim3A = arith.constant 0.000000e+00 : f32
    %broadcast_in_dim3A_5 = vector.broadcast %broadcast_in_dim3A : f32 to vector<16xf32>
    %scan3A = arith.constant 0 : i32
    %scan3A_6 = arith.constant 0 : i32
    %scan3A_7 = arith.constant 80 : i32
    %scan3A_8 = arith.addi %scan3A_6, %scan3A_7 : i32
    %scan3A_9 = arith.constant 1 : i32
    %scan3A_10 = scf.for %scan3A_174 = %scan3A_6 to %scan3A_8 step %scan3A_9 iter_args(%scan3A_175 = %scan3A) -> (i32)  : i32 {
      %swap3A = arith.index_cast %scan3A_174 : i32 to index
      %swap3A_176 = arith.constant 0 : index
      %swap3A_177 = tpu.vector_load %arg14[%swap3A, %swap3A_176] {strides = array<i32>} : memref<80x128xf32, #tpu.memory_space<vmem>>, vector<1x16xf32>,
      %swap3A_178 = vector.shape_cast %swap3A_177 : vector<1x16xf32> to vector<16xf32>
      %swap3A_179 = vector.shape_cast %broadcast_in_dim3A_5 : vector<16xf32> to vector<1x16xf32>
      tpu.vector_store %arg14[%swap3A, %swap3A_176], %swap3A_179 {strides = array<i32>} : memref<80x128xf32, #tpu.memory_space<vmem>>, vector<1x16xf32>,
      %swap3A_180 = arith.index_cast %scan3A_174 : i32 to index
      %swap3A_181 = arith.constant 16 : index
      %swap3A_182 = tpu.vector_load %arg14[%swap3A_180, %swap3A_181] {strides = array<i32>} : memref<80x128xf32, #tpu.memory_space<vmem>>, vector<1x16xf32>,
      %swap3A_183 = vector.shape_cast %swap3A_182 : vector<1x16xf32> to vector<16xf32>
      %swap3A_184 = vector.shape_cast %broadcast_in_dim3A_5 : vector<16xf32> to vector<1x16xf32>
      tpu.vector_store %arg14[%swap3A_180, %swap3A_181], %swap3A_184 {strides = array<i32>} : memref<80x128xf32, #tpu.memory_space<vmem>>, vector<1x16xf32>,
      %swap3A_185 = arith.index_cast %scan3A_174 : i32 to index
      %swap3A_186 = arith.constant 32 : index
      %swap3A_187 = tpu.vector_load %arg14[%swap3A_185, %swap3A_186] {strides = array<i32>} : memref<80x128xf32, #tpu.memory_space<vmem>>, vector<1x16xf32>,
      %swap3A_188 = vector.shape_cast %swap3A_187 : vector<1x16xf32> to vector<16xf32>
      %swap3A_189 = vector.shape_cast %broadcast_in_dim3A_5 : vector<16xf32> to vector<1x16xf32>
      tpu.vector_store %arg14[%swap3A_185, %swap3A_186], %swap3A_189 {strides = array<i32>} : memref<80x128xf32, #tpu.memory_space<vmem>>, vector<1x16xf32>,
      %swap3A_190 = arith.index_cast %scan3A_174 : i32 to index
      %swap3A_191 = arith.constant 48 : index
      %swap3A_192 = tpu.vector_load %arg14[%swap3A_190, %swap3A_191] {strides = array<i32>} : memref<80x128xf32, #tpu.memory_space<vmem>>, vector<1x16xf32>,
      %swap3A_193 = vector.shape_cast %swap3A_192 : vector<1x16xf32> to vector<16xf32>
      %swap3A_194 = vector.shape_cast %broadcast_in_dim3A_5 : vector<16xf32> to vector<1x16xf32>
      tpu.vector_store %arg14[%swap3A_190, %swap3A_191], %swap3A_194 {strides = array<i32>} : memref<80x128xf32, #tpu.memory_space<vmem>>, vector<1x16xf32>,
      %swap3A_195 = arith.index_cast %scan3A_174 : i32 to index
      %swap3A_196 = arith.constant 64 : index
      %swap3A_197 = tpu.vector_load %arg14[%swap3A_195, %swap3A_196] {strides = array<i32>} : memref<80x128xf32, #tpu.memory_space<vmem>>, vector<1x16xf32>,
      %swap3A_198 = vector.shape_cast %swap3A_197 : vector<1x16xf32> to vector<16xf32>
      %swap3A_199 = vector.shape_cast %broadcast_in_dim3A_5 : vector<16xf32> to vector<1x16xf32>
      tpu.vector_store %arg14[%swap3A_195, %swap3A_196], %swap3A_199 {strides = array<i32>} : memref<80x128xf32, #tpu.memory_space<vmem>>, vector<1x16xf32>,
      %swap3A_200 = arith.index_cast %scan3A_174 : i32 to index
      %swap3A_201 = arith.constant 80 : index
      %swap3A_202 = tpu.vector_load %arg14[%swap3A_200, %swap3A_201] {strides = array<i32>} : memref<80x128xf32, #tpu.memory_space<vmem>>, vector<1x16xf32>,
      %swap3A_203 = vector.shape_cast %swap3A_202 : vector<1x16xf32> to vector<16xf32>
      %swap3A_204 = vector.shape_cast %broadcast_in_dim3A_5 : vector<16xf32> to vector<1x16xf32>
      tpu.vector_store %arg14[%swap3A_200, %swap3A_201], %swap3A_204 {strides = array<i32>} : memref<80x128xf32, #tpu.memory_space<vmem>>, vector<1x16xf32>,
      %swap3A_205 = arith.index_cast %scan3A_174 : i32 to index
      %swap3A_206 = arith.constant 96 : index
      %swap3A_207 = tpu.vector_load %arg14[%swap3A_205, %swap3A_206] {strides = array<i32>} : memref<80x128xf32, #tpu.memory_space<vmem>>, vector<1x16xf32>,
      %swap3A_208 = vector.shape_cast %swap3A_207 : vector<1x16xf32> to vector<16xf32>
      %swap3A_209 = vector.shape_cast %broadcast_in_dim3A_5 : vector<16xf32> to vector<1x16xf32>
      tpu.vector_store %arg14[%swap3A_205, %swap3A_206], %swap3A_209 {strides = array<i32>} : memref<80x128xf32, #tpu.memory_space<vmem>>, vector<1x16xf32>,
      %swap3A_210 = arith.index_cast %scan3A_174 : i32 to index
      %swap3A_211 = arith.constant 112 : index
      %swap3A_212 = tpu.vector_load %arg14[%swap3A_210, %swap3A_211] {strides = array<i32>} : memref<80x128xf32, #tpu.memory_space<vmem>>, vector<1x16xf32>,
      %swap3A_213 = vector.shape_cast %swap3A_212 : vector<1x16xf32> to vector<16xf32>
      %swap3A_214 = vector.shape_cast %broadcast_in_dim3A_5 : vector<16xf32> to vector<1x16xf32>
      tpu.vector_store %arg14[%swap3A_210, %swap3A_211], %swap3A_214 {strides = array<i32>} : memref<80x128xf32, #tpu.memory_space<vmem>>, vector<1x16xf32>,
      %scan3A_215 = arith.constant 0 : i32
      scf.yield %scan3A_215 : i32
    }
    %scan3A_11 = arith.constant 80 : i32
    %add3A_12 = arith.constant 0 : i32
    %add3A_13 = arith.addi %mul3A_2, %add3A_12 : i32
    "tpu.region"() ({
      %run_scoped3A = tpu.sem_alloc : memref<!tpu.dma_semaphore, #tpu.memory_space<semaphore_mem>>
      %dma_start3A_174 = arith.constant 0 : i32
      %dma_start3A_175 = tpu.memref_slice %arg18[%add3A_13, %dma_start3A_174] : memref<10240x128xf32, #tpu.memory_space<vmem_shared>> -> memref<80x128xf32, #tpu.memory_space<vmem_shared>>
      %dma_start3A_176 = arith.constant 0 : i32
      %dma_start3A_177 = tpu.memref_slice %arg18[%add3A_13, %dma_start3A_176] : memref<10240x128xf32, #tpu.memory_space<vmem_shared>> -> memref<80x128xf32, #tpu.memory_space<vmem_shared>>
      tpu.enqueue_dma source(%arg14 : memref<80x128xf32, #tpu.memory_space<vmem>>) target(%dma_start3A_177 : memref<80x128xf32, #tpu.memory_space<vmem_shared>>) target_semaphore(%run_scoped3A : memref<!tpu.dma_semaphore, #tpu.memory_space<semaphore_mem>>)
      %dma_wait3A_178 = arith.constant 0 : i32
      %dma_wait3A_179 = tpu.memref_slice %arg18[%add3A_13, %dma_wait3A_178] : memref<10240x128xf32, #tpu.memory_space<vmem_shared>> -> memref<80x128xf32, #tpu.memory_space<vmem_shared>>
      %dma_wait3A_180 = arith.constant 0 : i32
      %dma_wait3A_181 = tpu.memref_slice %arg18[%add3A_13, %dma_wait3A_180] : memref<10240x128xf32, #tpu.memory_space<vmem_shared>> -> memref<80x128xf32, #tpu.memory_space<vmem_shared>>
      tpu.wait_dma2 semaphore(%run_scoped3A : memref<!tpu.dma_semaphore, #tpu.memory_space<semaphore_mem>>) src(%arg14 : memref<80x128xf32, #tpu.memory_space<vmem>>) dst(%dma_wait3A_181 : memref<80x128xf32, #tpu.memory_space<vmem_shared>>)
      tpu.yield
    }) : () -> ()
    %add3A_14 = arith.constant 80 : i32
    %add3A_15 = arith.addi %mul3A_2, %add3A_14 : i32
    "tpu.region"() ({
      %run_scoped3A = tpu.sem_alloc : memref<!tpu.dma_semaphore, #tpu.memory_space<semaphore_mem>>
      %dma_start3A_174 = arith.constant 0 : i32
      %dma_start3A_175 = tpu.memref_slice %arg18[%add3A_15, %dma_start3A_174] : memref<10240x128xf32, #tpu.memory_space<vmem_shared>> -> memref<80x128xf32, #tpu.memory_space<vmem_shared>>
      %dma_start3A_176 = arith.constant 0 : i32
      %dma_start3A_177 = tpu.memref_slice %arg18[%add3A_15, %dma_start3A_176] : memref<10240x128xf32, #tpu.memory_space<vmem_shared>> -> memref<80x128xf32, #tpu.memory_space<vmem_shared>>
      tpu.enqueue_dma source(%arg14 : memref<80x128xf32, #tpu.memory_space<vmem>>) target(%dma_start3A_177 : memref<80x128xf32, #tpu.memory_space<vmem_shared>>) target_semaphore(%run_scoped3A : memref<!tpu.dma_semaphore, #tpu.memory_space<semaphore_mem>>)
      %dma_wait3A_178 = arith.constant 0 : i32
      %dma_wait3A_179 = tpu.memref_slice %arg18[%add3A_15, %dma_wait3A_178] : memref<10240x128xf32, #tpu.memory_space<vmem_shared>> -> memref<80x128xf32, #tpu.memory_space<vmem_shared>>
      %dma_wait3A_180 = arith.constant 0 : i32
      %dma_wait3A_181 = tpu.memref_slice %arg18[%add3A_15, %dma_wait3A_180] : memref<10240x128xf32, #tpu.memory_space<vmem_shared>> -> memref<80x128xf32, #tpu.memory_space<vmem_shared>>
      tpu.wait_dma2 semaphore(%run_scoped3A : memref<!tpu.dma_semaphore, #tpu.memory_space<semaphore_mem>>) src(%arg14 : memref<80x128xf32, #tpu.memory_space<vmem>>) dst(%dma_wait3A_181 : memref<80x128xf32, #tpu.memory_space<vmem_shared>>)
      tpu.yield
    }) : () -> ()
    %add3A_16 = arith.constant 160 : i32
    %add3A_17 = arith.addi %mul3A_2, %add3A_16 : i32
    "tpu.region"() ({
      %run_scoped3A = tpu.sem_alloc : memref<!tpu.dma_semaphore, #tpu.memory_space<semaphore_mem>>
      %dma_start3A_174 = arith.constant 0 : i32
      %dma_start3A_175 = tpu.memref_slice %arg18[%add3A_17, %dma_start3A_174] : memref<10240x128xf32, #tpu.memory_space<vmem_shared>> -> memref<80x128xf32, #tpu.memory_space<vmem_shared>>
      %dma_start3A_176 = arith.constant 0 : i32
      %dma_start3A_177 = tpu.memref_slice %arg18[%add3A_17, %dma_start3A_176] : memref<10240x128xf32, #tpu.memory_space<vmem_shared>> -> memref<80x128xf32, #tpu.memory_space<vmem_shared>>
      tpu.enqueue_dma source(%arg14 : memref<80x128xf32, #tpu.memory_space<vmem>>) target(%dma_start3A_177 : memref<80x128xf32, #tpu.memory_space<vmem_shared>>) target_semaphore(%run_scoped3A : memref<!tpu.dma_semaphore, #tpu.memory_space<semaphore_mem>>)
      %dma_wait3A_178 = arith.constant 0 : i32
      %dma_wait3A_179 = tpu.memref_slice %arg18[%add3A_17, %dma_wait3A_178] : memref<10240x128xf32, #tpu.memory_space<vmem_shared>> -> memref<80x128xf32, #tpu.memory_space<vmem_shared>>
      %dma_wait3A_180 = arith.constant 0 : i32
      %dma_wait3A_181 = tpu.memref_slice %arg18[%add3A_17, %dma_wait3A_180] : memref<10240x128xf32, #tpu.memory_space<vmem_shared>> -> memref<80x128xf32, #tpu.memory_space<vmem_shared>>
      tpu.wait_dma2 semaphore(%run_scoped3A : memref<!tpu.dma_semaphore, #tpu.memory_space<semaphore_mem>>) src(%arg14 : memref<80x128xf32, #tpu.memory_space<vmem>>) dst(%dma_wait3A_181 : memref<80x128xf32, #tpu.memory_space<vmem_shared>>)
      tpu.yield
    }) : () -> ()
    %add3A_18 = arith.constant 240 : i32
    %add3A_19 = arith.addi %mul3A_2, %add3A_18 : i32
    "tpu.region"() ({
      %run_scoped3A = tpu.sem_alloc : memref<!tpu.dma_semaphore, #tpu.memory_space<semaphore_mem>>
      %dma_start3A_174 = arith.constant 0 : i32
      %dma_start3A_175 = tpu.memref_slice %arg18[%add3A_19, %dma_start3A_174] : memref<10240x128xf32, #tpu.memory_space<vmem_shared>> -> memref<80x128xf32, #tpu.memory_space<vmem_shared>>
      %dma_start3A_176 = arith.constant 0 : i32
      %dma_start3A_177 = tpu.memref_slice %arg18[%add3A_19, %dma_start3A_176] : memref<10240x128xf32, #tpu.memory_space<vmem_shared>> -> memref<80x128xf32, #tpu.memory_space<vmem_shared>>
      tpu.enqueue_dma source(%arg14 : memref<80x128xf32, #tpu.memory_space<vmem>>) target(%dma_start3A_177 : memref<80x128xf32, #tpu.memory_space<vmem_shared>>) target_semaphore(%run_scoped3A : memref<!tpu.dma_semaphore, #tpu.memory_space<semaphore_mem>>)
      %dma_wait3A_178 = arith.constant 0 : i32
      %dma_wait3A_179 = tpu.memref_slice %arg18[%add3A_19, %dma_wait3A_178] : memref<10240x128xf32, #tpu.memory_space<vmem_shared>> -> memref<80x128xf32, #tpu.memory_space<vmem_shared>>
      %dma_wait3A_180 = arith.constant 0 : i32
      %dma_wait3A_181 = tpu.memref_slice %arg18[%add3A_19, %dma_wait3A_180] : memref<10240x128xf32, #tpu.memory_space<vmem_shared>> -> memref<80x128xf32, #tpu.memory_space<vmem_shared>>
      tpu.wait_dma2 semaphore(%run_scoped3A : memref<!tpu.dma_semaphore, #tpu.memory_space<semaphore_mem>>) src(%arg14 : memref<80x128xf32, #tpu.memory_space<vmem>>) dst(%dma_wait3A_181 : memref<80x128xf32, #tpu.memory_space<vmem_shared>>)
      tpu.yield
    }) : () -> ()
    %add3A_20 = arith.constant 320 : i32
    %add3A_21 = arith.addi %mul3A_2, %add3A_20 : i32
    "tpu.region"() ({
      %run_scoped3A = tpu.sem_alloc : memref<!tpu.dma_semaphore, #tpu.memory_space<semaphore_mem>>
      %dma_start3A_174 = arith.constant 0 : i32
      %dma_start3A_175 = tpu.memref_slice %arg18[%add3A_21, %dma_start3A_174] : memref<10240x128xf32, #tpu.memory_space<vmem_shared>> -> memref<80x128xf32, #tpu.memory_space<vmem_shared>>
      %dma_start3A_176 = arith.constant 0 : i32
      %dma_start3A_177 = tpu.memref_slice %arg18[%add3A_21, %dma_start3A_176] : memref<10240x128xf32, #tpu.memory_space<vmem_shared>> -> memref<80x128xf32, #tpu.memory_space<vmem_shared>>
      tpu.enqueue_dma source(%arg14 : memref<80x128xf32, #tpu.memory_space<vmem>>) target(%dma_start3A_177 : memref<80x128xf32, #tpu.memory_space<vmem_shared>>) target_semaphore(%run_scoped3A : memref<!tpu.dma_semaphore, #tpu.memory_space<semaphore_mem>>)
      %dma_wait3A_178 = arith.constant 0 : i32
      %dma_wait3A_179 = tpu.memref_slice %arg18[%add3A_21, %dma_wait3A_178] : memref<10240x128xf32, #tpu.memory_space<vmem_shared>> -> memref<80x128xf32, #tpu.memory_space<vmem_shared>>
      %dma_wait3A_180 = arith.constant 0 : i32
      %dma_wait3A_181 = tpu.memref_slice %arg18[%add3A_21, %dma_wait3A_180] : memref<10240x128xf32, #tpu.memory_space<vmem_shared>> -> memref<80x128xf32, #tpu.memory_space<vmem_shared>>
      tpu.wait_dma2 semaphore(%run_scoped3A : memref<!tpu.dma_semaphore, #tpu.memory_space<semaphore_mem>>) src(%arg14 : memref<80x128xf32, #tpu.memory_space<vmem>>) dst(%dma_wait3A_181 : memref<80x128xf32, #tpu.memory_space<vmem_shared>>)
      tpu.yield
    }) : () -> ()
    %add3A_22 = arith.constant 400 : i32
    %add3A_23 = arith.addi %mul3A_2, %add3A_22 : i32
    "tpu.region"() ({
      %run_scoped3A = tpu.sem_alloc : memref<!tpu.dma_semaphore, #tpu.memory_space<semaphore_mem>>
      %dma_start3A_174 = arith.constant 0 : i32
      %dma_start3A_175 = tpu.memref_slice %arg18[%add3A_23, %dma_start3A_174] : memref<10240x128xf32, #tpu.memory_space<vmem_shared>> -> memref<80x128xf32, #tpu.memory_space<vmem_shared>>
      %dma_start3A_176 = arith.constant 0 : i32
      %dma_start3A_177 = tpu.memref_slice %arg18[%add3A_23, %dma_start3A_176] : memref<10240x128xf32, #tpu.memory_space<vmem_shared>> -> memref<80x128xf32, #tpu.memory_space<vmem_shared>>
      tpu.enqueue_dma source(%arg14 : memref<80x128xf32, #tpu.memory_space<vmem>>) target(%dma_start3A_177 : memref<80x128xf32, #tpu.memory_space<vmem_shared>>) target_semaphore(%run_scoped3A : memref<!tpu.dma_semaphore, #tpu.memory_space<semaphore_mem>>)
      %dma_wait3A_178 = arith.constant 0 : i32
      %dma_wait3A_179 = tpu.memref_slice %arg18[%add3A_23, %dma_wait3A_178] : memref<10240x128xf32, #tpu.memory_space<vmem_shared>> -> memref<80x128xf32, #tpu.memory_space<vmem_shared>>
      %dma_wait3A_180 = arith.constant 0 : i32
      %dma_wait3A_181 = tpu.memref_slice %arg18[%add3A_23, %dma_wait3A_180] : memref<10240x128xf32, #tpu.memory_space<vmem_shared>> -> memref<80x128xf32, #tpu.memory_space<vmem_shared>>
      tpu.wait_dma2 semaphore(%run_scoped3A : memref<!tpu.dma_semaphore, #tpu.memory_space<semaphore_mem>>) src(%arg14 : memref<80x128xf32, #tpu.memory_space<vmem>>) dst(%dma_wait3A_181 : memref<80x128xf32, #tpu.memory_space<vmem_shared>>)
      tpu.yield
    }) : () -> ()
    %add3A_24 = arith.constant 480 : i32
    %add3A_25 = arith.addi %mul3A_2, %add3A_24 : i32
    "tpu.region"() ({
      %run_scoped3A = tpu.sem_alloc : memref<!tpu.dma_semaphore, #tpu.memory_space<semaphore_mem>>
      %dma_start3A_174 = arith.constant 0 : i32
      %dma_start3A_175 = tpu.memref_slice %arg18[%add3A_25, %dma_start3A_174] : memref<10240x128xf32, #tpu.memory_space<vmem_shared>> -> memref<80x128xf32, #tpu.memory_space<vmem_shared>>
      %dma_start3A_176 = arith.constant 0 : i32
      %dma_start3A_177 = tpu.memref_slice %arg18[%add3A_25, %dma_start3A_176] : memref<10240x128xf32, #tpu.memory_space<vmem_shared>> -> memref<80x128xf32, #tpu.memory_space<vmem_shared>>
      tpu.enqueue_dma source(%arg14 : memref<80x128xf32, #tpu.memory_space<vmem>>) target(%dma_start3A_177 : memref<80x128xf32, #tpu.memory_space<vmem_shared>>) target_semaphore(%run_scoped3A : memref<!tpu.dma_semaphore, #tpu.memory_space<semaphore_mem>>)
      %dma_wait3A_178 = arith.constant 0 : i32
      %dma_wait3A_179 = tpu.memref_slice %arg18[%add3A_25, %dma_wait3A_178] : memref<10240x128xf32, #tpu.memory_space<vmem_shared>> -> memref<80x128xf32, #tpu.memory_space<vmem_shared>>
      %dma_wait3A_180 = arith.constant 0 : i32
      %dma_wait3A_181 = tpu.memref_slice %arg18[%add3A_25, %dma_wait3A_180] : memref<10240x128xf32, #tpu.memory_space<vmem_shared>> -> memref<80x128xf32, #tpu.memory_space<vmem_shared>>
      tpu.wait_dma2 semaphore(%run_scoped3A : memref<!tpu.dma_semaphore, #tpu.memory_space<semaphore_mem>>) src(%arg14 : memref<80x128xf32, #tpu.memory_space<vmem>>) dst(%dma_wait3A_181 : memref<80x128xf32, #tpu.memory_space<vmem_shared>>)
      tpu.yield
    }) : () -> ()
    %add3A_26 = arith.constant 560 : i32
    %add3A_27 = arith.addi %mul3A_2, %add3A_26 : i32
    "tpu.region"() ({
      %run_scoped3A = tpu.sem_alloc : memref<!tpu.dma_semaphore, #tpu.memory_space<semaphore_mem>>
      %dma_start3A_174 = arith.constant 0 : i32
      %dma_start3A_175 = tpu.memref_slice %arg18[%add3A_27, %dma_start3A_174] : memref<10240x128xf32, #tpu.memory_space<vmem_shared>> -> memref<80x128xf32, #tpu.memory_space<vmem_shared>>
      %dma_start3A_176 = arith.constant 0 : i32
      %dma_start3A_177 = tpu.memref_slice %arg18[%add3A_27, %dma_start3A_176] : memref<10240x128xf32, #tpu.memory_space<vmem_shared>> -> memref<80x128xf32, #tpu.memory_space<vmem_shared>>
      tpu.enqueue_dma source(%arg14 : memref<80x128xf32, #tpu.memory_space<vmem>>) target(%dma_start3A_177 : memref<80x128xf32, #tpu.memory_space<vmem_shared>>) target_semaphore(%run_scoped3A : memref<!tpu.dma_semaphore, #tpu.memory_space<semaphore_mem>>)
      %dma_wait3A_178 = arith.constant 0 : i32
      %dma_wait3A_179 = tpu.memref_slice %arg18[%add3A_27, %dma_wait3A_178] : memref<10240x128xf32, #tpu.memory_space<vmem_shared>> -> memref<80x128xf32, #tpu.memory_space<vmem_shared>>
      %dma_wait3A_180 = arith.constant 0 : i32
      %dma_wait3A_181 = tpu.memref_slice %arg18[%add3A_27, %dma_wait3A_180] : memref<10240x128xf32, #tpu.memory_space<vmem_shared>> -> memref<80x128xf32, #tpu.memory_space<vmem_shared>>
      tpu.wait_dma2 semaphore(%run_scoped3A : memref<!tpu.dma_semaphore, #tpu.memory_space<semaphore_mem>>) src(%arg14 : memref<80x128xf32, #tpu.memory_space<vmem>>) dst(%dma_wait3A_181 : memref<80x128xf32, #tpu.memory_space<vmem_shared>>)
      tpu.yield
    }) : () -> ()
    %barrier3A = arith.constant 0 : index
    tpu.barrier barrier_id(%barrier3A)
    %add3A_28 = arith.constant 0 : i32
    %add3A_29 = arith.addi %mul3A_4, %add3A_28 : i32
    %dma_start3A = tpu.memref_slice %arg2[%add3A_29] : memref<320000xi32, #tpu.memory_space<hbm>> -> memref<80xi32, #tpu.memory_space<hbm>>
    %dma_start3A_30 = tpu.memref_slice %arg2[%add3A_29] : memref<320000xi32, #tpu.memory_space<hbm>> -> memref<80xi32, #tpu.memory_space<hbm>>
    tpu.enqueue_dma source(%dma_start3A_30 : memref<80xi32, #tpu.memory_space<hbm>>) target(%arg6 : memref<80xi32, #tpu.memory_space<vmem>>) target_semaphore(%arg19 : memref<!tpu.dma_semaphore, #tpu.memory_space<semaphore_mem>>)
    %add3A_31 = arith.constant 0 : i32
    %add3A_32 = arith.addi %mul3A_4, %add3A_31 : i32
    %dma_start3A_33 = tpu.memref_slice %arg3[%add3A_32] : memref<320000xi32, #tpu.memory_space<hbm>> -> memref<80xi32, #tpu.memory_space<hbm>>
    %dma_start3A_34 = tpu.memref_slice %arg3[%add3A_32] : memref<320000xi32, #tpu.memory_space<hbm>> -> memref<80xi32, #tpu.memory_space<hbm>>
    tpu.enqueue_dma source(%dma_start3A_34 : memref<80xi32, #tpu.memory_space<hbm>>) target(%arg10 : memref<80xi32, #tpu.memory_space<vmem>>) target_semaphore(%arg19 : memref<!tpu.dma_semaphore, #tpu.memory_space<semaphore_mem>>)
    %add3A_35 = arith.constant 80 : i32
    %add3A_36 = arith.addi %mul3A_4, %add3A_35 : i32
    %dma_start3A_37 = tpu.memref_slice %arg2[%add3A_36] : memref<320000xi32, #tpu.memory_space<hbm>> -> memref<80xi32, #tpu.memory_space<hbm>>
    %dma_start3A_38 = tpu.memref_slice %arg2[%add3A_36] : memref<320000xi32, #tpu.memory_space<hbm>> -> memref<80xi32, #tpu.memory_space<hbm>>
    tpu.enqueue_dma source(%dma_start3A_38 : memref<80xi32, #tpu.memory_space<hbm>>) target(%arg7 : memref<80xi32, #tpu.memory_space<vmem>>) target_semaphore(%arg20 : memref<!tpu.dma_semaphore, #tpu.memory_space<semaphore_mem>>)
    %add3A_39 = arith.constant 80 : i32
    %add3A_40 = arith.addi %mul3A_4, %add3A_39 : i32
    %dma_start3A_41 = tpu.memref_slice %arg3[%add3A_40] : memref<320000xi32, #tpu.memory_space<hbm>> -> memref<80xi32, #tpu.memory_space<hbm>>
    %dma_start3A_42 = tpu.memref_slice %arg3[%add3A_40] : memref<320000xi32, #tpu.memory_space<hbm>> -> memref<80xi32, #tpu.memory_space<hbm>>
    tpu.enqueue_dma source(%dma_start3A_42 : memref<80xi32, #tpu.memory_space<hbm>>) target(%arg11 : memref<80xi32, #tpu.memory_space<vmem>>) target_semaphore(%arg20 : memref<!tpu.dma_semaphore, #tpu.memory_space<semaphore_mem>>)
    %add3A_43 = arith.constant 160 : i32
    %add3A_44 = arith.addi %mul3A_4, %add3A_43 : i32
    %dma_start3A_45 = tpu.memref_slice %arg2[%add3A_44] : memref<320000xi32, #tpu.memory_space<hbm>> -> memref<80xi32, #tpu.memory_space<hbm>>
    %dma_start3A_46 = tpu.memref_slice %arg2[%add3A_44] : memref<320000xi32, #tpu.memory_space<hbm>> -> memref<80xi32, #tpu.memory_space<hbm>>
    tpu.enqueue_dma source(%dma_start3A_46 : memref<80xi32, #tpu.memory_space<hbm>>) target(%arg8 : memref<80xi32, #tpu.memory_space<vmem>>) target_semaphore(%arg21 : memref<!tpu.dma_semaphore, #tpu.memory_space<semaphore_mem>>)
    %add3A_47 = arith.constant 160 : i32
    %add3A_48 = arith.addi %mul3A_4, %add3A_47 : i32
    %dma_start3A_49 = tpu.memref_slice %arg3[%add3A_48] : memref<320000xi32, #tpu.memory_space<hbm>> -> memref<80xi32, #tpu.memory_space<hbm>>
    %dma_start3A_50 = tpu.memref_slice %arg3[%add3A_48] : memref<320000xi32, #tpu.memory_space<hbm>> -> memref<80xi32, #tpu.memory_space<hbm>>
    tpu.enqueue_dma source(%dma_start3A_50 : memref<80xi32, #tpu.memory_space<hbm>>) target(%arg12 : memref<80xi32, #tpu.memory_space<vmem>>) target_semaphore(%arg21 : memref<!tpu.dma_semaphore, #tpu.memory_space<semaphore_mem>>)
    %add3A_51 = arith.constant 240 : i32
    %add3A_52 = arith.addi %mul3A_4, %add3A_51 : i32
    %dma_start3A_53 = tpu.memref_slice %arg2[%add3A_52] : memref<320000xi32, #tpu.memory_space<hbm>> -> memref<80xi32, #tpu.memory_space<hbm>>
    %dma_start3A_54 = tpu.memref_slice %arg2[%add3A_52] : memref<320000xi32, #tpu.memory_space<hbm>> -> memref<80xi32, #tpu.memory_space<hbm>>
    tpu.enqueue_dma source(%dma_start3A_54 : memref<80xi32, #tpu.memory_space<hbm>>) target(%arg9 : memref<80xi32, #tpu.memory_space<vmem>>) target_semaphore(%arg22 : memref<!tpu.dma_semaphore, #tpu.memory_space<semaphore_mem>>)
    %add3A_55 = arith.constant 240 : i32
    %add3A_56 = arith.addi %mul3A_4, %add3A_55 : i32
    %dma_start3A_57 = tpu.memref_slice %arg3[%add3A_56] : memref<320000xi32, #tpu.memory_space<hbm>> -> memref<80xi32, #tpu.memory_space<hbm>>
    %dma_start3A_58 = tpu.memref_slice %arg3[%add3A_56] : memref<320000xi32, #tpu.memory_space<hbm>> -> memref<80xi32, #tpu.memory_space<hbm>>
    tpu.enqueue_dma source(%dma_start3A_58 : memref<80xi32, #tpu.memory_space<hbm>>) target(%arg13 : memref<80xi32, #tpu.memory_space<vmem>>) target_semaphore(%arg22 : memref<!tpu.dma_semaphore, #tpu.memory_space<semaphore_mem>>)
    %add3A_59 = arith.constant 0 : i32
    %add3A_60 = arith.addi %mul3A_4, %add3A_59 : i32
    %dma_wait3A = tpu.memref_slice %arg2[%add3A_60] : memref<320000xi32, #tpu.memory_space<hbm>> -> memref<80xi32, #tpu.memory_space<hbm>>
    %dma_wait3A_61 = tpu.memref_slice %arg2[%add3A_60] : memref<320000xi32, #tpu.memory_space<hbm>> -> memref<80xi32, #tpu.memory_space<hbm>>
    tpu.wait_dma2 semaphore(%arg19 : memref<!tpu.dma_semaphore, #tpu.memory_space<semaphore_mem>>) src(%dma_wait3A_61 : memref<80xi32, #tpu.memory_space<hbm>>) dst(%arg6 : memref<80xi32, #tpu.memory_space<vmem>>)
    %add3A_62 = arith.constant 0 : i32
    %add3A_63 = arith.addi %mul3A_4, %add3A_62 : i32
    %dma_wait3A_64 = tpu.memref_slice %arg3[%add3A_63] : memref<320000xi32, #tpu.memory_space<hbm>> -> memref<80xi32, #tpu.memory_space<hbm>>
    %dma_wait3A_65 = tpu.memref_slice %arg3[%add3A_63] : memref<320000xi32, #tpu.memory_space<hbm>> -> memref<80xi32, #tpu.memory_space<hbm>>
    tpu.wait_dma2 semaphore(%arg19 : memref<!tpu.dma_semaphore, #tpu.memory_space<semaphore_mem>>) src(%dma_wait3A_65 : memref<80xi32, #tpu.memory_space<hbm>>) dst(%arg10 : memref<80xi32, #tpu.memory_space<vmem>>)
    %dma_start3A_66 = arith.constant 0 : i32
    %dma_start3A_67 = arith.constant 0 : i32
    %dma_start3A_68 = tpu.memref_slice %arg4[%dma_start3A_66, %dma_start3A_67] : memref<10000x128xf32, #tpu.memory_space<hbm>> -> memref<10000x128xf32, #tpu.memory_space<hbm>>
    tpu.enqueue_indirect_dma source(%dma_start3A_68 : memref<10000x128xf32, #tpu.memory_space<hbm>>) target(%arg14 : memref<80x128xf32, #tpu.memory_space<vmem>>) offsets(%arg6 : memref<80xi32, #tpu.memory_space<vmem>>) semaphore(%arg23 : memref<!tpu.dma_semaphore, #tpu.memory_space<semaphore_mem>>)
    %add3A_69 = arith.constant 80 : i32
    %add3A_70 = arith.addi %mul3A_4, %add3A_69 : i32
    %dma_wait3A_71 = tpu.memref_slice %arg2[%add3A_70] : memref<320000xi32, #tpu.memory_space<hbm>> -> memref<80xi32, #tpu.memory_space<hbm>>
    %dma_wait3A_72 = tpu.memref_slice %arg2[%add3A_70] : memref<320000xi32, #tpu.memory_space<hbm>> -> memref<80xi32, #tpu.memory_space<hbm>>
    tpu.wait_dma2 semaphore(%arg20 : memref<!tpu.dma_semaphore, #tpu.memory_space<semaphore_mem>>) src(%dma_wait3A_72 : memref<80xi32, #tpu.memory_space<hbm>>) dst(%arg7 : memref<80xi32, #tpu.memory_space<vmem>>)
    %add3A_73 = arith.constant 80 : i32
    %add3A_74 = arith.addi %mul3A_4, %add3A_73 : i32
    %dma_wait3A_75 = tpu.memref_slice %arg3[%add3A_74] : memref<320000xi32, #tpu.memory_space<hbm>> -> memref<80xi32, #tpu.memory_space<hbm>>
    %dma_wait3A_76 = tpu.memref_slice %arg3[%add3A_74] : memref<320000xi32, #tpu.memory_space<hbm>> -> memref<80xi32, #tpu.memory_space<hbm>>
    tpu.wait_dma2 semaphore(%arg20 : memref<!tpu.dma_semaphore, #tpu.memory_space<semaphore_mem>>) src(%dma_wait3A_76 : memref<80xi32, #tpu.memory_space<hbm>>) dst(%arg11 : memref<80xi32, #tpu.memory_space<vmem>>)
    %dma_start3A_77 = arith.constant 0 : i32
    %dma_start3A_78 = arith.constant 0 : i32
    %dma_start3A_79 = tpu.memref_slice %arg4[%dma_start3A_77, %dma_start3A_78] : memref<10000x128xf32, #tpu.memory_space<hbm>> -> memref<10000x128xf32, #tpu.memory_space<hbm>>
    tpu.enqueue_indirect_dma source(%dma_start3A_79 : memref<10000x128xf32, #tpu.memory_space<hbm>>) target(%arg15 : memref<80x128xf32, #tpu.memory_space<vmem>>) offsets(%arg7 : memref<80xi32, #tpu.memory_space<vmem>>) semaphore(%arg24 : memref<!tpu.dma_semaphore, #tpu.memory_space<semaphore_mem>>)
    %add3A_80 = arith.constant 160 : i32
    %add3A_81 = arith.addi %mul3A_4, %add3A_80 : i32
    %dma_wait3A_82 = tpu.memref_slice %arg2[%add3A_81] : memref<320000xi32, #tpu.memory_space<hbm>> -> memref<80xi32, #tpu.memory_space<hbm>>
    %dma_wait3A_83 = tpu.memref_slice %arg2[%add3A_81] : memref<320000xi32, #tpu.memory_space<hbm>> -> memref<80xi32, #tpu.memory_space<hbm>>
    tpu.wait_dma2 semaphore(%arg21 : memref<!tpu.dma_semaphore, #tpu.memory_space<semaphore_mem>>) src(%dma_wait3A_83 : memref<80xi32, #tpu.memory_space<hbm>>) dst(%arg8 : memref<80xi32, #tpu.memory_space<vmem>>)
    %add3A_84 = arith.constant 160 : i32
    %add3A_85 = arith.addi %mul3A_4, %add3A_84 : i32
    %dma_wait3A_86 = tpu.memref_slice %arg3[%add3A_85] : memref<320000xi32, #tpu.memory_space<hbm>> -> memref<80xi32, #tpu.memory_space<hbm>>
    %dma_wait3A_87 = tpu.memref_slice %arg3[%add3A_85] : memref<320000xi32, #tpu.memory_space<hbm>> -> memref<80xi32, #tpu.memory_space<hbm>>
    tpu.wait_dma2 semaphore(%arg21 : memref<!tpu.dma_semaphore, #tpu.memory_space<semaphore_mem>>) src(%dma_wait3A_87 : memref<80xi32, #tpu.memory_space<hbm>>) dst(%arg12 : memref<80xi32, #tpu.memory_space<vmem>>)
    %dma_start3A_88 = arith.constant 0 : i32
    %dma_start3A_89 = arith.constant 0 : i32
    %dma_start3A_90 = tpu.memref_slice %arg4[%dma_start3A_88, %dma_start3A_89] : memref<10000x128xf32, #tpu.memory_space<hbm>> -> memref<10000x128xf32, #tpu.memory_space<hbm>>
    tpu.enqueue_indirect_dma source(%dma_start3A_90 : memref<10000x128xf32, #tpu.memory_space<hbm>>) target(%arg16 : memref<80x128xf32, #tpu.memory_space<vmem>>) offsets(%arg8 : memref<80xi32, #tpu.memory_space<vmem>>) semaphore(%arg25 : memref<!tpu.dma_semaphore, #tpu.memory_space<semaphore_mem>>)
    %add3A_91 = arith.constant 240 : i32
    %add3A_92 = arith.addi %mul3A_4, %add3A_91 : i32
    %dma_wait3A_93 = tpu.memref_slice %arg2[%add3A_92] : memref<320000xi32, #tpu.memory_space<hbm>> -> memref<80xi32, #tpu.memory_space<hbm>>
    %dma_wait3A_94 = tpu.memref_slice %arg2[%add3A_92] : memref<320000xi32, #tpu.memory_space<hbm>> -> memref<80xi32, #tpu.memory_space<hbm>>
    tpu.wait_dma2 semaphore(%arg22 : memref<!tpu.dma_semaphore, #tpu.memory_space<semaphore_mem>>) src(%dma_wait3A_94 : memref<80xi32, #tpu.memory_space<hbm>>) dst(%arg9 : memref<80xi32, #tpu.memory_space<vmem>>)
    %add3A_95 = arith.constant 240 : i32
    %add3A_96 = arith.addi %mul3A_4, %add3A_95 : i32
    %dma_wait3A_97 = tpu.memref_slice %arg3[%add3A_96] : memref<320000xi32, #tpu.memory_space<hbm>> -> memref<80xi32, #tpu.memory_space<hbm>>
    %dma_wait3A_98 = tpu.memref_slice %arg3[%add3A_96] : memref<320000xi32, #tpu.memory_space<hbm>> -> memref<80xi32, #tpu.memory_space<hbm>>
    tpu.wait_dma2 semaphore(%arg22 : memref<!tpu.dma_semaphore, #tpu.memory_space<semaphore_mem>>) src(%dma_wait3A_98 : memref<80xi32, #tpu.memory_space<hbm>>) dst(%arg13 : memref<80xi32, #tpu.memory_space<vmem>>)
    %dma_start3A_99 = arith.constant 0 : i32
    %dma_start3A_100 = arith.constant 0 : i32
    %dma_start3A_101 = tpu.memref_slice %arg4[%dma_start3A_99, %dma_start3A_100] : memref<10000x128xf32, #tpu.memory_space<hbm>> -> memref<10000x128xf32, #tpu.memory_space<hbm>>
    tpu.enqueue_indirect_dma source(%dma_start3A_101 : memref<10000x128xf32, #tpu.memory_space<hbm>>) target(%arg17 : memref<80x128xf32, #tpu.memory_space<vmem>>) offsets(%arg9 : memref<80xi32, #tpu.memory_space<vmem>>) semaphore(%arg26 : memref<!tpu.dma_semaphore, #tpu.memory_space<semaphore_mem>>)
    %dma_wait3A_102 = arith.constant 0 : i32
    %dma_wait3A_103 = arith.constant 0 : i32
    %dma_wait3A_104 = tpu.memref_slice %arg4[%dma_wait3A_102, %dma_wait3A_103] : memref<10000x128xf32, #tpu.memory_space<hbm>> -> memref<10000x128xf32, #tpu.memory_space<hbm>>
    tpu.wait_indirect_dma semaphore(%arg23 : memref<!tpu.dma_semaphore, #tpu.memory_space<semaphore_mem>>) src(%dma_wait3A_104 : memref<10000x128xf32, #tpu.memory_space<hbm>>) dst(%arg14 : memref<80x128xf32, #tpu.memory_space<vmem>>)
    %dma_start3A_105 = arith.constant 0 : i32
    %dma_start3A_106 = arith.constant 0 : i32
    %dma_start3A_107 = tpu.memref_slice %arg18[%dma_start3A_105, %dma_start3A_106] : memref<10240x128xf32, #tpu.memory_space<vmem_shared>> -> memref<10240x128xf32, #tpu.memory_space<vmem_shared>>
    tpu.enqueue_indirect_dma source(%arg14 : memref<80x128xf32, #tpu.memory_space<vmem>>) target(%dma_start3A_107 : memref<10240x128xf32, #tpu.memory_space<vmem_shared>>) offsets(%arg10 : memref<80xi32, #tpu.memory_space<vmem>>) semaphore(%arg27 : memref<!tpu.dma_semaphore, #tpu.memory_space<semaphore_mem>>) {add = true}
    %dma_wait3A_108 = arith.constant 0 : i32
    %dma_wait3A_109 = arith.constant 0 : i32
    %dma_wait3A_110 = tpu.memref_slice %arg4[%dma_wait3A_108, %dma_wait3A_109] : memref<10000x128xf32, #tpu.memory_space<hbm>> -> memref<10000x128xf32, #tpu.memory_space<hbm>>
    tpu.wait_indirect_dma semaphore(%arg24 : memref<!tpu.dma_semaphore, #tpu.memory_space<semaphore_mem>>) src(%dma_wait3A_110 : memref<10000x128xf32, #tpu.memory_space<hbm>>) dst(%arg15 : memref<80x128xf32, #tpu.memory_space<vmem>>)
    %dma_start3A_111 = arith.constant 0 : i32
    %dma_start3A_112 = arith.constant 0 : i32
    %dma_start3A_113 = tpu.memref_slice %arg18[%dma_start3A_111, %dma_start3A_112] : memref<10240x128xf32, #tpu.memory_space<vmem_shared>> -> memref<10240x128xf32, #tpu.memory_space<vmem_shared>>
    tpu.enqueue_indirect_dma source(%arg15 : memref<80x128xf32, #tpu.memory_space<vmem>>) target(%dma_start3A_113 : memref<10240x128xf32, #tpu.memory_space<vmem_shared>>) offsets(%arg11 : memref<80xi32, #tpu.memory_space<vmem>>) semaphore(%arg28 : memref<!tpu.dma_semaphore, #tpu.memory_space<semaphore_mem>>) {add = true}
    %dma_wait3A_114 = arith.constant 0 : i32
    %dma_wait3A_115 = arith.constant 0 : i32
    %dma_wait3A_116 = tpu.memref_slice %arg4[%dma_wait3A_114, %dma_wait3A_115] : memref<10000x128xf32, #tpu.memory_space<hbm>> -> memref<10000x128xf32, #tpu.memory_space<hbm>>
    tpu.wait_indirect_dma semaphore(%arg25 : memref<!tpu.dma_semaphore, #tpu.memory_space<semaphore_mem>>) src(%dma_wait3A_116 : memref<10000x128xf32, #tpu.memory_space<hbm>>) dst(%arg16 : memref<80x128xf32, #tpu.memory_space<vmem>>)
    %dma_start3A_117 = arith.constant 0 : i32
    %dma_start3A_118 = arith.constant 0 : i32
    %dma_start3A_119 = tpu.memref_slice %arg18[%dma_start3A_117, %dma_start3A_118] : memref<10240x128xf32, #tpu.memory_space<vmem_shared>> -> memref<10240x128xf32, #tpu.memory_space<vmem_shared>>
    tpu.enqueue_indirect_dma source(%arg16 : memref<80x128xf32, #tpu.memory_space<vmem>>) target(%dma_start3A_119 : memref<10240x128xf32, #tpu.memory_space<vmem_shared>>) offsets(%arg12 : memref<80xi32, #tpu.memory_space<vmem>>) semaphore(%arg29 : memref<!tpu.dma_semaphore, #tpu.memory_space<semaphore_mem>>) {add = true}
    %dma_wait3A_120 = arith.constant 0 : i32
    %dma_wait3A_121 = arith.constant 0 : i32
    %dma_wait3A_122 = tpu.memref_slice %arg4[%dma_wait3A_120, %dma_wait3A_121] : memref<10000x128xf32, #tpu.memory_space<hbm>> -> memref<10000x128xf32, #tpu.memory_space<hbm>>
    tpu.wait_indirect_dma semaphore(%arg26 : memref<!tpu.dma_semaphore, #tpu.memory_space<semaphore_mem>>) src(%dma_wait3A_122 : memref<10000x128xf32, #tpu.memory_space<hbm>>) dst(%arg17 : memref<80x128xf32, #tpu.memory_space<vmem>>)
    %dma_start3A_123 = arith.constant 0 : i32
    %dma_start3A_124 = arith.constant 0 : i32
    %dma_start3A_125 = tpu.memref_slice %arg18[%dma_start3A_123, %dma_start3A_124] : memref<10240x128xf32, #tpu.memory_space<vmem_shared>> -> memref<10240x128xf32, #tpu.memory_space<vmem_shared>>
    tpu.enqueue_indirect_dma source(%arg17 : memref<80x128xf32, #tpu.memory_space<vmem>>) target(%dma_start3A_125 : memref<10240x128xf32, #tpu.memory_space<vmem_shared>>) offsets(%arg13 : memref<80xi32, #tpu.memory_space<vmem>>) semaphore(%arg30 : memref<!tpu.dma_semaphore, #tpu.memory_space<semaphore_mem>>) {add = true}
    %scan3A_126 = arith.constant 0 : i32
    %scan3A_127 = arith.constant 1 : i32
    %scan3A_128 = arith.constant 30 : i32
    %scan3A_129 = arith.addi %scan3A_127, %scan3A_128 : i32
    %scan3A_130 = arith.constant 1 : i32
    %scan3A_131 = scf.for %scan3A_174 = %scan3A_127 to %scan3A_129 step %scan3A_130 iter_args(%scan3A_175 = %scan3A_126) -> (i32)  : i32 {
      %mul3A_176 = arith.constant 4 : i32
      %mul3A_177 = arith.muli %mul3A_176, %scan3A_174 : i32
      %dma_wait3A_178 = arith.constant 0 : i32
      %dma_wait3A_179 = arith.constant 0 : i32
      %dma_wait3A_180 = tpu.memref_slice %arg18[%dma_wait3A_178, %dma_wait3A_179] : memref<10240x128xf32, #tpu.memory_space<vmem_shared>> -> memref<10240x128xf32, #tpu.memory_space<vmem_shared>>
      tpu.wait_indirect_dma semaphore(%arg27 : memref<!tpu.dma_semaphore, #tpu.memory_space<semaphore_mem>>) src(%arg14 : memref<80x128xf32, #tpu.memory_space<vmem>>) dst(%dma_wait3A_180 : memref<10240x128xf32, #tpu.memory_space<vmem_shared>>)
      %add3A_181 = arith.constant 0 : i32
      %add3A_182 = arith.addi %mul3A_177, %add3A_181 : i32
      %mul3A_183 = arith.constant 80 : i32
      %mul3A_184 = arith.muli %add3A_182, %mul3A_183 : i32
      %add3A_185 = arith.addi %mul3A_4, %mul3A_184 : i32
      %dma_start3A_186 = tpu.memref_slice %arg2[%add3A_185] : memref<320000xi32, #tpu.memory_space<hbm>> -> memref<80xi32, #tpu.memory_space<hbm>>
      %dma_start3A_187 = tpu.memref_slice %arg2[%add3A_185] : memref<320000xi32, #tpu.memory_space<hbm>> -> memref<80xi32, #tpu.memory_space<hbm>>
      tpu.enqueue_dma source(%dma_start3A_187 : memref<80xi32, #tpu.memory_space<hbm>>) target(%arg6 : memref<80xi32, #tpu.memory_space<vmem>>) target_semaphore(%arg19 : memref<!tpu.dma_semaphore, #tpu.memory_space<semaphore_mem>>)
      %mul3A_188 = arith.constant 80 : i32
      %mul3A_189 = arith.muli %add3A_182, %mul3A_188 : i32
      %add3A_190 = arith.addi %mul3A_4, %mul3A_189 : i32
      %dma_start3A_191 = tpu.memref_slice %arg3[%add3A_190] : memref<320000xi32, #tpu.memory_space<hbm>> -> memref<80xi32, #tpu.memory_space<hbm>>
      %dma_start3A_192 = tpu.memref_slice %arg3[%add3A_190] : memref<320000xi32, #tpu.memory_space<hbm>> -> memref<80xi32, #tpu.memory_space<hbm>>
      tpu.enqueue_dma source(%dma_start3A_192 : memref<80xi32, #tpu.memory_space<hbm>>) target(%arg10 : memref<80xi32, #tpu.memory_space<vmem>>) target_semaphore(%arg19 : memref<!tpu.dma_semaphore, #tpu.memory_space<semaphore_mem>>)
      %dma_wait3A_193 = arith.constant 0 : i32
      %dma_wait3A_194 = arith.constant 0 : i32
      %dma_wait3A_195 = tpu.memref_slice %arg18[%dma_wait3A_193, %dma_wait3A_194] : memref<10240x128xf32, #tpu.memory_space<vmem_shared>> -> memref<10240x128xf32, #tpu.memory_space<vmem_shared>>
      tpu.wait_indirect_dma semaphore(%arg28 : memref<!tpu.dma_semaphore, #tpu.memory_space<semaphore_mem>>) src(%arg15 : memref<80x128xf32, #tpu.memory_space<vmem>>) dst(%dma_wait3A_195 : memref<10240x128xf32, #tpu.memory_space<vmem_shared>>)
      %add3A_196 = arith.constant 1 : i32
      %add3A_197 = arith.addi %mul3A_177, %add3A_196 : i32
      %mul3A_198 = arith.constant 80 : i32
      %mul3A_199 = arith.muli %add3A_197, %mul3A_198 : i32
      %add3A_200 = arith.addi %mul3A_4, %mul3A_199 : i32
      %dma_start3A_201 = tpu.memref_slice %arg2[%add3A_200] : memref<320000xi32, #tpu.memory_space<hbm>> -> memref<80xi32, #tpu.memory_space<hbm>>
      %dma_start3A_202 = tpu.memref_slice %arg2[%add3A_200] : memref<320000xi32, #tpu.memory_space<hbm>> -> memref<80xi32, #tpu.memory_space<hbm>>
      tpu.enqueue_dma source(%dma_start3A_202 : memref<80xi32, #tpu.memory_space<hbm>>) target(%arg7 : memref<80xi32, #tpu.memory_space<vmem>>) target_semaphore(%arg20 : memref<!tpu.dma_semaphore, #tpu.memory_space<semaphore_mem>>)
      %mul3A_203 = arith.constant 80 : i32
      %mul3A_204 = arith.muli %add3A_197, %mul3A_203 : i32
      %add3A_205 = arith.addi %mul3A_4, %mul3A_204 : i32
      %dma_start3A_206 = tpu.memref_slice %arg3[%add3A_205] : memref<320000xi32, #tpu.memory_space<hbm>> -> memref<80xi32, #tpu.memory_space<hbm>>
      %dma_start3A_207 = tpu.memref_slice %arg3[%add3A_205] : memref<320000xi32, #tpu.memory_space<hbm>> -> memref<80xi32, #tpu.memory_space<hbm>>
      tpu.enqueue_dma source(%dma_start3A_207 : memref<80xi32, #tpu.memory_space<hbm>>) target(%arg11 : memref<80xi32, #tpu.memory_space<vmem>>) target_semaphore(%arg20 : memref<!tpu.dma_semaphore, #tpu.memory_space<semaphore_mem>>)
      %dma_wait3A_208 = arith.constant 0 : i32
      %dma_wait3A_209 = arith.constant 0 : i32
      %dma_wait3A_210 = tpu.memref_slice %arg18[%dma_wait3A_208, %dma_wait3A_209] : memref<10240x128xf32, #tpu.memory_space<vmem_shared>> -> memref<10240x128xf32, #tpu.memory_space<vmem_shared>>
      tpu.wait_indirect_dma semaphore(%arg29 : memref<!tpu.dma_semaphore, #tpu.memory_space<semaphore_mem>>) src(%arg16 : memref<80x128xf32, #tpu.memory_space<vmem>>) dst(%dma_wait3A_210 : memref<10240x128xf32, #tpu.memory_space<vmem_shared>>)
      %add3A_211 = arith.constant 2 : i32
      %add3A_212 = arith.addi %mul3A_177, %add3A_211 : i32
      %mul3A_213 = arith.constant 80 : i32
      %mul3A_214 = arith.muli %add3A_212, %mul3A_213 : i32
      %add3A_215 = arith.addi %mul3A_4, %mul3A_214 : i32
      %dma_start3A_216 = tpu.memref_slice %arg2[%add3A_215] : memref<320000xi32, #tpu.memory_space<hbm>> -> memref<80xi32, #tpu.memory_space<hbm>>
      %dma_start3A_217 = tpu.memref_slice %arg2[%add3A_215] : memref<320000xi32, #tpu.memory_space<hbm>> -> memref<80xi32, #tpu.memory_space<hbm>>
      tpu.enqueue_dma source(%dma_start3A_217 : memref<80xi32, #tpu.memory_space<hbm>>) target(%arg8 : memref<80xi32, #tpu.memory_space<vmem>>) target_semaphore(%arg21 : memref<!tpu.dma_semaphore, #tpu.memory_space<semaphore_mem>>)
      %mul3A_218 = arith.constant 80 : i32
      %mul3A_219 = arith.muli %add3A_212, %mul3A_218 : i32
      %add3A_220 = arith.addi %mul3A_4, %mul3A_219 : i32
      %dma_start3A_221 = tpu.memref_slice %arg3[%add3A_220] : memref<320000xi32, #tpu.memory_space<hbm>> -> memref<80xi32, #tpu.memory_space<hbm>>
      %dma_start3A_222 = tpu.memref_slice %arg3[%add3A_220] : memref<320000xi32, #tpu.memory_space<hbm>> -> memref<80xi32, #tpu.memory_space<hbm>>
      tpu.enqueue_dma source(%dma_start3A_222 : memref<80xi32, #tpu.memory_space<hbm>>) target(%arg12 : memref<80xi32, #tpu.memory_space<vmem>>) target_semaphore(%arg21 : memref<!tpu.dma_semaphore, #tpu.memory_space<semaphore_mem>>)
      %dma_wait3A_223 = arith.constant 0 : i32
      %dma_wait3A_224 = arith.constant 0 : i32
      %dma_wait3A_225 = tpu.memref_slice %arg18[%dma_wait3A_223, %dma_wait3A_224] : memref<10240x128xf32, #tpu.memory_space<vmem_shared>> -> memref<10240x128xf32, #tpu.memory_space<vmem_shared>>
      tpu.wait_indirect_dma semaphore(%arg30 : memref<!tpu.dma_semaphore, #tpu.memory_space<semaphore_mem>>) src(%arg17 : memref<80x128xf32, #tpu.memory_space<vmem>>) dst(%dma_wait3A_225 : memref<10240x128xf32, #tpu.memory_space<vmem_shared>>)
      %add3A_226 = arith.constant 3 : i32
      %add3A_227 = arith.addi %mul3A_177, %add3A_226 : i32
      %mul3A_228 = arith.constant 80 : i32
      %mul3A_229 = arith.muli %add3A_227, %mul3A_228 : i32
      %add3A_230 = arith.addi %mul3A_4, %mul3A_229 : i32
      %dma_start3A_231 = tpu.memref_slice %arg2[%add3A_230] : memref<320000xi32, #tpu.memory_space<hbm>> -> memref<80xi32, #tpu.memory_space<hbm>>
      %dma_start3A_232 = tpu.memref_slice %arg2[%add3A_230] : memref<320000xi32, #tpu.memory_space<hbm>> -> memref<80xi32, #tpu.memory_space<hbm>>
      tpu.enqueue_dma source(%dma_start3A_232 : memref<80xi32, #tpu.memory_space<hbm>>) target(%arg9 : memref<80xi32, #tpu.memory_space<vmem>>) target_semaphore(%arg22 : memref<!tpu.dma_semaphore, #tpu.memory_space<semaphore_mem>>)
      %mul3A_233 = arith.constant 80 : i32
      %mul3A_234 = arith.muli %add3A_227, %mul3A_233 : i32
      %add3A_235 = arith.addi %mul3A_4, %mul3A_234 : i32
      %dma_start3A_236 = tpu.memref_slice %arg3[%add3A_235] : memref<320000xi32, #tpu.memory_space<hbm>> -> memref<80xi32, #tpu.memory_space<hbm>>
      %dma_start3A_237 = tpu.memref_slice %arg3[%add3A_235] : memref<320000xi32, #tpu.memory_space<hbm>> -> memref<80xi32, #tpu.memory_space<hbm>>
      tpu.enqueue_dma source(%dma_start3A_237 : memref<80xi32, #tpu.memory_space<hbm>>) target(%arg13 : memref<80xi32, #tpu.memory_space<vmem>>) target_semaphore(%arg22 : memref<!tpu.dma_semaphore, #tpu.memory_space<semaphore_mem>>)
      %add3A_238 = arith.constant 0 : i32
      %add3A_239 = arith.addi %mul3A_177, %add3A_238 : i32
      %mul3A_240 = arith.constant 80 : i32
      %mul3A_241 = arith.muli %add3A_239, %mul3A_240 : i32
      %add3A_242 = arith.addi %mul3A_4, %mul3A_241 : i32
      %dma_wait3A_243 = tpu.memref_slice %arg2[%add3A_242] : memref<320000xi32, #tpu.memory_space<hbm>> -> memref<80xi32, #tpu.memory_space<hbm>>
      %dma_wait3A_244 = tpu.memref_slice %arg2[%add3A_242] : memref<320000xi32, #tpu.memory_space<hbm>> -> memref<80xi32, #tpu.memory_space<hbm>>
      tpu.wait_dma2 semaphore(%arg19 : memref<!tpu.dma_semaphore, #tpu.memory_space<semaphore_mem>>) src(%dma_wait3A_244 : memref<80xi32, #tpu.memory_space<hbm>>) dst(%arg6 : memref<80xi32, #tpu.memory_space<vmem>>)
      %mul3A_245 = arith.constant 80 : i32
      %mul3A_246 = arith.muli %add3A_239, %mul3A_245 : i32
      %add3A_247 = arith.addi %mul3A_4, %mul3A_246 : i32
      %dma_wait3A_248 = tpu.memref_slice %arg3[%add3A_247] : memref<320000xi32, #tpu.memory_space<hbm>> -> memref<80xi32, #tpu.memory_space<hbm>>
      %dma_wait3A_249 = tpu.memref_slice %arg3[%add3A_247] : memref<320000xi32, #tpu.memory_space<hbm>> -> memref<80xi32, #tpu.memory_space<hbm>>
      tpu.wait_dma2 semaphore(%arg19 : memref<!tpu.dma_semaphore, #tpu.memory_space<semaphore_mem>>) src(%dma_wait3A_249 : memref<80xi32, #tpu.memory_space<hbm>>) dst(%arg10 : memref<80xi32, #tpu.memory_space<vmem>>)
      %dma_start3A_250 = arith.constant 0 : i32
      %dma_start3A_251 = arith.constant 0 : i32
      %dma_start3A_252 = tpu.memref_slice %arg4[%dma_start3A_250, %dma_start3A_251] : memref<10000x128xf32, #tpu.memory_space<hbm>> -> memref<10000x128xf32, #tpu.memory_space<hbm>>
      tpu.enqueue_indirect_dma source(%dma_start3A_252 : memref<10000x128xf32, #tpu.memory_space<hbm>>) target(%arg14 : memref<80x128xf32, #tpu.memory_space<vmem>>) offsets(%arg6 : memref<80xi32, #tpu.memory_space<vmem>>) semaphore(%arg23 : memref<!tpu.dma_semaphore, #tpu.memory_space<semaphore_mem>>)
      %add3A_253 = arith.constant 1 : i32
      %add3A_254 = arith.addi %mul3A_177, %add3A_253 : i32
      %mul3A_255 = arith.constant 80 : i32
      %mul3A_256 = arith.muli %add3A_254, %mul3A_255 : i32
      %add3A_257 = arith.addi %mul3A_4, %mul3A_256 : i32
      %dma_wait3A_258 = tpu.memref_slice %arg2[%add3A_257] : memref<320000xi32, #tpu.memory_space<hbm>> -> memref<80xi32, #tpu.memory_space<hbm>>
      %dma_wait3A_259 = tpu.memref_slice %arg2[%add3A_257] : memref<320000xi32, #tpu.memory_space<hbm>> -> memref<80xi32, #tpu.memory_space<hbm>>
      tpu.wait_dma2 semaphore(%arg20 : memref<!tpu.dma_semaphore, #tpu.memory_space<semaphore_mem>>) src(%dma_wait3A_259 : memref<80xi32, #tpu.memory_space<hbm>>) dst(%arg7 : memref<80xi32, #tpu.memory_space<vmem>>)
      %mul3A_260 = arith.constant 80 : i32
      %mul3A_261 = arith.muli %add3A_254, %mul3A_260 : i32
      %add3A_262 = arith.addi %mul3A_4, %mul3A_261 : i32
      %dma_wait3A_263 = tpu.memref_slice %arg3[%add3A_262] : memref<320000xi32, #tpu.memory_space<hbm>> -> memref<80xi32, #tpu.memory_space<hbm>>
      %dma_wait3A_264 = tpu.memref_slice %arg3[%add3A_262] : memref<320000xi32, #tpu.memory_space<hbm>> -> memref<80xi32, #tpu.memory_space<hbm>>
      tpu.wait_dma2 semaphore(%arg20 : memref<!tpu.dma_semaphore, #tpu.memory_space<semaphore_mem>>) src(%dma_wait3A_264 : memref<80xi32, #tpu.memory_space<hbm>>) dst(%arg11 : memref<80xi32, #tpu.memory_space<vmem>>)
      %dma_start3A_265 = arith.constant 0 : i32
      %dma_start3A_266 = arith.constant 0 : i32
      %dma_start3A_267 = tpu.memref_slice %arg4[%dma_start3A_265, %dma_start3A_266] : memref<10000x128xf32, #tpu.memory_space<hbm>> -> memref<10000x128xf32, #tpu.memory_space<hbm>>
      tpu.enqueue_indirect_dma source(%dma_start3A_267 : memref<10000x128xf32, #tpu.memory_space<hbm>>) target(%arg15 : memref<80x128xf32, #tpu.memory_space<vmem>>) offsets(%arg7 : memref<80xi32, #tpu.memory_space<vmem>>) semaphore(%arg24 : memref<!tpu.dma_semaphore, #tpu.memory_space<semaphore_mem>>)
      %add3A_268 = arith.constant 2 : i32
      %add3A_269 = arith.addi %mul3A_177, %add3A_268 : i32
      %mul3A_270 = arith.constant 80 : i32
      %mul3A_271 = arith.muli %add3A_269, %mul3A_270 : i32
      %add3A_272 = arith.addi %mul3A_4, %mul3A_271 : i32
      %dma_wait3A_273 = tpu.memref_slice %arg2[%add3A_272] : memref<320000xi32, #tpu.memory_space<hbm>> -> memref<80xi32, #tpu.memory_space<hbm>>
      %dma_wait3A_274 = tpu.memref_slice %arg2[%add3A_272] : memref<320000xi32, #tpu.memory_space<hbm>> -> memref<80xi32, #tpu.memory_space<hbm>>
      tpu.wait_dma2 semaphore(%arg21 : memref<!tpu.dma_semaphore, #tpu.memory_space<semaphore_mem>>) src(%dma_wait3A_274 : memref<80xi32, #tpu.memory_space<hbm>>) dst(%arg8 : memref<80xi32, #tpu.memory_space<vmem>>)
      %mul3A_275 = arith.constant 80 : i32
      %mul3A_276 = arith.muli %add3A_269, %mul3A_275 : i32
      %add3A_277 = arith.addi %mul3A_4, %mul3A_276 : i32
      %dma_wait3A_278 = tpu.memref_slice %arg3[%add3A_277] : memref<320000xi32, #tpu.memory_space<hbm>> -> memref<80xi32, #tpu.memory_space<hbm>>
      %dma_wait3A_279 = tpu.memref_slice %arg3[%add3A_277] : memref<320000xi32, #tpu.memory_space<hbm>> -> memref<80xi32, #tpu.memory_space<hbm>>
      tpu.wait_dma2 semaphore(%arg21 : memref<!tpu.dma_semaphore, #tpu.memory_space<semaphore_mem>>) src(%dma_wait3A_279 : memref<80xi32, #tpu.memory_space<hbm>>) dst(%arg12 : memref<80xi32, #tpu.memory_space<vmem>>)
      %dma_start3A_280 = arith.constant 0 : i32
      %dma_start3A_281 = arith.constant 0 : i32
      %dma_start3A_282 = tpu.memref_slice %arg4[%dma_start3A_280, %dma_start3A_281] : memref<10000x128xf32, #tpu.memory_space<hbm>> -> memref<10000x128xf32, #tpu.memory_space<hbm>>
      tpu.enqueue_indirect_dma source(%dma_start3A_282 : memref<10000x128xf32, #tpu.memory_space<hbm>>) target(%arg16 : memref<80x128xf32, #tpu.memory_space<vmem>>) offsets(%arg8 : memref<80xi32, #tpu.memory_space<vmem>>) semaphore(%arg25 : memref<!tpu.dma_semaphore, #tpu.memory_space<semaphore_mem>>)
      %add3A_283 = arith.constant 3 : i32
      %add3A_284 = arith.addi %mul3A_177, %add3A_283 : i32
      %mul3A_285 = arith.constant 80 : i32
      %mul3A_286 = arith.muli %add3A_284, %mul3A_285 : i32
      %add3A_287 = arith.addi %mul3A_4, %mul3A_286 : i32
      %dma_wait3A_288 = tpu.memref_slice %arg2[%add3A_287] : memref<320000xi32, #tpu.memory_space<hbm>> -> memref<80xi32, #tpu.memory_space<hbm>>
      %dma_wait3A_289 = tpu.memref_slice %arg2[%add3A_287] : memref<320000xi32, #tpu.memory_space<hbm>> -> memref<80xi32, #tpu.memory_space<hbm>>
      tpu.wait_dma2 semaphore(%arg22 : memref<!tpu.dma_semaphore, #tpu.memory_space<semaphore_mem>>) src(%dma_wait3A_289 : memref<80xi32, #tpu.memory_space<hbm>>) dst(%arg9 : memref<80xi32, #tpu.memory_space<vmem>>)
      %mul3A_290 = arith.constant 80 : i32
      %mul3A_291 = arith.muli %add3A_284, %mul3A_290 : i32
      %add3A_292 = arith.addi %mul3A_4, %mul3A_291 : i32
      %dma_wait3A_293 = tpu.memref_slice %arg3[%add3A_292] : memref<320000xi32, #tpu.memory_space<hbm>> -> memref<80xi32, #tpu.memory_space<hbm>>
      %dma_wait3A_294 = tpu.memref_slice %arg3[%add3A_292] : memref<320000xi32, #tpu.memory_space<hbm>> -> memref<80xi32, #tpu.memory_space<hbm>>
      tpu.wait_dma2 semaphore(%arg22 : memref<!tpu.dma_semaphore, #tpu.memory_space<semaphore_mem>>) src(%dma_wait3A_294 : memref<80xi32, #tpu.memory_space<hbm>>) dst(%arg13 : memref<80xi32, #tpu.memory_space<vmem>>)
      %dma_start3A_295 = arith.constant 0 : i32
      %dma_start3A_296 = arith.constant 0 : i32
      %dma_start3A_297 = tpu.memref_slice %arg4[%dma_start3A_295, %dma_start3A_296] : memref<10000x128xf32, #tpu.memory_space<hbm>> -> memref<10000x128xf32, #tpu.memory_space<hbm>>
      tpu.enqueue_indirect_dma source(%dma_start3A_297 : memref<10000x128xf32, #tpu.memory_space<hbm>>) target(%arg17 : memref<80x128xf32, #tpu.memory_space<vmem>>) offsets(%arg9 : memref<80xi32, #tpu.memory_space<vmem>>) semaphore(%arg26 : memref<!tpu.dma_semaphore, #tpu.memory_space<semaphore_mem>>)
      %dma_wait3A_298 = arith.constant 0 : i32
      %dma_wait3A_299 = arith.constant 0 : i32
      %dma_wait3A_300 = tpu.memref_slice %arg4[%dma_wait3A_298, %dma_wait3A_299] : memref<10000x128xf32, #tpu.memory_space<hbm>> -> memref<10000x128xf32, #tpu.memory_space<hbm>>
      tpu.wait_indirect_dma semaphore(%arg23 : memref<!tpu.dma_semaphore, #tpu.memory_space<semaphore_mem>>) src(%dma_wait3A_300 : memref<10000x128xf32, #tpu.memory_space<hbm>>) dst(%arg14 : memref<80x128xf32, #tpu.memory_space<vmem>>)
      %dma_start3A_301 = arith.constant 0 : i32
      %dma_start3A_302 = arith.constant 0 : i32
      %dma_start3A_303 = tpu.memref_slice %arg18[%dma_start3A_301, %dma_start3A_302] : memref<10240x128xf32, #tpu.memory_space<vmem_shared>> -> memref<10240x128xf32, #tpu.memory_space<vmem_shared>>
      tpu.enqueue_indirect_dma source(%arg14 : memref<80x128xf32, #tpu.memory_space<vmem>>) target(%dma_start3A_303 : memref<10240x128xf32, #tpu.memory_space<vmem_shared>>) offsets(%arg10 : memref<80xi32, #tpu.memory_space<vmem>>) semaphore(%arg27 : memref<!tpu.dma_semaphore, #tpu.memory_space<semaphore_mem>>) {add = true}
      %dma_wait3A_304 = arith.constant 0 : i32
      %dma_wait3A_305 = arith.constant 0 : i32
      %dma_wait3A_306 = tpu.memref_slice %arg4[%dma_wait3A_304, %dma_wait3A_305] : memref<10000x128xf32, #tpu.memory_space<hbm>> -> memref<10000x128xf32, #tpu.memory_space<hbm>>
      tpu.wait_indirect_dma semaphore(%arg24 : memref<!tpu.dma_semaphore, #tpu.memory_space<semaphore_mem>>) src(%dma_wait3A_306 : memref<10000x128xf32, #tpu.memory_space<hbm>>) dst(%arg15 : memref<80x128xf32, #tpu.memory_space<vmem>>)
      %dma_start3A_307 = arith.constant 0 : i32
      %dma_start3A_308 = arith.constant 0 : i32
      %dma_start3A_309 = tpu.memref_slice %arg18[%dma_start3A_307, %dma_start3A_308] : memref<10240x128xf32, #tpu.memory_space<vmem_shared>> -> memref<10240x128xf32, #tpu.memory_space<vmem_shared>>
      tpu.enqueue_indirect_dma source(%arg15 : memref<80x128xf32, #tpu.memory_space<vmem>>) target(%dma_start3A_309 : memref<10240x128xf32, #tpu.memory_space<vmem_shared>>) offsets(%arg11 : memref<80xi32, #tpu.memory_space<vmem>>) semaphore(%arg28 : memref<!tpu.dma_semaphore, #tpu.memory_space<semaphore_mem>>) {add = true}
      %dma_wait3A_310 = arith.constant 0 : i32
      %dma_wait3A_311 = arith.constant 0 : i32
      %dma_wait3A_312 = tpu.memref_slice %arg4[%dma_wait3A_310, %dma_wait3A_311] : memref<10000x128xf32, #tpu.memory_space<hbm>> -> memref<10000x128xf32, #tpu.memory_space<hbm>>
      tpu.wait_indirect_dma semaphore(%arg25 : memref<!tpu.dma_semaphore, #tpu.memory_space<semaphore_mem>>) src(%dma_wait3A_312 : memref<10000x128xf32, #tpu.memory_space<hbm>>) dst(%arg16 : memref<80x128xf32, #tpu.memory_space<vmem>>)
      %dma_start3A_313 = arith.constant 0 : i32
      %dma_start3A_314 = arith.constant 0 : i32
      %dma_start3A_315 = tpu.memref_slice %arg18[%dma_start3A_313, %dma_start3A_314] : memref<10240x128xf32, #tpu.memory_space<vmem_shared>> -> memref<10240x128xf32, #tpu.memory_space<vmem_shared>>
      tpu.enqueue_indirect_dma source(%arg16 : memref<80x128xf32, #tpu.memory_space<vmem>>) target(%dma_start3A_315 : memref<10240x128xf32, #tpu.memory_space<vmem_shared>>) offsets(%arg12 : memref<80xi32, #tpu.memory_space<vmem>>) semaphore(%arg29 : memref<!tpu.dma_semaphore, #tpu.memory_space<semaphore_mem>>) {add = true}
      %dma_wait3A_316 = arith.constant 0 : i32
      %dma_wait3A_317 = arith.constant 0 : i32
      %dma_wait3A_318 = tpu.memref_slice %arg4[%dma_wait3A_316, %dma_wait3A_317] : memref<10000x128xf32, #tpu.memory_space<hbm>> -> memref<10000x128xf32, #tpu.memory_space<hbm>>
      tpu.wait_indirect_dma semaphore(%arg26 : memref<!tpu.dma_semaphore, #tpu.memory_space<semaphore_mem>>) src(%dma_wait3A_318 : memref<10000x128xf32, #tpu.memory_space<hbm>>) dst(%arg17 : memref<80x128xf32, #tpu.memory_space<vmem>>)
      %dma_start3A_319 = arith.constant 0 : i32
      %dma_start3A_320 = arith.constant 0 : i32
      %dma_start3A_321 = tpu.memref_slice %arg18[%dma_start3A_319, %dma_start3A_320] : memref<10240x128xf32, #tpu.memory_space<vmem_shared>> -> memref<10240x128xf32, #tpu.memory_space<vmem_shared>>
      tpu.enqueue_indirect_dma source(%arg17 : memref<80x128xf32, #tpu.memory_space<vmem>>) target(%dma_start3A_321 : memref<10240x128xf32, #tpu.memory_space<vmem_shared>>) offsets(%arg13 : memref<80xi32, #tpu.memory_space<vmem>>) semaphore(%arg30 : memref<!tpu.dma_semaphore, #tpu.memory_space<semaphore_mem>>) {add = true}
      %scan3A_322 = arith.constant 0 : i32
      scf.yield %scan3A_322 : i32
    }
    %scan3A_132 = arith.constant 30 : i32
    %dma_wait3A_133 = arith.constant 0 : i32
    %dma_wait3A_134 = arith.constant 0 : i32
    %dma_wait3A_135 = tpu.memref_slice %arg18[%dma_wait3A_133, %dma_wait3A_134] : memref<10240x128xf32, #tpu.memory_space<vmem_shared>> -> memref<10240x128xf32, #tpu.memory_space<vmem_shared>>
    tpu.wait_indirect_dma semaphore(%arg27 : memref<!tpu.dma_semaphore, #tpu.memory_space<semaphore_mem>>) src(%arg14 : memref<80x128xf32, #tpu.memory_space<vmem>>) dst(%dma_wait3A_135 : memref<10240x128xf32, #tpu.memory_space<vmem_shared>>)
    %add3A_136 = arith.constant 9920 : i32
    %add3A_137 = arith.addi %mul3A_4, %add3A_136 : i32
    %dma_start3A_138 = tpu.memref_slice %arg2[%add3A_137] : memref<320000xi32, #tpu.memory_space<hbm>> -> memref<80xi32, #tpu.memory_space<hbm>>
    %dma_start3A_139 = tpu.memref_slice %arg2[%add3A_137] : memref<320000xi32, #tpu.memory_space<hbm>> -> memref<80xi32, #tpu.memory_space<hbm>>
    tpu.enqueue_dma source(%dma_start3A_139 : memref<80xi32, #tpu.memory_space<hbm>>) target(%arg6 : memref<80xi32, #tpu.memory_space<vmem>>) target_semaphore(%arg19 : memref<!tpu.dma_semaphore, #tpu.memory_space<semaphore_mem>>)
    %add3A_140 = arith.constant 9920 : i32
    %add3A_141 = arith.addi %mul3A_4, %add3A_140 : i32
    %dma_start3A_142 = tpu.memref_slice %arg3[%add3A_141] : memref<320000xi32, #tpu.memory_space<hbm>> -> memref<80xi32, #tpu.memory_space<hbm>>
    %dma_start3A_143 = tpu.memref_slice %arg3[%add3A_141] : memref<320000xi32, #tpu.memory_space<hbm>> -> memref<80xi32, #tpu.memory_space<hbm>>
    tpu.enqueue_dma source(%dma_start3A_143 : memref<80xi32, #tpu.memory_space<hbm>>) target(%arg10 : memref<80xi32, #tpu.memory_space<vmem>>) target_semaphore(%arg19 : memref<!tpu.dma_semaphore, #tpu.memory_space<semaphore_mem>>)
    %add3A_144 = arith.constant 9920 : i32
    %add3A_145 = arith.addi %mul3A_4, %add3A_144 : i32
    %dma_wait3A_146 = tpu.memref_slice %arg2[%add3A_145] : memref<320000xi32, #tpu.memory_space<hbm>> -> memref<80xi32, #tpu.memory_space<hbm>>
    %dma_wait3A_147 = tpu.memref_slice %arg2[%add3A_145] : memref<320000xi32, #tpu.memory_space<hbm>> -> memref<80xi32, #tpu.memory_space<hbm>>
    tpu.wait_dma2 semaphore(%arg19 : memref<!tpu.dma_semaphore, #tpu.memory_space<semaphore_mem>>) src(%dma_wait3A_147 : memref<80xi32, #tpu.memory_space<hbm>>) dst(%arg6 : memref<80xi32, #tpu.memory_space<vmem>>)
    %add3A_148 = arith.constant 9920 : i32
    %add3A_149 = arith.addi %mul3A_4, %add3A_148 : i32
    %dma_wait3A_150 = tpu.memref_slice %arg3[%add3A_149] : memref<320000xi32, #tpu.memory_space<hbm>> -> memref<80xi32, #tpu.memory_space<hbm>>
    %dma_wait3A_151 = tpu.memref_slice %arg3[%add3A_149] : memref<320000xi32, #tpu.memory_space<hbm>> -> memref<80xi32, #tpu.memory_space<hbm>>
    tpu.wait_dma2 semaphore(%arg19 : memref<!tpu.dma_semaphore, #tpu.memory_space<semaphore_mem>>) src(%dma_wait3A_151 : memref<80xi32, #tpu.memory_space<hbm>>) dst(%arg10 : memref<80xi32, #tpu.memory_space<vmem>>)
    %dma_start3A_152 = arith.constant 0 : i32
    %dma_start3A_153 = arith.constant 0 : i32
    %dma_start3A_154 = tpu.memref_slice %arg4[%dma_start3A_152, %dma_start3A_153] : memref<10000x128xf32, #tpu.memory_space<hbm>> -> memref<10000x128xf32, #tpu.memory_space<hbm>>
    tpu.enqueue_indirect_dma source(%dma_start3A_154 : memref<10000x128xf32, #tpu.memory_space<hbm>>) target(%arg14 : memref<80x128xf32, #tpu.memory_space<vmem>>) offsets(%arg6 : memref<80xi32, #tpu.memory_space<vmem>>) semaphore(%arg23 : memref<!tpu.dma_semaphore, #tpu.memory_space<semaphore_mem>>)
    %dma_wait3A_155 = arith.constant 0 : i32
    %dma_wait3A_156 = arith.constant 0 : i32
    %dma_wait3A_157 = tpu.memref_slice %arg4[%dma_wait3A_155, %dma_wait3A_156] : memref<10000x128xf32, #tpu.memory_space<hbm>> -> memref<10000x128xf32, #tpu.memory_space<hbm>>
    tpu.wait_indirect_dma semaphore(%arg23 : memref<!tpu.dma_semaphore, #tpu.memory_space<semaphore_mem>>) src(%dma_wait3A_157 : memref<10000x128xf32, #tpu.memory_space<hbm>>) dst(%arg14 : memref<80x128xf32, #tpu.memory_space<vmem>>)
    %dma_start3A_158 = arith.constant 0 : i32
    %dma_start3A_159 = arith.constant 0 : i32
    %dma_start3A_160 = tpu.memref_slice %arg18[%dma_start3A_158, %dma_start3A_159] : memref<10240x128xf32, #tpu.memory_space<vmem_shared>> -> memref<10240x128xf32, #tpu.memory_space<vmem_shared>>
    tpu.enqueue_indirect_dma source(%arg14 : memref<80x128xf32, #tpu.memory_space<vmem>>) target(%dma_start3A_160 : memref<10240x128xf32, #tpu.memory_space<vmem_shared>>) offsets(%arg10 : memref<80xi32, #tpu.memory_space<vmem>>) semaphore(%arg27 : memref<!tpu.dma_semaphore, #tpu.memory_space<semaphore_mem>>) {add = true}
    %dma_wait3A_161 = arith.constant 0 : i32
    %dma_wait3A_162 = arith.constant 0 : i32
    %dma_wait3A_163 = tpu.memref_slice %arg18[%dma_wait3A_161, %dma_wait3A_162] : memref<10240x128xf32, #tpu.memory_space<vmem_shared>> -> memref<10240x128xf32, #tpu.memory_space<vmem_shared>>
    tpu.wait_indirect_dma semaphore(%arg28 : memref<!tpu.dma_semaphore, #tpu.memory_space<semaphore_mem>>) src(%arg15 : memref<80x128xf32, #tpu.memory_space<vmem>>) dst(%dma_wait3A_163 : memref<10240x128xf32, #tpu.memory_space<vmem_shared>>)
    %dma_wait3A_164 = arith.constant 0 : i32
    %dma_wait3A_165 = arith.constant 0 : i32
    %dma_wait3A_166 = tpu.memref_slice %arg18[%dma_wait3A_164, %dma_wait3A_165] : memref<10240x128xf32, #tpu.memory_space<vmem_shared>> -> memref<10240x128xf32, #tpu.memory_space<vmem_shared>>
    tpu.wait_indirect_dma semaphore(%arg29 : memref<!tpu.dma_semaphore, #tpu.memory_space<semaphore_mem>>) src(%arg16 : memref<80x128xf32, #tpu.memory_space<vmem>>) dst(%dma_wait3A_166 : memref<10240x128xf32, #tpu.memory_space<vmem_shared>>)
    %dma_wait3A_167 = arith.constant 0 : i32
    %dma_wait3A_168 = arith.constant 0 : i32
    %dma_wait3A_169 = tpu.memref_slice %arg18[%dma_wait3A_167, %dma_wait3A_168] : memref<10240x128xf32, #tpu.memory_space<vmem_shared>> -> memref<10240x128xf32, #tpu.memory_space<vmem_shared>>
    tpu.wait_indirect_dma semaphore(%arg30 : memref<!tpu.dma_semaphore, #tpu.memory_space<semaphore_mem>>) src(%arg17 : memref<80x128xf32, #tpu.memory_space<vmem>>) dst(%dma_wait3A_169 : memref<10240x128xf32, #tpu.memory_space<vmem_shared>>)
    %dma_wait3A_170 = arith.constant 0 : i32
    %dma_wait3A_171 = arith.constant 0 : i32
    %dma_wait3A_172 = tpu.memref_slice %arg18[%dma_wait3A_170, %dma_wait3A_171] : memref<10240x128xf32, #tpu.memory_space<vmem_shared>> -> memref<10240x128xf32, #tpu.memory_space<vmem_shared>>
    tpu.wait_indirect_dma semaphore(%arg27 : memref<!tpu.dma_semaphore, #tpu.memory_space<semaphore_mem>>) src(%arg14 : memref<80x128xf32, #tpu.memory_space<vmem>>) dst(%dma_wait3A_172 : memref<10240x128xf32, #tpu.memory_space<vmem_shared>>)
    %barrier3A_173 = arith.constant 0 : index
    tpu.barrier barrier_id(%barrier3A_173)
    "tpu.region"() ({
      %run_scoped3A = tpu.sem_alloc : memref<!tpu.dma_semaphore, #tpu.memory_space<semaphore_mem>>
      %dma_start3A_174 = arith.constant 0 : i32
      %dma_start3A_175 = tpu.memref_slice %arg5[%arg0, %mul3A_2, %dma_start3A_174] : memref<2x10240x128xf32, #tpu.memory_space<hbm>> -> memref<1x640x128xf32, #tpu.memory_space<hbm>>
      %dma_start3A_176 = tpu.memref_squeeze %dma_start3A_175 : memref<1x640x128xf32, #tpu.memory_space<hbm>> -> memref<640x128xf32, #tpu.memory_space<hbm>>
      %dma_start3A_177 = arith.constant 0 : i32
      %dma_start3A_178 = tpu.memref_slice %arg18[%mul3A_2, %dma_start3A_177] : memref<10240x128xf32, #tpu.memory_space<vmem_shared>> -> memref<640x128xf32, #tpu.memory_space<vmem_shared>>
      tpu.enqueue_dma source(%dma_start3A_178 : memref<640x128xf32, #tpu.memory_space<vmem_shared>>) target(%dma_start3A_176 : memref<640x128xf32, #tpu.memory_space<hbm>>) target_semaphore(%run_scoped3A : memref<!tpu.dma_semaphore, #tpu.memory_space<semaphore_mem>>)
      %dma_wait3A_179 = arith.constant 0 : i32
      %dma_wait3A_180 = tpu.memref_slice %arg5[%arg0, %mul3A_2, %dma_wait3A_179] : memref<2x10240x128xf32, #tpu.memory_space<hbm>> -> memref<1x640x128xf32, #tpu.memory_space<hbm>>
      %dma_wait3A_181 = tpu.memref_squeeze %dma_wait3A_180 : memref<1x640x128xf32, #tpu.memory_space<hbm>> -> memref<640x128xf32, #tpu.memory_space<hbm>>
      %dma_wait3A_182 = arith.constant 0 : i32
      %dma_wait3A_183 = tpu.memref_slice %arg18[%mul3A_2, %dma_wait3A_182] : memref<10240x128xf32, #tpu.memory_space<vmem_shared>> -> memref<640x128xf32, #tpu.memory_space<vmem_shared>>
      tpu.wait_dma2 semaphore(%run_scoped3A : memref<!tpu.dma_semaphore, #tpu.memory_space<semaphore_mem>>) src(%dma_wait3A_183 : memref<640x128xf32, #tpu.memory_space<vmem_shared>>) dst(%dma_wait3A_181 : memref<640x128xf32, #tpu.memory_space<hbm>>)
      tpu.yield
    }) : () -> ()
    return
  }
}

module attributes {stable_mosaic.version = 14 : i64} {
  func.func @_tc_first_body(%arg0: i32, %arg1: memref<2000x128xf32, #tpu.memory_space<vmem>>, %arg2: memref<128x128xf32, #tpu.memory_space<vmem>>, %arg3: memref<2000x1xf32, #tpu.memory_space<vmem>>, %arg4: memref<2000x1xf32, #tpu.memory_space<vmem>>, %arg5: memref<2000x128xf32, #tpu.memory_space<vmem>>, %arg6: memref<2000x1xf32, #tpu.memory_space<vmem>>) attributes {dimension_semantics = [#tpu.dimension_semantics<arbitrary>], iteration_bounds = array<i64: 5>, scalar_prefetch = 0 : i64, scratch_operands = 0 : i64, tpu.core_type = #tpu.core_type<tc>, window_params = [{transform_indices = @transform_0, window_bounds = array<i64: 2000, 128>}, {pipeline_mode = #tpu.pipeline_mode<synchronous>, transform_indices = @transform_1, window_bounds = array<i64: 128, 128>}, {transform_indices = @transform_2, window_bounds = array<i64: 2000, 1>}, {transform_indices = @transform_3, window_bounds = array<i64: 2000, 1>}, {transform_indices = @transform_4, window_bounds = array<i64: 2000, 128>}, {transform_indices = @transform_5, window_bounds = array<i64: 2000, 1>}]} {
    %get3A = arith.constant 0 : index
    %get3A_0 = arith.constant 0 : index
    %get3A_1 = vector.load %arg3[%get3A, %get3A_0] : memref<2000x1xf32, #tpu.memory_space<vmem>>, vector<2000x1xf32>
    %get3A_2 = arith.constant 0 : index
    %get3A_3 = arith.constant 0 : index
    %get3A_4 = vector.load %arg4[%get3A_2, %get3A_3] : memref<2000x1xf32, #tpu.memory_space<vmem>>, vector<2000x1xf32>
    %add3A = arith.addf %get3A_1, %get3A_4 : vector<2000x1xf32>
    %add3A_5 = arith.constant 1.000000e+00 : f32
    %add3A_6 = vector.broadcast %add3A_5 : f32 to vector<2000x1xf32>
    %add3A_7 = arith.addf %add3A, %add3A_6 : vector<2000x1xf32>
    %rsqrt3A = math.rsqrt %add3A_7 : vector<2000x1xf32>
    %get3A_8 = arith.constant 0 : index
    %get3A_9 = arith.constant 0 : index
    %get3A_10 = vector.load %arg1[%get3A_8, %get3A_9] : memref<2000x128xf32, #tpu.memory_space<vmem>>, vector<2000x128xf32>
    %get3A_11 = arith.constant 0 : index
    %get3A_12 = arith.constant 0 : index
    %get3A_13 = vector.load %arg2[%get3A_11, %get3A_12] : memref<128x128xf32, #tpu.memory_space<vmem>>, vector<128x128xf32>
    %dot_general3A = arith.constant dense<0.000000e+00> : vector<2000x128xf32>
    %dot_general3A_14 = tpu.matmul %get3A_10, %get3A_13, %dot_general3A {dimension_numbers = #tpu.dot_dimension_numbers<[1], [0], [0], [1], [0, 0, 1, 1], [], []>, transpose_lhs_hint = false} : vector<2000x128xf32>, vector<128x128xf32>, vector<2000x128xf32> -> vector<2000x128xf32>
    %mul3A = vector.broadcast %rsqrt3A : vector<2000x1xf32> to vector<2000x128xf32>
    %mul3A_15 = arith.mulf %dot_general3A_14, %mul3A : vector<2000x128xf32>
    %swap3A = arith.constant 0 : index
    %swap3A_16 = arith.constant 0 : index
    %swap3A_17 = vector.load %arg5[%swap3A, %swap3A_16] : memref<2000x128xf32, #tpu.memory_space<vmem>>, vector<2000x128xf32>
    tpu.vector_store %arg5[%swap3A, %swap3A_16], %mul3A_15 {strides = array<i32>} : memref<2000x128xf32, #tpu.memory_space<vmem>>, vector<2000x128xf32>,
    %swap3A_18 = arith.constant 0 : index
    %swap3A_19 = arith.constant 0 : index
    %swap3A_20 = vector.load %arg6[%swap3A_18, %swap3A_19] : memref<2000x1xf32, #tpu.memory_space<vmem>>, vector<2000x1xf32>
    tpu.vector_store %arg6[%swap3A_18, %swap3A_19], %rsqrt3A {strides = array<i32>} : memref<2000x1xf32, #tpu.memory_space<vmem>>, vector<2000x1xf32>,
    return
  }
  func.func @transform_0(%arg0: i32) -> (i32, i32) {
    %c0_i32 = arith.constant 0 : i32
    %c0_i32_0 = arith.constant 0 : i32
    return %arg0, %c0_i32 : i32, i32
  }
  func.func @transform_1(%arg0: i32) -> (i32, i32) {
    %c0_i32 = arith.constant 0 : i32
    %c0_i32_0 = arith.constant 0 : i32
    %c0_i32_1 = arith.constant 0 : i32
    return %c0_i32, %c0_i32_0 : i32, i32
  }
  func.func @transform_2(%arg0: i32) -> (i32, i32) {
    %c0_i32 = arith.constant 0 : i32
    %c0_i32_0 = arith.constant 0 : i32
    return %arg0, %c0_i32 : i32, i32
  }
  func.func @transform_3(%arg0: i32) -> (i32, i32) {
    %c0_i32 = arith.constant 0 : i32
    %c0_i32_0 = arith.constant 0 : i32
    return %arg0, %c0_i32 : i32, i32
  }
  func.func @transform_4(%arg0: i32) -> (i32, i32) {
    %c0_i32 = arith.constant 0 : i32
    %c0_i32_0 = arith.constant 0 : i32
    return %arg0, %c0_i32 : i32, i32
  }
  func.func @transform_5(%arg0: i32) -> (i32, i32) {
    %c0_i32 = arith.constant 0 : i32
    %c0_i32_0 = arith.constant 0 : i32
    return %arg0, %c0_i32 : i32, i32
  }
}

module attributes {stable_mosaic.version = 14 : i64} {
  func.func @_tc_mid_body(%arg0: i32, %arg1: memref<1x2000x128xf32, #tpu.memory_space<vmem>>, %arg2: memref<1x2000x128xf32, #tpu.memory_space<vmem>>, %arg3: memref<2000x128xf32, #tpu.memory_space<vmem>>, %arg4: memref<2000x1xf32, #tpu.memory_space<vmem>>, %arg5: memref<1x128xf32, #tpu.memory_space<vmem>>, %arg6: memref<128x128xf32, #tpu.memory_space<vmem>>, %arg7: memref<2000x128xf32, #tpu.memory_space<vmem>>) attributes {dimension_semantics = [#tpu.dimension_semantics<arbitrary>], iteration_bounds = array<i64: 5>, scalar_prefetch = 0 : i64, scratch_operands = 0 : i64, tpu.core_type = #tpu.core_type<tc>, window_params = [{transform_indices = @transform_0, window_bounds = array<i64: 1, 2000, 128>}, {transform_indices = @transform_1, window_bounds = array<i64: 1, 2000, 128>}, {transform_indices = @transform_2, window_bounds = array<i64: 2000, 128>}, {transform_indices = @transform_3, window_bounds = array<i64: 2000, 1>}, {pipeline_mode = #tpu.pipeline_mode<synchronous>, transform_indices = @transform_4, window_bounds = array<i64: 1, 128>}, {pipeline_mode = #tpu.pipeline_mode<synchronous>, transform_indices = @transform_5, window_bounds = array<i64: 128, 128>}, {transform_indices = @transform_6, window_bounds = array<i64: 2000, 128>}]} {
    %get3A = arith.constant 0 : index
    %get3A_0 = arith.constant 0 : index
    %get3A_1 = vector.load %arg4[%get3A, %get3A_0] : memref<2000x1xf32, #tpu.memory_space<vmem>>, vector<2000x1xf32>
    %get3A_2 = arith.constant 0 : index
    %get3A_3 = arith.constant 0 : index
    %get3A_4 = arith.constant 0 : index
    %get3A_5 = vector.load %arg1[%get3A_2, %get3A_3, %get3A_4] : memref<1x2000x128xf32, #tpu.memory_space<vmem>>, vector<1x2000x128xf32>
    %get3A_6 = vector.shape_cast %get3A_5 : vector<1x2000x128xf32> to vector<2000x128xf32>
    %get3A_7 = arith.constant 0 : index
    %get3A_8 = arith.constant 0 : index
    %get3A_9 = arith.constant 0 : index
    %get3A_10 = vector.load %arg2[%get3A_7, %get3A_8, %get3A_9] : memref<1x2000x128xf32, #tpu.memory_space<vmem>>, vector<1x2000x128xf32>
    %get3A_11 = vector.shape_cast %get3A_10 : vector<1x2000x128xf32> to vector<2000x128xf32>
    %add3A = arith.addf %get3A_6, %get3A_11 : vector<2000x128xf32>
    %get3A_12 = arith.constant 0 : index
    %get3A_13 = arith.constant 0 : index
    %get3A_14 = vector.load %arg3[%get3A_12, %get3A_13] : memref<2000x128xf32, #tpu.memory_space<vmem>>, vector<2000x128xf32>
    %add3A_15 = arith.addf %add3A, %get3A_14 : vector<2000x128xf32>
    %mul3A = vector.broadcast %get3A_1 : vector<2000x1xf32> to vector<2000x128xf32>
    %mul3A_16 = arith.mulf %mul3A, %add3A_15 : vector<2000x128xf32>
    %get3A_17 = arith.constant 0 : index
    %get3A_18 = arith.constant 0 : index
    %get3A_19 = vector.load %arg5[%get3A_17, %get3A_18] : memref<1x128xf32, #tpu.memory_space<vmem>>, vector<1x128xf32>
    %add3A_20 = vector.broadcast %get3A_19 : vector<1x128xf32> to vector<2000x128xf32>
    %add3A_21 = arith.addf %mul3A_16, %add3A_20 : vector<2000x128xf32>
    %tanh3A = math.tanh %add3A_21 : vector<2000x128xf32>
    %get3A_22 = arith.constant 0 : index
    %get3A_23 = arith.constant 0 : index
    %get3A_24 = vector.load %arg6[%get3A_22, %get3A_23] : memref<128x128xf32, #tpu.memory_space<vmem>>, vector<128x128xf32>
    %dot_general3A = arith.constant dense<0.000000e+00> : vector<2000x128xf32>
    %dot_general3A_25 = tpu.matmul %tanh3A, %get3A_24, %dot_general3A {dimension_numbers = #tpu.dot_dimension_numbers<[1], [0], [0], [1], [0, 0, 1, 1], [], []>, transpose_lhs_hint = false} : vector<2000x128xf32>, vector<128x128xf32>, vector<2000x128xf32> -> vector<2000x128xf32>
    %mul3A_26 = vector.broadcast %get3A_1 : vector<2000x1xf32> to vector<2000x128xf32>
    %mul3A_27 = arith.mulf %mul3A_26, %dot_general3A_25 : vector<2000x128xf32>
    %swap3A = arith.constant 0 : index
    %swap3A_28 = arith.constant 0 : index
    %swap3A_29 = vector.load %arg7[%swap3A, %swap3A_28] : memref<2000x128xf32, #tpu.memory_space<vmem>>, vector<2000x128xf32>
    tpu.vector_store %arg7[%swap3A, %swap3A_28], %mul3A_27 {strides = array<i32>} : memref<2000x128xf32, #tpu.memory_space<vmem>>, vector<2000x128xf32>,
    return
  }
  func.func @transform_0(%arg0: i32) -> (i32, i32, i32) {
    %c0_i32 = arith.constant 0 : i32
    %c0_i32_0 = arith.constant 0 : i32
    %c0_i32_1 = arith.constant 0 : i32
    return %c0_i32, %arg0, %c0_i32_0 : i32, i32, i32
  }
  func.func @transform_1(%arg0: i32) -> (i32, i32, i32) {
    %c1_i32 = arith.constant 1 : i32
    %c0_i32 = arith.constant 0 : i32
    %c0_i32_0 = arith.constant 0 : i32
    return %c1_i32, %arg0, %c0_i32 : i32, i32, i32
  }
  func.func @transform_2(%arg0: i32) -> (i32, i32) {
    %c0_i32 = arith.constant 0 : i32
    %c0_i32_0 = arith.constant 0 : i32
    return %arg0, %c0_i32 : i32, i32
  }
  func.func @transform_3(%arg0: i32) -> (i32, i32) {
    %c0_i32 = arith.constant 0 : i32
    %c0_i32_0 = arith.constant 0 : i32
    return %arg0, %c0_i32 : i32, i32
  }
  func.func @transform_4(%arg0: i32) -> (i32, i32) {
    %c0_i32 = arith.constant 0 : i32
    %c0_i32_0 = arith.constant 0 : i32
    %c0_i32_1 = arith.constant 0 : i32
    return %c0_i32, %c0_i32_0 : i32, i32
  }
  func.func @transform_5(%arg0: i32) -> (i32, i32) {
    %c0_i32 = arith.constant 0 : i32
    %c0_i32_0 = arith.constant 0 : i32
    %c0_i32_1 = arith.constant 0 : i32
    return %c0_i32, %c0_i32_0 : i32, i32
  }
  func.func @transform_6(%arg0: i32) -> (i32, i32) {
    %c0_i32 = arith.constant 0 : i32
    %c0_i32_0 = arith.constant 0 : i32
    return %arg0, %c0_i32 : i32, i32
  }
}

module attributes {stable_mosaic.version = 14 : i64} {
  func.func @_tc_final_body(%arg0: i32, %arg1: memref<1x2000x128xf32, #tpu.memory_space<vmem>>, %arg2: memref<1x2000x128xf32, #tpu.memory_space<vmem>>, %arg3: memref<2000x128xf32, #tpu.memory_space<vmem>>, %arg4: memref<2000x1xf32, #tpu.memory_space<vmem>>, %arg5: memref<1x128xf32, #tpu.memory_space<vmem>>, %arg6: memref<128x64xf32, #tpu.memory_space<vmem>>, %arg7: memref<1x64xf32, #tpu.memory_space<vmem>>, %arg8: memref<64x12xf32, #tpu.memory_space<vmem>>, %arg9: memref<1x12xf32, #tpu.memory_space<vmem>>, %arg10: memref<2000x12xf32, #tpu.memory_space<vmem>>) attributes {dimension_semantics = [#tpu.dimension_semantics<arbitrary>], iteration_bounds = array<i64: 5>, scalar_prefetch = 0 : i64, scratch_operands = 0 : i64, tpu.core_type = #tpu.core_type<tc>, window_params = [{transform_indices = @transform_0, window_bounds = array<i64: 1, 2000, 128>}, {transform_indices = @transform_1, window_bounds = array<i64: 1, 2000, 128>}, {transform_indices = @transform_2, window_bounds = array<i64: 2000, 128>}, {transform_indices = @transform_3, window_bounds = array<i64: 2000, 1>}, {pipeline_mode = #tpu.pipeline_mode<synchronous>, transform_indices = @transform_4, window_bounds = array<i64: 1, 128>}, {pipeline_mode = #tpu.pipeline_mode<synchronous>, transform_indices = @transform_5, window_bounds = array<i64: 128, 64>}, {pipeline_mode = #tpu.pipeline_mode<synchronous>, transform_indices = @transform_6, window_bounds = array<i64: 1, 64>}, {pipeline_mode = #tpu.pipeline_mode<synchronous>, transform_indices = @transform_7, window_bounds = array<i64: 64, 12>}, {pipeline_mode = #tpu.pipeline_mode<synchronous>, transform_indices = @transform_8, window_bounds = array<i64: 1, 12>}, {transform_indices = @transform_9, window_bounds = array<i64: 2000, 12>}]} {
    %get3A = arith.constant 0 : index
    %get3A_0 = arith.constant 0 : index
    %get3A_1 = vector.load %arg4[%get3A, %get3A_0] : memref<2000x1xf32, #tpu.memory_space<vmem>>, vector<2000x1xf32>
    %get3A_2 = arith.constant 0 : index
    %get3A_3 = arith.constant 0 : index
    %get3A_4 = arith.constant 0 : index
    %get3A_5 = vector.load %arg1[%get3A_2, %get3A_3, %get3A_4] : memref<1x2000x128xf32, #tpu.memory_space<vmem>>, vector<1x2000x128xf32>
    %get3A_6 = vector.shape_cast %get3A_5 : vector<1x2000x128xf32> to vector<2000x128xf32>
    %get3A_7 = arith.constant 0 : index
    %get3A_8 = arith.constant 0 : index
    %get3A_9 = arith.constant 0 : index
    %get3A_10 = vector.load %arg2[%get3A_7, %get3A_8, %get3A_9] : memref<1x2000x128xf32, #tpu.memory_space<vmem>>, vector<1x2000x128xf32>
    %get3A_11 = vector.shape_cast %get3A_10 : vector<1x2000x128xf32> to vector<2000x128xf32>
    %add3A = arith.addf %get3A_6, %get3A_11 : vector<2000x128xf32>
    %get3A_12 = arith.constant 0 : index
    %get3A_13 = arith.constant 0 : index
    %get3A_14 = vector.load %arg3[%get3A_12, %get3A_13] : memref<2000x128xf32, #tpu.memory_space<vmem>>, vector<2000x128xf32>
    %add3A_15 = arith.addf %add3A, %get3A_14 : vector<2000x128xf32>
    %mul3A = vector.broadcast %get3A_1 : vector<2000x1xf32> to vector<2000x128xf32>
    %mul3A_16 = arith.mulf %mul3A, %add3A_15 : vector<2000x128xf32>
    %get3A_17 = arith.constant 0 : index
    %get3A_18 = arith.constant 0 : index
    %get3A_19 = vector.load %arg5[%get3A_17, %get3A_18] : memref<1x128xf32, #tpu.memory_space<vmem>>, vector<1x128xf32>
    %add3A_20 = vector.broadcast %get3A_19 : vector<1x128xf32> to vector<2000x128xf32>
    %add3A_21 = arith.addf %mul3A_16, %add3A_20 : vector<2000x128xf32>
    %tanh3A = math.tanh %add3A_21 : vector<2000x128xf32>
    %get3A_22 = arith.constant 0 : index
    %get3A_23 = arith.constant 0 : index
    %get3A_24 = vector.load %arg6[%get3A_22, %get3A_23] : memref<128x64xf32, #tpu.memory_space<vmem>>, vector<128x64xf32>
    %dot_general3A = arith.constant dense<0.000000e+00> : vector<2000x64xf32>
    %dot_general3A_25 = tpu.matmul %tanh3A, %get3A_24, %dot_general3A {dimension_numbers = #tpu.dot_dimension_numbers<[1], [0], [0], [1], [0, 0, 1, 1], [], []>, transpose_lhs_hint = false} : vector<2000x128xf32>, vector<128x64xf32>, vector<2000x64xf32> -> vector<2000x64xf32>
    %get3A_26 = arith.constant 0 : index
    %get3A_27 = arith.constant 0 : index
    %get3A_28 = vector.load %arg7[%get3A_26, %get3A_27] : memref<1x64xf32, #tpu.memory_space<vmem>>, vector<1x64xf32>
    %add3A_29 = vector.broadcast %get3A_28 : vector<1x64xf32> to vector<2000x64xf32>
    %add3A_30 = arith.addf %dot_general3A_25, %add3A_29 : vector<2000x64xf32>
    %get3A_31 = arith.constant 0 : index
    %get3A_32 = arith.constant 0 : index
    %get3A_33 = vector.load %arg8[%get3A_31, %get3A_32] : memref<64x12xf32, #tpu.memory_space<vmem>>, vector<64x12xf32>
    %dot_general3A_34 = arith.constant dense<0.000000e+00> : vector<2000x12xf32>
    %dot_general3A_35 = tpu.matmul %add3A_30, %get3A_33, %dot_general3A_34 {dimension_numbers = #tpu.dot_dimension_numbers<[1], [0], [0], [1], [0, 0, 1, 1], [], []>, transpose_lhs_hint = false} : vector<2000x64xf32>, vector<64x12xf32>, vector<2000x12xf32> -> vector<2000x12xf32>
    %get3A_36 = arith.constant 0 : index
    %get3A_37 = arith.constant 0 : index
    %get3A_38 = vector.load %arg9[%get3A_36, %get3A_37] : memref<1x12xf32, #tpu.memory_space<vmem>>, vector<1x12xf32>
    %add3A_39 = vector.broadcast %get3A_38 : vector<1x12xf32> to vector<2000x12xf32>
    %add3A_40 = arith.addf %dot_general3A_35, %add3A_39 : vector<2000x12xf32>
    %swap3A = arith.constant 0 : index
    %swap3A_41 = arith.constant 0 : index
    %swap3A_42 = vector.load %arg10[%swap3A, %swap3A_41] : memref<2000x12xf32, #tpu.memory_space<vmem>>, vector<2000x12xf32>
    tpu.vector_store %arg10[%swap3A, %swap3A_41], %add3A_40 {strides = array<i32>} : memref<2000x12xf32, #tpu.memory_space<vmem>>, vector<2000x12xf32>,
    return
  }
  func.func @transform_0(%arg0: i32) -> (i32, i32, i32) {
    %c0_i32 = arith.constant 0 : i32
    %c0_i32_0 = arith.constant 0 : i32
    %c0_i32_1 = arith.constant 0 : i32
    return %c0_i32, %arg0, %c0_i32_0 : i32, i32, i32
  }
  func.func @transform_1(%arg0: i32) -> (i32, i32, i32) {
    %c1_i32 = arith.constant 1 : i32
    %c0_i32 = arith.constant 0 : i32
    %c0_i32_0 = arith.constant 0 : i32
    return %c1_i32, %arg0, %c0_i32 : i32, i32, i32
  }
  func.func @transform_2(%arg0: i32) -> (i32, i32) {
    %c0_i32 = arith.constant 0 : i32
    %c0_i32_0 = arith.constant 0 : i32
    return %arg0, %c0_i32 : i32, i32
  }
  func.func @transform_3(%arg0: i32) -> (i32, i32) {
    %c0_i32 = arith.constant 0 : i32
    %c0_i32_0 = arith.constant 0 : i32
    return %arg0, %c0_i32 : i32, i32
  }
  func.func @transform_4(%arg0: i32) -> (i32, i32) {
    %c0_i32 = arith.constant 0 : i32
    %c0_i32_0 = arith.constant 0 : i32
    %c0_i32_1 = arith.constant 0 : i32
    return %c0_i32, %c0_i32_0 : i32, i32
  }
  func.func @transform_5(%arg0: i32) -> (i32, i32) {
    %c0_i32 = arith.constant 0 : i32
    %c0_i32_0 = arith.constant 0 : i32
    %c0_i32_1 = arith.constant 0 : i32
    return %c0_i32, %c0_i32_0 : i32, i32
  }
  func.func @transform_6(%arg0: i32) -> (i32, i32) {
    %c0_i32 = arith.constant 0 : i32
    %c0_i32_0 = arith.constant 0 : i32
    %c0_i32_1 = arith.constant 0 : i32
    return %c0_i32, %c0_i32_0 : i32, i32
  }
  func.func @transform_7(%arg0: i32) -> (i32, i32) {
    %c0_i32 = arith.constant 0 : i32
    %c0_i32_0 = arith.constant 0 : i32
    %c0_i32_1 = arith.constant 0 : i32
    return %c0_i32, %c0_i32_0 : i32, i32
  }
  func.func @transform_8(%arg0: i32) -> (i32, i32) {
    %c0_i32 = arith.constant 0 : i32
    %c0_i32_0 = arith.constant 0 : i32
    %c0_i32_1 = arith.constant 0 : i32
    return %c0_i32, %c0_i32_0 : i32, i32
  }
  func.func @transform_9(%arg0: i32) -> (i32, i32) {
    %c0_i32 = arith.constant 0 : i32
    %c0_i32_0 = arith.constant 0 : i32
    return %arg0, %c0_i32 : i32, i32
  }
}

</mosaic_0001>

<sc_bundles>
// kernel: kernel.10.cloned.1.call-start
scs
__scs_entry_jumppad:
0x0: {  	(pc) =	sbr.rel $0x88, $3  }
0x1: {  	(tag) =	ssettag $0x0;
	lr =	simm.s32 $0x1  }
0x2: {  	[smem:$0x3F95] =	sst lr;
	_ =	strace $0xD0000000  }
0x3: {  	_ = 	snop  }
0x4: {  	_ = 	snop  }
0x5: {  	_ = 	snop  }
0x6: {  	_ = 	snop  }
0x7: {  	_ = 	snop  }
__scs_overlays_trampoline_lowered:
0x8: {  	[smem:$0x3FA4] =	sst s0  }
0x9: {  	[smem:$0x3FA5] =	sst s1  }
0xa: {  	[smem:$0x3FA6] =	sst s2  }
0xb: {  	[smem:$0x3FA7] =	sst s3  }
0xc: {  	[smem:$0x3FA8] =	sst s4  }
0xd: {  	[smem:$0x3FA9] =	sst s5  }
0xe: {  	[smem:$0x3FAA] =	sst s6  }
0xf: {  	[smem:$0x3FAB] =	sst s7  }
0x10: {  	[smem:$0x3FAC] =	sst s8  }
0x11: {  	[smem:$0x3FAD] =	sst s9;
	s0 =	simm.s32 @!p0 $0x0  }
0x12: {  	s1 =	sld [smem:$0x3F93];
	s0 =	simm.s32 @p0 $0x1  }
0x13: {  	[smem:$0x3FAE] =	sst s0;
	s0 =	simm.s32 @!p1 $0x0  }
0x14: {  	s2 =	sld [smem:$0x3F92];
	s0 =	simm.s32 @p1 $0x1  }
0x15: {  	[smem:$0x3FAF] =	sst s0;
	s0 =	simm.s32 @!p2 $0x0  }
0x16: {  	s3 =	sld [smem:$0x3FDB];
	s0 =	simm.s32 @p2 $0x1  }
0x17: {  	s4 =	simm.s32 $0x1BF5;
	[smem:$0x3FB1] =	sst s0  }
0x18: {  	s0 =	sld [smem:$0x3F94];
	_ =	swait.ge [sflag:s4], $0x0  }
0x19: {  	s7 =	sld [smem:$0x3F95]  }
0x1a: {  	s8 =	sadd.s32 $0xFFFFE003, lr  }
0x1b: {  	s9 =	sadd.s32 $0xFFFFFEF7, lr;
	s5 =	simm.s32 $0xFFFFFFFF;
	p2 =	slt.u32 s8, $0xFFFFF086  }
0x1c: {  	p1 =	slt.u32 s9, $0xF7A;
	s5 =	simm.s32 @!p2 $0x0  }
0x1d: {  	s5 =	simm.s32 @p1 $0x1;
	p0 =	seq.s32 s7, s2  }
0x1e: {  	s7 =	smul.u32 @!p0 $0xF7A, s2;
	p2 =	seq.s32 @!p0 s5, $0x0  }
0x1f: {  	s9 =	smul.u32 $0xF7A, s1;
	s8 =	simm.s32 @!p0 $0x1BF5;
	p2 =	por !p2, p0  }
0x20: {  	[sflag:s8] =	ssyncset.s32 @!p0 $0xFFFFF086;
	s6 =	sadd.s32 @!p0 s3, s7;
	s7 =	simm.s32 @!p0 $0x108  }
0x21: {  	s3 =	sadd.s32 s3, s9;
	s6 =	sadd.s32 @!p0 $0x88, s6;
	s7 =	simm.s32 @p2 $0x1082  }
0x22: {  	[simem:s7], [sflag:s8] =	dma.local @!p0 [hbm:s6], $0xF7A  }
0x23: {  	s9 =	sor.u32 $0xD0000000, s2;
	s6 =	simm.s32 $0x108;
	_ =	swait.ge @!p0 [sflag:s8], $0x0  }
0x24: {  	s3 =	sadd.s32 $0x88, s3;
	s6 =	simm.s32 @!p1 $0x1082;
	[sflag:s4] =	ssyncset.s32 $0xFFFFF086  }
0x25: {  	[simem:s6], [sflag:s4] =	dma.local [hbm:s3], $0xF7A  }
0x26: {  	[smem:$0x3F95] =	sst s1;
	(tag) =	ssettag s2;
	_ =	strace s9  }
0x27: {  	s1 =	sld [smem:$0x3FA5]  }
0x28: {  	s2 =	sld [smem:$0x3FA6]  }
0x29: {  	s4 =	sld [smem:$0x3FA8]  }
0x2a: {  	p0 =	seq.s32 s5, $0x0;
	s5 =	sld [smem:$0x3FA9]  }
0x2b: {  	s6 =	sld [smem:$0x3FAA]  }
0x2c: {  	s7 =	sld [smem:$0x3FAB]  }
0x2d: {  	s3 =	simm.s32 $0x108;
	s8 =	sld [smem:$0x3FAC]  }
0x2e: {  	s3 =	simm.s32 @!p0 $0x1082;
	s9 =	sld [smem:$0x3FAD]  }
0x2f: {  	lr =	sadd.s32 s0, s3;
	s0 =	sld [smem:$0x3FA4]  }
0x30: {  	s3 =	sld [smem:$0x3FA7]  }
0x31: {  	[smem:$0x3FB0] =	sst s10  }
0x32: {  	s10 =	sld [smem:$0x3FAE];
	_ =	sdelay $0x3  }
0x33: {  	p0 =	seq.s32 s10, $0x1;
	s10 =	sld [smem:$0x3FB0];
	_ =	sdelay $0x3  }
0x34: {  	[smem:$0x3FB0] =	sst s10  }
0x35: {  	s10 =	sld [smem:$0x3FAF];
	_ =	sdelay $0x3  }
0x36: {  	p1 =	seq.s32 s10, $0x1;
	s10 =	sld [smem:$0x3FB0];
	_ =	sdelay $0x3  }
0x37: {  	[smem:$0x3FB0] =	sst s10  }
0x38: {  	s10 =	sld [smem:$0x3FB1]  }
0x39: {  	_ = 	snop;
	(pc) =	sbr.ind lr, $3  }
0x3a: {  	_ = 	snop  }
0x3b: {  	_ = 	snop  }
0x3c: {  	p2 =	seq.s32 s10, $0x1;
	s10 =	sld [smem:$0x3FB0]  }
0x3d: {  	_ =	shalt  }
0x3e: {  	_ =	shalt  }
0x3f: {  	_ =	shalt  }
0x40: {  	_ =	shalt  }
0x41: {  	_ =	shalt  }
0x42: {  	_ =	shalt  }
0x43: {  	_ =	shalt  }
0x44: {  	_ =	shalt  }
0x45: {  	_ =	shalt  }
0x46: {  	_ =	shalt  }
0x47: {  	_ =	shalt  }
0x48: {  	_ =	shalt  }
0x49: {  	_ =	shalt  }
0x4a: {  	_ =	shalt  }
0x4b: {  	_ =	shalt  }
0x4c: {  	_ =	shalt  }
0x4d: {  	_ =	shalt  }
0x4e: {  	_ =	shalt  }
0x4f: {  	_ =	shalt  }
0x50: {  	_ =	shalt  }
0x51: {  	_ =	shalt  }
0x52: {  	_ =	shalt  }
0x53: {  	_ =	shalt  }
0x54: {  	_ =	shalt  }
0x55: {  	_ =	shalt  }
0x56: {  	_ =	shalt  }
0x57: {  	_ =	shalt  }
0x58: {  	_ =	shalt  }
0x59: {  	_ =	shalt  }
0x5a: {  	_ =	shalt  }
0x5b: {  	_ =	shalt  }
0x5c: {  	_ =	shalt  }
0x5d: {  	_ =	shalt  }
0x5e: {  	_ =	shalt  }
0x5f: {  	_ =	shalt  }
0x60: {  	_ =	shalt  }
0x61: {  	_ =	shalt  }
0x62: {  	_ =	shalt  }
0x63: {  	_ =	shalt  }
0x64: {  	_ =	shalt  }
0x65: {  	_ =	shalt  }
0x66: {  	_ =	shalt  }
0x67: {  	_ =	shalt  }
0x68: {  	_ =	shalt  }
0x69: {  	_ =	shalt  }
0x6a: {  	_ =	shalt  }
0x6b: {  	_ =	shalt  }
0x6c: {  	_ =	shalt  }
0x6d: {  	_ =	shalt  }
0x6e: {  	_ =	shalt  }
0x6f: {  	_ =	shalt  }
0x70: {  	_ =	shalt  }
0x71: {  	_ =	shalt  }
0x72: {  	_ =	shalt  }
0x73: {  	_ =	shalt  }
0x74: {  	_ =	shalt  }
0x75: {  	_ =	shalt  }
0x76: {  	_ =	shalt  }
0x77: {  	_ =	shalt  }
0x78: {  	_ =	shalt  }
0x79: {  	_ =	shalt  }
0x7a: {  	_ =	shalt  }
0x7b: {  	_ =	shalt  }
0x7c: {  	_ =	shalt  }
0x7d: {  	_ =	shalt  }
0x7e: {  	_ =	shalt  }
0x7f: {  	_ =	shalt  }
0x80: {  	_ =	shalt  }
0x81: {  	_ =	shalt  }
0x82: {  	_ =	shalt  }
0x83: {  	_ =	shalt  }
0x84: {  	_ =	shalt  }
0x85: {  	_ =	shalt  }
0x86: {  	_ =	shalt  }
0x87: {  	_ =	shalt  }
.Lfunc_end0:
.L_simem_size_0:
called_computation_lowered:
.L_overlay_start_0:
0x88: {  	s2 =	sld [smem:$0x3FD9]  }
0x89: {  	s3 =	sld [smem:$0x3FFE];
	_ =	sdelay $0x1  }
0x8a: {  	s1 =	srdreg.scid  }
0x8b: {  	s0 =	sand.u32 $0x1, s1  }
0x8c: {  	s17 =	sshll.u32 s0, $0xA;
	s2 =	sadd.s32 s3, s2  }
0x8d: {  	s2 =	sadd.s32 s2, s17  }
0x8e: {  	[smem:$0x3FBC] =	sst s2  }
0x8f: {  	_ = 	snop  }
0x90: {  	s2 =	sld [smem:$0x3FD0];
	(tm) =	ssettm $0x1  }
0x91: {  	s18 =	sld [smem:$0x3FFB];
	_ =	sdelay $0x3  }
0x92: {  	_ =	strace s18  }
0x93: {  	s3 =	sld [smem:$0x3FFC];
	_ =	sdelay $0x3  }
0x94: {  	_ =	strace s3  }
0x95: {  	s3 =	sld [smem:$0x3FFD];
	_ =	sdelay $0x3  }
0x96: {  	_ =	strace s3  }
0x97: {  	_ =	strace $0x8FFFFFFF  }
0x98: {  	s19 =	sld [smem:$0x3FDB];
	_ =	sdelay $0x1  }
0x99: {  	s4 =	simm.s32 $_scs_section_size  }
0x9a: {  	s5 =	simm.s32 $_size__tile_overlayer_lowered;
	s6 =	simm.s32 $_tile_overlayer_lowered  }
0x9b: {  	s22 =	simm.s32 $0x1BFF;
	s21 =	sshll.u32 s6, $0x1;
	s3 =	sadd.s32 s4, s19  }
0x9c: {  	s7 =	simm.s32 $0x0;
	s20 =	sshll.u32 s5, $0x1;
	s5 =	sadd.s32 s21, s3  }
0x9d: {  	[timem:s7], [sflag:s22] =	dma.local [hbm:s5], s20  }
0x9e: {  	_ =	swait.ge [sflag:s22], s20  }
0x9f: {  	s4 =	ssub.s32 $0x0, s20;
	[sflag:s22] =	ssyncset.done $0x0  }
0xa0: {  	[sflag:s22] =	ssyncadd.s32 s4;
	_ =	sdelay $0x1  }
0xa1: {  	s23 =	simm.s32 $0x1B8B  }
0xa2: {  	_ =	swait.ge [sflag:s23], $0x1  }
0xa3: {  	[sflag:s23] =	ssyncset.done $0x0  }
0xa4: {  	s25 =	simm.s32 $0x1B8E;
	s24 =	sld [smem:$0x3FFE];
	[sflag:s23] =	ssyncadd.s32 $0xFFFFFFFF  }
0xa5: {  	s26 =	simm.s32 $execute0_lowered;
	[smem:$0x3FD2] =	sst s25  }
0xa6: {  	s5 =	sshll.u32 s26, $0x1;
	_ =	strace $0x80000046;
	[dreg:$0x1] =	wrdreg $0xFFFFFFFF  }
0xa7: {  	s28 =	simm.s32 $_size_execute0_lowered;
	s3 =	sadd.s32 s3, s5;
	[dreg:$0x0] =	wrdreg $0x0  }
0xa8: {  	s5 =	sshll.u32 s28, $0x1;
	[dreg:$0x2] =	wrdreg s3  }
0xa9: {  	[dreg:$0x3] =	wrdreg s5  }
0xaa: {  	[dreg:$0x4] =	wrdreg $0xC0  }
0xab: {  	_ =	task [dreg:s7], $0x5FFFF  }
0xac: {  	[dreg:$0x1] =	wrdreg $0xFFFFFFFF  }
0xad: {  	[dreg:$0x0] =	wrdreg $0x60  }
0xae: {  	[dreg:$0x2] =	wrdreg s24  }
0xaf: {  	[dreg:$0x3] =	wrdreg s2  }
0xb0: {  	[dreg:$0x4] =	wrdreg $0x2800  }
0xb1: {  	[dreg:$0x5] =	wrdreg $0x9  }
0xb2: {  	_ =	task.clear_ibuf [dreg:s7], $0x6FFFF;
	_ =	strace $0x90000046  }
0xb3: {  	s29 =	simm.s32 $0x9;
	_ =	strace $0x80000048  }
0xb4: {  	_ =	swait.ge [sflag:s29], $0x1  }
0xb5: {  	[sflag:s29] =	ssyncadd.s32 $0xFFFFFFFF  }
0xb6: {  	_ =	strace $0x90000048  }
0xb7: {  	_ =	sfence  }
0xb8: {  	s30 =	sld [smem:$0x0];
	_ =	sdelay $0x2  }
0xb9: {  	s31 =	sshll.u32 s1, $0xD;
	s1 =	sshrl.u32 s1, $0x2  }
0xba: {  	s3 =	sand.u32 $0x4000, s31;
	s1 =	sadd.s32 s1, s30  }
0xbb: {  	s0 =	sor.u32 s3, s0;
	s1 =	sshll.u32 s1, $0x11  }
0xbc: {  	s0 =	sor.u32 s1, s0  }
0xbd: {  	s0 =	sadd.s32 $0x8F2B, s0  }
0xbe: {  	[sflag:s0] =	ssyncadd.remote.s32 $0x1  }
0xbf: {  	_ =	sfence.sel $0xFFFF  }
0xc0: {  	[dreg:$0x0] =	wrdreg $0xFFFFFFFF;
	(pc) =	sbr.abs _section_cstart, $3  }
0xc1: {  	[dreg:$0x1] =	wrdreg $0xFFFFFFFF  }
0xc2: {  	_ =	task.clear_ibuf [dreg:s7], $0x2FFFF;
	_ =	strace $0x9FFFFFFF  }
0xc3: {  	(tm) =	ssettm $0x7FFFFFFF  }
tec
execute0_lowered:
.L_overlay_start_1:
0x0: {  	(tag) =	ssettag $0x1  }
0x1: {  	s0 =	rddreg [dreg:$0x0]  }
0x2: {  	s2 =	rddreg [dreg:$0x1]  }
0x3: {  	s1 =	rddreg [dreg:$0x2];
	s3 =	simm.s32 $0x0;
	s4 =	srdreg.scid  }
0x4: {  	s10 =	stileid.u32;
	s28 =	simm.s32 $0x100;
	s29 =	simm.s32 $0x180  }
0x5: {  	s30 =	simm.s32 $0x1;
	s31 =	simm.s32 $0x50;
	[smem:$0x7FF] =	sst s3  }
0x6: {  	s6 =	sand.u32 $0x1, s4;
	s7 =	smul.u32 $0x280, s10;
	s4 =	sadd.s32 $0x3400, s0  }
0x7: {  	s5 =	sshll.u32 s10, $0x1;
	s16 =	smul.u32 $0x4E20, s10;
	s10 =	simm.s32 $0x8  }
0x8: {  	_ =	strace $0x80000047;
	s24 =	ssub.s32 $0x2, s6;
	s15 =	smul.u32 $0x2800, s6  }
0x9: {  	s9 =	sor.u32 s6, s5;
	s6 =	smul.u32 $0x2710, s6;
	s5 =	sadd.s32 s7, s1  }
0xa: {  	s8 =	sshrl.u32 s24, $0x1;
	s25 =	smul.u32 $0x2710, s9;
	s26 =	sadd.s32 $0x50, s5  }
0xb: {  	s9 =	simm.s32 $0x7;
	s11 =	sadd.s32 $0xA0, s5;
	[dreg:$0x4] =	wrdreg s26  }
0xc: {  	s0 =	ssub.s32 s24, s8;
	s12 =	sadd.s32 $0xF0, s5;
	[dreg:$0x5] =	wrdreg s11  }
0xd: {  	s13 =	sadd.s32 $0x140, s5;
	s14 =	sadd.s32 $0x190, s5;
	[dreg:$0x6] =	wrdreg s12  }
0xe: {  	s18 =	sadd.s32 $0x230, s5;
	s7 =	sadd.s32 s7, s15;
	[dreg:$0x7] =	wrdreg s13  }
0xf: {  	s6 =	sadd.s32 s6, s16;
	[dreg:$0x8] =	wrdreg s14;
	s8 =	sshrl.u32 s25, $0x3  }
0x10: {  	s11 =	sadd.s32 $0x1E0, s5;
	[dreg:$0xa] =	wrdreg s18;
	s7 =	sshrl.u32 s7, $0x3  }
0x11: {  	s22 =	sadd.s32 $0x230, s6;
	s23 =	sadd.s32 $0x1E0, s6;
	s24 =	sadd.s32 $0x190, s6  }
0x12: {  	[dreg:$0x9] =	wrdreg s11;
	s12 =	sadd.s32 s4, s8;
	s18 =	sadd.s32 s2, s7  }
0x13: {  	s25 =	sshrl.u32 s23, $0x3;
	s26 =	sshrl.u32 s24, $0x3;
	s23 =	sadd.s32 $0x140, s6  }
0x14: {  	s24 =	simm.s32 $0x200;
	s2 =	simm.s32 $0x3;
	s6 =	simm.s32 $0x4  }
0x15: {  	s7 =	simm.s32 $0x5;
	s8 =	simm.s32 $0x6;
	s19 =	sadd.s32 $0xA, s12  }
0x16: {  	s11 =	simm.s32 $0x0;
	s20 =	sadd.s32 $0x14, s12;
	[dreg:$0xb] =	wrdreg s19  }
0x17: {  	s21 =	sadd.s32 $0x1E, s12;
	s17 =	sadd.s32 $0x4D8, s12;
	[dreg:$0xc] =	wrdreg s20  }
0x18: {  	[dreg:$0xd] =	wrdreg s21;
	s19 =	smax.u32 s0, $0x1;
	s0 =	sshrl.u32 s22, $0x3  }
0x19: {  	s21 =	sadd.s32 s25, s4;
	s22 =	sadd.s32 s26, s4;
	s25 =	simm.s32 $0x9  }
0x1a: {  	v0 =	vimm.f32 $0.0e+00;
	v1 =	vimm.f32 $1.000000000e+00;
	s26 =	simm.s32 $0x80;
	s20 =	sadd.s32 s0, s4;
	s0 =	simm.s32 $0x2  }
.LBB2_1:
0x1b: {  	[tilespmem:$0x200] =	vst v0  }
0x1c: {  	[tilespmem:$0x210] =	vst v0  }
0x1d: {  	[tilespmem:$0x220] =	vst v0  }
0x1e: {  	[tilespmem:$0x230] =	vst v0  }
0x1f: {  	[tilespmem:$0x240] =	vst v0  }
0x20: {  	[spmem:s5] =	stream.linear.scatter [tilespmem:s24], [sflag:$0x9], $0x50, $0x38;
	[tilespmem:$0x500] =	vst v63  }
0x21: {  	_ =	swait.ge [sflag:s25], $0x50  }
0x22: {  	[sflag:s25] =	ssyncset.done $0x0  }
0x23: {  	s13 =	rddreg [dreg:$0x4];
	[sflag:s25] =	ssyncadd.s32 $0xFFFFFFB0  }
0x24: {  	[spmem:s13] =	stream.linear.scatter [tilespmem:s24], [sflag:$0x9], $0x50, $0x38;
	[tilespmem:$0x500] =	vst v63  }
0x25: {  	_ =	swait.ge [sflag:s25], $0x50  }
0x26: {  	[sflag:s25] =	ssyncset.done $0x0  }
0x27: {  	s16 =	rddreg [dreg:$0x5];
	[sflag:s25] =	ssyncadd.s32 $0xFFFFFFB0  }
0x28: {  	[spmem:s16] =	stream.linear.scatter [tilespmem:s24], [sflag:$0x9], $0x50, $0x38;
	[tilespmem:$0x500] =	vst v63  }
0x29: {  	_ =	swait.ge [sflag:s25], $0x50  }
0x2a: {  	[sflag:s25] =	ssyncset.done $0x0  }
0x2b: {  	s14 =	rddreg [dreg:$0x6];
	[sflag:s25] =	ssyncadd.s32 $0xFFFFFFB0  }
0x2c: {  	[spmem:s14] =	stream.linear.scatter [tilespmem:s24], [sflag:$0x9], $0x50, $0x38;
	[tilespmem:$0x500] =	vst v63  }
0x2d: {  	_ =	swait.ge [sflag:s25], $0x50  }
0x2e: {  	[sflag:s25] =	ssyncset.done $0x0  }
0x2f: {  	s15 =	rddreg [dreg:$0x7];
	[sflag:s25] =	ssyncadd.s32 $0xFFFFFFB0  }
0x30: {  	[spmem:s15] =	stream.linear.scatter [tilespmem:s24], [sflag:$0x9], $0x50, $0x38;
	[tilespmem:$0x500] =	vst v63  }
0x31: {  	_ =	swait.ge [sflag:s25], $0x50  }
0x32: {  	[sflag:s25] =	ssyncset.done $0x0  }
0x33: {  	s16 =	rddreg [dreg:$0x8];
	[sflag:s25] =	ssyncadd.s32 $0xFFFFFFB0  }
0x34: {  	[spmem:s16] =	stream.linear.scatter [tilespmem:s24], [sflag:$0x9], $0x50, $0x38;
	[tilespmem:$0x500] =	vst v63  }
0x35: {  	_ =	swait.ge [sflag:s25], $0x50  }
0x36: {  	[sflag:s25] =	ssyncset.done $0x0  }
0x37: {  	s14 =	rddreg [dreg:$0x9];
	[sflag:s25] =	ssyncadd.s32 $0xFFFFFFB0  }
0x38: {  	[spmem:s14] =	stream.linear.scatter [tilespmem:s24], [sflag:$0x9], $0x50, $0x38;
	[tilespmem:$0x500] =	vst v63  }
0x39: {  	_ =	swait.ge [sflag:s25], $0x50  }
0x3a: {  	[sflag:s25] =	ssyncset.done $0x0  }
0x3b: {  	s15 =	rddreg [dreg:$0xa];
	[sflag:s25] =	ssyncadd.s32 $0xFFFFFFB0  }
0x3c: {  	[spmem:s15] =	stream.linear.scatter [tilespmem:s24], [sflag:$0x9], $0x50, $0x38;
	[tilespmem:$0x500] =	vst v63  }
0x3d: {  	_ =	swait.ge [sflag:s25], $0x50  }
0x3e: {  	[sflag:s25] =	ssyncset.done $0x0  }
0x3f: {  	[sflag:s25] =	ssyncadd.s32 $0xFFFFFFB0  }
0x40: {  	[bflag:$0x0] =	sbarrier.arrive $0xFFFF  }
0x41: {  	[tilespmem:$0x200] =	vst v1  }
0x42: {  	[tilespmem:$0x210] =	vst v1  }
0x43: {  	[tilespmem:$0x220] =	vst v1  }
0x44: {  	[tilespmem:$0x230] =	vst v1  }
0x45: {  	[tilespmem:$0x240] =	vst v1  }
0x46: {  	[tilespmem:s3], [sflag:$0x1] =	stream.linear.gather [hbm4b:s12+s3], $0x50, $0x38;
	[tilespmem:$0x500] =	vst v63  }
0x47: {  	s16 =	rddreg [dreg:$0xb]  }
0x48: {  	[tilespmem:s26], [sflag:$0x2] =	stream.linear.gather [hbm4b:s16+s3], $0x50, $0x38;
	[tilespmem:$0x500] =	vst v63  }
0x49: {  	s14 =	rddreg [dreg:$0xc]  }
0x4a: {  	[tilespmem:s28], [sflag:$0x3] =	stream.linear.gather [hbm4b:s14+s3], $0x50, $0x38;
	[tilespmem:$0x500] =	vst v63  }
0x4b: {  	s15 =	rddreg [dreg:$0xd]  }
0x4c: {  	[tilespmem:s29], [sflag:$0x4] =	stream.linear.gather [hbm4b:s15+s3], $0x50, $0x38;
	[tilespmem:$0x500] =	vst v63  }
0x4d: {  	_ =	swait.ge [sflag:s30], $0x50  }
0x4e: {  	[sflag:s30] =	ssyncset.done $0x0  }
0x4f: {  	[sflag:s30] =	ssyncadd.s32 $0xFFFFFFB0  }
0x50: {  	[spmem:s1] =	stream.indirect.scatter.add.f32 [tilespmem:s24], [sflag:$0x5], $0x1, s3, s31, $0xb8;
	[tilespmem:$0x500] =	vst v63  }
0x51: {  	_ =	swait.ge [sflag:s0], $0x50  }
0x52: {  	[sflag:s0] =	ssyncset.done $0x0  }
0x53: {  	[sflag:s0] =	ssyncadd.s32 $0xFFFFFFB0  }
0x54: {  	[spmem:s1] =	stream.indirect.scatter.add.f32 [tilespmem:s24], [sflag:$0x6], $0x1, s26, s31, $0xb8;
	[tilespmem:$0x500] =	vst v63  }
0x55: {  	_ =	swait.ge [sflag:s2], $0x50  }
0x56: {  	[sflag:s2] =	ssyncset.done $0x0  }
0x57: {  	[sflag:s2] =	ssyncadd.s32 $0xFFFFFFB0  }
0x58: {  	[spmem:s1] =	stream.indirect.scatter.add.f32 [tilespmem:s24], [sflag:$0x7], $0x1, s28, s31, $0xb8;
	[tilespmem:$0x500] =	vst v63  }
0x59: {  	_ =	swait.ge [sflag:s6], $0x50  }
0x5a: {  	[sflag:s6] =	ssyncset.done $0x0  }
0x5b: {  	[sflag:s6] =	ssyncadd.s32 $0xFFFFFFB0  }
0x5c: {  	[spmem:s1] =	stream.indirect.scatter.add.f32 [tilespmem:s24], [sflag:$0x8], $0x1, s29, s31, $0xb8;
	[tilespmem:$0x500] =	vst v63  }
0x5d: {  	_ =	swait.ge [sflag:s7], $0x50  }
0x5e: {  	s16 =	sshrl.u32 s23, $0x3;
	[sflag:s7] =	ssyncset.done $0x0  }
0x5f: {  	s13 =	sadd.s32 s4, s16;
	[sflag:s7] =	ssyncadd.s32 $0xFFFFFFB0  }
0x60: {  	[tilespmem:s3], [sflag:$0x1] =	stream.linear.gather [hbm4b:s13+s3], $0x50, $0x38;
	[tilespmem:$0x500] =	vst v63  }
0x61: {  	_ =	swait.ge [sflag:s8], $0x50  }
0x62: {  	[sflag:s8] =	ssyncset.done $0x0  }
0x63: {  	s14 =	sadd.s32 $0x0, s22;
	[sflag:s8] =	ssyncadd.s32 $0xFFFFFFB0  }
0x64: {  	[tilespmem:s26], [sflag:$0x2] =	stream.linear.gather [hbm4b:s14+s3], $0x50, $0x38;
	[tilespmem:$0x500] =	vst v63  }
0x65: {  	_ =	swait.ge [sflag:s9], $0x50  }
0x66: {  	[sflag:s9] =	ssyncset.done $0x0  }
0x67: {  	s15 =	sadd.s32 $0x0, s21;
	[sflag:s9] =	ssyncadd.s32 $0xFFFFFFB0  }
0x68: {  	[tilespmem:s28], [sflag:$0x3] =	stream.linear.gather [hbm4b:s15+s3], $0x50, $0x38;
	[tilespmem:$0x500] =	vst v63  }
0x69: {  	_ =	swait.ge [sflag:s10], $0x50  }
0x6a: {  	[sflag:s10] =	ssyncset.done $0x0  }
0x6b: {  	s16 =	sadd.s32 $0x0, s20;
	[sflag:s10] =	ssyncadd.s32 $0xFFFFFFB0  }
0x6c: {  	[tilespmem:s29], [sflag:$0x4] =	stream.linear.gather [hbm4b:s16+s3], $0x50, $0x38;
	[tilespmem:$0x500] =	vst v63  }
0x6d: {  	_ =	swait.ge [sflag:s30], $0x50  }
0x6e: {  	[sflag:s30] =	ssyncset.done $0x0  }
0x6f: {  	[sflag:s30] =	ssyncadd.s32 $0xFFFFFFB0  }
0x70: {  	[spmem:s1] =	stream.indirect.scatter.add.f32 [tilespmem:s24], [sflag:$0x5], $0x1, s3, s31, $0xb8;
	[tilespmem:$0x500] =	vst v63  }
0x71: {  	_ =	swait.ge [sflag:s0], $0x50  }
0x72: {  	[sflag:s0] =	ssyncset.done $0x0  }
0x73: {  	[sflag:s0] =	ssyncadd.s32 $0xFFFFFFB0  }
0x74: {  	[spmem:s1] =	stream.indirect.scatter.add.f32 [tilespmem:s24], [sflag:$0x6], $0x1, s26, s31, $0xb8;
	[tilespmem:$0x500] =	vst v63  }
0x75: {  	_ =	swait.ge [sflag:s2], $0x50  }
0x76: {  	[sflag:s2] =	ssyncset.done $0x0  }
0x77: {  	[sflag:s2] =	ssyncadd.s32 $0xFFFFFFB0  }
0x78: {  	[spmem:s1] =	stream.indirect.scatter.add.f32 [tilespmem:s24], [sflag:$0x7], $0x1, s28, s31, $0xb8;
	[tilespmem:$0x500] =	vst v63  }
0x79: {  	_ =	swait.ge [sflag:s6], $0x50  }
0x7a: {  	[sflag:s6] =	ssyncset.done $0x0  }
0x7b: {  	s13 =	simm.s32 $0x28;
	s14 =	sadd.s32 $0x140, s23;
	[sflag:s6] =	ssyncadd.s32 $0xFFFFFFB0  }
.LBB2_2:
0x7c: {  	[spmem:s1] =	stream.indirect.scatter.add.f32 [tilespmem:s24], [sflag:$0x8], $0x1, s29, s31, $0xb8;
	[tilespmem:$0x500] =	vst v63  }
0x7d: {  	s15 =	smov.u32 s13  }
0x7e: {  	p0 =	sne.s32 s13, $0x488;
	s13 =	sadd.s32 $0x28, s13;
	_ =	swait.ge [sflag:s7], $0x50  }
0x7f: {  	s16 =	sshrl.u32 s14, $0x3;
	[sflag:s7] =	ssyncset.done $0x0  }
0x80: {  	s16 =	sadd.s32 s4, s16;
	[sflag:s7] =	ssyncadd.s32 $0xFFFFFFB0  }
0x81: {  	[tilespmem:s3], [sflag:$0x1] =	stream.linear.gather [hbm4b:s16+s3], $0x50, $0x38;
	[tilespmem:$0x500] =	vst v63  }
0x82: {  	_ =	swait.ge [sflag:s8], $0x50  }
0x83: {  	[sflag:s8] =	ssyncset.done $0x0  }
0x84: {  	s16 =	sadd.s32 s15, s22;
	[sflag:s8] =	ssyncadd.s32 $0xFFFFFFB0  }
0x85: {  	[tilespmem:s26], [sflag:$0x2] =	stream.linear.gather [hbm4b:s16+s3], $0x50, $0x38;
	[tilespmem:$0x500] =	vst v63  }
0x86: {  	_ =	swait.ge [sflag:s9], $0x50  }
0x87: {  	[sflag:s9] =	ssyncset.done $0x0  }
0x88: {  	s16 =	sadd.s32 s15, s21;
	[sflag:s9] =	ssyncadd.s32 $0xFFFFFFB0  }
0x89: {  	[tilespmem:s28], [sflag:$0x3] =	stream.linear.gather [hbm4b:s16+s3], $0x50, $0x38;
	[tilespmem:$0x500] =	vst v63  }
0x8a: {  	_ =	swait.ge [sflag:s10], $0x50  }
0x8b: {  	[sflag:s10] =	ssyncset.done $0x0  }
0x8c: {  	s15 =	sadd.s32 s15, s20;
	[sflag:s10] =	ssyncadd.s32 $0xFFFFFFB0  }
0x8d: {  	[tilespmem:s29], [sflag:$0x4] =	stream.linear.gather [hbm4b:s15+s3], $0x50, $0x38;
	[tilespmem:$0x500] =	vst v63  }
0x8e: {  	_ =	swait.ge [sflag:s30], $0x50  }
0x8f: {  	[sflag:s30] =	ssyncset.done $0x0  }
0x90: {  	[sflag:s30] =	ssyncadd.s32 $0xFFFFFFB0  }
0x91: {  	[spmem:s1] =	stream.indirect.scatter.add.f32 [tilespmem:s24], [sflag:$0x5], $0x1, s3, s31, $0xb8;
	[tilespmem:$0x500] =	vst v63  }
0x92: {  	_ =	swait.ge [sflag:s0], $0x50  }
0x93: {  	[sflag:s0] =	ssyncset.done $0x0  }
0x94: {  	[sflag:s0] =	ssyncadd.s32 $0xFFFFFFB0  }
0x95: {  	[spmem:s1] =	stream.indirect.scatter.add.f32 [tilespmem:s24], [sflag:$0x6], $0x1, s26, s31, $0xb8;
	[tilespmem:$0x500] =	vst v63  }
0x96: {  	_ =	swait.ge [sflag:s2], $0x50  }
0x97: {  	[sflag:s2] =	ssyncset.done $0x0  }
.Ltmp0:
0x98: {  	[sflag:s2] =	ssyncadd.s32 $0xFFFFFFB0;
	(pc) =	sbr.rel @p0 .LBB2_2-.Ltmp0, $4  }
0x99: {  	[spmem:s1] =	stream.indirect.scatter.add.f32 [tilespmem:s24], [sflag:$0x7], $0x1, s28, s31, $0xb8;
	[tilespmem:$0x500] =	vst v63  }
0x9a: {  	_ =	swait.ge [sflag:s6], $0x50  }
0x9b: {  	[sflag:s6] =	ssyncset.done $0x0  }
0x9c: {  	s14 =	sadd.s32 $0x140, s14;
	[sflag:s6] =	ssyncadd.s32 $0xFFFFFFB0  }
0x9d: {  	[spmem:s1] =	stream.indirect.scatter.add.f32 [tilespmem:s24], [sflag:$0x8], $0x1, s29, s31, $0xb8;
	[tilespmem:$0x500] =	vst v63  }
0x9e: {  	_ =	swait.ge [sflag:s7], $0x50  }
0x9f: {  	[sflag:s7] =	ssyncset.done $0x0  }
0xa0: {  	[sflag:s7] =	ssyncadd.s32 $0xFFFFFFB0  }
0xa1: {  	[tilespmem:s3], [sflag:$0x1] =	stream.linear.gather [hbm4b:s17+s3], $0x50, $0x38;
	[tilespmem:$0x500] =	vst v63  }
0xa2: {  	_ =	swait.ge [sflag:s30], $0x50  }
0xa3: {  	[sflag:s30] =	ssyncset.done $0x0  }
0xa4: {  	[sflag:s30] =	ssyncadd.s32 $0xFFFFFFB0  }
0xa5: {  	[spmem:s1] =	stream.indirect.scatter.add.f32 [tilespmem:s24], [sflag:$0x5], $0x1, s3, s31, $0xb8;
	[tilespmem:$0x500] =	vst v63  }
0xa6: {  	_ =	swait.ge [sflag:s8], $0x50  }
0xa7: {  	[sflag:s8] =	ssyncset.done $0x0  }
0xa8: {  	[sflag:s8] =	ssyncadd.s32 $0xFFFFFFB0  }
0xa9: {  	_ =	swait.ge [sflag:s9], $0x50  }
0xaa: {  	[sflag:s9] =	ssyncset.done $0x0  }
0xab: {  	[sflag:s9] =	ssyncadd.s32 $0xFFFFFFB0  }
0xac: {  	_ =	swait.ge [sflag:s10], $0x50  }
0xad: {  	[sflag:s10] =	ssyncset.done $0x0  }
0xae: {  	[sflag:s10] =	ssyncadd.s32 $0xFFFFFFB0  }
0xaf: {  	s13 =	stileid.u32;
	_ =	swait.ge [sflag:s7], $0x50  }
0xb0: {  	s14 =	sshrl.u32 s5, $0x3;
	s11 =	sadd.s32 $0x1, s11;
	[sflag:s7] =	ssyncset.done $0x0  }
0xb1: {  	s13 =	sshll.u32 s13, $0x6;
	p0 =	sne.s32 s11, s19;
	[sflag:s7] =	ssyncadd.s32 $0xFFFFFFB0  }
.Ltmp1:
0xb2: {  	s13 =	sor.u32 $0x1C09, s13;
	[bflag:$0x0] =	sbarrier.arrive $0xFFFF;
	(pc) =	sbr.rel @p0 .LBB2_1-.Ltmp1, $4  }
0xb3: {  	[hbm:s18], [sflag:s13] =	dma.local [spmem:s14], $0x50  }
0xb4: {  	_ =	swait.ge [sflag:s25], $0x50  }
0xb5: {  	[sflag:s25] =	ssyncset.done $0x0  }
0xb6: {  	[sflag:s25] =	ssyncadd.s32 $0xFFFFFFB0  }
0xb7: {  	_ =	sfence.sel $0x180000  }
0xb8: {  	[bflag:$0x0] =	sbarrier.arrive $0xFFFF  }
0xb9: {  	_ =	strace $0x90000047  }
0xba: {  	s0 =	stileid.u32;
	[bflag:$0x2] =	sbarrier.arrive $0xFFFF  }
0xbb: {  	p0 =	sne.s32 s0, $0x0;
	s0 =	rddreg [dreg:$0x3]  }
0xbc: {  	s0 =	sadd.s32 @!p0 $0x100000, s0  }
0xbd: {  	[sflag:s0] =	ssyncadd.tile.s32 @!p0 $0x1;
	_ =	shalt  }
.Lfunc_end2:
_tile_overlayer_lowered:
.L_overlay_start_2:
0xbe: {  	(tag) =	ssettag $0x2  }
0xbf: {  	s0 =	rddreg [dreg:$0x0];
	s2 =	stileid.u32  }
0xc0: {  	s1 =	rddreg [dreg:$0x1];
	p0 =	sne.s32 s2, $0x0  }
0xc1: {  	s3 =	rddreg [dreg:$0x2];
	[bflag:$0x3] =	sbarrier.arrive $0xFFFF;
	s2 =	simm.s32 @!p0 $0x1C09  }
0xc2: {  	[timem:s3], [sflag:s2] =	dma.local @!p0 [hbm:s0], s1  }
0xc3: {  	s0 =	simm.s32 @!p0 $0x9  }
0xc4: {  	_ =	swait.ge @!p0 [sflag:s0], s1  }
0xc5: {  	s1 =	ssub.s32 @!p0 $0x0, s1;
	[sflag:s0] =	ssyncset.done @!p0 $0x0  }
0xc6: {  	[sflag:s0] =	ssyncadd.s32 @!p0 s1  }
0xc7: {  	[bflag:$0x3] =	sbarrier.arrive $0xFFFF  }
0xc8: {  	_ =	shalt  }

// kernel: kernel.13.cloned.1.call-start
scs
__scs_entry_jumppad:
0x0: {  	(pc) =	sbr.rel $0x88, $3  }
0x1: {  	(tag) =	ssettag $0x0;
	lr =	simm.s32 $0x1  }
0x2: {  	[smem:$0x3F95] =	sst lr;
	_ =	strace $0xD0000000  }
0x3: {  	_ = 	snop  }
0x4: {  	_ = 	snop  }
0x5: {  	_ = 	snop  }
0x6: {  	_ = 	snop  }
0x7: {  	_ = 	snop  }
__scs_overlays_trampoline_lowered:
0x8: {  	[smem:$0x3FA4] =	sst s0  }
0x9: {  	[smem:$0x3FA5] =	sst s1  }
0xa: {  	[smem:$0x3FA6] =	sst s2  }
0xb: {  	[smem:$0x3FA7] =	sst s3  }
0xc: {  	[smem:$0x3FA8] =	sst s4  }
0xd: {  	[smem:$0x3FA9] =	sst s5  }
0xe: {  	[smem:$0x3FAA] =	sst s6  }
0xf: {  	[smem:$0x3FAB] =	sst s7  }
0x10: {  	[smem:$0x3FAC] =	sst s8  }
0x11: {  	[smem:$0x3FAD] =	sst s9;
	s0 =	simm.s32 @!p0 $0x0  }
0x12: {  	s1 =	sld [smem:$0x3F93];
	s0 =	simm.s32 @p0 $0x1  }
0x13: {  	[smem:$0x3FAE] =	sst s0;
	s0 =	simm.s32 @!p1 $0x0  }
0x14: {  	s2 =	sld [smem:$0x3F92];
	s0 =	simm.s32 @p1 $0x1  }
0x15: {  	[smem:$0x3FAF] =	sst s0;
	s0 =	simm.s32 @!p2 $0x0  }
0x16: {  	s3 =	sld [smem:$0x3FDB];
	s0 =	simm.s32 @p2 $0x1  }
0x17: {  	s4 =	simm.s32 $0x1BF5;
	[smem:$0x3FB1] =	sst s0  }
0x18: {  	s0 =	sld [smem:$0x3F94];
	_ =	swait.ge [sflag:s4], $0x0  }
0x19: {  	s7 =	sld [smem:$0x3F95]  }
0x1a: {  	s8 =	sadd.s32 $0xFFFFE003, lr  }
0x1b: {  	s9 =	sadd.s32 $0xFFFFFEF7, lr;
	s5 =	simm.s32 $0xFFFFFFFF;
	p2 =	slt.u32 s8, $0xFFFFF086  }
0x1c: {  	p1 =	slt.u32 s9, $0xF7A;
	s5 =	simm.s32 @!p2 $0x0  }
0x1d: {  	s5 =	simm.s32 @p1 $0x1;
	p0 =	seq.s32 s7, s2  }
0x1e: {  	s7 =	smul.u32 @!p0 $0xF7A, s2;
	p2 =	seq.s32 @!p0 s5, $0x0  }
0x1f: {  	s9 =	smul.u32 $0xF7A, s1;
	s8 =	simm.s32 @!p0 $0x1BF5;
	p2 =	por !p2, p0  }
0x20: {  	[sflag:s8] =	ssyncset.s32 @!p0 $0xFFFFF086;
	s6 =	sadd.s32 @!p0 s3, s7;
	s7 =	simm.s32 @!p0 $0x108  }
0x21: {  	s3 =	sadd.s32 s3, s9;
	s6 =	sadd.s32 @!p0 $0x88, s6;
	s7 =	simm.s32 @p2 $0x1082  }
0x22: {  	[simem:s7], [sflag:s8] =	dma.local @!p0 [hbm:s6], $0xF7A  }
0x23: {  	s9 =	sor.u32 $0xD0000000, s2;
	s6 =	simm.s32 $0x108;
	_ =	swait.ge @!p0 [sflag:s8], $0x0  }
0x24: {  	s3 =	sadd.s32 $0x88, s3;
	s6 =	simm.s32 @!p1 $0x1082;
	[sflag:s4] =	ssyncset.s32 $0xFFFFF086  }
0x25: {  	[simem:s6], [sflag:s4] =	dma.local [hbm:s3], $0xF7A  }
0x26: {  	[smem:$0x3F95] =	sst s1;
	(tag) =	ssettag s2;
	_ =	strace s9  }
0x27: {  	s1 =	sld [smem:$0x3FA5]  }
0x28: {  	s2 =	sld [smem:$0x3FA6]  }
0x29: {  	s4 =	sld [smem:$0x3FA8]  }
0x2a: {  	p0 =	seq.s32 s5, $0x0;
	s5 =	sld [smem:$0x3FA9]  }
0x2b: {  	s6 =	sld [smem:$0x3FAA]  }
0x2c: {  	s7 =	sld [smem:$0x3FAB]  }
0x2d: {  	s3 =	simm.s32 $0x108;
	s8 =	sld [smem:$0x3FAC]  }
0x2e: {  	s3 =	simm.s32 @!p0 $0x1082;
	s9 =	sld [smem:$0x3FAD]  }
0x2f: {  	lr =	sadd.s32 s0, s3;
	s0 =	sld [smem:$0x3FA4]  }
0x30: {  	s3 =	sld [smem:$0x3FA7]  }
0x31: {  	[smem:$0x3FB0] =	sst s10  }
0x32: {  	s10 =	sld [smem:$0x3FAE];
	_ =	sdelay $0x3  }
0x33: {  	p0 =	seq.s32 s10, $0x1;
	s10 =	sld [smem:$0x3FB0];
	_ =	sdelay $0x3  }
0x34: {  	[smem:$0x3FB0] =	sst s10  }
0x35: {  	s10 =	sld [smem:$0x3FAF];
	_ =	sdelay $0x3  }
0x36: {  	p1 =	seq.s32 s10, $0x1;
	s10 =	sld [smem:$0x3FB0];
	_ =	sdelay $0x3  }
0x37: {  	[smem:$0x3FB0] =	sst s10  }
0x38: {  	s10 =	sld [smem:$0x3FB1]  }
0x39: {  	_ = 	snop;
	(pc) =	sbr.ind lr, $3  }
0x3a: {  	_ = 	snop  }
0x3b: {  	_ = 	snop  }
0x3c: {  	p2 =	seq.s32 s10, $0x1;
	s10 =	sld [smem:$0x3FB0]  }
0x3d: {  	_ =	shalt  }
0x3e: {  	_ =	shalt  }
0x3f: {  	_ =	shalt  }
0x40: {  	_ =	shalt  }
0x41: {  	_ =	shalt  }
0x42: {  	_ =	shalt  }
0x43: {  	_ =	shalt  }
0x44: {  	_ =	shalt  }
0x45: {  	_ =	shalt  }
0x46: {  	_ =	shalt  }
0x47: {  	_ =	shalt  }
0x48: {  	_ =	shalt  }
0x49: {  	_ =	shalt  }
0x4a: {  	_ =	shalt  }
0x4b: {  	_ =	shalt  }
0x4c: {  	_ =	shalt  }
0x4d: {  	_ =	shalt  }
0x4e: {  	_ =	shalt  }
0x4f: {  	_ =	shalt  }
0x50: {  	_ =	shalt  }
0x51: {  	_ =	shalt  }
0x52: {  	_ =	shalt  }
0x53: {  	_ =	shalt  }
0x54: {  	_ =	shalt  }
0x55: {  	_ =	shalt  }
0x56: {  	_ =	shalt  }
0x57: {  	_ =	shalt  }
0x58: {  	_ =	shalt  }
0x59: {  	_ =	shalt  }
0x5a: {  	_ =	shalt  }
0x5b: {  	_ =	shalt  }
0x5c: {  	_ =	shalt  }
0x5d: {  	_ =	shalt  }
0x5e: {  	_ =	shalt  }
0x5f: {  	_ =	shalt  }
0x60: {  	_ =	shalt  }
0x61: {  	_ =	shalt  }
0x62: {  	_ =	shalt  }
0x63: {  	_ =	shalt  }
0x64: {  	_ =	shalt  }
0x65: {  	_ =	shalt  }
0x66: {  	_ =	shalt  }
0x67: {  	_ =	shalt  }
0x68: {  	_ =	shalt  }
0x69: {  	_ =	shalt  }
0x6a: {  	_ =	shalt  }
0x6b: {  	_ =	shalt  }
0x6c: {  	_ =	shalt  }
0x6d: {  	_ =	shalt  }
0x6e: {  	_ =	shalt  }
0x6f: {  	_ =	shalt  }
0x70: {  	_ =	shalt  }
0x71: {  	_ =	shalt  }
0x72: {  	_ =	shalt  }
0x73: {  	_ =	shalt  }
0x74: {  	_ =	shalt  }
0x75: {  	_ =	shalt  }
0x76: {  	_ =	shalt  }
0x77: {  	_ =	shalt  }
0x78: {  	_ =	shalt  }
0x79: {  	_ =	shalt  }
0x7a: {  	_ =	shalt  }
0x7b: {  	_ =	shalt  }
0x7c: {  	_ =	shalt  }
0x7d: {  	_ =	shalt  }
0x7e: {  	_ =	shalt  }
0x7f: {  	_ =	shalt  }
0x80: {  	_ =	shalt  }
0x81: {  	_ =	shalt  }
0x82: {  	_ =	shalt  }
0x83: {  	_ =	shalt  }
0x84: {  	_ =	shalt  }
0x85: {  	_ =	shalt  }
0x86: {  	_ =	shalt  }
0x87: {  	_ =	shalt  }
.Lfunc_end0:
.L_simem_size_0:
called_computation.1_lowered:
.L_overlay_start_0:
0x88: {  	s2 =	sld [smem:$0x3FD9]  }
0x89: {  	s3 =	sld [smem:$0x3FFE];
	_ =	sdelay $0x1  }
0x8a: {  	s1 =	srdreg.scid  }
0x8b: {  	s0 =	sand.u32 $0x1, s1  }
0x8c: {  	s16 =	sshll.u32 s0, $0xA;
	s2 =	sadd.s32 s3, s2  }
0x8d: {  	s2 =	sadd.s32 s2, s16  }
0x8e: {  	[smem:$0x3FBC] =	sst s2  }
0x8f: {  	_ = 	snop  }
0x90: {  	(tm) =	ssettm $0x1  }
0x91: {  	s17 =	sld [smem:$0x3FFB];
	_ =	sdelay $0x3  }
0x92: {  	_ =	strace s17  }
0x93: {  	s2 =	sld [smem:$0x3FFC];
	_ =	sdelay $0x3  }
0x94: {  	_ =	strace s2  }
0x95: {  	s2 =	sld [smem:$0x3FFD];
	_ =	sdelay $0x3  }
0x96: {  	_ =	strace s2  }
0x97: {  	_ =	strace $0x8FFFFFFF  }
0x98: {  	s18 =	sld [smem:$0x3FDB];
	_ =	sdelay $0x1  }
0x99: {  	s19 =	simm.s32 $_scs_section_size  }
0x9a: {  	s4 =	simm.s32 $_size__tile_overlayer_lowered;
	s5 =	simm.s32 $_tile_overlayer_lowered  }
0x9b: {  	s22 =	simm.s32 $0x1BFF;
	s21 =	sshll.u32 s5, $0x1;
	s2 =	sadd.s32 s19, s18  }
0x9c: {  	s6 =	simm.s32 $0x0;
	s20 =	sshll.u32 s4, $0x1;
	s4 =	sadd.s32 s21, s2  }
0x9d: {  	[timem:s6], [sflag:s22] =	dma.local [hbm:s4], s20  }
0x9e: {  	_ =	swait.ge [sflag:s22], s20  }
0x9f: {  	s3 =	ssub.s32 $0x0, s20;
	[sflag:s22] =	ssyncset.done $0x0  }
0xa0: {  	[sflag:s22] =	ssyncadd.s32 s3;
	_ =	sdelay $0x1  }
0xa1: {  	s23 =	simm.s32 $0x1B8B  }
0xa2: {  	_ =	swait.ge [sflag:s23], $0x1  }
0xa3: {  	[sflag:s23] =	ssyncset.done $0x0  }
0xa4: {  	s25 =	simm.s32 $0x1B8E;
	s24 =	sld [smem:$0x3FFE];
	[sflag:s23] =	ssyncadd.s32 $0xFFFFFFFF  }
0xa5: {  	s26 =	simm.s32 $execute0_lowered;
	[smem:$0x3FD2] =	sst s25  }
0xa6: {  	s4 =	sshll.u32 s26, $0x1;
	_ =	strace $0x80000049;
	[dreg:$0x1] =	wrdreg $0xFFFFFFFF  }
0xa7: {  	s28 =	simm.s32 $_size_execute0_lowered;
	s2 =	sadd.s32 s2, s4;
	[dreg:$0x0] =	wrdreg $0x0  }
0xa8: {  	s4 =	sshll.u32 s28, $0x1;
	[dreg:$0x2] =	wrdreg s2  }
0xa9: {  	[dreg:$0x3] =	wrdreg s4  }
0xaa: {  	[dreg:$0x4] =	wrdreg $0xC0  }
0xab: {  	_ =	task [dreg:s6], $0x5FFFF  }
0xac: {  	[dreg:$0x1] =	wrdreg $0xFFFFFFFF  }
0xad: {  	[dreg:$0x0] =	wrdreg $0x60  }
0xae: {  	[dreg:$0x2] =	wrdreg s24  }
0xaf: {  	[dreg:$0x3] =	wrdreg $0xA4000  }
0xb0: {  	[dreg:$0x4] =	wrdreg $0x9  }
0xb1: {  	_ =	task.clear_ibuf [dreg:s6], $0x5FFFF;
	_ =	strace $0x90000049  }
0xb2: {  	s29 =	simm.s32 $0x9;
	_ =	strace $0x8000004B  }
0xb3: {  	_ =	swait.ge [sflag:s29], $0x1  }
0xb4: {  	[sflag:s29] =	ssyncadd.s32 $0xFFFFFFFF  }
0xb5: {  	_ =	strace $0x9000004B  }
0xb6: {  	_ =	sfence  }
0xb7: {  	s30 =	sld [smem:$0x0];
	_ =	sdelay $0x2  }
0xb8: {  	s31 =	sshll.u32 s1, $0xD;
	s1 =	sshrl.u32 s1, $0x2  }
0xb9: {  	s3 =	sand.u32 $0x4000, s31;
	s1 =	sadd.s32 s1, s30  }
0xba: {  	s0 =	sor.u32 s3, s0;
	s1 =	sshll.u32 s1, $0x11  }
0xbb: {  	s0 =	sor.u32 s1, s0  }
0xbc: {  	s0 =	sadd.s32 $0x8F2B, s0  }
0xbd: {  	[sflag:s0] =	ssyncadd.remote.s32 $0x1  }
0xbe: {  	_ =	sfence.sel $0xFFFF  }
0xbf: {  	[dreg:$0x0] =	wrdreg $0xFFFFFFFF;
	(pc) =	sbr.abs _section_cstart, $3  }
0xc0: {  	[dreg:$0x1] =	wrdreg $0xFFFFFFFF  }
0xc1: {  	_ =	task.clear_ibuf [dreg:s6], $0x2FFFF;
	_ =	strace $0x9FFFFFFF  }
0xc2: {  	(tm) =	ssettm $0x7FFFFFFF  }
0xc3: {  	_ =	shalt  }
tec
execute0_lowered:
.L_overlay_start_1:
0x0: {  	(tag) =	ssettag $0x1  }
0x1: {  	s0 =	rddreg [dreg:$0x0]  }
0x2: {  	s1 =	rddreg [dreg:$0x1]  }
0x3: {  	s2 =	srdreg.scid;
	s3 =	simm.s32 $0x0;
	s5 =	stileid.u32  }
0x4: {  	s28 =	simm.s32 $0xB;
	s2 =	sand.u32 $0x1, s2;
	s6 =	smul.u32 $0x14000, s5  }
0x5: {  	[smem:$0x7FF] =	sst s3;
	s29 =	sadd.s32 $0xD200, s0;
	s7 =	smul.u32 $0x50000, s5  }
0x6: {  	s11 =	sadd.s32 $0x3400, s0;
	s8 =	sshll.u32 s5, $0x1;
	s14 =	smul.u32 $0x4E20, s5  }
0x7: {  	s4 =	smul.u32 $0x140000, s2;
	_ =	strace $0x8000004A;
	s12 =	ssub.s32 $0x2, s2  }
0x8: {  	s8 =	sor.u32 s2, s8;
	s2 =	smul.u32 $0x2710, s2;
	[dreg:$0x1f] =	wrdreg s11  }
0x9: {  	s9 =	sshrl.u32 s12, $0x1;
	s7 =	sshrl.u32 s7, $0x2;
	s8 =	smul.u32 $0x2710, s8  }
0xa: {  	s4 =	sadd.s32 s6, s4;
	s6 =	sadd.s32 $0x17000, s0;
	s31 =	sadd.s32 s7, s1  }
0xb: {  	s2 =	sadd.s32 s2, s14;
	s4 =	sshrl.u32 s4, $0x3;
	s7 =	sadd.s32 $0x2800, s31  }
0xc: {  	s13 =	sadd.s32 $0x5000, s31;
	s15 =	sadd.s32 $0x7800, s31;
	[dreg:$0x9] =	wrdreg s31  }
0xd: {  	s8 =	sshrl.u32 s8, $0x3;
	s16 =	sadd.s32 $0xA000, s31;
	[dreg:$0xa] =	wrdreg s7  }
0xe: {  	s17 =	sadd.s32 $0xC800, s31;
	s10 =	sadd.s32 $0x230, s2;
	[dreg:$0xb] =	wrdreg s13  }
0xf: {  	s5 =	sadd.s32 $0x1E0, s2;
	s14 =	sadd.s32 $0x190, s2;
	[dreg:$0xc] =	wrdreg s15  }
0x10: {  	s0 =	sadd.s32 s4, s0;
	s4 =	ssub.s32 s12, s9;
	[dreg:$0xd] =	wrdreg s16  }
0x11: {  	[dreg:$0xe] =	wrdreg s17;
	s18 =	sadd.s32 s29, s8;
	s19 =	sadd.s32 s11, s8  }
0x12: {  	s20 =	sadd.s32 $0xA, s8;
	s22 =	sadd.s32 $0x14, s8;
	[dreg:$0xf] =	wrdreg s18  }
0x13: {  	s25 =	sshrl.u32 s10, $0x3;
	[dreg:$0x10] =	wrdreg s19;
	s21 =	sadd.s32 s29, s20  }
0x14: {  	s12 =	sshrl.u32 s5, $0x3;
	s23 =	sadd.s32 s11, s20;
	[dreg:$0x11] =	wrdreg s21  }
0x15: {  	s16 =	sshrl.u32 s14, $0x3;
	s24 =	sadd.s32 s29, s22;
	[dreg:$0x12] =	wrdreg s23  }
0x16: {  	s17 =	sadd.s32 $0x1E, s8;
	s26 =	sadd.s32 s11, s22;
	[dreg:$0x13] =	wrdreg s24  }
0x17: {  	s8 =	sadd.s32 $0x4D8, s8;
	s30 =	sadd.s32 s25, s11;
	[dreg:$0x14] =	wrdreg s26  }
0x18: {  	s5 =	simm.s32 $0xD;
	s9 =	sadd.s32 s25, s29;
	[dreg:$0x3] =	wrdreg s30  }
0x19: {  	s14 =	simm.s32 $0x2;
	s13 =	sadd.s32 s12, s11;
	[dreg:$0x4] =	wrdreg s9  }
0x1a: {  	s7 =	simm.s32 $0x0;
	s15 =	sadd.s32 s12, s29;
	[dreg:$0x5] =	wrdreg s13  }
0x1b: {  	s10 =	simm.s32 $0x300;
	s18 =	sadd.s32 s16, s11;
	[dreg:$0x6] =	wrdreg s15  }
0x1c: {  	s19 =	sadd.s32 s29, s17;
	s20 =	sadd.s32 s16, s29;
	[dreg:$0x7] =	wrdreg s18  }
0x1d: {  	s22 =	sadd.s32 s29, s8;
	s0 =	sadd.s32 $0x3E200, s0;
	[dreg:$0x15] =	wrdreg s19  }
0x1e: {  	s25 =	sadd.s32 $0x140, s2;
	s2 =	simm.s32 $0x80;
	[dreg:$0x8] =	wrdreg s20  }
0x1f: {  	s12 =	simm.s32 $0x1;
	s16 =	simm.s32 $0x3;
	[dreg:$0x17] =	wrdreg s22  }
0x20: {  	s21 =	sadd.s32 s11, s17;
	s23 =	sadd.s32 s11, s8;
	[dreg:$0x19] =	wrdreg s0  }
0x21: {  	s24 =	smax.u32 s4, $0x1;
	[dreg:$0x1b] =	wrdreg s25;
	s26 =	sadd.s32 $0xF000, s31  }
0x22: {  	s30 =	sadd.s32 $0x11800, s31;
	s13 =	simm.s32 $0x50;
	s15 =	simm.s32 $0x2C00  }
0x23: {  	s17 =	simm.s32 $0x5400;
	s18 =	simm.s32 $0x4;
	[dreg:$0x16] =	wrdreg s21  }
0x24: {  	s19 =	simm.s32 $0x7C00;
	s20 =	simm.s32 $0x5;
	[dreg:$0x18] =	wrdreg s23  }
0x25: {  	s22 =	simm.s32 $0x7;
	s25 =	simm.s32 $0xC;
	[dreg:$0x1a] =	wrdreg s24  }
0x26: {  	s8 =	simm.s32 $0x280;
	s9 =	simm.s32 $0x100;
	[dreg:$0x1c] =	wrdreg s26  }
0x27: {  	s11 =	simm.s32 $0x180;
	[dreg:$0x1d] =	wrdreg s30;
	s21 =	simm.s32 $0x6  }
0x28: {  	v0 =	vimm.f32 $0.0e+00;
	s23 =	simm.s32 $0x8;
	s24 =	simm.s32 $0x9;
	s26 =	simm.s32 $0xA  }
.LBB2_1:
0x29: {  	[dreg:$0x1e] =	wrdreg s7;
	s4 =	simm.s32 $0x0;
	s7 =	simm.s32 $0x200  }
.LBB2_2:
0x2a: {  	p0 =	sne.s32 s7, $0x9E00;
	[tilespmem:s4+$0x470] =	vst v0  }
0x2b: {  	[tilespmem:s4+$0x400] =	vst v0  }
0x2c: {  	[tilespmem:s4+$0x410] =	vst v0  }
.Ltmp0:
0x2d: {  	[tilespmem:s4+$0x420] =	vst v0;
	(pc) =	sbr.rel @p0 .LBB2_2-.Ltmp0, $4  }
0x2e: {  	[tilespmem:s4+$0x430] =	vst v0  }
0x2f: {  	[tilespmem:s4+$0x440] =	vst v0  }
0x30: {  	[tilespmem:s4+$0x450] =	vst v0  }
0x31: {  	[tilespmem:s4+$0x460] =	vst v0;
	s4 =	sshra.s32 s7, $0x2;
	s7 =	sadd.s32 $0x200, s7  }
0x32: {  	[tilespmem:s4+$0x470] =	vst v0  }
0x33: {  	[tilespmem:s4+$0x400] =	vst v0  }
0x34: {  	[tilespmem:s4+$0x410] =	vst v0  }
0x35: {  	[tilespmem:s4+$0x420] =	vst v0  }
0x36: {  	[tilespmem:s4+$0x430] =	vst v0  }
0x37: {  	[tilespmem:s4+$0x440] =	vst v0  }
0x38: {  	[tilespmem:s4+$0x450] =	vst v0  }
0x39: {  	[tilespmem:s4+$0x460] =	vst v0;
	s0 =	simm.s32 $0x400  }
0x3a: {  	[spmem:s31] =	stream.linear.scatter [tilespmem:s0], [sflag:$0xD], $0x2800, $0x38;
	[tilespmem:$0x1E400] =	vst v63  }
0x3b: {  	_ =	swait.ge [sflag:s5], $0x2800  }
0x3c: {  	[sflag:s5] =	ssyncset.done $0x0  }
0x3d: {  	s31 =	simm.s32 $0x400;
	s4 =	rddreg [dreg:$0xa];
	[sflag:s5] =	ssyncadd.s32 $0xFFFFD800  }
0x3e: {  	[spmem:s4] =	stream.linear.scatter [tilespmem:s31], [sflag:$0xD], $0x2800, $0x38;
	[tilespmem:$0x1E400] =	vst v63  }
0x3f: {  	_ =	swait.ge [sflag:s5], $0x2800  }
0x40: {  	[sflag:s5] =	ssyncset.done $0x0  }
0x41: {  	s7 =	rddreg [dreg:$0xb];
	[sflag:s5] =	ssyncadd.s32 $0xFFFFD800  }
0x42: {  	[spmem:s7] =	stream.linear.scatter [tilespmem:s31], [sflag:$0xD], $0x2800, $0x38;
	[tilespmem:$0x1E400] =	vst v63  }
0x43: {  	_ =	swait.ge [sflag:s5], $0x2800  }
0x44: {  	[sflag:s5] =	ssyncset.done $0x0  }
0x45: {  	s4 =	rddreg [dreg:$0xc];
	[sflag:s5] =	ssyncadd.s32 $0xFFFFD800  }
0x46: {  	[spmem:s4] =	stream.linear.scatter [tilespmem:s31], [sflag:$0xD], $0x2800, $0x38;
	[tilespmem:$0x1E400] =	vst v63  }
0x47: {  	_ =	swait.ge [sflag:s5], $0x2800  }
0x48: {  	[sflag:s5] =	ssyncset.done $0x0  }
0x49: {  	s7 =	rddreg [dreg:$0xd];
	[sflag:s5] =	ssyncadd.s32 $0xFFFFD800  }
0x4a: {  	[spmem:s7] =	stream.linear.scatter [tilespmem:s31], [sflag:$0xD], $0x2800, $0x38;
	[tilespmem:$0x1E400] =	vst v63  }
0x4b: {  	_ =	swait.ge [sflag:s5], $0x2800  }
0x4c: {  	[sflag:s5] =	ssyncset.done $0x0  }
0x4d: {  	s4 =	rddreg [dreg:$0xe];
	[sflag:s5] =	ssyncadd.s32 $0xFFFFD800  }
0x4e: {  	[spmem:s4] =	stream.linear.scatter [tilespmem:s31], [sflag:$0xD], $0x2800, $0x38;
	[tilespmem:$0x1E400] =	vst v63  }
0x4f: {  	_ =	swait.ge [sflag:s5], $0x2800  }
0x50: {  	[sflag:s5] =	ssyncset.done $0x0  }
0x51: {  	s7 =	rddreg [dreg:$0x1c];
	[sflag:s5] =	ssyncadd.s32 $0xFFFFD800  }
0x52: {  	[spmem:s7] =	stream.linear.scatter [tilespmem:s31], [sflag:$0xD], $0x2800, $0x38;
	[tilespmem:$0x1E400] =	vst v63  }
0x53: {  	_ =	swait.ge [sflag:s5], $0x2800  }
0x54: {  	[sflag:s5] =	ssyncset.done $0x0  }
0x55: {  	s4 =	rddreg [dreg:$0x1d];
	[sflag:s5] =	ssyncadd.s32 $0xFFFFD800  }
0x56: {  	[spmem:s4] =	stream.linear.scatter [tilespmem:s31], [sflag:$0xD], $0x2800, $0x38;
	[tilespmem:$0x1E400] =	vst v63  }
0x57: {  	_ =	swait.ge [sflag:s5], $0x2800  }
0x58: {  	[sflag:s5] =	ssyncset.done $0x0  }
0x59: {  	[sflag:s5] =	ssyncadd.s32 $0xFFFFD800  }
0x5a: {  	[bflag:$0x0] =	sbarrier.arrive $0xFFFF  }
0x5b: {  	s4 =	simm.s32 $0x0;
	s7 =	rddreg [dreg:$0xf]  }
0x5c: {  	[tilespmem:s4], [sflag:$0x1] =	stream.linear.gather [hbm4b:s7+s4], $0x50, $0x38;
	[tilespmem:$0x1E400] =	vst v63  }
0x5d: {  	s5 =	rddreg [dreg:$0x10];
	s7 =	simm.s32 $0x200  }
0x5e: {  	[tilespmem:s7], [sflag:$0x1] =	stream.linear.gather [hbm4b:s5+s4], $0x50, $0x38;
	[tilespmem:$0x1E400] =	vst v63  }
0x5f: {  	s7 =	rddreg [dreg:$0x11]  }
0x60: {  	[tilespmem:s2], [sflag:$0x2] =	stream.linear.gather [hbm4b:s7+s4], $0x50, $0x38;
	[tilespmem:$0x1E400] =	vst v63  }
0x61: {  	s5 =	rddreg [dreg:$0x12]  }
0x62: {  	[tilespmem:s8], [sflag:$0x2] =	stream.linear.gather [hbm4b:s5+s4], $0x50, $0x38;
	[tilespmem:$0x1E400] =	vst v63  }
0x63: {  	s7 =	rddreg [dreg:$0x13]  }
0x64: {  	[tilespmem:s9], [sflag:$0x3] =	stream.linear.gather [hbm4b:s7+s4], $0x50, $0x38;
	[tilespmem:$0x1E400] =	vst v63  }
0x65: {  	s5 =	rddreg [dreg:$0x14]  }
0x66: {  	[tilespmem:s10], [sflag:$0x3] =	stream.linear.gather [hbm4b:s5+s4], $0x50, $0x38;
	[tilespmem:$0x1E400] =	vst v63  }
0x67: {  	s7 =	rddreg [dreg:$0x15]  }
0x68: {  	[tilespmem:s11], [sflag:$0x4] =	stream.linear.gather [hbm4b:s7+s4], $0x50, $0x38;
	[tilespmem:$0x1E400] =	vst v63  }
0x69: {  	s5 =	rddreg [dreg:$0x16];
	s7 =	simm.s32 $0x380  }
0x6a: {  	[tilespmem:s7], [sflag:$0x4] =	stream.linear.gather [hbm4b:s5+s4], $0x50, $0x38;
	[tilespmem:$0x1E400] =	vst v63  }
0x6b: {  	_ =	swait.ge [sflag:s12], $0x50  }
0x6c: {  	[sflag:s12] =	ssyncset.done $0x0  }
0x6d: {  	[sflag:s12] =	ssyncadd.s32 $0xFFFFFFB0  }
0x6e: {  	_ =	swait.ge [sflag:s12], $0x50  }
0x6f: {  	[sflag:s12] =	ssyncset.done $0x0  }
0x70: {  	[sflag:s12] =	ssyncadd.s32 $0xFFFFFFB0  }
0x71: {  	[tilespmem:s31], [sflag:$0x5] =	stream.indirect.gather [hbm4b:s6+s13], $0x80, s4, s13, $0xb8;
	[tilespmem:$0x1E400] =	vst v63  }
0x72: {  	_ =	swait.ge [sflag:s14], $0x50  }
0x73: {  	[sflag:s14] =	ssyncset.done $0x0  }
0x74: {  	[sflag:s14] =	ssyncadd.s32 $0xFFFFFFB0  }
0x75: {  	_ =	swait.ge [sflag:s14], $0x50  }
0x76: {  	[sflag:s14] =	ssyncset.done $0x0  }
0x77: {  	[sflag:s14] =	ssyncadd.s32 $0xFFFFFFB0  }
0x78: {  	[tilespmem:s15], [sflag:$0x6] =	stream.indirect.gather [hbm4b:s6+s13], $0x80, s2, s13, $0xb8;
	[tilespmem:$0x1E400] =	vst v63  }
0x79: {  	_ =	swait.ge [sflag:s16], $0x50  }
0x7a: {  	[sflag:s16] =	ssyncset.done $0x0  }
0x7b: {  	[sflag:s16] =	ssyncadd.s32 $0xFFFFFFB0  }
0x7c: {  	_ =	swait.ge [sflag:s16], $0x50  }
0x7d: {  	[sflag:s16] =	ssyncset.done $0x0  }
0x7e: {  	[sflag:s16] =	ssyncadd.s32 $0xFFFFFFB0  }
0x7f: {  	[tilespmem:s17], [sflag:$0x7] =	stream.indirect.gather [hbm4b:s6+s13], $0x80, s9, s13, $0xb8;
	[tilespmem:$0x1E400] =	vst v63  }
0x80: {  	_ =	swait.ge [sflag:s18], $0x50  }
0x81: {  	[sflag:s18] =	ssyncset.done $0x0  }
0x82: {  	[sflag:s18] =	ssyncadd.s32 $0xFFFFFFB0  }
0x83: {  	_ =	swait.ge [sflag:s18], $0x50  }
0x84: {  	[sflag:s18] =	ssyncset.done $0x0  }
0x85: {  	[sflag:s18] =	ssyncadd.s32 $0xFFFFFFB0  }
0x86: {  	[tilespmem:s19], [sflag:$0x8] =	stream.indirect.gather [hbm4b:s6+s13], $0x80, s11, s13, $0xb8;
	[tilespmem:$0x1E400] =	vst v63  }
0x87: {  	_ =	swait.ge [sflag:s20], $0x2800  }
0x88: {  	[sflag:s20] =	ssyncset.done $0x0  }
0x89: {  	s0 =	simm.s32 $0x200;
	[sflag:s20] =	ssyncadd.s32 $0xFFFFD800  }
0x8a: {  	[spmem:s1] =	stream.indirect.scatter.add.f32 [tilespmem:s31], [sflag:$0x9], $0x80, s0, s13, $0xb8;
	[tilespmem:$0x1E400] =	vst v63  }
0x8b: {  	_ =	swait.ge [sflag:s21], $0x2800  }
0x8c: {  	[sflag:s21] =	ssyncset.done $0x0  }
0x8d: {  	[sflag:s21] =	ssyncadd.s32 $0xFFFFD800  }
0x8e: {  	[spmem:s1] =	stream.indirect.scatter.add.f32 [tilespmem:s15], [sflag:$0xA], $0x80, s8, s13, $0xb8;
	[tilespmem:$0x1E400] =	vst v63  }
0x8f: {  	_ =	swait.ge [sflag:s22], $0x2800  }
0x90: {  	[sflag:s22] =	ssyncset.done $0x0  }
0x91: {  	[sflag:s22] =	ssyncadd.s32 $0xFFFFD800  }
0x92: {  	[spmem:s1] =	stream.indirect.scatter.add.f32 [tilespmem:s17], [sflag:$0xB], $0x80, s10, s13, $0xb8;
	[tilespmem:$0x1E400] =	vst v63  }
0x93: {  	_ =	swait.ge [sflag:s23], $0x2800  }
0x94: {  	[sflag:s23] =	ssyncset.done $0x0  }
0x95: {  	s7 =	simm.s32 $0x380;
	[sflag:s23] =	ssyncadd.s32 $0xFFFFD800  }
0x96: {  	[spmem:s1] =	stream.indirect.scatter.add.f32 [tilespmem:s19], [sflag:$0xC], $0x80, s7, s13, $0xb8;
	[tilespmem:$0x1E400] =	vst v63  }
0x97: {  	_ =	swait.ge [sflag:s24], $0x2800  }
0x98: {  	s30 =	rddreg [dreg:$0x1b]  }
0x99: {  	[sflag:s24] =	ssyncset.done $0x0;
	s4 =	sshrl.u32 s30, $0x3  }
0x9a: {  	s5 =	rddreg [dreg:$0x1f];
	[sflag:s24] =	ssyncadd.s32 $0xFFFFD800;
	s7 =	sadd.s32 s29, s4  }
0x9b: {  	[tilespmem:s3], [sflag:$0x1] =	stream.linear.gather [hbm4b:s7+s3], $0x50, $0x38;
	[tilespmem:$0x1E400] =	vst v63  }
0x9c: {  	s4 =	sadd.s32 s5, s4  }
0x9d: {  	[tilespmem:s0], [sflag:$0x1] =	stream.linear.gather [hbm4b:s4+s3], $0x50, $0x38;
	[tilespmem:$0x1E400] =	vst v63  }
0x9e: {  	_ =	swait.ge [sflag:s26], $0x2800  }
0x9f: {  	s4 =	rddreg [dreg:$0x8];
	[sflag:s26] =	ssyncset.done $0x0  }
0xa0: {  	s7 =	rddreg [dreg:$0x7];
	[sflag:s26] =	ssyncadd.s32 $0xFFFFD800;
	s4 =	sadd.s32 $0x0, s4  }
0xa1: {  	[tilespmem:s2], [sflag:$0x2] =	stream.linear.gather [hbm4b:s4+s3], $0x50, $0x38;
	[tilespmem:$0x1E400] =	vst v63  }
0xa2: {  	s7 =	sadd.s32 $0x0, s7  }
0xa3: {  	[tilespmem:s8], [sflag:$0x2] =	stream.linear.gather [hbm4b:s7+s3], $0x50, $0x38;
	[tilespmem:$0x1E400] =	vst v63  }
0xa4: {  	_ =	swait.ge [sflag:s28], $0x2800  }
0xa5: {  	s4 =	rddreg [dreg:$0x6];
	[sflag:s28] =	ssyncset.done $0x0  }
0xa6: {  	s7 =	rddreg [dreg:$0x5];
	[sflag:s28] =	ssyncadd.s32 $0xFFFFD800;
	s4 =	sadd.s32 $0x0, s4  }
0xa7: {  	[tilespmem:s9], [sflag:$0x3] =	stream.linear.gather [hbm4b:s4+s3], $0x50, $0x38;
	[tilespmem:$0x1E400] =	vst v63  }
0xa8: {  	s7 =	sadd.s32 $0x0, s7  }
0xa9: {  	[tilespmem:s10], [sflag:$0x3] =	stream.linear.gather [hbm4b:s7+s3], $0x50, $0x38;
	[tilespmem:$0x1E400] =	vst v63  }
0xaa: {  	_ =	swait.ge [sflag:s25], $0x2800  }
0xab: {  	s4 =	rddreg [dreg:$0x4];
	[sflag:s25] =	ssyncset.done $0x0  }
0xac: {  	s7 =	rddreg [dreg:$0x3];
	[sflag:s25] =	ssyncadd.s32 $0xFFFFD800;
	s4 =	sadd.s32 $0x0, s4  }
0xad: {  	[tilespmem:s11], [sflag:$0x4] =	stream.linear.gather [hbm4b:s4+s3], $0x50, $0x38;
	[tilespmem:$0x1E400] =	vst v63  }
0xae: {  	s4 =	sadd.s32 $0x0, s7;
	s7 =	simm.s32 $0x380  }
0xaf: {  	[tilespmem:s7], [sflag:$0x4] =	stream.linear.gather [hbm4b:s4+s3], $0x50, $0x38;
	[tilespmem:$0x1E400] =	vst v63  }
0xb0: {  	_ =	swait.ge [sflag:s12], $0x50  }
0xb1: {  	[sflag:s12] =	ssyncset.done $0x0  }
0xb2: {  	[sflag:s12] =	ssyncadd.s32 $0xFFFFFFB0  }
0xb3: {  	_ =	swait.ge [sflag:s12], $0x50  }
0xb4: {  	[sflag:s12] =	ssyncset.done $0x0  }
0xb5: {  	[sflag:s12] =	ssyncadd.s32 $0xFFFFFFB0  }
0xb6: {  	[tilespmem:s31], [sflag:$0x5] =	stream.indirect.gather [hbm4b:s6+s13], $0x80, s3, s13, $0xb8;
	[tilespmem:$0x1E400] =	vst v63  }
0xb7: {  	_ =	swait.ge [sflag:s14], $0x50  }
0xb8: {  	[sflag:s14] =	ssyncset.done $0x0  }
0xb9: {  	[sflag:s14] =	ssyncadd.s32 $0xFFFFFFB0  }
0xba: {  	_ =	swait.ge [sflag:s14], $0x50  }
0xbb: {  	[sflag:s14] =	ssyncset.done $0x0  }
0xbc: {  	[sflag:s14] =	ssyncadd.s32 $0xFFFFFFB0  }
0xbd: {  	[tilespmem:s15], [sflag:$0x6] =	stream.indirect.gather [hbm4b:s6+s13], $0x80, s2, s13, $0xb8;
	[tilespmem:$0x1E400] =	vst v63  }
0xbe: {  	_ =	swait.ge [sflag:s16], $0x50  }
0xbf: {  	[sflag:s16] =	ssyncset.done $0x0  }
0xc0: {  	[sflag:s16] =	ssyncadd.s32 $0xFFFFFFB0  }
0xc1: {  	_ =	swait.ge [sflag:s16], $0x50  }
0xc2: {  	[sflag:s16] =	ssyncset.done $0x0  }
0xc3: {  	[sflag:s16] =	ssyncadd.s32 $0xFFFFFFB0  }
0xc4: {  	[tilespmem:s17], [sflag:$0x7] =	stream.indirect.gather [hbm4b:s6+s13], $0x80, s9, s13, $0xb8;
	[tilespmem:$0x1E400] =	vst v63  }
0xc5: {  	_ =	swait.ge [sflag:s18], $0x50  }
0xc6: {  	[sflag:s18] =	ssyncset.done $0x0  }
0xc7: {  	[sflag:s18] =	ssyncadd.s32 $0xFFFFFFB0  }
0xc8: {  	_ =	swait.ge [sflag:s18], $0x50  }
0xc9: {  	[sflag:s18] =	ssyncset.done $0x0  }
0xca: {  	[sflag:s18] =	ssyncadd.s32 $0xFFFFFFB0  }
0xcb: {  	[tilespmem:s19], [sflag:$0x8] =	stream.indirect.gather [hbm4b:s6+s13], $0x80, s11, s13, $0xb8;
	[tilespmem:$0x1E400] =	vst v63  }
0xcc: {  	_ =	swait.ge [sflag:s20], $0x2800  }
0xcd: {  	[sflag:s20] =	ssyncset.done $0x0  }
0xce: {  	s0 =	simm.s32 $0x200;
	[sflag:s20] =	ssyncadd.s32 $0xFFFFD800  }
0xcf: {  	[spmem:s1] =	stream.indirect.scatter.add.f32 [tilespmem:s31], [sflag:$0x9], $0x80, s0, s13, $0xb8;
	[tilespmem:$0x1E400] =	vst v63  }
0xd0: {  	_ =	swait.ge [sflag:s21], $0x2800  }
0xd1: {  	[sflag:s21] =	ssyncset.done $0x0  }
0xd2: {  	[sflag:s21] =	ssyncadd.s32 $0xFFFFD800  }
0xd3: {  	[spmem:s1] =	stream.indirect.scatter.add.f32 [tilespmem:s15], [sflag:$0xA], $0x80, s8, s13, $0xb8;
	[tilespmem:$0x1E400] =	vst v63  }
0xd4: {  	_ =	swait.ge [sflag:s22], $0x2800  }
0xd5: {  	[sflag:s22] =	ssyncset.done $0x0  }
0xd6: {  	[sflag:s22] =	ssyncadd.s32 $0xFFFFD800  }
0xd7: {  	[spmem:s1] =	stream.indirect.scatter.add.f32 [tilespmem:s17], [sflag:$0xB], $0x80, s10, s13, $0xb8;
	[tilespmem:$0x1E400] =	vst v63  }
0xd8: {  	_ =	swait.ge [sflag:s23], $0x2800  }
0xd9: {  	s30 =	sadd.s32 $0x140, s30;
	s4 =	simm.s32 $0x380;
	[sflag:s23] =	ssyncset.done $0x0  }
0xda: {  	s7 =	simm.s32 $0x28;
	s0 =	smov.u32 s5;
	[sflag:s23] =	ssyncadd.s32 $0xFFFFD800  }
.LBB2_4:
0xdb: {  	[spmem:s1] =	stream.indirect.scatter.add.f32 [tilespmem:s19], [sflag:$0xC], $0x80, s4, s13, $0xb8;
	[tilespmem:$0x1E400] =	vst v63  }
0xdc: {  	_ =	swait.ge [sflag:s24], $0x2800  }
0xdd: {  	s5 =	sshrl.u32 s30, $0x3;
	[sflag:s24] =	ssyncset.done $0x0  }
0xde: {  	s31 =	smov.u32 s29;
	s29 =	sadd.s32 s29, s5;
	[sflag:s24] =	ssyncadd.s32 $0xFFFFD800  }
0xdf: {  	[tilespmem:s3], [sflag:$0x1] =	stream.linear.gather [hbm4b:s29+s3], $0x50, $0x38;
	[tilespmem:$0x1E400] =	vst v63  }
0xe0: {  	s2 =	simm.s32 $0x200;
	s5 =	sadd.s32 s0, s5  }
0xe1: {  	[tilespmem:s2], [sflag:$0x1] =	stream.linear.gather [hbm4b:s5+s3], $0x50, $0x38;
	[tilespmem:$0x1E400] =	vst v63  }
0xe2: {  	s4 =	smov.u32 s7;
	_ =	swait.ge [sflag:s26], $0x2800  }
0xe3: {  	s2 =	simm.s32 $0x80;
	s5 =	rddreg [dreg:$0x8];
	[sflag:s26] =	ssyncset.done $0x0  }
0xe4: {  	s29 =	rddreg [dreg:$0x7];
	[sflag:s26] =	ssyncadd.s32 $0xFFFFD800;
	s5 =	sadd.s32 s4, s5  }
0xe5: {  	[tilespmem:s2], [sflag:$0x2] =	stream.linear.gather [hbm4b:s5+s3], $0x50, $0x38;
	[tilespmem:$0x1E400] =	vst v63  }
0xe6: {  	s5 =	sadd.s32 s4, s29  }
0xe7: {  	[tilespmem:s8], [sflag:$0x2] =	stream.linear.gather [hbm4b:s5+s3], $0x50, $0x38;
	[tilespmem:$0x1E400] =	vst v63  }
0xe8: {  	_ =	swait.ge [sflag:s28], $0x2800  }
0xe9: {  	s5 =	rddreg [dreg:$0x6];
	[sflag:s28] =	ssyncset.done $0x0  }
0xea: {  	s29 =	rddreg [dreg:$0x5];
	[sflag:s28] =	ssyncadd.s32 $0xFFFFD800;
	s5 =	sadd.s32 s4, s5  }
0xeb: {  	[tilespmem:s9], [sflag:$0x3] =	stream.linear.gather [hbm4b:s5+s3], $0x50, $0x38;
	[tilespmem:$0x1E400] =	vst v63  }
0xec: {  	s5 =	sadd.s32 s4, s29  }
0xed: {  	[tilespmem:s10], [sflag:$0x3] =	stream.linear.gather [hbm4b:s5+s3], $0x50, $0x38;
	[tilespmem:$0x1E400] =	vst v63  }
0xee: {  	_ =	swait.ge [sflag:s25], $0x2800  }
0xef: {  	s5 =	rddreg [dreg:$0x4];
	[sflag:s25] =	ssyncset.done $0x0  }
0xf0: {  	s29 =	rddreg [dreg:$0x3];
	[sflag:s25] =	ssyncadd.s32 $0xFFFFD800;
	s5 =	sadd.s32 s4, s5  }
0xf1: {  	[tilespmem:s11], [sflag:$0x4] =	stream.linear.gather [hbm4b:s5+s3], $0x50, $0x38;
	[tilespmem:$0x1E400] =	vst v63  }
0xf2: {  	s15 =	simm.s32 $0x380;
	s4 =	sadd.s32 s4, s29  }
0xf3: {  	[tilespmem:s15], [sflag:$0x4] =	stream.linear.gather [hbm4b:s4+s3], $0x50, $0x38;
	[tilespmem:$0x1E400] =	vst v63  }
0xf4: {  	_ =	swait.ge [sflag:s12], $0x50  }
0xf5: {  	[sflag:s12] =	ssyncset.done $0x0  }
0xf6: {  	[sflag:s12] =	ssyncadd.s32 $0xFFFFFFB0  }
0xf7: {  	_ =	swait.ge [sflag:s12], $0x50  }
0xf8: {  	[sflag:s12] =	ssyncset.done $0x0  }
0xf9: {  	s5 =	simm.s32 $0x400;
	[sflag:s12] =	ssyncadd.s32 $0xFFFFFFB0  }
0xfa: {  	[tilespmem:s5], [sflag:$0x5] =	stream.indirect.gather [hbm4b:s6+s13], $0x80, s3, s13, $0xb8;
	[tilespmem:$0x1E400] =	vst v63  }
0xfb: {  	_ =	swait.ge [sflag:s14], $0x50  }
0xfc: {  	[sflag:s14] =	ssyncset.done $0x0  }
0xfd: {  	[sflag:s14] =	ssyncadd.s32 $0xFFFFFFB0  }
0xfe: {  	_ =	swait.ge [sflag:s14], $0x50  }
0xff: {  	[sflag:s14] =	ssyncset.done $0x0  }
0x100: {  	s15 =	simm.s32 $0x2C00;
	[sflag:s14] =	ssyncadd.s32 $0xFFFFFFB0  }
0x101: {  	[tilespmem:s15], [sflag:$0x6] =	stream.indirect.gather [hbm4b:s6+s13], $0x80, s2, s13, $0xb8;
	[tilespmem:$0x1E400] =	vst v63  }
0x102: {  	_ =	swait.ge [sflag:s16], $0x50  }
0x103: {  	[sflag:s16] =	ssyncset.done $0x0  }
0x104: {  	[sflag:s16] =	ssyncadd.s32 $0xFFFFFFB0  }
0x105: {  	_ =	swait.ge [sflag:s16], $0x50  }
0x106: {  	[sflag:s16] =	ssyncset.done $0x0  }
0x107: {  	[sflag:s16] =	ssyncadd.s32 $0xFFFFFFB0  }
0x108: {  	[tilespmem:s17], [sflag:$0x7] =	stream.indirect.gather [hbm4b:s6+s13], $0x80, s9, s13, $0xb8;
	[tilespmem:$0x1E400] =	vst v63  }
0x109: {  	_ =	swait.ge [sflag:s18], $0x50  }
0x10a: {  	[sflag:s18] =	ssyncset.done $0x0  }
0x10b: {  	[sflag:s18] =	ssyncadd.s32 $0xFFFFFFB0  }
0x10c: {  	_ =	swait.ge [sflag:s18], $0x50  }
0x10d: {  	[sflag:s18] =	ssyncset.done $0x0  }
0x10e: {  	[sflag:s18] =	ssyncadd.s32 $0xFFFFFFB0  }
0x10f: {  	[tilespmem:s19], [sflag:$0x8] =	stream.indirect.gather [hbm4b:s6+s13], $0x80, s11, s13, $0xb8;
	[tilespmem:$0x1E400] =	vst v63  }
0x110: {  	_ =	swait.ge [sflag:s20], $0x2800  }
0x111: {  	[sflag:s20] =	ssyncset.done $0x0  }
0x112: {  	s29 =	smov.u32 s31;
	s31 =	simm.s32 $0x200;
	[sflag:s20] =	ssyncadd.s32 $0xFFFFD800  }
0x113: {  	[spmem:s1] =	stream.indirect.scatter.add.f32 [tilespmem:s5], [sflag:$0x9], $0x80, s31, s13, $0xb8;
	[tilespmem:$0x1E400] =	vst v63  }
0x114: {  	_ =	swait.ge [sflag:s21], $0x2800  }
0x115: {  	[sflag:s21] =	ssyncset.done $0x0  }
0x116: {  	[sflag:s21] =	ssyncadd.s32 $0xFFFFD800  }
0x117: {  	[spmem:s1] =	stream.indirect.scatter.add.f32 [tilespmem:s15], [sflag:$0xA], $0x80, s8, s13, $0xb8;
	[tilespmem:$0x1E400] =	vst v63  }
0x118: {  	_ =	swait.ge [sflag:s22], $0x2800  }
0x119: {  	p0 =	sne.s32 s7, $0x488;
	[sflag:s22] =	ssyncset.done $0x0  }
.Ltmp1:
0x11a: {  	[sflag:s22] =	ssyncadd.s32 $0xFFFFD800;
	(pc) =	sbr.rel @p0 .LBB2_4-.Ltmp1, $4  }
0x11b: {  	[spmem:s1] =	stream.indirect.scatter.add.f32 [tilespmem:s17], [sflag:$0xB], $0x80, s10, s13, $0xb8;
	[tilespmem:$0x1E400] =	vst v63  }
0x11c: {  	_ =	swait.ge [sflag:s23], $0x2800  }
0x11d: {  	s7 =	sadd.s32 $0x28, s7;
	[sflag:s23] =	ssyncset.done $0x0  }
0x11e: {  	s30 =	sadd.s32 $0x140, s30;
	s4 =	simm.s32 $0x380;
	[sflag:s23] =	ssyncadd.s32 $0xFFFFD800  }
0x11f: {  	[spmem:s1] =	stream.indirect.scatter.add.f32 [tilespmem:s19], [sflag:$0xC], $0x80, s4, s13, $0xb8;
	[tilespmem:$0x1E400] =	vst v63  }
0x120: {  	_ =	swait.ge [sflag:s24], $0x2800  }
0x121: {  	[sflag:s24] =	ssyncset.done $0x0  }
0x122: {  	s0 =	rddreg [dreg:$0x17];
	[sflag:s24] =	ssyncadd.s32 $0xFFFFD800  }
0x123: {  	[tilespmem:s3], [sflag:$0x1] =	stream.linear.gather [hbm4b:s0+s3], $0x50, $0x38;
	[tilespmem:$0x1E400] =	vst v63  }
0x124: {  	s7 =	rddreg [dreg:$0x18]  }
0x125: {  	[tilespmem:s31], [sflag:$0x1] =	stream.linear.gather [hbm4b:s7+s3], $0x50, $0x38;
	[tilespmem:$0x1E400] =	vst v63  }
0x126: {  	_ =	swait.ge [sflag:s12], $0x50  }
0x127: {  	[sflag:s12] =	ssyncset.done $0x0  }
0x128: {  	[sflag:s12] =	ssyncadd.s32 $0xFFFFFFB0  }
0x129: {  	_ =	swait.ge [sflag:s12], $0x50  }
0x12a: {  	[sflag:s12] =	ssyncset.done $0x0  }
0x12b: {  	[sflag:s12] =	ssyncadd.s32 $0xFFFFFFB0  }
0x12c: {  	[tilespmem:s5], [sflag:$0x5] =	stream.indirect.gather [hbm4b:s6+s13], $0x80, s3, s13, $0xb8;
	[tilespmem:$0x1E400] =	vst v63  }
0x12d: {  	_ =	swait.ge [sflag:s20], $0x2800  }
0x12e: {  	[sflag:s20] =	ssyncset.done $0x0  }
0x12f: {  	[sflag:s20] =	ssyncadd.s32 $0xFFFFD800  }
0x130: {  	[spmem:s1] =	stream.indirect.scatter.add.f32 [tilespmem:s5], [sflag:$0x9], $0x80, s31, s13, $0xb8;
	[tilespmem:$0x1E400] =	vst v63  }
0x131: {  	_ =	swait.ge [sflag:s26], $0x2800  }
0x132: {  	[sflag:s26] =	ssyncset.done $0x0  }
0x133: {  	[sflag:s26] =	ssyncadd.s32 $0xFFFFD800  }
0x134: {  	_ =	swait.ge [sflag:s28], $0x2800  }
0x135: {  	[sflag:s28] =	ssyncset.done $0x0  }
0x136: {  	[sflag:s28] =	ssyncadd.s32 $0xFFFFD800  }
0x137: {  	_ =	swait.ge [sflag:s25], $0x2800  }
0x138: {  	[sflag:s25] =	ssyncset.done $0x0  }
0x139: {  	[sflag:s25] =	ssyncadd.s32 $0xFFFFD800  }
0x13a: {  	_ =	swait.ge [sflag:s24], $0x2800  }
0x13b: {  	[sflag:s24] =	ssyncset.done $0x0  }
0x13c: {  	s30 =	stileid.u32;
	[sflag:s24] =	ssyncadd.s32 $0xFFFFD800  }
0x13d: {  	s4 =	sshll.u32 s30, $0x6;
	[bflag:$0x0] =	sbarrier.arrive $0xFFFF  }
0x13e: {  	s4 =	sor.u32 $0x1C0D, s4;
	s31 =	rddreg [dreg:$0x9]  }
0x13f: {  	s5 =	simm.s32 $0xD;
	s7 =	rddreg [dreg:$0x19];
	s0 =	sshrl.u32 s31, $0x3  }
0x140: {  	[hbm:s7], [sflag:s4] =	dma.local [spmem:s0], $0x2800  }
0x141: {  	_ =	swait.ge [sflag:s5], $0x2800  }
0x142: {  	s4 =	rddreg [dreg:$0x1e]  }
0x143: {  	s30 =	rddreg [dreg:$0x1a];
	s7 =	sadd.s32 $0x1, s4  }
0x144: {  	p0 =	sne.s32 s7, s30  }
.Ltmp2:
0x145: {  	_ = 	snop;
	(pc) =	sbr.rel @p0 .LBB2_1-.Ltmp2, $3  }
0x146: {  	_ =	sdelay $0x1  }
0x147: {  	[sflag:s5] =	ssyncset.done $0x0  }
0x148: {  	[sflag:s5] =	ssyncadd.s32 $0xFFFFD800  }
0x149: {  	_ =	sfence.sel $0x180000  }
0x14a: {  	[bflag:$0x0] =	sbarrier.arrive $0xFFFF  }
0x14b: {  	_ =	strace $0x9000004A  }
0x14c: {  	s0 =	stileid.u32;
	[bflag:$0x2] =	sbarrier.arrive $0xFFFF  }
0x14d: {  	p0 =	sne.s32 s0, $0x0;
	s0 =	rddreg [dreg:$0x2]  }
0x14e: {  	s0 =	sadd.s32 @!p0 $0x100000, s0  }
0x14f: {  	[sflag:s0] =	ssyncadd.tile.s32 @!p0 $0x1;
	_ =	shalt  }
.Lfunc_end2:
_tile_overlayer_lowered:
.L_overlay_start_2:
0x150: {  	(tag) =	ssettag $0x2  }
0x151: {  	s0 =	rddreg [dreg:$0x0];
	s2 =	stileid.u32  }
0x152: {  	s1 =	rddreg [dreg:$0x1];
	p0 =	sne.s32 s2, $0x0  }
0x153: {  	s3 =	rddreg [dreg:$0x2];
	[bflag:$0x3] =	sbarrier.arrive $0xFFFF;
	s2 =	simm.s32 @!p0 $0x1C0D  }
0x154: {  	[timem:s3], [sflag:s2] =	dma.local @!p0 [hbm:s0], s1  }
0x155: {  	s0 =	simm.s32 @!p0 $0xD  }
0x156: {  	_ =	swait.ge @!p0 [sflag:s0], s1  }
0x157: {  	s1 =	ssub.s32 @!p0 $0x0, s1;
	[sflag:s0] =	ssyncset.done @!p0 $0x0  }
0x158: {  	[sflag:s0] =	ssyncadd.s32 @!p0 s1  }
0x159: {  	[bflag:$0x3] =	sbarrier.arrive $0xFFFF  }
0x15a: {  	_ =	shalt  }

// kernel: kernel.16.cloned.1.call-start
scs
__scs_entry_jumppad:
0x0: {  	(pc) =	sbr.rel $0x88, $3  }
0x1: {  	(tag) =	ssettag $0x0;
	lr =	simm.s32 $0x1  }
0x2: {  	[smem:$0x3F95] =	sst lr;
	_ =	strace $0xD0000000  }
0x3: {  	_ = 	snop  }
0x4: {  	_ = 	snop  }
0x5: {  	_ = 	snop  }
0x6: {  	_ = 	snop  }
0x7: {  	_ = 	snop  }
__scs_overlays_trampoline_lowered:
0x8: {  	[smem:$0x3FA4] =	sst s0  }
0x9: {  	[smem:$0x3FA5] =	sst s1  }
0xa: {  	[smem:$0x3FA6] =	sst s2  }
0xb: {  	[smem:$0x3FA7] =	sst s3  }
0xc: {  	[smem:$0x3FA8] =	sst s4  }
0xd: {  	[smem:$0x3FA9] =	sst s5  }
0xe: {  	[smem:$0x3FAA] =	sst s6  }
0xf: {  	[smem:$0x3FAB] =	sst s7  }
0x10: {  	[smem:$0x3FAC] =	sst s8  }
0x11: {  	[smem:$0x3FAD] =	sst s9;
	s0 =	simm.s32 @!p0 $0x0  }
0x12: {  	s1 =	sld [smem:$0x3F93];
	s0 =	simm.s32 @p0 $0x1  }
0x13: {  	[smem:$0x3FAE] =	sst s0;
	s0 =	simm.s32 @!p1 $0x0  }
0x14: {  	s2 =	sld [smem:$0x3F92];
	s0 =	simm.s32 @p1 $0x1  }
0x15: {  	[smem:$0x3FAF] =	sst s0;
	s0 =	simm.s32 @!p2 $0x0  }
0x16: {  	s3 =	sld [smem:$0x3FDB];
	s0 =	simm.s32 @p2 $0x1  }
0x17: {  	s4 =	simm.s32 $0x1BF5;
	[smem:$0x3FB1] =	sst s0  }
0x18: {  	s0 =	sld [smem:$0x3F94];
	_ =	swait.ge [sflag:s4], $0x0  }
0x19: {  	s7 =	sld [smem:$0x3F95]  }
0x1a: {  	s8 =	sadd.s32 $0xFFFFE003, lr  }
0x1b: {  	s9 =	sadd.s32 $0xFFFFFEF7, lr;
	s5 =	simm.s32 $0xFFFFFFFF;
	p2 =	slt.u32 s8, $0xFFFFF086  }
0x1c: {  	p1 =	slt.u32 s9, $0xF7A;
	s5 =	simm.s32 @!p2 $0x0  }
0x1d: {  	s5 =	simm.s32 @p1 $0x1;
	p0 =	seq.s32 s7, s2  }
0x1e: {  	s7 =	smul.u32 @!p0 $0xF7A, s2;
	p2 =	seq.s32 @!p0 s5, $0x0  }
0x1f: {  	s9 =	smul.u32 $0xF7A, s1;
	s8 =	simm.s32 @!p0 $0x1BF5;
	p2 =	por !p2, p0  }
0x20: {  	[sflag:s8] =	ssyncset.s32 @!p0 $0xFFFFF086;
	s6 =	sadd.s32 @!p0 s3, s7;
	s7 =	simm.s32 @!p0 $0x108  }
0x21: {  	s3 =	sadd.s32 s3, s9;
	s6 =	sadd.s32 @!p0 $0x88, s6;
	s7 =	simm.s32 @p2 $0x1082  }
0x22: {  	[simem:s7], [sflag:s8] =	dma.local @!p0 [hbm:s6], $0xF7A  }
0x23: {  	s9 =	sor.u32 $0xD0000000, s2;
	s6 =	simm.s32 $0x108;
	_ =	swait.ge @!p0 [sflag:s8], $0x0  }
0x24: {  	s3 =	sadd.s32 $0x88, s3;
	s6 =	simm.s32 @!p1 $0x1082;
	[sflag:s4] =	ssyncset.s32 $0xFFFFF086  }
0x25: {  	[simem:s6], [sflag:s4] =	dma.local [hbm:s3], $0xF7A  }
0x26: {  	[smem:$0x3F95] =	sst s1;
	(tag) =	ssettag s2;
	_ =	strace s9  }
0x27: {  	s1 =	sld [smem:$0x3FA5]  }
0x28: {  	s2 =	sld [smem:$0x3FA6]  }
0x29: {  	s4 =	sld [smem:$0x3FA8]  }
0x2a: {  	p0 =	seq.s32 s5, $0x0;
	s5 =	sld [smem:$0x3FA9]  }
0x2b: {  	s6 =	sld [smem:$0x3FAA]  }
0x2c: {  	s7 =	sld [smem:$0x3FAB]  }
0x2d: {  	s3 =	simm.s32 $0x108;
	s8 =	sld [smem:$0x3FAC]  }
0x2e: {  	s3 =	simm.s32 @!p0 $0x1082;
	s9 =	sld [smem:$0x3FAD]  }
0x2f: {  	lr =	sadd.s32 s0, s3;
	s0 =	sld [smem:$0x3FA4]  }
0x30: {  	s3 =	sld [smem:$0x3FA7]  }
0x31: {  	[smem:$0x3FB0] =	sst s10  }
0x32: {  	s10 =	sld [smem:$0x3FAE];
	_ =	sdelay $0x3  }
0x33: {  	p0 =	seq.s32 s10, $0x1;
	s10 =	sld [smem:$0x3FB0];
	_ =	sdelay $0x3  }
0x34: {  	[smem:$0x3FB0] =	sst s10  }
0x35: {  	s10 =	sld [smem:$0x3FAF];
	_ =	sdelay $0x3  }
0x36: {  	p1 =	seq.s32 s10, $0x1;
	s10 =	sld [smem:$0x3FB0];
	_ =	sdelay $0x3  }
0x37: {  	[smem:$0x3FB0] =	sst s10  }
0x38: {  	s10 =	sld [smem:$0x3FB1]  }
0x39: {  	_ = 	snop;
	(pc) =	sbr.ind lr, $3  }
0x3a: {  	_ = 	snop  }
0x3b: {  	_ = 	snop  }
0x3c: {  	p2 =	seq.s32 s10, $0x1;
	s10 =	sld [smem:$0x3FB0]  }
0x3d: {  	_ =	shalt  }
0x3e: {  	_ =	shalt  }
0x3f: {  	_ =	shalt  }
0x40: {  	_ =	shalt  }
0x41: {  	_ =	shalt  }
0x42: {  	_ =	shalt  }
0x43: {  	_ =	shalt  }
0x44: {  	_ =	shalt  }
0x45: {  	_ =	shalt  }
0x46: {  	_ =	shalt  }
0x47: {  	_ =	shalt  }
0x48: {  	_ =	shalt  }
0x49: {  	_ =	shalt  }
0x4a: {  	_ =	shalt  }
0x4b: {  	_ =	shalt  }
0x4c: {  	_ =	shalt  }
0x4d: {  	_ =	shalt  }
0x4e: {  	_ =	shalt  }
0x4f: {  	_ =	shalt  }
0x50: {  	_ =	shalt  }
0x51: {  	_ =	shalt  }
0x52: {  	_ =	shalt  }
0x53: {  	_ =	shalt  }
0x54: {  	_ =	shalt  }
0x55: {  	_ =	shalt  }
0x56: {  	_ =	shalt  }
0x57: {  	_ =	shalt  }
0x58: {  	_ =	shalt  }
0x59: {  	_ =	shalt  }
0x5a: {  	_ =	shalt  }
0x5b: {  	_ =	shalt  }
0x5c: {  	_ =	shalt  }
0x5d: {  	_ =	shalt  }
0x5e: {  	_ =	shalt  }
0x5f: {  	_ =	shalt  }
0x60: {  	_ =	shalt  }
0x61: {  	_ =	shalt  }
0x62: {  	_ =	shalt  }
0x63: {  	_ =	shalt  }
0x64: {  	_ =	shalt  }
0x65: {  	_ =	shalt  }
0x66: {  	_ =	shalt  }
0x67: {  	_ =	shalt  }
0x68: {  	_ =	shalt  }
0x69: {  	_ =	shalt  }
0x6a: {  	_ =	shalt  }
0x6b: {  	_ =	shalt  }
0x6c: {  	_ =	shalt  }
0x6d: {  	_ =	shalt  }
0x6e: {  	_ =	shalt  }
0x6f: {  	_ =	shalt  }
0x70: {  	_ =	shalt  }
0x71: {  	_ =	shalt  }
0x72: {  	_ =	shalt  }
0x73: {  	_ =	shalt  }
0x74: {  	_ =	shalt  }
0x75: {  	_ =	shalt  }
0x76: {  	_ =	shalt  }
0x77: {  	_ =	shalt  }
0x78: {  	_ =	shalt  }
0x79: {  	_ =	shalt  }
0x7a: {  	_ =	shalt  }
0x7b: {  	_ =	shalt  }
0x7c: {  	_ =	shalt  }
0x7d: {  	_ =	shalt  }
0x7e: {  	_ =	shalt  }
0x7f: {  	_ =	shalt  }
0x80: {  	_ =	shalt  }
0x81: {  	_ =	shalt  }
0x82: {  	_ =	shalt  }
0x83: {  	_ =	shalt  }
0x84: {  	_ =	shalt  }
0x85: {  	_ =	shalt  }
0x86: {  	_ =	shalt  }
0x87: {  	_ =	shalt  }
.Lfunc_end0:
.L_simem_size_0:
called_computation.2_lowered:
.L_overlay_start_0:
0x88: {  	s2 =	sld [smem:$0x3FD9]  }
0x89: {  	s3 =	sld [smem:$0x3FFE];
	_ =	sdelay $0x1  }
0x8a: {  	s1 =	srdreg.scid  }
0x8b: {  	s0 =	sand.u32 $0x1, s1  }
0x8c: {  	s16 =	sshll.u32 s0, $0xA;
	s2 =	sadd.s32 s3, s2  }
0x8d: {  	s2 =	sadd.s32 s2, s16  }
0x8e: {  	[smem:$0x3FBC] =	sst s2  }
0x8f: {  	_ = 	snop  }
0x90: {  	(tm) =	ssettm $0x1  }
0x91: {  	s17 =	sld [smem:$0x3FFB];
	_ =	sdelay $0x3  }
0x92: {  	_ =	strace s17  }
0x93: {  	s2 =	sld [smem:$0x3FFC];
	_ =	sdelay $0x3  }
0x94: {  	_ =	strace s2  }
0x95: {  	s2 =	sld [smem:$0x3FFD];
	_ =	sdelay $0x3  }
0x96: {  	_ =	strace s2  }
0x97: {  	_ =	strace $0x8FFFFFFF  }
0x98: {  	s18 =	sld [smem:$0x3FDB];
	_ =	sdelay $0x1  }
0x99: {  	s19 =	simm.s32 $_scs_section_size  }
0x9a: {  	s4 =	simm.s32 $_size__tile_overlayer_lowered;
	s5 =	simm.s32 $_tile_overlayer_lowered  }
0x9b: {  	s22 =	simm.s32 $0x1BFF;
	s21 =	sshll.u32 s5, $0x1;
	s2 =	sadd.s32 s19, s18  }
0x9c: {  	s6 =	simm.s32 $0x0;
	s20 =	sshll.u32 s4, $0x1;
	s4 =	sadd.s32 s21, s2  }
0x9d: {  	[timem:s6], [sflag:s22] =	dma.local [hbm:s4], s20  }
0x9e: {  	_ =	swait.ge [sflag:s22], s20  }
0x9f: {  	s3 =	ssub.s32 $0x0, s20;
	[sflag:s22] =	ssyncset.done $0x0  }
0xa0: {  	[sflag:s22] =	ssyncadd.s32 s3;
	_ =	sdelay $0x1  }
0xa1: {  	s23 =	simm.s32 $0x1B8B  }
0xa2: {  	_ =	swait.ge [sflag:s23], $0x1  }
0xa3: {  	[sflag:s23] =	ssyncset.done $0x0  }
0xa4: {  	s25 =	simm.s32 $0x1B8E;
	s24 =	sld [smem:$0x3FFE];
	[sflag:s23] =	ssyncadd.s32 $0xFFFFFFFF  }
0xa5: {  	s26 =	simm.s32 $execute0_lowered;
	[smem:$0x3FD2] =	sst s25  }
0xa6: {  	s4 =	sshll.u32 s26, $0x1;
	_ =	strace $0x8000004C;
	[dreg:$0x1] =	wrdreg $0xFFFFFFFF  }
0xa7: {  	s28 =	simm.s32 $_size_execute0_lowered;
	s2 =	sadd.s32 s2, s4;
	[dreg:$0x0] =	wrdreg $0x0  }
0xa8: {  	s4 =	sshll.u32 s28, $0x1;
	[dreg:$0x2] =	wrdreg s2  }
0xa9: {  	[dreg:$0x3] =	wrdreg s4  }
0xaa: {  	[dreg:$0x4] =	wrdreg $0xC0  }
0xab: {  	_ =	task [dreg:s6], $0x5FFFF  }
0xac: {  	[dreg:$0x1] =	wrdreg $0xFFFFFFFF  }
0xad: {  	[dreg:$0x0] =	wrdreg $0x60  }
0xae: {  	[dreg:$0x2] =	wrdreg s24  }
0xaf: {  	[dreg:$0x3] =	wrdreg $0xA4000  }
0xb0: {  	[dreg:$0x4] =	wrdreg $0x9  }
0xb1: {  	_ =	task.clear_ibuf [dreg:s6], $0x5FFFF;
	_ =	strace $0x9000004C  }
0xb2: {  	s29 =	simm.s32 $0x9;
	_ =	strace $0x8000004E  }
0xb3: {  	_ =	swait.ge [sflag:s29], $0x1  }
0xb4: {  	[sflag:s29] =	ssyncadd.s32 $0xFFFFFFFF  }
0xb5: {  	_ =	strace $0x9000004E  }
0xb6: {  	_ =	sfence  }
0xb7: {  	s30 =	sld [smem:$0x0];
	_ =	sdelay $0x2  }
0xb8: {  	s31 =	sshll.u32 s1, $0xD;
	s1 =	sshrl.u32 s1, $0x2  }
0xb9: {  	s3 =	sand.u32 $0x4000, s31;
	s1 =	sadd.s32 s1, s30  }
0xba: {  	s0 =	sor.u32 s3, s0;
	s1 =	sshll.u32 s1, $0x11  }
0xbb: {  	s0 =	sor.u32 s1, s0  }
0xbc: {  	s0 =	sadd.s32 $0x8F2B, s0  }
0xbd: {  	[sflag:s0] =	ssyncadd.remote.s32 $0x1  }
0xbe: {  	_ =	sfence.sel $0xFFFF  }
0xbf: {  	[dreg:$0x0] =	wrdreg $0xFFFFFFFF;
	(pc) =	sbr.abs _section_cstart, $3  }
0xc0: {  	[dreg:$0x1] =	wrdreg $0xFFFFFFFF  }
0xc1: {  	_ =	task.clear_ibuf [dreg:s6], $0x2FFFF;
	_ =	strace $0x9FFFFFFF  }
0xc2: {  	(tm) =	ssettm $0x7FFFFFFF  }
0xc3: {  	_ =	shalt  }
tec
execute0_lowered:
.L_overlay_start_1:
0x0: {  	(tag) =	ssettag $0x1  }
0x1: {  	s0 =	rddreg [dreg:$0x0]  }
0x2: {  	s1 =	rddreg [dreg:$0x1]  }
0x3: {  	s2 =	srdreg.scid;
	s3 =	simm.s32 $0x0;
	s5 =	stileid.u32  }
0x4: {  	s28 =	simm.s32 $0xB;
	s2 =	sand.u32 $0x1, s2;
	s6 =	smul.u32 $0x14000, s5  }
0x5: {  	[smem:$0x7FF] =	sst s3;
	s29 =	sadd.s32 $0xD200, s0;
	s7 =	smul.u32 $0x50000, s5  }
0x6: {  	s11 =	sadd.s32 $0x3400, s0;
	s8 =	sshll.u32 s5, $0x1;
	s14 =	smul.u32 $0x4E20, s5  }
0x7: {  	s4 =	smul.u32 $0x140000, s2;
	_ =	strace $0x8000004D;
	s12 =	ssub.s32 $0x2, s2  }
0x8: {  	s8 =	sor.u32 s2, s8;
	s2 =	smul.u32 $0x2710, s2;
	[dreg:$0x1f] =	wrdreg s11  }
0x9: {  	s9 =	sshrl.u32 s12, $0x1;
	s7 =	sshrl.u32 s7, $0x2;
	s8 =	smul.u32 $0x2710, s8  }
0xa: {  	s4 =	sadd.s32 s6, s4;
	s6 =	sadd.s32 $0x17000, s0;
	s31 =	sadd.s32 s7, s1  }
0xb: {  	s2 =	sadd.s32 s2, s14;
	s4 =	sshrl.u32 s4, $0x3;
	s7 =	sadd.s32 $0x2800, s31  }
0xc: {  	s13 =	sadd.s32 $0x5000, s31;
	s15 =	sadd.s32 $0x7800, s31;
	[dreg:$0x9] =	wrdreg s31  }
0xd: {  	s8 =	sshrl.u32 s8, $0x3;
	s16 =	sadd.s32 $0xA000, s31;
	[dreg:$0xa] =	wrdreg s7  }
0xe: {  	s17 =	sadd.s32 $0xC800, s31;
	s10 =	sadd.s32 $0x230, s2;
	[dreg:$0xb] =	wrdreg s13  }
0xf: {  	s5 =	sadd.s32 $0x1E0, s2;
	s14 =	sadd.s32 $0x190, s2;
	[dreg:$0xc] =	wrdreg s15  }
0x10: {  	s0 =	sadd.s32 s4, s0;
	s4 =	ssub.s32 s12, s9;
	[dreg:$0xd] =	wrdreg s16  }
0x11: {  	[dreg:$0xe] =	wrdreg s17;
	s18 =	sadd.s32 s29, s8;
	s19 =	sadd.s32 s11, s8  }
0x12: {  	s20 =	sadd.s32 $0xA, s8;
	s22 =	sadd.s32 $0x14, s8;
	[dreg:$0xf] =	wrdreg s18  }
0x13: {  	s25 =	sshrl.u32 s10, $0x3;
	[dreg:$0x10] =	wrdreg s19;
	s21 =	sadd.s32 s29, s20  }
0x14: {  	s12 =	sshrl.u32 s5, $0x3;
	s23 =	sadd.s32 s11, s20;
	[dreg:$0x11] =	wrdreg s21  }
0x15: {  	s16 =	sshrl.u32 s14, $0x3;
	s24 =	sadd.s32 s29, s22;
	[dreg:$0x12] =	wrdreg s23  }
0x16: {  	s17 =	sadd.s32 $0x1E, s8;
	s26 =	sadd.s32 s11, s22;
	[dreg:$0x13] =	wrdreg s24  }
0x17: {  	s8 =	sadd.s32 $0x4D8, s8;
	s30 =	sadd.s32 s25, s11;
	[dreg:$0x14] =	wrdreg s26  }
0x18: {  	s5 =	simm.s32 $0xD;
	s9 =	sadd.s32 s25, s29;
	[dreg:$0x3] =	wrdreg s30  }
0x19: {  	s14 =	simm.s32 $0x2;
	s13 =	sadd.s32 s12, s11;
	[dreg:$0x4] =	wrdreg s9  }
0x1a: {  	s7 =	simm.s32 $0x0;
	s15 =	sadd.s32 s12, s29;
	[dreg:$0x5] =	wrdreg s13  }
0x1b: {  	s10 =	simm.s32 $0x300;
	s18 =	sadd.s32 s16, s11;
	[dreg:$0x6] =	wrdreg s15  }
0x1c: {  	s19 =	sadd.s32 s29, s17;
	s20 =	sadd.s32 s16, s29;
	[dreg:$0x7] =	wrdreg s18  }
0x1d: {  	s22 =	sadd.s32 s29, s8;
	s0 =	sadd.s32 $0x3E200, s0;
	[dreg:$0x15] =	wrdreg s19  }
0x1e: {  	s25 =	sadd.s32 $0x140, s2;
	s2 =	simm.s32 $0x80;
	[dreg:$0x8] =	wrdreg s20  }
0x1f: {  	s12 =	simm.s32 $0x1;
	s16 =	simm.s32 $0x3;
	[dreg:$0x17] =	wrdreg s22  }
0x20: {  	s21 =	sadd.s32 s11, s17;
	s23 =	sadd.s32 s11, s8;
	[dreg:$0x19] =	wrdreg s0  }
0x21: {  	s24 =	smax.u32 s4, $0x1;
	[dreg:$0x1b] =	wrdreg s25;
	s26 =	sadd.s32 $0xF000, s31  }
0x22: {  	s30 =	sadd.s32 $0x11800, s31;
	s13 =	simm.s32 $0x50;
	s15 =	simm.s32 $0x2C00  }
0x23: {  	s17 =	simm.s32 $0x5400;
	s18 =	simm.s32 $0x4;
	[dreg:$0x16] =	wrdreg s21  }
0x24: {  	s19 =	simm.s32 $0x7C00;
	s20 =	simm.s32 $0x5;
	[dreg:$0x18] =	wrdreg s23  }
0x25: {  	s22 =	simm.s32 $0x7;
	s25 =	simm.s32 $0xC;
	[dreg:$0x1a] =	wrdreg s24  }
0x26: {  	s8 =	simm.s32 $0x280;
	s9 =	simm.s32 $0x100;
	[dreg:$0x1c] =	wrdreg s26  }
0x27: {  	s11 =	simm.s32 $0x180;
	[dreg:$0x1d] =	wrdreg s30;
	s21 =	simm.s32 $0x6  }
0x28: {  	v0 =	vimm.f32 $0.0e+00;
	s23 =	simm.s32 $0x8;
	s24 =	simm.s32 $0x9;
	s26 =	simm.s32 $0xA  }
.LBB2_1:
0x29: {  	[dreg:$0x1e] =	wrdreg s7;
	s4 =	simm.s32 $0x0;
	s7 =	simm.s32 $0x200  }
.LBB2_2:
0x2a: {  	p0 =	sne.s32 s7, $0x9E00;
	[tilespmem:s4+$0x470] =	vst v0  }
0x2b: {  	[tilespmem:s4+$0x400] =	vst v0  }
0x2c: {  	[tilespmem:s4+$0x410] =	vst v0  }
.Ltmp0:
0x2d: {  	[tilespmem:s4+$0x420] =	vst v0;
	(pc) =	sbr.rel @p0 .LBB2_2-.Ltmp0, $4  }
0x2e: {  	[tilespmem:s4+$0x430] =	vst v0  }
0x2f: {  	[tilespmem:s4+$0x440] =	vst v0  }
0x30: {  	[tilespmem:s4+$0x450] =	vst v0  }
0x31: {  	[tilespmem:s4+$0x460] =	vst v0;
	s4 =	sshra.s32 s7, $0x2;
	s7 =	sadd.s32 $0x200, s7  }
0x32: {  	[tilespmem:s4+$0x470] =	vst v0  }
0x33: {  	[tilespmem:s4+$0x400] =	vst v0  }
0x34: {  	[tilespmem:s4+$0x410] =	vst v0  }
0x35: {  	[tilespmem:s4+$0x420] =	vst v0  }
0x36: {  	[tilespmem:s4+$0x430] =	vst v0  }
0x37: {  	[tilespmem:s4+$0x440] =	vst v0  }
0x38: {  	[tilespmem:s4+$0x450] =	vst v0  }
0x39: {  	[tilespmem:s4+$0x460] =	vst v0;
	s0 =	simm.s32 $0x400  }
0x3a: {  	[spmem:s31] =	stream.linear.scatter [tilespmem:s0], [sflag:$0xD], $0x2800, $0x38;
	[tilespmem:$0x1E400] =	vst v63  }
0x3b: {  	_ =	swait.ge [sflag:s5], $0x2800  }
0x3c: {  	[sflag:s5] =	ssyncset.done $0x0  }
0x3d: {  	s31 =	simm.s32 $0x400;
	s4 =	rddreg [dreg:$0xa];
	[sflag:s5] =	ssyncadd.s32 $0xFFFFD800  }
0x3e: {  	[spmem:s4] =	stream.linear.scatter [tilespmem:s31], [sflag:$0xD], $0x2800, $0x38;
	[tilespmem:$0x1E400] =	vst v63  }
0x3f: {  	_ =	swait.ge [sflag:s5], $0x2800  }
0x40: {  	[sflag:s5] =	ssyncset.done $0x0  }
0x41: {  	s7 =	rddreg [dreg:$0xb];
	[sflag:s5] =	ssyncadd.s32 $0xFFFFD800  }
0x42: {  	[spmem:s7] =	stream.linear.scatter [tilespmem:s31], [sflag:$0xD], $0x2800, $0x38;
	[tilespmem:$0x1E400] =	vst v63  }
0x43: {  	_ =	swait.ge [sflag:s5], $0x2800  }
0x44: {  	[sflag:s5] =	ssyncset.done $0x0  }
0x45: {  	s4 =	rddreg [dreg:$0xc];
	[sflag:s5] =	ssyncadd.s32 $0xFFFFD800  }
0x46: {  	[spmem:s4] =	stream.linear.scatter [tilespmem:s31], [sflag:$0xD], $0x2800, $0x38;
	[tilespmem:$0x1E400] =	vst v63  }
0x47: {  	_ =	swait.ge [sflag:s5], $0x2800  }
0x48: {  	[sflag:s5] =	ssyncset.done $0x0  }
0x49: {  	s7 =	rddreg [dreg:$0xd];
	[sflag:s5] =	ssyncadd.s32 $0xFFFFD800  }
0x4a: {  	[spmem:s7] =	stream.linear.scatter [tilespmem:s31], [sflag:$0xD], $0x2800, $0x38;
	[tilespmem:$0x1E400] =	vst v63  }
0x4b: {  	_ =	swait.ge [sflag:s5], $0x2800  }
0x4c: {  	[sflag:s5] =	ssyncset.done $0x0  }
0x4d: {  	s4 =	rddreg [dreg:$0xe];
	[sflag:s5] =	ssyncadd.s32 $0xFFFFD800  }
0x4e: {  	[spmem:s4] =	stream.linear.scatter [tilespmem:s31], [sflag:$0xD], $0x2800, $0x38;
	[tilespmem:$0x1E400] =	vst v63  }
0x4f: {  	_ =	swait.ge [sflag:s5], $0x2800  }
0x50: {  	[sflag:s5] =	ssyncset.done $0x0  }
0x51: {  	s7 =	rddreg [dreg:$0x1c];
	[sflag:s5] =	ssyncadd.s32 $0xFFFFD800  }
0x52: {  	[spmem:s7] =	stream.linear.scatter [tilespmem:s31], [sflag:$0xD], $0x2800, $0x38;
	[tilespmem:$0x1E400] =	vst v63  }
0x53: {  	_ =	swait.ge [sflag:s5], $0x2800  }
0x54: {  	[sflag:s5] =	ssyncset.done $0x0  }
0x55: {  	s4 =	rddreg [dreg:$0x1d];
	[sflag:s5] =	ssyncadd.s32 $0xFFFFD800  }
0x56: {  	[spmem:s4] =	stream.linear.scatter [tilespmem:s31], [sflag:$0xD], $0x2800, $0x38;
	[tilespmem:$0x1E400] =	vst v63  }
0x57: {  	_ =	swait.ge [sflag:s5], $0x2800  }
0x58: {  	[sflag:s5] =	ssyncset.done $0x0  }
0x59: {  	[sflag:s5] =	ssyncadd.s32 $0xFFFFD800  }
0x5a: {  	[bflag:$0x0] =	sbarrier.arrive $0xFFFF  }
0x5b: {  	s4 =	simm.s32 $0x0;
	s7 =	rddreg [dreg:$0xf]  }
0x5c: {  	[tilespmem:s4], [sflag:$0x1] =	stream.linear.gather [hbm4b:s7+s4], $0x50, $0x38;
	[tilespmem:$0x1E400] =	vst v63  }
0x5d: {  	s5 =	rddreg [dreg:$0x10];
	s7 =	simm.s32 $0x200  }
0x5e: {  	[tilespmem:s7], [sflag:$0x1] =	stream.linear.gather [hbm4b:s5+s4], $0x50, $0x38;
	[tilespmem:$0x1E400] =	vst v63  }
0x5f: {  	s7 =	rddreg [dreg:$0x11]  }
0x60: {  	[tilespmem:s2], [sflag:$0x2] =	stream.linear.gather [hbm4b:s7+s4], $0x50, $0x38;
	[tilespmem:$0x1E400] =	vst v63  }
0x61: {  	s5 =	rddreg [dreg:$0x12]  }
0x62: {  	[tilespmem:s8], [sflag:$0x2] =	stream.linear.gather [hbm4b:s5+s4], $0x50, $0x38;
	[tilespmem:$0x1E400] =	vst v63  }
0x63: {  	s7 =	rddreg [dreg:$0x13]  }
0x64: {  	[tilespmem:s9], [sflag:$0x3] =	stream.linear.gather [hbm4b:s7+s4], $0x50, $0x38;
	[tilespmem:$0x1E400] =	vst v63  }
0x65: {  	s5 =	rddreg [dreg:$0x14]  }
0x66: {  	[tilespmem:s10], [sflag:$0x3] =	stream.linear.gather [hbm4b:s5+s4], $0x50, $0x38;
	[tilespmem:$0x1E400] =	vst v63  }
0x67: {  	s7 =	rddreg [dreg:$0x15]  }
0x68: {  	[tilespmem:s11], [sflag:$0x4] =	stream.linear.gather [hbm4b:s7+s4], $0x50, $0x38;
	[tilespmem:$0x1E400] =	vst v63  }
0x69: {  	s5 =	rddreg [dreg:$0x16];
	s7 =	simm.s32 $0x380  }
0x6a: {  	[tilespmem:s7], [sflag:$0x4] =	stream.linear.gather [hbm4b:s5+s4], $0x50, $0x38;
	[tilespmem:$0x1E400] =	vst v63  }
0x6b: {  	_ =	swait.ge [sflag:s12], $0x50  }
0x6c: {  	[sflag:s12] =	ssyncset.done $0x0  }
0x6d: {  	[sflag:s12] =	ssyncadd.s32 $0xFFFFFFB0  }
0x6e: {  	_ =	swait.ge [sflag:s12], $0x50  }
0x6f: {  	[sflag:s12] =	ssyncset.done $0x0  }
0x70: {  	[sflag:s12] =	ssyncadd.s32 $0xFFFFFFB0  }
0x71: {  	[tilespmem:s31], [sflag:$0x5] =	stream.indirect.gather [hbm4b:s6+s13], $0x80, s4, s13, $0xb8;
	[tilespmem:$0x1E400] =	vst v63  }
0x72: {  	_ =	swait.ge [sflag:s14], $0x50  }
0x73: {  	[sflag:s14] =	ssyncset.done $0x0  }
0x74: {  	[sflag:s14] =	ssyncadd.s32 $0xFFFFFFB0  }
0x75: {  	_ =	swait.ge [sflag:s14], $0x50  }
0x76: {  	[sflag:s14] =	ssyncset.done $0x0  }
0x77: {  	[sflag:s14] =	ssyncadd.s32 $0xFFFFFFB0  }
0x78: {  	[tilespmem:s15], [sflag:$0x6] =	stream.indirect.gather [hbm4b:s6+s13], $0x80, s2, s13, $0xb8;
	[tilespmem:$0x1E400] =	vst v63  }
0x79: {  	_ =	swait.ge [sflag:s16], $0x50  }
0x7a: {  	[sflag:s16] =	ssyncset.done $0x0  }
0x7b: {  	[sflag:s16] =	ssyncadd.s32 $0xFFFFFFB0  }
0x7c: {  	_ =	swait.ge [sflag:s16], $0x50  }
0x7d: {  	[sflag:s16] =	ssyncset.done $0x0  }
0x7e: {  	[sflag:s16] =	ssyncadd.s32 $0xFFFFFFB0  }
0x7f: {  	[tilespmem:s17], [sflag:$0x7] =	stream.indirect.gather [hbm4b:s6+s13], $0x80, s9, s13, $0xb8;
	[tilespmem:$0x1E400] =	vst v63  }
0x80: {  	_ =	swait.ge [sflag:s18], $0x50  }
0x81: {  	[sflag:s18] =	ssyncset.done $0x0  }
0x82: {  	[sflag:s18] =	ssyncadd.s32 $0xFFFFFFB0  }
0x83: {  	_ =	swait.ge [sflag:s18], $0x50  }
0x84: {  	[sflag:s18] =	ssyncset.done $0x0  }
0x85: {  	[sflag:s18] =	ssyncadd.s32 $0xFFFFFFB0  }
0x86: {  	[tilespmem:s19], [sflag:$0x8] =	stream.indirect.gather [hbm4b:s6+s13], $0x80, s11, s13, $0xb8;
	[tilespmem:$0x1E400] =	vst v63  }
0x87: {  	_ =	swait.ge [sflag:s20], $0x2800  }
0x88: {  	[sflag:s20] =	ssyncset.done $0x0  }
0x89: {  	s0 =	simm.s32 $0x200;
	[sflag:s20] =	ssyncadd.s32 $0xFFFFD800  }
0x8a: {  	[spmem:s1] =	stream.indirect.scatter.add.f32 [tilespmem:s31], [sflag:$0x9], $0x80, s0, s13, $0xb8;
	[tilespmem:$0x1E400] =	vst v63  }
0x8b: {  	_ =	swait.ge [sflag:s21], $0x2800  }
0x8c: {  	[sflag:s21] =	ssyncset.done $0x0  }
0x8d: {  	[sflag:s21] =	ssyncadd.s32 $0xFFFFD800  }
0x8e: {  	[spmem:s1] =	stream.indirect.scatter.add.f32 [tilespmem:s15], [sflag:$0xA], $0x80, s8, s13, $0xb8;
	[tilespmem:$0x1E400] =	vst v63  }
0x8f: {  	_ =	swait.ge [sflag:s22], $0x2800  }
0x90: {  	[sflag:s22] =	ssyncset.done $0x0  }
0x91: {  	[sflag:s22] =	ssyncadd.s32 $0xFFFFD800  }
0x92: {  	[spmem:s1] =	stream.indirect.scatter.add.f32 [tilespmem:s17], [sflag:$0xB], $0x80, s10, s13, $0xb8;
	[tilespmem:$0x1E400] =	vst v63  }
0x93: {  	_ =	swait.ge [sflag:s23], $0x2800  }
0x94: {  	[sflag:s23] =	ssyncset.done $0x0  }
0x95: {  	s7 =	simm.s32 $0x380;
	[sflag:s23] =	ssyncadd.s32 $0xFFFFD800  }
0x96: {  	[spmem:s1] =	stream.indirect.scatter.add.f32 [tilespmem:s19], [sflag:$0xC], $0x80, s7, s13, $0xb8;
	[tilespmem:$0x1E400] =	vst v63  }
0x97: {  	_ =	swait.ge [sflag:s24], $0x2800  }
0x98: {  	s30 =	rddreg [dreg:$0x1b]  }
0x99: {  	[sflag:s24] =	ssyncset.done $0x0;
	s4 =	sshrl.u32 s30, $0x3  }
0x9a: {  	s5 =	rddreg [dreg:$0x1f];
	[sflag:s24] =	ssyncadd.s32 $0xFFFFD800;
	s7 =	sadd.s32 s29, s4  }
0x9b: {  	[tilespmem:s3], [sflag:$0x1] =	stream.linear.gather [hbm4b:s7+s3], $0x50, $0x38;
	[tilespmem:$0x1E400] =	vst v63  }
0x9c: {  	s4 =	sadd.s32 s5, s4  }
0x9d: {  	[tilespmem:s0], [sflag:$0x1] =	stream.linear.gather [hbm4b:s4+s3], $0x50, $0x38;
	[tilespmem:$0x1E400] =	vst v63  }
0x9e: {  	_ =	swait.ge [sflag:s26], $0x2800  }
0x9f: {  	s4 =	rddreg [dreg:$0x8];
	[sflag:s26] =	ssyncset.done $0x0  }
0xa0: {  	s7 =	rddreg [dreg:$0x7];
	[sflag:s26] =	ssyncadd.s32 $0xFFFFD800;
	s4 =	sadd.s32 $0x0, s4  }
0xa1: {  	[tilespmem:s2], [sflag:$0x2] =	stream.linear.gather [hbm4b:s4+s3], $0x50, $0x38;
	[tilespmem:$0x1E400] =	vst v63  }
0xa2: {  	s7 =	sadd.s32 $0x0, s7  }
0xa3: {  	[tilespmem:s8], [sflag:$0x2] =	stream.linear.gather [hbm4b:s7+s3], $0x50, $0x38;
	[tilespmem:$0x1E400] =	vst v63  }
0xa4: {  	_ =	swait.ge [sflag:s28], $0x2800  }
0xa5: {  	s4 =	rddreg [dreg:$0x6];
	[sflag:s28] =	ssyncset.done $0x0  }
0xa6: {  	s7 =	rddreg [dreg:$0x5];
	[sflag:s28] =	ssyncadd.s32 $0xFFFFD800;
	s4 =	sadd.s32 $0x0, s4  }
0xa7: {  	[tilespmem:s9], [sflag:$0x3] =	stream.linear.gather [hbm4b:s4+s3], $0x50, $0x38;
	[tilespmem:$0x1E400] =	vst v63  }
0xa8: {  	s7 =	sadd.s32 $0x0, s7  }
0xa9: {  	[tilespmem:s10], [sflag:$0x3] =	stream.linear.gather [hbm4b:s7+s3], $0x50, $0x38;
	[tilespmem:$0x1E400] =	vst v63  }
0xaa: {  	_ =	swait.ge [sflag:s25], $0x2800  }
0xab: {  	s4 =	rddreg [dreg:$0x4];
	[sflag:s25] =	ssyncset.done $0x0  }
0xac: {  	s7 =	rddreg [dreg:$0x3];
	[sflag:s25] =	ssyncadd.s32 $0xFFFFD800;
	s4 =	sadd.s32 $0x0, s4  }
0xad: {  	[tilespmem:s11], [sflag:$0x4] =	stream.linear.gather [hbm4b:s4+s3], $0x50, $0x38;
	[tilespmem:$0x1E400] =	vst v63  }
0xae: {  	s4 =	sadd.s32 $0x0, s7;
	s7 =	simm.s32 $0x380  }
0xaf: {  	[tilespmem:s7], [sflag:$0x4] =	stream.linear.gather [hbm4b:s4+s3], $0x50, $0x38;
	[tilespmem:$0x1E400] =	vst v63  }
0xb0: {  	_ =	swait.ge [sflag:s12], $0x50  }
0xb1: {  	[sflag:s12] =	ssyncset.done $0x0  }
0xb2: {  	[sflag:s12] =	ssyncadd.s32 $0xFFFFFFB0  }
0xb3: {  	_ =	swait.ge [sflag:s12], $0x50  }
0xb4: {  	[sflag:s12] =	ssyncset.done $0x0  }
0xb5: {  	[sflag:s12] =	ssyncadd.s32 $0xFFFFFFB0  }
0xb6: {  	[tilespmem:s31], [sflag:$0x5] =	stream.indirect.gather [hbm4b:s6+s13], $0x80, s3, s13, $0xb8;
	[tilespmem:$0x1E400] =	vst v63  }
0xb7: {  	_ =	swait.ge [sflag:s14], $0x50  }
0xb8: {  	[sflag:s14] =	ssyncset.done $0x0  }
0xb9: {  	[sflag:s14] =	ssyncadd.s32 $0xFFFFFFB0  }
0xba: {  	_ =	swait.ge [sflag:s14], $0x50  }
0xbb: {  	[sflag:s14] =	ssyncset.done $0x0  }
0xbc: {  	[sflag:s14] =	ssyncadd.s32 $0xFFFFFFB0  }
0xbd: {  	[tilespmem:s15], [sflag:$0x6] =	stream.indirect.gather [hbm4b:s6+s13], $0x80, s2, s13, $0xb8;
	[tilespmem:$0x1E400] =	vst v63  }
0xbe: {  	_ =	swait.ge [sflag:s16], $0x50  }
0xbf: {  	[sflag:s16] =	ssyncset.done $0x0  }
0xc0: {  	[sflag:s16] =	ssyncadd.s32 $0xFFFFFFB0  }
0xc1: {  	_ =	swait.ge [sflag:s16], $0x50  }
0xc2: {  	[sflag:s16] =	ssyncset.done $0x0  }
0xc3: {  	[sflag:s16] =	ssyncadd.s32 $0xFFFFFFB0  }
0xc4: {  	[tilespmem:s17], [sflag:$0x7] =	stream.indirect.gather [hbm4b:s6+s13], $0x80, s9, s13, $0xb8;
	[tilespmem:$0x1E400] =	vst v63  }
0xc5: {  	_ =	swait.ge [sflag:s18], $0x50  }
0xc6: {  	[sflag:s18] =	ssyncset.done $0x0  }
0xc7: {  	[sflag:s18] =	ssyncadd.s32 $0xFFFFFFB0  }
0xc8: {  	_ =	swait.ge [sflag:s18], $0x50  }
0xc9: {  	[sflag:s18] =	ssyncset.done $0x0  }
0xca: {  	[sflag:s18] =	ssyncadd.s32 $0xFFFFFFB0  }
0xcb: {  	[tilespmem:s19], [sflag:$0x8] =	stream.indirect.gather [hbm4b:s6+s13], $0x80, s11, s13, $0xb8;
	[tilespmem:$0x1E400] =	vst v63  }
0xcc: {  	_ =	swait.ge [sflag:s20], $0x2800  }
0xcd: {  	[sflag:s20] =	ssyncset.done $0x0  }
0xce: {  	s0 =	simm.s32 $0x200;
	[sflag:s20] =	ssyncadd.s32 $0xFFFFD800  }
0xcf: {  	[spmem:s1] =	stream.indirect.scatter.add.f32 [tilespmem:s31], [sflag:$0x9], $0x80, s0, s13, $0xb8;
	[tilespmem:$0x1E400] =	vst v63  }
0xd0: {  	_ =	swait.ge [sflag:s21], $0x2800  }
0xd1: {  	[sflag:s21] =	ssyncset.done $0x0  }
0xd2: {  	[sflag:s21] =	ssyncadd.s32 $0xFFFFD800  }
0xd3: {  	[spmem:s1] =	stream.indirect.scatter.add.f32 [tilespmem:s15], [sflag:$0xA], $0x80, s8, s13, $0xb8;
	[tilespmem:$0x1E400] =	vst v63  }
0xd4: {  	_ =	swait.ge [sflag:s22], $0x2800  }
0xd5: {  	[sflag:s22] =	ssyncset.done $0x0  }
0xd6: {  	[sflag:s22] =	ssyncadd.s32 $0xFFFFD800  }
0xd7: {  	[spmem:s1] =	stream.indirect.scatter.add.f32 [tilespmem:s17], [sflag:$0xB], $0x80, s10, s13, $0xb8;
	[tilespmem:$0x1E400] =	vst v63  }
0xd8: {  	_ =	swait.ge [sflag:s23], $0x2800  }
0xd9: {  	s30 =	sadd.s32 $0x140, s30;
	s4 =	simm.s32 $0x380;
	[sflag:s23] =	ssyncset.done $0x0  }
0xda: {  	s7 =	simm.s32 $0x28;
	s0 =	smov.u32 s5;
	[sflag:s23] =	ssyncadd.s32 $0xFFFFD800  }
.LBB2_4:
0xdb: {  	[spmem:s1] =	stream.indirect.scatter.add.f32 [tilespmem:s19], [sflag:$0xC], $0x80, s4, s13, $0xb8;
	[tilespmem:$0x1E400] =	vst v63  }
0xdc: {  	_ =	swait.ge [sflag:s24], $0x2800  }
0xdd: {  	s5 =	sshrl.u32 s30, $0x3;
	[sflag:s24] =	ssyncset.done $0x0  }
0xde: {  	s31 =	smov.u32 s29;
	s29 =	sadd.s32 s29, s5;
	[sflag:s24] =	ssyncadd.s32 $0xFFFFD800  }
0xdf: {  	[tilespmem:s3], [sflag:$0x1] =	stream.linear.gather [hbm4b:s29+s3], $0x50, $0x38;
	[tilespmem:$0x1E400] =	vst v63  }
0xe0: {  	s2 =	simm.s32 $0x200;
	s5 =	sadd.s32 s0, s5  }
0xe1: {  	[tilespmem:s2], [sflag:$0x1] =	stream.linear.gather [hbm4b:s5+s3], $0x50, $0x38;
	[tilespmem:$0x1E400] =	vst v63  }
0xe2: {  	s4 =	smov.u32 s7;
	_ =	swait.ge [sflag:s26], $0x2800  }
0xe3: {  	s2 =	simm.s32 $0x80;
	s5 =	rddreg [dreg:$0x8];
	[sflag:s26] =	ssyncset.done $0x0  }
0xe4: {  	s29 =	rddreg [dreg:$0x7];
	[sflag:s26] =	ssyncadd.s32 $0xFFFFD800;
	s5 =	sadd.s32 s4, s5  }
0xe5: {  	[tilespmem:s2], [sflag:$0x2] =	stream.linear.gather [hbm4b:s5+s3], $0x50, $0x38;
	[tilespmem:$0x1E400] =	vst v63  }
0xe6: {  	s5 =	sadd.s32 s4, s29  }
0xe7: {  	[tilespmem:s8], [sflag:$0x2] =	stream.linear.gather [hbm4b:s5+s3], $0x50, $0x38;
	[tilespmem:$0x1E400] =	vst v63  }
0xe8: {  	_ =	swait.ge [sflag:s28], $0x2800  }
0xe9: {  	s5 =	rddreg [dreg:$0x6];
	[sflag:s28] =	ssyncset.done $0x0  }
0xea: {  	s29 =	rddreg [dreg:$0x5];
	[sflag:s28] =	ssyncadd.s32 $0xFFFFD800;
	s5 =	sadd.s32 s4, s5  }
0xeb: {  	[tilespmem:s9], [sflag:$0x3] =	stream.linear.gather [hbm4b:s5+s3], $0x50, $0x38;
	[tilespmem:$0x1E400] =	vst v63  }
0xec: {  	s5 =	sadd.s32 s4, s29  }
0xed: {  	[tilespmem:s10], [sflag:$0x3] =	stream.linear.gather [hbm4b:s5+s3], $0x50, $0x38;
	[tilespmem:$0x1E400] =	vst v63  }
0xee: {  	_ =	swait.ge [sflag:s25], $0x2800  }
0xef: {  	s5 =	rddreg [dreg:$0x4];
	[sflag:s25] =	ssyncset.done $0x0  }
0xf0: {  	s29 =	rddreg [dreg:$0x3];
	[sflag:s25] =	ssyncadd.s32 $0xFFFFD800;
	s5 =	sadd.s32 s4, s5  }
0xf1: {  	[tilespmem:s11], [sflag:$0x4] =	stream.linear.gather [hbm4b:s5+s3], $0x50, $0x38;
	[tilespmem:$0x1E400] =	vst v63  }
0xf2: {  	s15 =	simm.s32 $0x380;
	s4 =	sadd.s32 s4, s29  }
0xf3: {  	[tilespmem:s15], [sflag:$0x4] =	stream.linear.gather [hbm4b:s4+s3], $0x50, $0x38;
	[tilespmem:$0x1E400] =	vst v63  }
0xf4: {  	_ =	swait.ge [sflag:s12], $0x50  }
0xf5: {  	[sflag:s12] =	ssyncset.done $0x0  }
0xf6: {  	[sflag:s12] =	ssyncadd.s32 $0xFFFFFFB0  }
0xf7: {  	_ =	swait.ge [sflag:s12], $0x50  }
0xf8: {  	[sflag:s12] =	ssyncset.done $0x0  }
0xf9: {  	s5 =	simm.s32 $0x400;
	[sflag:s12] =	ssyncadd.s32 $0xFFFFFFB0  }
0xfa: {  	[tilespmem:s5], [sflag:$0x5] =	stream.indirect.gather [hbm4b:s6+s13], $0x80, s3, s13, $0xb8;
	[tilespmem:$0x1E400] =	vst v63  }
0xfb: {  	_ =	swait.ge [sflag:s14], $0x50  }
0xfc: {  	[sflag:s14] =	ssyncset.done $0x0  }
0xfd: {  	[sflag:s14] =	ssyncadd.s32 $0xFFFFFFB0  }
0xfe: {  	_ =	swait.ge [sflag:s14], $0x50  }
0xff: {  	[sflag:s14] =	ssyncset.done $0x0  }
0x100: {  	s15 =	simm.s32 $0x2C00;
	[sflag:s14] =	ssyncadd.s32 $0xFFFFFFB0  }
0x101: {  	[tilespmem:s15], [sflag:$0x6] =	stream.indirect.gather [hbm4b:s6+s13], $0x80, s2, s13, $0xb8;
	[tilespmem:$0x1E400] =	vst v63  }
0x102: {  	_ =	swait.ge [sflag:s16], $0x50  }
0x103: {  	[sflag:s16] =	ssyncset.done $0x0  }
0x104: {  	[sflag:s16] =	ssyncadd.s32 $0xFFFFFFB0  }
0x105: {  	_ =	swait.ge [sflag:s16], $0x50  }
0x106: {  	[sflag:s16] =	ssyncset.done $0x0  }
0x107: {  	[sflag:s16] =	ssyncadd.s32 $0xFFFFFFB0  }
0x108: {  	[tilespmem:s17], [sflag:$0x7] =	stream.indirect.gather [hbm4b:s6+s13], $0x80, s9, s13, $0xb8;
	[tilespmem:$0x1E400] =	vst v63  }
0x109: {  	_ =	swait.ge [sflag:s18], $0x50  }
0x10a: {  	[sflag:s18] =	ssyncset.done $0x0  }
0x10b: {  	[sflag:s18] =	ssyncadd.s32 $0xFFFFFFB0  }
0x10c: {  	_ =	swait.ge [sflag:s18], $0x50  }
0x10d: {  	[sflag:s18] =	ssyncset.done $0x0  }
0x10e: {  	[sflag:s18] =	ssyncadd.s32 $0xFFFFFFB0  }
0x10f: {  	[tilespmem:s19], [sflag:$0x8] =	stream.indirect.gather [hbm4b:s6+s13], $0x80, s11, s13, $0xb8;
	[tilespmem:$0x1E400] =	vst v63  }
0x110: {  	_ =	swait.ge [sflag:s20], $0x2800  }
0x111: {  	[sflag:s20] =	ssyncset.done $0x0  }
0x112: {  	s29 =	smov.u32 s31;
	s31 =	simm.s32 $0x200;
	[sflag:s20] =	ssyncadd.s32 $0xFFFFD800  }
0x113: {  	[spmem:s1] =	stream.indirect.scatter.add.f32 [tilespmem:s5], [sflag:$0x9], $0x80, s31, s13, $0xb8;
	[tilespmem:$0x1E400] =	vst v63  }
0x114: {  	_ =	swait.ge [sflag:s21], $0x2800  }
0x115: {  	[sflag:s21] =	ssyncset.done $0x0  }
0x116: {  	[sflag:s21] =	ssyncadd.s32 $0xFFFFD800  }
0x117: {  	[spmem:s1] =	stream.indirect.scatter.add.f32 [tilespmem:s15], [sflag:$0xA], $0x80, s8, s13, $0xb8;
	[tilespmem:$0x1E400] =	vst v63  }
0x118: {  	_ =	swait.ge [sflag:s22], $0x2800  }
0x119: {  	p0 =	sne.s32 s7, $0x488;
	[sflag:s22] =	ssyncset.done $0x0  }
.Ltmp1:
0x11a: {  	[sflag:s22] =	ssyncadd.s32 $0xFFFFD800;
	(pc) =	sbr.rel @p0 .LBB2_4-.Ltmp1, $4  }
0x11b: {  	[spmem:s1] =	stream.indirect.scatter.add.f32 [tilespmem:s17], [sflag:$0xB], $0x80, s10, s13, $0xb8;
	[tilespmem:$0x1E400] =	vst v63  }
0x11c: {  	_ =	swait.ge [sflag:s23], $0x2800  }
0x11d: {  	s7 =	sadd.s32 $0x28, s7;
	[sflag:s23] =	ssyncset.done $0x0  }
0x11e: {  	s30 =	sadd.s32 $0x140, s30;
	s4 =	simm.s32 $0x380;
	[sflag:s23] =	ssyncadd.s32 $0xFFFFD800  }
0x11f: {  	[spmem:s1] =	stream.indirect.scatter.add.f32 [tilespmem:s19], [sflag:$0xC], $0x80, s4, s13, $0xb8;
	[tilespmem:$0x1E400] =	vst v63  }
0x120: {  	_ =	swait.ge [sflag:s24], $0x2800  }
0x121: {  	[sflag:s24] =	ssyncset.done $0x0  }
0x122: {  	s0 =	rddreg [dreg:$0x17];
	[sflag:s24] =	ssyncadd.s32 $0xFFFFD800  }
0x123: {  	[tilespmem:s3], [sflag:$0x1] =	stream.linear.gather [hbm4b:s0+s3], $0x50, $0x38;
	[tilespmem:$0x1E400] =	vst v63  }
0x124: {  	s7 =	rddreg [dreg:$0x18]  }
0x125: {  	[tilespmem:s31], [sflag:$0x1] =	stream.linear.gather [hbm4b:s7+s3], $0x50, $0x38;
	[tilespmem:$0x1E400] =	vst v63  }
0x126: {  	_ =	swait.ge [sflag:s12], $0x50  }
0x127: {  	[sflag:s12] =	ssyncset.done $0x0  }
0x128: {  	[sflag:s12] =	ssyncadd.s32 $0xFFFFFFB0  }
0x129: {  	_ =	swait.ge [sflag:s12], $0x50  }
0x12a: {  	[sflag:s12] =	ssyncset.done $0x0  }
0x12b: {  	[sflag:s12] =	ssyncadd.s32 $0xFFFFFFB0  }
0x12c: {  	[tilespmem:s5], [sflag:$0x5] =	stream.indirect.gather [hbm4b:s6+s13], $0x80, s3, s13, $0xb8;
	[tilespmem:$0x1E400] =	vst v63  }
0x12d: {  	_ =	swait.ge [sflag:s20], $0x2800  }
0x12e: {  	[sflag:s20] =	ssyncset.done $0x0  }
0x12f: {  	[sflag:s20] =	ssyncadd.s32 $0xFFFFD800  }
0x130: {  	[spmem:s1] =	stream.indirect.scatter.add.f32 [tilespmem:s5], [sflag:$0x9], $0x80, s31, s13, $0xb8;
	[tilespmem:$0x1E400] =	vst v63  }
0x131: {  	_ =	swait.ge [sflag:s26], $0x2800  }
0x132: {  	[sflag:s26] =	ssyncset.done $0x0  }
0x133: {  	[sflag:s26] =	ssyncadd.s32 $0xFFFFD800  }
0x134: {  	_ =	swait.ge [sflag:s28], $0x2800  }
0x135: {  	[sflag:s28] =	ssyncset.done $0x0  }
0x136: {  	[sflag:s28] =	ssyncadd.s32 $0xFFFFD800  }
0x137: {  	_ =	swait.ge [sflag:s25], $0x2800  }
0x138: {  	[sflag:s25] =	ssyncset.done $0x0  }
0x139: {  	[sflag:s25] =	ssyncadd.s32 $0xFFFFD800  }
0x13a: {  	_ =	swait.ge [sflag:s24], $0x2800  }
0x13b: {  	[sflag:s24] =	ssyncset.done $0x0  }
0x13c: {  	s30 =	stileid.u32;
	[sflag:s24] =	ssyncadd.s32 $0xFFFFD800  }
0x13d: {  	s4 =	sshll.u32 s30, $0x6;
	[bflag:$0x0] =	sbarrier.arrive $0xFFFF  }
0x13e: {  	s4 =	sor.u32 $0x1C0D, s4;
	s31 =	rddreg [dreg:$0x9]  }
0x13f: {  	s5 =	simm.s32 $0xD;
	s7 =	rddreg [dreg:$0x19];
	s0 =	sshrl.u32 s31, $0x3  }
0x140: {  	[hbm:s7], [sflag:s4] =	dma.local [spmem:s0], $0x2800  }
0x141: {  	_ =	swait.ge [sflag:s5], $0x2800  }
0x142: {  	s4 =	rddreg [dreg:$0x1e]  }
0x143: {  	s30 =	rddreg [dreg:$0x1a];
	s7 =	sadd.s32 $0x1, s4  }
0x144: {  	p0 =	sne.s32 s7, s30  }
.Ltmp2:
0x145: {  	_ = 	snop;
	(pc) =	sbr.rel @p0 .LBB2_1-.Ltmp2, $3  }
0x146: {  	_ =	sdelay $0x1  }
0x147: {  	[sflag:s5] =	ssyncset.done $0x0  }
0x148: {  	[sflag:s5] =	ssyncadd.s32 $0xFFFFD800  }
0x149: {  	_ =	sfence.sel $0x180000  }
0x14a: {  	[bflag:$0x0] =	sbarrier.arrive $0xFFFF  }
0x14b: {  	_ =	strace $0x9000004D  }
0x14c: {  	s0 =	stileid.u32;
	[bflag:$0x2] =	sbarrier.arrive $0xFFFF  }
0x14d: {  	p0 =	sne.s32 s0, $0x0;
	s0 =	rddreg [dreg:$0x2]  }
0x14e: {  	s0 =	sadd.s32 @!p0 $0x100000, s0  }
0x14f: {  	[sflag:s0] =	ssyncadd.tile.s32 @!p0 $0x1;
	_ =	shalt  }
.Lfunc_end2:
_tile_overlayer_lowered:
.L_overlay_start_2:
0x150: {  	(tag) =	ssettag $0x2  }
0x151: {  	s0 =	rddreg [dreg:$0x0];
	s2 =	stileid.u32  }
0x152: {  	s1 =	rddreg [dreg:$0x1];
	p0 =	sne.s32 s2, $0x0  }
0x153: {  	s3 =	rddreg [dreg:$0x2];
	[bflag:$0x3] =	sbarrier.arrive $0xFFFF;
	s2 =	simm.s32 @!p0 $0x1C0D  }
0x154: {  	[timem:s3], [sflag:s2] =	dma.local @!p0 [hbm:s0], s1  }
0x155: {  	s0 =	simm.s32 @!p0 $0xD  }
0x156: {  	_ =	swait.ge @!p0 [sflag:s0], s1  }
0x157: {  	s1 =	ssub.s32 @!p0 $0x0, s1;
	[sflag:s0] =	ssyncset.done @!p0 $0x0  }
0x158: {  	[sflag:s0] =	ssyncadd.s32 @!p0 s1  }
0x159: {  	[bflag:$0x3] =	sbarrier.arrive $0xFFFF  }
0x15a: {  	_ =	shalt  }

// kernel: kernel.19.cloned.1.call-start
scs
__scs_entry_jumppad:
0x0: {  	(pc) =	sbr.rel $0x88, $3  }
0x1: {  	(tag) =	ssettag $0x0;
	lr =	simm.s32 $0x1  }
0x2: {  	[smem:$0x3F95] =	sst lr;
	_ =	strace $0xD0000000  }
0x3: {  	_ = 	snop  }
0x4: {  	_ = 	snop  }
0x5: {  	_ = 	snop  }
0x6: {  	_ = 	snop  }
0x7: {  	_ = 	snop  }
__scs_overlays_trampoline_lowered:
0x8: {  	[smem:$0x3FA4] =	sst s0  }
0x9: {  	[smem:$0x3FA5] =	sst s1  }
0xa: {  	[smem:$0x3FA6] =	sst s2  }
0xb: {  	[smem:$0x3FA7] =	sst s3  }
0xc: {  	[smem:$0x3FA8] =	sst s4  }
0xd: {  	[smem:$0x3FA9] =	sst s5  }
0xe: {  	[smem:$0x3FAA] =	sst s6  }
0xf: {  	[smem:$0x3FAB] =	sst s7  }
0x10: {  	[smem:$0x3FAC] =	sst s8  }
0x11: {  	[smem:$0x3FAD] =	sst s9;
	s0 =	simm.s32 @!p0 $0x0  }
0x12: {  	s1 =	sld [smem:$0x3F93];
	s0 =	simm.s32 @p0 $0x1  }
0x13: {  	[smem:$0x3FAE] =	sst s0;
	s0 =	simm.s32 @!p1 $0x0  }
0x14: {  	s2 =	sld [smem:$0x3F92];
	s0 =	simm.s32 @p1 $0x1  }
0x15: {  	[smem:$0x3FAF] =	sst s0;
	s0 =	simm.s32 @!p2 $0x0  }
0x16: {  	s3 =	sld [smem:$0x3FDB];
	s0 =	simm.s32 @p2 $0x1  }
0x17: {  	s4 =	simm.s32 $0x1BF5;
	[smem:$0x3FB1] =	sst s0  }
0x18: {  	s0 =	sld [smem:$0x3F94];
	_ =	swait.ge [sflag:s4], $0x0  }
0x19: {  	s7 =	sld [smem:$0x3F95]  }
0x1a: {  	s8 =	sadd.s32 $0xFFFFE003, lr  }
0x1b: {  	s9 =	sadd.s32 $0xFFFFFEF7, lr;
	s5 =	simm.s32 $0xFFFFFFFF;
	p2 =	slt.u32 s8, $0xFFFFF086  }
0x1c: {  	p1 =	slt.u32 s9, $0xF7A;
	s5 =	simm.s32 @!p2 $0x0  }
0x1d: {  	s5 =	simm.s32 @p1 $0x1;
	p0 =	seq.s32 s7, s2  }
0x1e: {  	s7 =	smul.u32 @!p0 $0xF7A, s2;
	p2 =	seq.s32 @!p0 s5, $0x0  }
0x1f: {  	s9 =	smul.u32 $0xF7A, s1;
	s8 =	simm.s32 @!p0 $0x1BF5;
	p2 =	por !p2, p0  }
0x20: {  	[sflag:s8] =	ssyncset.s32 @!p0 $0xFFFFF086;
	s6 =	sadd.s32 @!p0 s3, s7;
	s7 =	simm.s32 @!p0 $0x108  }
0x21: {  	s3 =	sadd.s32 s3, s9;
	s6 =	sadd.s32 @!p0 $0x88, s6;
	s7 =	simm.s32 @p2 $0x1082  }
0x22: {  	[simem:s7], [sflag:s8] =	dma.local @!p0 [hbm:s6], $0xF7A  }
0x23: {  	s9 =	sor.u32 $0xD0000000, s2;
	s6 =	simm.s32 $0x108;
	_ =	swait.ge @!p0 [sflag:s8], $0x0  }
0x24: {  	s3 =	sadd.s32 $0x88, s3;
	s6 =	simm.s32 @!p1 $0x1082;
	[sflag:s4] =	ssyncset.s32 $0xFFFFF086  }
0x25: {  	[simem:s6], [sflag:s4] =	dma.local [hbm:s3], $0xF7A  }
0x26: {  	[smem:$0x3F95] =	sst s1;
	(tag) =	ssettag s2;
	_ =	strace s9  }
0x27: {  	s1 =	sld [smem:$0x3FA5]  }
0x28: {  	s2 =	sld [smem:$0x3FA6]  }
0x29: {  	s4 =	sld [smem:$0x3FA8]  }
0x2a: {  	p0 =	seq.s32 s5, $0x0;
	s5 =	sld [smem:$0x3FA9]  }
0x2b: {  	s6 =	sld [smem:$0x3FAA]  }
0x2c: {  	s7 =	sld [smem:$0x3FAB]  }
0x2d: {  	s3 =	simm.s32 $0x108;
	s8 =	sld [smem:$0x3FAC]  }
0x2e: {  	s3 =	simm.s32 @!p0 $0x1082;
	s9 =	sld [smem:$0x3FAD]  }
0x2f: {  	lr =	sadd.s32 s0, s3;
	s0 =	sld [smem:$0x3FA4]  }
0x30: {  	s3 =	sld [smem:$0x3FA7]  }
0x31: {  	[smem:$0x3FB0] =	sst s10  }
0x32: {  	s10 =	sld [smem:$0x3FAE];
	_ =	sdelay $0x3  }
0x33: {  	p0 =	seq.s32 s10, $0x1;
	s10 =	sld [smem:$0x3FB0];
	_ =	sdelay $0x3  }
0x34: {  	[smem:$0x3FB0] =	sst s10  }
0x35: {  	s10 =	sld [smem:$0x3FAF];
	_ =	sdelay $0x3  }
0x36: {  	p1 =	seq.s32 s10, $0x1;
	s10 =	sld [smem:$0x3FB0];
	_ =	sdelay $0x3  }
0x37: {  	[smem:$0x3FB0] =	sst s10  }
0x38: {  	s10 =	sld [smem:$0x3FB1]  }
0x39: {  	_ = 	snop;
	(pc) =	sbr.ind lr, $3  }
0x3a: {  	_ = 	snop  }
0x3b: {  	_ = 	snop  }
0x3c: {  	p2 =	seq.s32 s10, $0x1;
	s10 =	sld [smem:$0x3FB0]  }
0x3d: {  	_ =	shalt  }
0x3e: {  	_ =	shalt  }
0x3f: {  	_ =	shalt  }
0x40: {  	_ =	shalt  }
0x41: {  	_ =	shalt  }
0x42: {  	_ =	shalt  }
0x43: {  	_ =	shalt  }
0x44: {  	_ =	shalt  }
0x45: {  	_ =	shalt  }
0x46: {  	_ =	shalt  }
0x47: {  	_ =	shalt  }
0x48: {  	_ =	shalt  }
0x49: {  	_ =	shalt  }
0x4a: {  	_ =	shalt  }
0x4b: {  	_ =	shalt  }
0x4c: {  	_ =	shalt  }
0x4d: {  	_ =	shalt  }
0x4e: {  	_ =	shalt  }
0x4f: {  	_ =	shalt  }
0x50: {  	_ =	shalt  }
0x51: {  	_ =	shalt  }
0x52: {  	_ =	shalt  }
0x53: {  	_ =	shalt  }
0x54: {  	_ =	shalt  }
0x55: {  	_ =	shalt  }
0x56: {  	_ =	shalt  }
0x57: {  	_ =	shalt  }
0x58: {  	_ =	shalt  }
0x59: {  	_ =	shalt  }
0x5a: {  	_ =	shalt  }
0x5b: {  	_ =	shalt  }
0x5c: {  	_ =	shalt  }
0x5d: {  	_ =	shalt  }
0x5e: {  	_ =	shalt  }
0x5f: {  	_ =	shalt  }
0x60: {  	_ =	shalt  }
0x61: {  	_ =	shalt  }
0x62: {  	_ =	shalt  }
0x63: {  	_ =	shalt  }
0x64: {  	_ =	shalt  }
0x65: {  	_ =	shalt  }
0x66: {  	_ =	shalt  }
0x67: {  	_ =	shalt  }
0x68: {  	_ =	shalt  }
0x69: {  	_ =	shalt  }
0x6a: {  	_ =	shalt  }
0x6b: {  	_ =	shalt  }
0x6c: {  	_ =	shalt  }
0x6d: {  	_ =	shalt  }
0x6e: {  	_ =	shalt  }
0x6f: {  	_ =	shalt  }
0x70: {  	_ =	shalt  }
0x71: {  	_ =	shalt  }
0x72: {  	_ =	shalt  }
0x73: {  	_ =	shalt  }
0x74: {  	_ =	shalt  }
0x75: {  	_ =	shalt  }
0x76: {  	_ =	shalt  }
0x77: {  	_ =	shalt  }
0x78: {  	_ =	shalt  }
0x79: {  	_ =	shalt  }
0x7a: {  	_ =	shalt  }
0x7b: {  	_ =	shalt  }
0x7c: {  	_ =	shalt  }
0x7d: {  	_ =	shalt  }
0x7e: {  	_ =	shalt  }
0x7f: {  	_ =	shalt  }
0x80: {  	_ =	shalt  }
0x81: {  	_ =	shalt  }
0x82: {  	_ =	shalt  }
0x83: {  	_ =	shalt  }
0x84: {  	_ =	shalt  }
0x85: {  	_ =	shalt  }
0x86: {  	_ =	shalt  }
0x87: {  	_ =	shalt  }
.Lfunc_end0:
.L_simem_size_0:
called_computation.3_lowered:
.L_overlay_start_0:
0x88: {  	s2 =	sld [smem:$0x3FD9]  }
0x89: {  	s3 =	sld [smem:$0x3FFE];
	_ =	sdelay $0x1  }
0x8a: {  	s1 =	srdreg.scid  }
0x8b: {  	s0 =	sand.u32 $0x1, s1  }
0x8c: {  	s16 =	sshll.u32 s0, $0xA;
	s2 =	sadd.s32 s3, s2  }
0x8d: {  	s2 =	sadd.s32 s2, s16  }
0x8e: {  	[smem:$0x3FBC] =	sst s2  }
0x8f: {  	_ = 	snop  }
0x90: {  	(tm) =	ssettm $0x1  }
0x91: {  	s17 =	sld [smem:$0x3FFB];
	_ =	sdelay $0x3  }
0x92: {  	_ =	strace s17  }
0x93: {  	s2 =	sld [smem:$0x3FFC];
	_ =	sdelay $0x3  }
0x94: {  	_ =	strace s2  }
0x95: {  	s2 =	sld [smem:$0x3FFD];
	_ =	sdelay $0x3  }
0x96: {  	_ =	strace s2  }
0x97: {  	_ =	strace $0x8FFFFFFF  }
0x98: {  	s18 =	sld [smem:$0x3FDB];
	_ =	sdelay $0x1  }
0x99: {  	s19 =	simm.s32 $_scs_section_size  }
0x9a: {  	s4 =	simm.s32 $_size__tile_overlayer_lowered;
	s5 =	simm.s32 $_tile_overlayer_lowered  }
0x9b: {  	s22 =	simm.s32 $0x1BFF;
	s21 =	sshll.u32 s5, $0x1;
	s2 =	sadd.s32 s19, s18  }
0x9c: {  	s6 =	simm.s32 $0x0;
	s20 =	sshll.u32 s4, $0x1;
	s4 =	sadd.s32 s21, s2  }
0x9d: {  	[timem:s6], [sflag:s22] =	dma.local [hbm:s4], s20  }
0x9e: {  	_ =	swait.ge [sflag:s22], s20  }
0x9f: {  	s3 =	ssub.s32 $0x0, s20;
	[sflag:s22] =	ssyncset.done $0x0  }
0xa0: {  	[sflag:s22] =	ssyncadd.s32 s3;
	_ =	sdelay $0x1  }
0xa1: {  	s23 =	simm.s32 $0x1B8B  }
0xa2: {  	_ =	swait.ge [sflag:s23], $0x1  }
0xa3: {  	[sflag:s23] =	ssyncset.done $0x0  }
0xa4: {  	s25 =	simm.s32 $0x1B8E;
	s24 =	sld [smem:$0x3FFE];
	[sflag:s23] =	ssyncadd.s32 $0xFFFFFFFF  }
0xa5: {  	s26 =	simm.s32 $execute0_lowered;
	[smem:$0x3FD2] =	sst s25  }
0xa6: {  	s4 =	sshll.u32 s26, $0x1;
	_ =	strace $0x8000004F;
	[dreg:$0x1] =	wrdreg $0xFFFFFFFF  }
0xa7: {  	s28 =	simm.s32 $_size_execute0_lowered;
	s2 =	sadd.s32 s2, s4;
	[dreg:$0x0] =	wrdreg $0x0  }
0xa8: {  	s4 =	sshll.u32 s28, $0x1;
	[dreg:$0x2] =	wrdreg s2  }
0xa9: {  	[dreg:$0x3] =	wrdreg s4  }
0xaa: {  	[dreg:$0x4] =	wrdreg $0xC0  }
0xab: {  	_ =	task [dreg:s6], $0x5FFFF  }
0xac: {  	[dreg:$0x1] =	wrdreg $0xFFFFFFFF  }
0xad: {  	[dreg:$0x0] =	wrdreg $0x60  }
0xae: {  	[dreg:$0x2] =	wrdreg s24  }
0xaf: {  	[dreg:$0x3] =	wrdreg $0xA4000  }
0xb0: {  	[dreg:$0x4] =	wrdreg $0x9  }
0xb1: {  	_ =	task.clear_ibuf [dreg:s6], $0x5FFFF;
	_ =	strace $0x9000004F  }
0xb2: {  	s29 =	simm.s32 $0x9;
	_ =	strace $0x80000051  }
0xb3: {  	_ =	swait.ge [sflag:s29], $0x1  }
0xb4: {  	[sflag:s29] =	ssyncadd.s32 $0xFFFFFFFF  }
0xb5: {  	_ =	strace $0x90000051  }
0xb6: {  	_ =	sfence  }
0xb7: {  	s30 =	sld [smem:$0x0];
	_ =	sdelay $0x2  }
0xb8: {  	s31 =	sshll.u32 s1, $0xD;
	s1 =	sshrl.u32 s1, $0x2  }
0xb9: {  	s3 =	sand.u32 $0x4000, s31;
	s1 =	sadd.s32 s1, s30  }
0xba: {  	s0 =	sor.u32 s3, s0;
	s1 =	sshll.u32 s1, $0x11  }
0xbb: {  	s0 =	sor.u32 s1, s0  }
0xbc: {  	s0 =	sadd.s32 $0x8F2B, s0  }
0xbd: {  	[sflag:s0] =	ssyncadd.remote.s32 $0x1  }
0xbe: {  	_ =	sfence.sel $0xFFFF  }
0xbf: {  	[dreg:$0x0] =	wrdreg $0xFFFFFFFF;
	(pc) =	sbr.abs _section_cstart, $3  }
0xc0: {  	[dreg:$0x1] =	wrdreg $0xFFFFFFFF  }
0xc1: {  	_ =	task.clear_ibuf [dreg:s6], $0x2FFFF;
	_ =	strace $0x9FFFFFFF  }
0xc2: {  	(tm) =	ssettm $0x7FFFFFFF  }
0xc3: {  	_ =	shalt  }
tec
execute0_lowered:
.L_overlay_start_1:
0x0: {  	(tag) =	ssettag $0x1  }
0x1: {  	s0 =	rddreg [dreg:$0x0]  }
0x2: {  	s1 =	rddreg [dreg:$0x1]  }
0x3: {  	s2 =	srdreg.scid;
	s3 =	simm.s32 $0x0;
	s5 =	stileid.u32  }
0x4: {  	s28 =	simm.s32 $0xB;
	s2 =	sand.u32 $0x1, s2;
	s6 =	smul.u32 $0x14000, s5  }
0x5: {  	[smem:$0x7FF] =	sst s3;
	s29 =	sadd.s32 $0xD200, s0;
	s7 =	smul.u32 $0x50000, s5  }
0x6: {  	s11 =	sadd.s32 $0x3400, s0;
	s8 =	sshll.u32 s5, $0x1;
	s14 =	smul.u32 $0x4E20, s5  }
0x7: {  	s4 =	smul.u32 $0x140000, s2;
	_ =	strace $0x80000050;
	s12 =	ssub.s32 $0x2, s2  }
0x8: {  	s8 =	sor.u32 s2, s8;
	s2 =	smul.u32 $0x2710, s2;
	[dreg:$0x1f] =	wrdreg s11  }
0x9: {  	s9 =	sshrl.u32 s12, $0x1;
	s7 =	sshrl.u32 s7, $0x2;
	s8 =	smul.u32 $0x2710, s8  }
0xa: {  	s4 =	sadd.s32 s6, s4;
	s6 =	sadd.s32 $0x17000, s0;
	s31 =	sadd.s32 s7, s1  }
0xb: {  	s2 =	sadd.s32 s2, s14;
	s4 =	sshrl.u32 s4, $0x3;
	s7 =	sadd.s32 $0x2800, s31  }
0xc: {  	s13 =	sadd.s32 $0x5000, s31;
	s15 =	sadd.s32 $0x7800, s31;
	[dreg:$0x9] =	wrdreg s31  }
0xd: {  	s8 =	sshrl.u32 s8, $0x3;
	s16 =	sadd.s32 $0xA000, s31;
	[dreg:$0xa] =	wrdreg s7  }
0xe: {  	s17 =	sadd.s32 $0xC800, s31;
	s10 =	sadd.s32 $0x230, s2;
	[dreg:$0xb] =	wrdreg s13  }
0xf: {  	s5 =	sadd.s32 $0x1E0, s2;
	s14 =	sadd.s32 $0x190, s2;
	[dreg:$0xc] =	wrdreg s15  }
0x10: {  	s0 =	sadd.s32 s4, s0;
	s4 =	ssub.s32 s12, s9;
	[dreg:$0xd] =	wrdreg s16  }
0x11: {  	[dreg:$0xe] =	wrdreg s17;
	s18 =	sadd.s32 s29, s8;
	s19 =	sadd.s32 s11, s8  }
0x12: {  	s20 =	sadd.s32 $0xA, s8;
	s22 =	sadd.s32 $0x14, s8;
	[dreg:$0xf] =	wrdreg s18  }
0x13: {  	s25 =	sshrl.u32 s10, $0x3;
	[dreg:$0x10] =	wrdreg s19;
	s21 =	sadd.s32 s29, s20  }
0x14: {  	s12 =	sshrl.u32 s5, $0x3;
	s23 =	sadd.s32 s11, s20;
	[dreg:$0x11] =	wrdreg s21  }
0x15: {  	s16 =	sshrl.u32 s14, $0x3;
	s24 =	sadd.s32 s29, s22;
	[dreg:$0x12] =	wrdreg s23  }
0x16: {  	s17 =	sadd.s32 $0x1E, s8;
	s26 =	sadd.s32 s11, s22;
	[dreg:$0x13] =	wrdreg s24  }
0x17: {  	s8 =	sadd.s32 $0x4D8, s8;
	s30 =	sadd.s32 s25, s11;
	[dreg:$0x14] =	wrdreg s26  }
0x18: {  	s5 =	simm.s32 $0xD;
	s9 =	sadd.s32 s25, s29;
	[dreg:$0x3] =	wrdreg s30  }
0x19: {  	s14 =	simm.s32 $0x2;
	s13 =	sadd.s32 s12, s11;
	[dreg:$0x4] =	wrdreg s9  }
0x1a: {  	s7 =	simm.s32 $0x0;
	s15 =	sadd.s32 s12, s29;
	[dreg:$0x5] =	wrdreg s13  }
0x1b: {  	s10 =	simm.s32 $0x300;
	s18 =	sadd.s32 s16, s11;
	[dreg:$0x6] =	wrdreg s15  }
0x1c: {  	s19 =	sadd.s32 s29, s17;
	s20 =	sadd.s32 s16, s29;
	[dreg:$0x7] =	wrdreg s18  }
0x1d: {  	s22 =	sadd.s32 s29, s8;
	s0 =	sadd.s32 $0x3E200, s0;
	[dreg:$0x15] =	wrdreg s19  }
0x1e: {  	s25 =	sadd.s32 $0x140, s2;
	s2 =	simm.s32 $0x80;
	[dreg:$0x8] =	wrdreg s20  }
0x1f: {  	s12 =	simm.s32 $0x1;
	s16 =	simm.s32 $0x3;
	[dreg:$0x17] =	wrdreg s22  }
0x20: {  	s21 =	sadd.s32 s11, s17;
	s23 =	sadd.s32 s11, s8;
	[dreg:$0x19] =	wrdreg s0  }
0x21: {  	s24 =	smax.u32 s4, $0x1;
	[dreg:$0x1b] =	wrdreg s25;
	s26 =	sadd.s32 $0xF000, s31  }
0x22: {  	s30 =	sadd.s32 $0x11800, s31;
	s13 =	simm.s32 $0x50;
	s15 =	simm.s32 $0x2C00  }
0x23: {  	s17 =	simm.s32 $0x5400;
	s18 =	simm.s32 $0x4;
	[dreg:$0x16] =	wrdreg s21  }
0x24: {  	s19 =	simm.s32 $0x7C00;
	s20 =	simm.s32 $0x5;
	[dreg:$0x18] =	wrdreg s23  }
0x25: {  	s22 =	simm.s32 $0x7;
	s25 =	simm.s32 $0xC;
	[dreg:$0x1a] =	wrdreg s24  }
0x26: {  	s8 =	simm.s32 $0x280;
	s9 =	simm.s32 $0x100;
	[dreg:$0x1c] =	wrdreg s26  }
0x27: {  	s11 =	simm.s32 $0x180;
	[dreg:$0x1d] =	wrdreg s30;
	s21 =	simm.s32 $0x6  }
0x28: {  	v0 =	vimm.f32 $0.0e+00;
	s23 =	simm.s32 $0x8;
	s24 =	simm.s32 $0x9;
	s26 =	simm.s32 $0xA  }
.LBB2_1:
0x29: {  	[dreg:$0x1e] =	wrdreg s7;
	s4 =	simm.s32 $0x0;
	s7 =	simm.s32 $0x200  }
.LBB2_2:
0x2a: {  	p0 =	sne.s32 s7, $0x9E00;
	[tilespmem:s4+$0x470] =	vst v0  }
0x2b: {  	[tilespmem:s4+$0x400] =	vst v0  }
0x2c: {  	[tilespmem:s4+$0x410] =	vst v0  }
.Ltmp0:
0x2d: {  	[tilespmem:s4+$0x420] =	vst v0;
	(pc) =	sbr.rel @p0 .LBB2_2-.Ltmp0, $4  }
0x2e: {  	[tilespmem:s4+$0x430] =	vst v0  }
0x2f: {  	[tilespmem:s4+$0x440] =	vst v0  }
0x30: {  	[tilespmem:s4+$0x450] =	vst v0  }
0x31: {  	[tilespmem:s4+$0x460] =	vst v0;
	s4 =	sshra.s32 s7, $0x2;
	s7 =	sadd.s32 $0x200, s7  }
0x32: {  	[tilespmem:s4+$0x470] =	vst v0  }
0x33: {  	[tilespmem:s4+$0x400] =	vst v0  }
0x34: {  	[tilespmem:s4+$0x410] =	vst v0  }
0x35: {  	[tilespmem:s4+$0x420] =	vst v0  }
0x36: {  	[tilespmem:s4+$0x430] =	vst v0  }
0x37: {  	[tilespmem:s4+$0x440] =	vst v0  }
0x38: {  	[tilespmem:s4+$0x450] =	vst v0  }
0x39: {  	[tilespmem:s4+$0x460] =	vst v0;
	s0 =	simm.s32 $0x400  }
0x3a: {  	[spmem:s31] =	stream.linear.scatter [tilespmem:s0], [sflag:$0xD], $0x2800, $0x38;
	[tilespmem:$0x1E400] =	vst v63  }
0x3b: {  	_ =	swait.ge [sflag:s5], $0x2800  }
0x3c: {  	[sflag:s5] =	ssyncset.done $0x0  }
0x3d: {  	s31 =	simm.s32 $0x400;
	s4 =	rddreg [dreg:$0xa];
	[sflag:s5] =	ssyncadd.s32 $0xFFFFD800  }
0x3e: {  	[spmem:s4] =	stream.linear.scatter [tilespmem:s31], [sflag:$0xD], $0x2800, $0x38;
	[tilespmem:$0x1E400] =	vst v63  }
0x3f: {  	_ =	swait.ge [sflag:s5], $0x2800  }
0x40: {  	[sflag:s5] =	ssyncset.done $0x0  }
0x41: {  	s7 =	rddreg [dreg:$0xb];
	[sflag:s5] =	ssyncadd.s32 $0xFFFFD800  }
0x42: {  	[spmem:s7] =	stream.linear.scatter [tilespmem:s31], [sflag:$0xD], $0x2800, $0x38;
	[tilespmem:$0x1E400] =	vst v63  }
0x43: {  	_ =	swait.ge [sflag:s5], $0x2800  }
0x44: {  	[sflag:s5] =	ssyncset.done $0x0  }
0x45: {  	s4 =	rddreg [dreg:$0xc];
	[sflag:s5] =	ssyncadd.s32 $0xFFFFD800  }
0x46: {  	[spmem:s4] =	stream.linear.scatter [tilespmem:s31], [sflag:$0xD], $0x2800, $0x38;
	[tilespmem:$0x1E400] =	vst v63  }
0x47: {  	_ =	swait.ge [sflag:s5], $0x2800  }
0x48: {  	[sflag:s5] =	ssyncset.done $0x0  }
0x49: {  	s7 =	rddreg [dreg:$0xd];
	[sflag:s5] =	ssyncadd.s32 $0xFFFFD800  }
0x4a: {  	[spmem:s7] =	stream.linear.scatter [tilespmem:s31], [sflag:$0xD], $0x2800, $0x38;
	[tilespmem:$0x1E400] =	vst v63  }
0x4b: {  	_ =	swait.ge [sflag:s5], $0x2800  }
0x4c: {  	[sflag:s5] =	ssyncset.done $0x0  }
0x4d: {  	s4 =	rddreg [dreg:$0xe];
	[sflag:s5] =	ssyncadd.s32 $0xFFFFD800  }
0x4e: {  	[spmem:s4] =	stream.linear.scatter [tilespmem:s31], [sflag:$0xD], $0x2800, $0x38;
	[tilespmem:$0x1E400] =	vst v63  }
0x4f: {  	_ =	swait.ge [sflag:s5], $0x2800  }
0x50: {  	[sflag:s5] =	ssyncset.done $0x0  }
0x51: {  	s7 =	rddreg [dreg:$0x1c];
	[sflag:s5] =	ssyncadd.s32 $0xFFFFD800  }
0x52: {  	[spmem:s7] =	stream.linear.scatter [tilespmem:s31], [sflag:$0xD], $0x2800, $0x38;
	[tilespmem:$0x1E400] =	vst v63  }
0x53: {  	_ =	swait.ge [sflag:s5], $0x2800  }
0x54: {  	[sflag:s5] =	ssyncset.done $0x0  }
0x55: {  	s4 =	rddreg [dreg:$0x1d];
	[sflag:s5] =	ssyncadd.s32 $0xFFFFD800  }
0x56: {  	[spmem:s4] =	stream.linear.scatter [tilespmem:s31], [sflag:$0xD], $0x2800, $0x38;
	[tilespmem:$0x1E400] =	vst v63  }
0x57: {  	_ =	swait.ge [sflag:s5], $0x2800  }
0x58: {  	[sflag:s5] =	ssyncset.done $0x0  }
0x59: {  	[sflag:s5] =	ssyncadd.s32 $0xFFFFD800  }
0x5a: {  	[bflag:$0x0] =	sbarrier.arrive $0xFFFF  }
0x5b: {  	s4 =	simm.s32 $0x0;
	s7 =	rddreg [dreg:$0xf]  }
0x5c: {  	[tilespmem:s4], [sflag:$0x1] =	stream.linear.gather [hbm4b:s7+s4], $0x50, $0x38;
	[tilespmem:$0x1E400] =	vst v63  }
0x5d: {  	s5 =	rddreg [dreg:$0x10];
	s7 =	simm.s32 $0x200  }
0x5e: {  	[tilespmem:s7], [sflag:$0x1] =	stream.linear.gather [hbm4b:s5+s4], $0x50, $0x38;
	[tilespmem:$0x1E400] =	vst v63  }
0x5f: {  	s7 =	rddreg [dreg:$0x11]  }
0x60: {  	[tilespmem:s2], [sflag:$0x2] =	stream.linear.gather [hbm4b:s7+s4], $0x50, $0x38;
	[tilespmem:$0x1E400] =	vst v63  }
0x61: {  	s5 =	rddreg [dreg:$0x12]  }
0x62: {  	[tilespmem:s8], [sflag:$0x2] =	stream.linear.gather [hbm4b:s5+s4], $0x50, $0x38;
	[tilespmem:$0x1E400] =	vst v63  }
0x63: {  	s7 =	rddreg [dreg:$0x13]  }
0x64: {  	[tilespmem:s9], [sflag:$0x3] =	stream.linear.gather [hbm4b:s7+s4], $0x50, $0x38;
	[tilespmem:$0x1E400] =	vst v63  }
0x65: {  	s5 =	rddreg [dreg:$0x14]  }
0x66: {  	[tilespmem:s10], [sflag:$0x3] =	stream.linear.gather [hbm4b:s5+s4], $0x50, $0x38;
	[tilespmem:$0x1E400] =	vst v63  }
0x67: {  	s7 =	rddreg [dreg:$0x15]  }
0x68: {  	[tilespmem:s11], [sflag:$0x4] =	stream.linear.gather [hbm4b:s7+s4], $0x50, $0x38;
	[tilespmem:$0x1E400] =	vst v63  }
0x69: {  	s5 =	rddreg [dreg:$0x16];
	s7 =	simm.s32 $0x380  }
0x6a: {  	[tilespmem:s7], [sflag:$0x4] =	stream.linear.gather [hbm4b:s5+s4], $0x50, $0x38;
	[tilespmem:$0x1E400] =	vst v63  }
0x6b: {  	_ =	swait.ge [sflag:s12], $0x50  }
0x6c: {  	[sflag:s12] =	ssyncset.done $0x0  }
0x6d: {  	[sflag:s12] =	ssyncadd.s32 $0xFFFFFFB0  }
0x6e: {  	_ =	swait.ge [sflag:s12], $0x50  }
0x6f: {  	[sflag:s12] =	ssyncset.done $0x0  }
0x70: {  	[sflag:s12] =	ssyncadd.s32 $0xFFFFFFB0  }
0x71: {  	[tilespmem:s31], [sflag:$0x5] =	stream.indirect.gather [hbm4b:s6+s13], $0x80, s4, s13, $0xb8;
	[tilespmem:$0x1E400] =	vst v63  }
0x72: {  	_ =	swait.ge [sflag:s14], $0x50  }
0x73: {  	[sflag:s14] =	ssyncset.done $0x0  }
0x74: {  	[sflag:s14] =	ssyncadd.s32 $0xFFFFFFB0  }
0x75: {  	_ =	swait.ge [sflag:s14], $0x50  }
0x76: {  	[sflag:s14] =	ssyncset.done $0x0  }
0x77: {  	[sflag:s14] =	ssyncadd.s32 $0xFFFFFFB0  }
0x78: {  	[tilespmem:s15], [sflag:$0x6] =	stream.indirect.gather [hbm4b:s6+s13], $0x80, s2, s13, $0xb8;
	[tilespmem:$0x1E400] =	vst v63  }
0x79: {  	_ =	swait.ge [sflag:s16], $0x50  }
0x7a: {  	[sflag:s16] =	ssyncset.done $0x0  }
0x7b: {  	[sflag:s16] =	ssyncadd.s32 $0xFFFFFFB0  }
0x7c: {  	_ =	swait.ge [sflag:s16], $0x50  }
0x7d: {  	[sflag:s16] =	ssyncset.done $0x0  }
0x7e: {  	[sflag:s16] =	ssyncadd.s32 $0xFFFFFFB0  }
0x7f: {  	[tilespmem:s17], [sflag:$0x7] =	stream.indirect.gather [hbm4b:s6+s13], $0x80, s9, s13, $0xb8;
	[tilespmem:$0x1E400] =	vst v63  }
0x80: {  	_ =	swait.ge [sflag:s18], $0x50  }
0x81: {  	[sflag:s18] =	ssyncset.done $0x0  }
0x82: {  	[sflag:s18] =	ssyncadd.s32 $0xFFFFFFB0  }
0x83: {  	_ =	swait.ge [sflag:s18], $0x50  }
0x84: {  	[sflag:s18] =	ssyncset.done $0x0  }
0x85: {  	[sflag:s18] =	ssyncadd.s32 $0xFFFFFFB0  }
0x86: {  	[tilespmem:s19], [sflag:$0x8] =	stream.indirect.gather [hbm4b:s6+s13], $0x80, s11, s13, $0xb8;
	[tilespmem:$0x1E400] =	vst v63  }
0x87: {  	_ =	swait.ge [sflag:s20], $0x2800  }
0x88: {  	[sflag:s20] =	ssyncset.done $0x0  }
0x89: {  	s0 =	simm.s32 $0x200;
	[sflag:s20] =	ssyncadd.s32 $0xFFFFD800  }
0x8a: {  	[spmem:s1] =	stream.indirect.scatter.add.f32 [tilespmem:s31], [sflag:$0x9], $0x80, s0, s13, $0xb8;
	[tilespmem:$0x1E400] =	vst v63  }
0x8b: {  	_ =	swait.ge [sflag:s21], $0x2800  }
0x8c: {  	[sflag:s21] =	ssyncset.done $0x0  }
0x8d: {  	[sflag:s21] =	ssyncadd.s32 $0xFFFFD800  }
0x8e: {  	[spmem:s1] =	stream.indirect.scatter.add.f32 [tilespmem:s15], [sflag:$0xA], $0x80, s8, s13, $0xb8;
	[tilespmem:$0x1E400] =	vst v63  }
0x8f: {  	_ =	swait.ge [sflag:s22], $0x2800  }
0x90: {  	[sflag:s22] =	ssyncset.done $0x0  }
0x91: {  	[sflag:s22] =	ssyncadd.s32 $0xFFFFD800  }
0x92: {  	[spmem:s1] =	stream.indirect.scatter.add.f32 [tilespmem:s17], [sflag:$0xB], $0x80, s10, s13, $0xb8;
	[tilespmem:$0x1E400] =	vst v63  }
0x93: {  	_ =	swait.ge [sflag:s23], $0x2800  }
0x94: {  	[sflag:s23] =	ssyncset.done $0x0  }
0x95: {  	s7 =	simm.s32 $0x380;
	[sflag:s23] =	ssyncadd.s32 $0xFFFFD800  }
0x96: {  	[spmem:s1] =	stream.indirect.scatter.add.f32 [tilespmem:s19], [sflag:$0xC], $0x80, s7, s13, $0xb8;
	[tilespmem:$0x1E400] =	vst v63  }
0x97: {  	_ =	swait.ge [sflag:s24], $0x2800  }
0x98: {  	s30 =	rddreg [dreg:$0x1b]  }
0x99: {  	[sflag:s24] =	ssyncset.done $0x0;
	s4 =	sshrl.u32 s30, $0x3  }
0x9a: {  	s5 =	rddreg [dreg:$0x1f];
	[sflag:s24] =	ssyncadd.s32 $0xFFFFD800;
	s7 =	sadd.s32 s29, s4  }
0x9b: {  	[tilespmem:s3], [sflag:$0x1] =	stream.linear.gather [hbm4b:s7+s3], $0x50, $0x38;
	[tilespmem:$0x1E400] =	vst v63  }
0x9c: {  	s4 =	sadd.s32 s5, s4  }
0x9d: {  	[tilespmem:s0], [sflag:$0x1] =	stream.linear.gather [hbm4b:s4+s3], $0x50, $0x38;
	[tilespmem:$0x1E400] =	vst v63  }
0x9e: {  	_ =	swait.ge [sflag:s26], $0x2800  }
0x9f: {  	s4 =	rddreg [dreg:$0x8];
	[sflag:s26] =	ssyncset.done $0x0  }
0xa0: {  	s7 =	rddreg [dreg:$0x7];
	[sflag:s26] =	ssyncadd.s32 $0xFFFFD800;
	s4 =	sadd.s32 $0x0, s4  }
0xa1: {  	[tilespmem:s2], [sflag:$0x2] =	stream.linear.gather [hbm4b:s4+s3], $0x50, $0x38;
	[tilespmem:$0x1E400] =	vst v63  }
0xa2: {  	s7 =	sadd.s32 $0x0, s7  }
0xa3: {  	[tilespmem:s8], [sflag:$0x2] =	stream.linear.gather [hbm4b:s7+s3], $0x50, $0x38;
	[tilespmem:$0x1E400] =	vst v63  }
0xa4: {  	_ =	swait.ge [sflag:s28], $0x2800  }
0xa5: {  	s4 =	rddreg [dreg:$0x6];
	[sflag:s28] =	ssyncset.done $0x0  }
0xa6: {  	s7 =	rddreg [dreg:$0x5];
	[sflag:s28] =	ssyncadd.s32 $0xFFFFD800;
	s4 =	sadd.s32 $0x0, s4  }
0xa7: {  	[tilespmem:s9], [sflag:$0x3] =	stream.linear.gather [hbm4b:s4+s3], $0x50, $0x38;
	[tilespmem:$0x1E400] =	vst v63  }
0xa8: {  	s7 =	sadd.s32 $0x0, s7  }
0xa9: {  	[tilespmem:s10], [sflag:$0x3] =	stream.linear.gather [hbm4b:s7+s3], $0x50, $0x38;
	[tilespmem:$0x1E400] =	vst v63  }
0xaa: {  	_ =	swait.ge [sflag:s25], $0x2800  }
0xab: {  	s4 =	rddreg [dreg:$0x4];
	[sflag:s25] =	ssyncset.done $0x0  }
0xac: {  	s7 =	rddreg [dreg:$0x3];
	[sflag:s25] =	ssyncadd.s32 $0xFFFFD800;
	s4 =	sadd.s32 $0x0, s4  }
0xad: {  	[tilespmem:s11], [sflag:$0x4] =	stream.linear.gather [hbm4b:s4+s3], $0x50, $0x38;
	[tilespmem:$0x1E400] =	vst v63  }
0xae: {  	s4 =	sadd.s32 $0x0, s7;
	s7 =	simm.s32 $0x380  }
0xaf: {  	[tilespmem:s7], [sflag:$0x4] =	stream.linear.gather [hbm4b:s4+s3], $0x50, $0x38;
	[tilespmem:$0x1E400] =	vst v63  }
0xb0: {  	_ =	swait.ge [sflag:s12], $0x50  }
0xb1: {  	[sflag:s12] =	ssyncset.done $0x0  }
0xb2: {  	[sflag:s12] =	ssyncadd.s32 $0xFFFFFFB0  }
0xb3: {  	_ =	swait.ge [sflag:s12], $0x50  }
0xb4: {  	[sflag:s12] =	ssyncset.done $0x0  }
0xb5: {  	[sflag:s12] =	ssyncadd.s32 $0xFFFFFFB0  }
0xb6: {  	[tilespmem:s31], [sflag:$0x5] =	stream.indirect.gather [hbm4b:s6+s13], $0x80, s3, s13, $0xb8;
	[tilespmem:$0x1E400] =	vst v63  }
0xb7: {  	_ =	swait.ge [sflag:s14], $0x50  }
0xb8: {  	[sflag:s14] =	ssyncset.done $0x0  }
0xb9: {  	[sflag:s14] =	ssyncadd.s32 $0xFFFFFFB0  }
0xba: {  	_ =	swait.ge [sflag:s14], $0x50  }
0xbb: {  	[sflag:s14] =	ssyncset.done $0x0  }
0xbc: {  	[sflag:s14] =	ssyncadd.s32 $0xFFFFFFB0  }
0xbd: {  	[tilespmem:s15], [sflag:$0x6] =	stream.indirect.gather [hbm4b:s6+s13], $0x80, s2, s13, $0xb8;
	[tilespmem:$0x1E400] =	vst v63  }
0xbe: {  	_ =	swait.ge [sflag:s16], $0x50  }
0xbf: {  	[sflag:s16] =	ssyncset.done $0x0  }
0xc0: {  	[sflag:s16] =	ssyncadd.s32 $0xFFFFFFB0  }
0xc1: {  	_ =	swait.ge [sflag:s16], $0x50  }
0xc2: {  	[sflag:s16] =	ssyncset.done $0x0  }
0xc3: {  	[sflag:s16] =	ssyncadd.s32 $0xFFFFFFB0  }
0xc4: {  	[tilespmem:s17], [sflag:$0x7] =	stream.indirect.gather [hbm4b:s6+s13], $0x80, s9, s13, $0xb8;
	[tilespmem:$0x1E400] =	vst v63  }
0xc5: {  	_ =	swait.ge [sflag:s18], $0x50  }
0xc6: {  	[sflag:s18] =	ssyncset.done $0x0  }
0xc7: {  	[sflag:s18] =	ssyncadd.s32 $0xFFFFFFB0  }
0xc8: {  	_ =	swait.ge [sflag:s18], $0x50  }
0xc9: {  	[sflag:s18] =	ssyncset.done $0x0  }
0xca: {  	[sflag:s18] =	ssyncadd.s32 $0xFFFFFFB0  }
0xcb: {  	[tilespmem:s19], [sflag:$0x8] =	stream.indirect.gather [hbm4b:s6+s13], $0x80, s11, s13, $0xb8;
	[tilespmem:$0x1E400] =	vst v63  }
0xcc: {  	_ =	swait.ge [sflag:s20], $0x2800  }
0xcd: {  	[sflag:s20] =	ssyncset.done $0x0  }
0xce: {  	s0 =	simm.s32 $0x200;
	[sflag:s20] =	ssyncadd.s32 $0xFFFFD800  }
0xcf: {  	[spmem:s1] =	stream.indirect.scatter.add.f32 [tilespmem:s31], [sflag:$0x9], $0x80, s0, s13, $0xb8;
	[tilespmem:$0x1E400] =	vst v63  }
0xd0: {  	_ =	swait.ge [sflag:s21], $0x2800  }
0xd1: {  	[sflag:s21] =	ssyncset.done $0x0  }
0xd2: {  	[sflag:s21] =	ssyncadd.s32 $0xFFFFD800  }
0xd3: {  	[spmem:s1] =	stream.indirect.scatter.add.f32 [tilespmem:s15], [sflag:$0xA], $0x80, s8, s13, $0xb8;
	[tilespmem:$0x1E400] =	vst v63  }
0xd4: {  	_ =	swait.ge [sflag:s22], $0x2800  }
0xd5: {  	[sflag:s22] =	ssyncset.done $0x0  }
0xd6: {  	[sflag:s22] =	ssyncadd.s32 $0xFFFFD800  }
0xd7: {  	[spmem:s1] =	stream.indirect.scatter.add.f32 [tilespmem:s17], [sflag:$0xB], $0x80, s10, s13, $0xb8;
	[tilespmem:$0x1E400] =	vst v63  }
0xd8: {  	_ =	swait.ge [sflag:s23], $0x2800  }
0xd9: {  	s30 =	sadd.s32 $0x140, s30;
	s4 =	simm.s32 $0x380;
	[sflag:s23] =	ssyncset.done $0x0  }
0xda: {  	s7 =	simm.s32 $0x28;
	s0 =	smov.u32 s5;
	[sflag:s23] =	ssyncadd.s32 $0xFFFFD800  }
.LBB2_4:
0xdb: {  	[spmem:s1] =	stream.indirect.scatter.add.f32 [tilespmem:s19], [sflag:$0xC], $0x80, s4, s13, $0xb8;
	[tilespmem:$0x1E400] =	vst v63  }
0xdc: {  	_ =	swait.ge [sflag:s24], $0x2800  }
0xdd: {  	s5 =	sshrl.u32 s30, $0x3;
	[sflag:s24] =	ssyncset.done $0x0  }
0xde: {  	s31 =	smov.u32 s29;
	s29 =	sadd.s32 s29, s5;
	[sflag:s24] =	ssyncadd.s32 $0xFFFFD800  }
0xdf: {  	[tilespmem:s3], [sflag:$0x1] =	stream.linear.gather [hbm4b:s29+s3], $0x50, $0x38;
	[tilespmem:$0x1E400] =	vst v63  }
0xe0: {  	s2 =	simm.s32 $0x200;
	s5 =	sadd.s32 s0, s5  }
0xe1: {  	[tilespmem:s2], [sflag:$0x1] =	stream.linear.gather [hbm4b:s5+s3], $0x50, $0x38;
	[tilespmem:$0x1E400] =	vst v63  }
0xe2: {  	s4 =	smov.u32 s7;
	_ =	swait.ge [sflag:s26], $0x2800  }
0xe3: {  	s2 =	simm.s32 $0x80;
	s5 =	rddreg [dreg:$0x8];
	[sflag:s26] =	ssyncset.done $0x0  }
0xe4: {  	s29 =	rddreg [dreg:$0x7];
	[sflag:s26] =	ssyncadd.s32 $0xFFFFD800;
	s5 =	sadd.s32 s4, s5  }
0xe5: {  	[tilespmem:s2], [sflag:$0x2] =	stream.linear.gather [hbm4b:s5+s3], $0x50, $0x38;
	[tilespmem:$0x1E400] =	vst v63  }
0xe6: {  	s5 =	sadd.s32 s4, s29  }
0xe7: {  	[tilespmem:s8], [sflag:$0x2] =	stream.linear.gather [hbm4b:s5+s3], $0x50, $0x38;
	[tilespmem:$0x1E400] =	vst v63  }
0xe8: {  	_ =	swait.ge [sflag:s28], $0x2800  }
0xe9: {  	s5 =	rddreg [dreg:$0x6];
	[sflag:s28] =	ssyncset.done $0x0  }
0xea: {  	s29 =	rddreg [dreg:$0x5];
	[sflag:s28] =	ssyncadd.s32 $0xFFFFD800;
	s5 =	sadd.s32 s4, s5  }
0xeb: {  	[tilespmem:s9], [sflag:$0x3] =	stream.linear.gather [hbm4b:s5+s3], $0x50, $0x38;
	[tilespmem:$0x1E400] =	vst v63  }
0xec: {  	s5 =	sadd.s32 s4, s29  }
0xed: {  	[tilespmem:s10], [sflag:$0x3] =	stream.linear.gather [hbm4b:s5+s3], $0x50, $0x38;
	[tilespmem:$0x1E400] =	vst v63  }
0xee: {  	_ =	swait.ge [sflag:s25], $0x2800  }
0xef: {  	s5 =	rddreg [dreg:$0x4];
	[sflag:s25] =	ssyncset.done $0x0  }
0xf0: {  	s29 =	rddreg [dreg:$0x3];
	[sflag:s25] =	ssyncadd.s32 $0xFFFFD800;
	s5 =	sadd.s32 s4, s5  }
0xf1: {  	[tilespmem:s11], [sflag:$0x4] =	stream.linear.gather [hbm4b:s5+s3], $0x50, $0x38;
	[tilespmem:$0x1E400] =	vst v63  }
0xf2: {  	s15 =	simm.s32 $0x380;
	s4 =	sadd.s32 s4, s29  }
0xf3: {  	[tilespmem:s15], [sflag:$0x4] =	stream.linear.gather [hbm4b:s4+s3], $0x50, $0x38;
	[tilespmem:$0x1E400] =	vst v63  }
0xf4: {  	_ =	swait.ge [sflag:s12], $0x50  }
0xf5: {  	[sflag:s12] =	ssyncset.done $0x0  }
0xf6: {  	[sflag:s12] =	ssyncadd.s32 $0xFFFFFFB0  }
0xf7: {  	_ =	swait.ge [sflag:s12], $0x50  }
0xf8: {  	[sflag:s12] =	ssyncset.done $0x0  }
0xf9: {  	s5 =	simm.s32 $0x400;
	[sflag:s12] =	ssyncadd.s32 $0xFFFFFFB0  }
0xfa: {  	[tilespmem:s5], [sflag:$0x5] =	stream.indirect.gather [hbm4b:s6+s13], $0x80, s3, s13, $0xb8;
	[tilespmem:$0x1E400] =	vst v63  }
0xfb: {  	_ =	swait.ge [sflag:s14], $0x50  }
0xfc: {  	[sflag:s14] =	ssyncset.done $0x0  }
0xfd: {  	[sflag:s14] =	ssyncadd.s32 $0xFFFFFFB0  }
0xfe: {  	_ =	swait.ge [sflag:s14], $0x50  }
0xff: {  	[sflag:s14] =	ssyncset.done $0x0  }
0x100: {  	s15 =	simm.s32 $0x2C00;
	[sflag:s14] =	ssyncadd.s32 $0xFFFFFFB0  }
0x101: {  	[tilespmem:s15], [sflag:$0x6] =	stream.indirect.gather [hbm4b:s6+s13], $0x80, s2, s13, $0xb8;
	[tilespmem:$0x1E400] =	vst v63  }
0x102: {  	_ =	swait.ge [sflag:s16], $0x50  }
0x103: {  	[sflag:s16] =	ssyncset.done $0x0  }
0x104: {  	[sflag:s16] =	ssyncadd.s32 $0xFFFFFFB0  }
0x105: {  	_ =	swait.ge [sflag:s16], $0x50  }
0x106: {  	[sflag:s16] =	ssyncset.done $0x0  }
0x107: {  	[sflag:s16] =	ssyncadd.s32 $0xFFFFFFB0  }
0x108: {  	[tilespmem:s17], [sflag:$0x7] =	stream.indirect.gather [hbm4b:s6+s13], $0x80, s9, s13, $0xb8;
	[tilespmem:$0x1E400] =	vst v63  }
0x109: {  	_ =	swait.ge [sflag:s18], $0x50  }
0x10a: {  	[sflag:s18] =	ssyncset.done $0x0  }
0x10b: {  	[sflag:s18] =	ssyncadd.s32 $0xFFFFFFB0  }
0x10c: {  	_ =	swait.ge [sflag:s18], $0x50  }
0x10d: {  	[sflag:s18] =	ssyncset.done $0x0  }
0x10e: {  	[sflag:s18] =	ssyncadd.s32 $0xFFFFFFB0  }
0x10f: {  	[tilespmem:s19], [sflag:$0x8] =	stream.indirect.gather [hbm4b:s6+s13], $0x80, s11, s13, $0xb8;
	[tilespmem:$0x1E400] =	vst v63  }
0x110: {  	_ =	swait.ge [sflag:s20], $0x2800  }
0x111: {  	[sflag:s20] =	ssyncset.done $0x0  }
0x112: {  	s29 =	smov.u32 s31;
	s31 =	simm.s32 $0x200;
	[sflag:s20] =	ssyncadd.s32 $0xFFFFD800  }
0x113: {  	[spmem:s1] =	stream.indirect.scatter.add.f32 [tilespmem:s5], [sflag:$0x9], $0x80, s31, s13, $0xb8;
	[tilespmem:$0x1E400] =	vst v63  }
0x114: {  	_ =	swait.ge [sflag:s21], $0x2800  }
0x115: {  	[sflag:s21] =	ssyncset.done $0x0  }
0x116: {  	[sflag:s21] =	ssyncadd.s32 $0xFFFFD800  }
0x117: {  	[spmem:s1] =	stream.indirect.scatter.add.f32 [tilespmem:s15], [sflag:$0xA], $0x80, s8, s13, $0xb8;
	[tilespmem:$0x1E400] =	vst v63  }
0x118: {  	_ =	swait.ge [sflag:s22], $0x2800  }
0x119: {  	p0 =	sne.s32 s7, $0x488;
	[sflag:s22] =	ssyncset.done $0x0  }
.Ltmp1:
0x11a: {  	[sflag:s22] =	ssyncadd.s32 $0xFFFFD800;
	(pc) =	sbr.rel @p0 .LBB2_4-.Ltmp1, $4  }
0x11b: {  	[spmem:s1] =	stream.indirect.scatter.add.f32 [tilespmem:s17], [sflag:$0xB], $0x80, s10, s13, $0xb8;
	[tilespmem:$0x1E400] =	vst v63  }
0x11c: {  	_ =	swait.ge [sflag:s23], $0x2800  }
0x11d: {  	s7 =	sadd.s32 $0x28, s7;
	[sflag:s23] =	ssyncset.done $0x0  }
0x11e: {  	s30 =	sadd.s32 $0x140, s30;
	s4 =	simm.s32 $0x380;
	[sflag:s23] =	ssyncadd.s32 $0xFFFFD800  }
0x11f: {  	[spmem:s1] =	stream.indirect.scatter.add.f32 [tilespmem:s19], [sflag:$0xC], $0x80, s4, s13, $0xb8;
	[tilespmem:$0x1E400] =	vst v63  }
0x120: {  	_ =	swait.ge [sflag:s24], $0x2800  }
0x121: {  	[sflag:s24] =	ssyncset.done $0x0  }
0x122: {  	s0 =	rddreg [dreg:$0x17];
	[sflag:s24] =	ssyncadd.s32 $0xFFFFD800  }
0x123: {  	[tilespmem:s3], [sflag:$0x1] =	stream.linear.gather [hbm4b:s0+s3], $0x50, $0x38;
	[tilespmem:$0x1E400] =	vst v63  }
0x124: {  	s7 =	rddreg [dreg:$0x18]  }
0x125: {  	[tilespmem:s31], [sflag:$0x1] =	stream.linear.gather [hbm4b:s7+s3], $0x50, $0x38;
	[tilespmem:$0x1E400] =	vst v63  }
0x126: {  	_ =	swait.ge [sflag:s12], $0x50  }
0x127: {  	[sflag:s12] =	ssyncset.done $0x0  }
0x128: {  	[sflag:s12] =	ssyncadd.s32 $0xFFFFFFB0  }
0x129: {  	_ =	swait.ge [sflag:s12], $0x50  }
0x12a: {  	[sflag:s12] =	ssyncset.done $0x0  }
0x12b: {  	[sflag:s12] =	ssyncadd.s32 $0xFFFFFFB0  }
0x12c: {  	[tilespmem:s5], [sflag:$0x5] =	stream.indirect.gather [hbm4b:s6+s13], $0x80, s3, s13, $0xb8;
	[tilespmem:$0x1E400] =	vst v63  }
0x12d: {  	_ =	swait.ge [sflag:s20], $0x2800  }
0x12e: {  	[sflag:s20] =	ssyncset.done $0x0  }
0x12f: {  	[sflag:s20] =	ssyncadd.s32 $0xFFFFD800  }
0x130: {  	[spmem:s1] =	stream.indirect.scatter.add.f32 [tilespmem:s5], [sflag:$0x9], $0x80, s31, s13, $0xb8;
	[tilespmem:$0x1E400] =	vst v63  }
0x131: {  	_ =	swait.ge [sflag:s26], $0x2800  }
0x132: {  	[sflag:s26] =	ssyncset.done $0x0  }
0x133: {  	[sflag:s26] =	ssyncadd.s32 $0xFFFFD800  }
0x134: {  	_ =	swait.ge [sflag:s28], $0x2800  }
0x135: {  	[sflag:s28] =	ssyncset.done $0x0  }
0x136: {  	[sflag:s28] =	ssyncadd.s32 $0xFFFFD800  }
0x137: {  	_ =	swait.ge [sflag:s25], $0x2800  }
0x138: {  	[sflag:s25] =	ssyncset.done $0x0  }
0x139: {  	[sflag:s25] =	ssyncadd.s32 $0xFFFFD800  }
0x13a: {  	_ =	swait.ge [sflag:s24], $0x2800  }
0x13b: {  	[sflag:s24] =	ssyncset.done $0x0  }
0x13c: {  	s30 =	stileid.u32;
	[sflag:s24] =	ssyncadd.s32 $0xFFFFD800  }
0x13d: {  	s4 =	sshll.u32 s30, $0x6;
	[bflag:$0x0] =	sbarrier.arrive $0xFFFF  }
0x13e: {  	s4 =	sor.u32 $0x1C0D, s4;
	s31 =	rddreg [dreg:$0x9]  }
0x13f: {  	s5 =	simm.s32 $0xD;
	s7 =	rddreg [dreg:$0x19];
	s0 =	sshrl.u32 s31, $0x3  }
0x140: {  	[hbm:s7], [sflag:s4] =	dma.local [spmem:s0], $0x2800  }
0x141: {  	_ =	swait.ge [sflag:s5], $0x2800  }
0x142: {  	s4 =	rddreg [dreg:$0x1e]  }
0x143: {  	s30 =	rddreg [dreg:$0x1a];
	s7 =	sadd.s32 $0x1, s4  }
0x144: {  	p0 =	sne.s32 s7, s30  }
.Ltmp2:
0x145: {  	_ = 	snop;
	(pc) =	sbr.rel @p0 .LBB2_1-.Ltmp2, $3  }
0x146: {  	_ =	sdelay $0x1  }
0x147: {  	[sflag:s5] =	ssyncset.done $0x0  }
0x148: {  	[sflag:s5] =	ssyncadd.s32 $0xFFFFD800  }
0x149: {  	_ =	sfence.sel $0x180000  }
0x14a: {  	[bflag:$0x0] =	sbarrier.arrive $0xFFFF  }
0x14b: {  	_ =	strace $0x90000050  }
0x14c: {  	s0 =	stileid.u32;
	[bflag:$0x2] =	sbarrier.arrive $0xFFFF  }
0x14d: {  	p0 =	sne.s32 s0, $0x0;
	s0 =	rddreg [dreg:$0x2]  }
0x14e: {  	s0 =	sadd.s32 @!p0 $0x100000, s0  }
0x14f: {  	[sflag:s0] =	ssyncadd.tile.s32 @!p0 $0x1;
	_ =	shalt  }
.Lfunc_end2:
_tile_overlayer_lowered:
.L_overlay_start_2:
0x150: {  	(tag) =	ssettag $0x2  }
0x151: {  	s0 =	rddreg [dreg:$0x0];
	s2 =	stileid.u32  }
0x152: {  	s1 =	rddreg [dreg:$0x1];
	p0 =	sne.s32 s2, $0x0  }
0x153: {  	s3 =	rddreg [dreg:$0x2];
	[bflag:$0x3] =	sbarrier.arrive $0xFFFF;
	s2 =	simm.s32 @!p0 $0x1C0D  }
0x154: {  	[timem:s3], [sflag:s2] =	dma.local @!p0 [hbm:s0], s1  }
0x155: {  	s0 =	simm.s32 @!p0 $0xD  }
0x156: {  	_ =	swait.ge @!p0 [sflag:s0], s1  }
0x157: {  	s1 =	ssub.s32 @!p0 $0x0, s1;
	[sflag:s0] =	ssyncset.done @!p0 $0x0  }
0x158: {  	[sflag:s0] =	ssyncadd.s32 @!p0 s1  }
0x159: {  	[bflag:$0x3] =	sbarrier.arrive $0xFFFF  }
0x15a: {  	_ =	shalt  }

</sc_bundles>
